<compile_context>
chip_gen: v7x
topology: tpu7x:2x2x1
jax: 0.10.2.dev20260603
libtpu: 0.0.44.dev20260713+nightly
codegen_flags: <defaults>
</compile_context>

<pallas_src>
import jax
import jax.numpy as jnp
from jax import lax
from jax.experimental import pallas as pl
from jax.experimental.pallas import tpu as pltpu
from jax.experimental.pallas import tpu_sc as plsc

N = 10000
E = 320000
D = 128
O = 64

NC = 2
NS = 16
NW = NC * NS
EPW = E // NW
CC = 16
CB = 16
NBUF = 8
PREF = 6
PAD = NBUF * CB
NCHC = EPW // CC
NP = 10112
ROWS_PER_TILE = NP // NS

BN = 2000


def _stage_a_body(x_ref, wmsg_ref, wsrc_ref, wdst_ref, brel_ref,
                  xm_ref, ab_ref):
    xb = x_ref[...]
    xm_ref[...] = jnp.dot(xb, wmsg_ref[...], preferred_element_type=jnp.float32)
    ls = (jnp.dot(xb, wsrc_ref[...], preferred_element_type=jnp.float32)
          + brel_ref[...])
    ld = jnp.dot(xb, wdst_ref[...], preferred_element_type=jnp.float32)
    a = ls[:, 1:2] - ls[:, 0:1]
    b = ld[:, 1:2] - ld[:, 0:1]
    ai = lax.bitcast_convert_type(a, jnp.int32) + 0x8000
    bi = lax.bitcast_convert_type(b, jnp.int32) + 0x8000
    bits = jnp.bitwise_or(jnp.bitwise_and(bi, jnp.int32(-65536)),
                          lax.shift_right_logical(ai, 16))
    ab_ref[...] = lax.bitcast_convert_type(bits, jnp.float32)


def _stage_a(x, w_msg, w_rel_src, w_rel_dst, brel2):
    return pl.pallas_call(
        _stage_a_body,
        grid=(N // BN,),
        in_specs=[
            pl.BlockSpec((BN, D), lambda i: (i, 0)),
            pl.BlockSpec((D, D), lambda i: (0, 0)),
            pl.BlockSpec((D, 2), lambda i: (0, 0)),
            pl.BlockSpec((D, 2), lambda i: (0, 0)),
            pl.BlockSpec((1, 2), lambda i: (0, 0)),
        ],
        out_specs=[
            pl.BlockSpec((BN, D), lambda i: (i, 0)),
            pl.BlockSpec((BN, 1), lambda i: (i, 0)),
        ],
        out_shape=[
            jax.ShapeDtypeStruct((N, D), jnp.float32),
            jax.ShapeDtypeStruct((N, 1), jnp.float32),
        ],
    )(x, w_msg, w_rel_src, w_rel_dst, brel2)


def _stage_b_body(x_ref, wself_ref, agg_ref, wout_ref, bout_ref, out_ref):
    xs = jnp.dot(x_ref[...], wself_ref[...], preferred_element_type=jnp.float32)
    acc = xs + agg_ref[0] + agg_ref[1]
    h = jnp.maximum(acc, 0.0)
    out_ref[...] = (jnp.dot(h, wout_ref[...], preferred_element_type=jnp.float32)
                    + bout_ref[...])


def _stage_b(x, w_self, agg2, w_out, bout2):
    return pl.pallas_call(
        _stage_b_body,
        grid=(N // BN,),
        in_specs=[
            pl.BlockSpec((BN, D), lambda i: (i, 0)),
            pl.BlockSpec((D, D), lambda i: (0, 0)),
            pl.BlockSpec((NC, BN, D), lambda i: (0, i, 0)),
            pl.BlockSpec((D, O), lambda i: (0, 0)),
            pl.BlockSpec((1, O), lambda i: (0, 0)),
        ],
        out_specs=pl.BlockSpec((BN, O), lambda i: (i, 0)),
        out_shape=jax.ShapeDtypeStruct((N, O), jnp.float32),
    )(x, w_self, agg2, w_out, bout2)


def _sc_edge_body(xm_hbm, ab_hbm, edge_hbm, out_hbm,
                  src_v, dst_v, ab_v, rows_v, sidx_v, agg_sh, gsem, ssem):
    cid = lax.axis_index("c")
    sid = lax.axis_index("s")
    wid = cid * NS + sid
    ebase = wid * EPW

    stage_src = pltpu.make_async_copy(edge_hbm.at[pl.ds(ebase, EPW)],
                                      src_v.at[pl.ds(0, EPW)], gsem.at[0])
    stage_dst = pltpu.make_async_copy(edge_hbm.at[pl.ds(E + ebase, EPW)],
                                      dst_v.at[pl.ds(0, EPW)], gsem.at[1])
    stage_ab = pltpu.make_async_copy(ab_hbm, ab_v, gsem.at[2])
    stage_src.start()
    stage_dst.start()
    stage_ab.start()

    zeros16 = jnp.zeros((16,), jnp.float32)
    for r in range(8):
        for c in range(D // 16):
            rows_v[0, r, pl.ds(c * 16, 16)] = zeros16
    rbase = sid * ROWS_PER_TILE

    def zero_issue(i, carry):
        pltpu.async_copy(rows_v.at[0, pl.ds(0, 8)],
                         agg_sh.at[pl.ds(rbase + i * 8, 8)], ssem.at[0])
        return carry

    lax.fori_loop(0, ROWS_PER_TILE // 8, zero_issue, 0)
    stage_src.wait()
    stage_dst.wait()

    def compact(g, off):
        sv = src_v[pl.ds(g * CC, CC)]
        dv = dst_v[pl.ds(g * CC, CC)]
        keep = sv <= dv
        plsc.store_compressed(src_v.at[pl.ds(off, CC)], sv, mask=keep)
        plsc.store_compressed(dst_v.at[pl.ds(off, CC)], dv, mask=keep)
        return off + plsc.all_reduce_population_count(keep)[0]

    off = lax.fori_loop(0, NCHC, compact, 0)
    for k in range(PAD // CC):
        src_v[pl.ds(off + k * CC, CC)] = jnp.full((CC,), 1, jnp.int32)
        dst_v[pl.ds(off + k * CC, CC)] = jnp.zeros((CC,), jnp.int32)
    nch2 = lax.max((off + CB - 1) // CB, NBUF)
    stage_ab.wait()

    def zero_drain(i, carry):
        pltpu.make_async_copy(rows_v.at[0, pl.ds(0, 8)],
                              agg_sh.at[pl.ds(rbase, 8)], ssem.at[0]).wait()
        return carry

    lax.fori_loop(0, ROWS_PER_TILE // 8, zero_drain, 0)
    plsc.subcore_barrier()

    def gather_start(g, b):
        pltpu.async_copy(xm_hbm.at[src_v.at[pl.ds(g * CB, CB)]],
                         rows_v.at[b], gsem.at[b])

    def gather_wait(g, b):
        pltpu.make_async_copy(xm_hbm.at[src_v.at[pl.ds(g * CB, CB)]],
                              rows_v.at[b], gsem.at[b]).wait()

    def scatter_start(b):
        pltpu.async_copy(rows_v.at[b], agg_sh.at[sidx_v.at[b]], ssem.at[b],
                         add=True)

    def scatter_wait(b):
        pltpu.make_async_copy(rows_v.at[b], agg_sh.at[sidx_v.at[b]],
                              ssem.at[b]).wait()

    for b in range(PREF):
        gather_start(b, b)

    himask = jnp.full((16,), -65536, jnp.int32)

    def slot(g, carry):
        b = lax.rem(g, NBUF)
        gather_wait(g, b)
        for q in range(CB // 16):
            sv = src_v[pl.ds(g * CB + q * 16, 16)]
            dv = dst_v[pl.ds(g * CB + q * 16, 16)]
            g1 = plsc.bitcast(plsc.load_gather(ab_v, [sv]), jnp.int32)
            g2 = plsc.bitcast(plsc.load_gather(ab_v, [dv]), jnp.int32)
            av = plsc.bitcast(lax.shift_left(g1, 16), jnp.float32)
            bv = plsc.bitcast(g2 & himask, jnp.float32)
            p = 1.0 / (1.0 + jnp.exp(-(av + bv)))
            w = jnp.where(sv <= dv, p, 0.0)
            sidx_v[b, pl.ds(q * 16, 16)] = dv
            for j in range(16):
                s = w[j]
                r = q * 16 + j
                for c in range(D // 16):
                    rows_v[b, r, pl.ds(c * 16, 16)] = (
                        rows_v[b, r, pl.ds(c * 16, 16)] * s)
        scatter_start(b)
        gn = g + PREF
        bn = lax.rem(gn, NBUF)

        @pl.when(jnp.logical_and(gn >= NBUF, gn < nch2))
        def _():
            scatter_wait(bn)

        @pl.when(gn < nch2)
        def _():
            gather_start(gn, bn)

        return carry

    lax.fori_loop(0, nch2, slot, 0)
    for b in range(NBUF):
        scatter_wait(b)
    plsc.subcore_barrier()

    pltpu.sync_copy(agg_sh.at[pl.ds(rbase, ROWS_PER_TILE)],
                    out_hbm.at[cid, pl.ds(rbase, ROWS_PER_TILE)])


def _sc_edge(xm, ab_packed, edge_index):
    mesh = plsc.VectorSubcoreMesh(core_axis_name="c", subcore_axis_name="s")
    f = pl.kernel(
        _sc_edge_body,
        out_type=jax.ShapeDtypeStruct((NC, NP, D), jnp.float32),
        mesh=mesh,
        compiler_params=pltpu.CompilerParams(needs_layout_passes=False),
        scratch_types=[
            pltpu.VMEM((EPW + PAD,), jnp.int32),
            pltpu.VMEM((EPW + PAD,), jnp.int32),
            pltpu.VMEM((N,), jnp.float32),
            pltpu.VMEM((NBUF, CB, D), jnp.float32),
            pltpu.VMEM((NBUF, CB), jnp.int32),
            pltpu.VMEM_SHARED((NP, D), jnp.float32),
            pltpu.SemaphoreType.DMA((NBUF,)),
            pltpu.SemaphoreType.DMA((NBUF,)),
        ],
    )
    return f(xm, ab_packed, edge_index)


def kernel(x, edge_index, W_rel_src, W_rel_dst, b_rel, W_msg, W_self, W_out,
           b_out):
    xm, ab = _stage_a(x, W_msg, W_rel_src, W_rel_dst, b_rel.reshape(1, 2))
    agg2 = _sc_edge(xm, ab.reshape(-1), edge_index.reshape(-1))
    return _stage_b(x, W_self, agg2, W_out, b_out.reshape(1, O))

# --- scband reference (transcript-rebuilt; emitter-appended) ---
"""Pipeline reference for scband-gnnpipeline-68049461838404 (READ-ONLY COPY).

The authoritative reference and input builder live on the scoring server;
editing this copy changes nothing except your own understanding.
"""

import jax, jax.numpy as jnp
import numpy as np

N = 10000
E = 320000
D = 128
K = 2
O = 64

def setup_inputs(seed: int = 0):
    key = jax.random.key(seed)
    ks = jax.random.split(key, 8)
    x = jax.random.normal(ks[0], (N, D), dtype=jnp.float32)
    edge_index = jax.random.randint(ks[1], (2, E), 0, N, dtype=jnp.int32)
    W_rel_src = jax.random.normal(ks[2], (D, K), dtype=jnp.float32) * 0.05
    W_rel_dst = jax.random.normal(ks[3], (D, K), dtype=jnp.float32) * 0.05
    b_rel = jnp.zeros((K,), dtype=jnp.float32)
    W_msg = jax.random.normal(ks[4], (D, D), dtype=jnp.float32) * 0.05
    W_self = jax.random.normal(ks[5], (D, D), dtype=jnp.float32) * 0.05
    W_out = jax.random.normal(ks[6], (D, O), dtype=jnp.float32) * 0.05
    b_out = jnp.zeros((O,), dtype=jnp.float32)
    return {"x": x, "edge_index": edge_index, "W_rel_src": W_rel_src, "W_rel_dst": W_rel_dst, "b_rel": b_rel, "W_msg": W_msg, "W_self": W_self, "W_out": W_out, "b_out": b_out}

def reference(x, edge_index, W_rel_src, W_rel_dst, b_rel, W_msg, W_self, W_out, b_out):
    src = edge_index[0]
    dst = edge_index[1]
    # Relation header: per-edge interaction logits from src/dst node features
    ls = x @ W_rel_src
    ld = x @ W_rel_dst
    logits = ls[src] + ld[dst] + b_rel          # [E, K] gather
    edge_probs = jax.nn.softmax(logits, axis=-1)  # my_softmax(edge_logits, -1)
    # Edge pruning: remove edges where src > dst (as in forward), via mask
    keep = (src <= dst).astype(x.dtype)
    w = edge_probs[:, 1] * keep                 # prob of interaction edge type
    # GNN backbone: weighted message passing (gather -> weight -> scatter-add)
    xm = x @ W_msg
    msg = xm[src] * w[:, None]                  # [E, D] gather
    agg = jnp.zeros((N, D), dtype=x.dtype).at[dst].add(msg)  # scatter-add
    h = jax.nn.relu(x @ W_self + agg)
    # GMM decoder head
    out = h @ W_out + b_out
    return out

if __name__ == "__main__":
    import jax
    _d = setup_inputs()
    print(jax.jit(kernel)(*tuple(_d.values())))

</pallas_src>

<mosaic_0001>
#map = affine_map<(d0, d1) -> (0, 0)>
#map1 = affine_map<(d0, d1) -> (0)>
#map2 = affine_map<(d0, d1) -> (0, 0, 0)>
module attributes {stable_mosaic.version = 14 : i64} {
  func.func @_sc_edge_body(%arg0: i32, %arg1: i32, %arg2: memref<10000x128xf32, #tpu.memory_space<hbm>>, %arg3: memref<10000xf32, #tpu.memory_space<hbm>>, %arg4: memref<640000xi32, #tpu.memory_space<hbm>>, %arg5: memref<2x10112x128xf32, #tpu.memory_space<hbm>>, %arg6: memref<10128xi32, #tpu.memory_space<vmem>>, %arg7: memref<10128xi32, #tpu.memory_space<vmem>>, %arg8: memref<10000xf32, #tpu.memory_space<vmem>>, %arg9: memref<8x16x128xf32, #tpu.memory_space<vmem>>, %arg10: memref<8x16xi32, #tpu.memory_space<vmem>>, %arg11: memref<10112x128xf32, #tpu.memory_space<vmem_shared>>, %arg12: memref<8x!tpu.dma_semaphore, #tpu.memory_space<semaphore_mem>>, %arg13: memref<8x!tpu.dma_semaphore, #tpu.memory_space<semaphore_mem>>) attributes {dimension_semantics = [#tpu.dimension_semantics<core_parallel>, #tpu.dimension_semantics<subcore_parallel>], iteration_bounds = array<i64: 2, 16>, scalar_prefetch = 0 : i64, scratch_operands = 8 : i64, tpu.core_type = #tpu.core_type<sc_vector_subcore>, window_params = [{transform_indices = #map}, {transform_indices = #map1}, {transform_indices = #map1}, {transform_indices = #map2}]} {
    %mul3A = arith.constant 16 : i32
    %mul3A_0 = arith.muli %arg0, %mul3A : i32
    %add3A = arith.addi %mul3A_0, %arg1 : i32
    %mul3A_1 = arith.constant 10000 : i32
    %mul3A_2 = arith.muli %add3A, %mul3A_1 : i32
    %add3A_3 = arith.constant 320000 : i32
    %add3A_4 = arith.addi %add3A_3, %mul3A_2 : i32
    %dma_start3A = arith.constant 0 : i32
    %dma_start3A_5 = arith.constant 0 : i32
    %dma_start3A_6 = tpu.memref_slice %arg6[%dma_start3A_5] : memref<10128xi32, #tpu.memory_space<vmem>> -> memref<10000xi32, #tpu.memory_space<vmem>>
    %dma_start3A_7 = tpu.memref_slice %arg4[%mul3A_2] : memref<640000xi32, #tpu.memory_space<hbm>> -> memref<10000xi32, #tpu.memory_space<hbm>>
    %dma_start3A_8 = tpu.memref_slice %arg12[%dma_start3A] : memref<8x!tpu.dma_semaphore, #tpu.memory_space<semaphore_mem>> -> memref<1x!tpu.dma_semaphore, #tpu.memory_space<semaphore_mem>>
    %dma_start3A_9 = tpu.memref_squeeze %dma_start3A_8 : memref<1x!tpu.dma_semaphore, #tpu.memory_space<semaphore_mem>> -> memref<!tpu.dma_semaphore, #tpu.memory_space<semaphore_mem>>
    %dma_start3A_10 = arith.constant 0 : i32
    %dma_start3A_11 = tpu.memref_slice %arg6[%dma_start3A_10] : memref<10128xi32, #tpu.memory_space<vmem>> -> memref<10000xi32, #tpu.memory_space<vmem>>
    %dma_start3A_12 = tpu.memref_slice %arg4[%mul3A_2] : memref<640000xi32, #tpu.memory_space<hbm>> -> memref<10000xi32, #tpu.memory_space<hbm>>
    tpu.enqueue_dma source(%dma_start3A_12 : memref<10000xi32, #tpu.memory_space<hbm>>) target(%dma_start3A_11 : memref<10000xi32, #tpu.memory_space<vmem>>) target_semaphore(%dma_start3A_9 : memref<!tpu.dma_semaphore, #tpu.memory_space<semaphore_mem>>)
    %dma_start3A_13 = arith.constant 1 : i32
    %dma_start3A_14 = arith.constant 0 : i32
    %dma_start3A_15 = tpu.memref_slice %arg7[%dma_start3A_14] : memref<10128xi32, #tpu.memory_space<vmem>> -> memref<10000xi32, #tpu.memory_space<vmem>>
    %dma_start3A_16 = tpu.memref_slice %arg4[%add3A_4] : memref<640000xi32, #tpu.memory_space<hbm>> -> memref<10000xi32, #tpu.memory_space<hbm>>
    %dma_start3A_17 = tpu.memref_slice %arg12[%dma_start3A_13] : memref<8x!tpu.dma_semaphore, #tpu.memory_space<semaphore_mem>> -> memref<1x!tpu.dma_semaphore, #tpu.memory_space<semaphore_mem>>
    %dma_start3A_18 = tpu.memref_squeeze %dma_start3A_17 : memref<1x!tpu.dma_semaphore, #tpu.memory_space<semaphore_mem>> -> memref<!tpu.dma_semaphore, #tpu.memory_space<semaphore_mem>>
    %dma_start3A_19 = arith.constant 0 : i32
    %dma_start3A_20 = tpu.memref_slice %arg7[%dma_start3A_19] : memref<10128xi32, #tpu.memory_space<vmem>> -> memref<10000xi32, #tpu.memory_space<vmem>>
    %dma_start3A_21 = tpu.memref_slice %arg4[%add3A_4] : memref<640000xi32, #tpu.memory_space<hbm>> -> memref<10000xi32, #tpu.memory_space<hbm>>
    tpu.enqueue_dma source(%dma_start3A_21 : memref<10000xi32, #tpu.memory_space<hbm>>) target(%dma_start3A_20 : memref<10000xi32, #tpu.memory_space<vmem>>) target_semaphore(%dma_start3A_18 : memref<!tpu.dma_semaphore, #tpu.memory_space<semaphore_mem>>)
    %dma_start3A_22 = arith.constant 2 : i32
    %dma_start3A_23 = tpu.memref_slice %arg12[%dma_start3A_22] : memref<8x!tpu.dma_semaphore, #tpu.memory_space<semaphore_mem>> -> memref<1x!tpu.dma_semaphore, #tpu.memory_space<semaphore_mem>>
    %dma_start3A_24 = tpu.memref_squeeze %dma_start3A_23 : memref<1x!tpu.dma_semaphore, #tpu.memory_space<semaphore_mem>> -> memref<!tpu.dma_semaphore, #tpu.memory_space<semaphore_mem>>
    tpu.enqueue_dma source(%arg3 : memref<10000xf32, #tpu.memory_space<hbm>>) target(%arg8 : memref<10000xf32, #tpu.memory_space<vmem>>) target_semaphore(%dma_start3A_24 : memref<!tpu.dma_semaphore, #tpu.memory_space<semaphore_mem>>)
    %broadcast_in_dim3A = arith.constant 0.000000e+00 : f32
    %broadcast_in_dim3A_25 = vector.broadcast %broadcast_in_dim3A : f32 to vector<16xf32>
    %swap3A = arith.constant 0 : i32
    %swap3A_26 = arith.constant 0 : i32
    %swap3A_27 = arith.index_cast %swap3A : i32 to index
    %swap3A_28 = arith.index_cast %swap3A_26 : i32 to index
    %swap3A_29 = arith.constant 0 : index
    %swap3A_30 = tpu.vector_load %arg9[%swap3A_27, %swap3A_28, %swap3A_29] {strides = array<i32>} : memref<8x16x128xf32, #tpu.memory_space<vmem>>, vector<16xf32>,
    tpu.vector_store %arg9[%swap3A_27, %swap3A_28, %swap3A_29], %broadcast_in_dim3A_25 {strides = array<i32>} : memref<8x16x128xf32, #tpu.memory_space<vmem>>, vector<16xf32>,
    %swap3A_31 = arith.constant 0 : i32
    %swap3A_32 = arith.constant 0 : i32
    %swap3A_33 = arith.index_cast %swap3A_31 : i32 to index
    %swap3A_34 = arith.index_cast %swap3A_32 : i32 to index
    %swap3A_35 = arith.constant 16 : index
    %swap3A_36 = tpu.vector_load %arg9[%swap3A_33, %swap3A_34, %swap3A_35] {strides = array<i32>} : memref<8x16x128xf32, #tpu.memory_space<vmem>>, vector<16xf32>,
    tpu.vector_store %arg9[%swap3A_33, %swap3A_34, %swap3A_35], %broadcast_in_dim3A_25 {strides = array<i32>} : memref<8x16x128xf32, #tpu.memory_space<vmem>>, vector<16xf32>,
    %swap3A_37 = arith.constant 0 : i32
    %swap3A_38 = arith.constant 0 : i32
    %swap3A_39 = arith.index_cast %swap3A_37 : i32 to index
    %swap3A_40 = arith.index_cast %swap3A_38 : i32 to index
    %swap3A_41 = arith.constant 32 : index
    %swap3A_42 = tpu.vector_load %arg9[%swap3A_39, %swap3A_40, %swap3A_41] {strides = array<i32>} : memref<8x16x128xf32, #tpu.memory_space<vmem>>, vector<16xf32>,
    tpu.vector_store %arg9[%swap3A_39, %swap3A_40, %swap3A_41], %broadcast_in_dim3A_25 {strides = array<i32>} : memref<8x16x128xf32, #tpu.memory_space<vmem>>, vector<16xf32>,
    %swap3A_43 = arith.constant 0 : i32
    %swap3A_44 = arith.constant 0 : i32
    %swap3A_45 = arith.index_cast %swap3A_43 : i32 to index
    %swap3A_46 = arith.index_cast %swap3A_44 : i32 to index
    %swap3A_47 = arith.constant 48 : index
    %swap3A_48 = tpu.vector_load %arg9[%swap3A_45, %swap3A_46, %swap3A_47] {strides = array<i32>} : memref<8x16x128xf32, #tpu.memory_space<vmem>>, vector<16xf32>,
    tpu.vector_store %arg9[%swap3A_45, %swap3A_46, %swap3A_47], %broadcast_in_dim3A_25 {strides = array<i32>} : memref<8x16x128xf32, #tpu.memory_space<vmem>>, vector<16xf32>,
    %swap3A_49 = arith.constant 0 : i32
    %swap3A_50 = arith.constant 0 : i32
    %swap3A_51 = arith.index_cast %swap3A_49 : i32 to index
    %swap3A_52 = arith.index_cast %swap3A_50 : i32 to index
    %swap3A_53 = arith.constant 64 : index
    %swap3A_54 = tpu.vector_load %arg9[%swap3A_51, %swap3A_52, %swap3A_53] {strides = array<i32>} : memref<8x16x128xf32, #tpu.memory_space<vmem>>, vector<16xf32>,
    tpu.vector_store %arg9[%swap3A_51, %swap3A_52, %swap3A_53], %broadcast_in_dim3A_25 {strides = array<i32>} : memref<8x16x128xf32, #tpu.memory_space<vmem>>, vector<16xf32>,
    %swap3A_55 = arith.constant 0 : i32
    %swap3A_56 = arith.constant 0 : i32
    %swap3A_57 = arith.index_cast %swap3A_55 : i32 to index
    %swap3A_58 = arith.index_cast %swap3A_56 : i32 to index
    %swap3A_59 = arith.constant 80 : index
    %swap3A_60 = tpu.vector_load %arg9[%swap3A_57, %swap3A_58, %swap3A_59] {strides = array<i32>} : memref<8x16x128xf32, #tpu.memory_space<vmem>>, vector<16xf32>,
    tpu.vector_store %arg9[%swap3A_57, %swap3A_58, %swap3A_59], %broadcast_in_dim3A_25 {strides = array<i32>} : memref<8x16x128xf32, #tpu.memory_space<vmem>>, vector<16xf32>,
    %swap3A_61 = arith.constant 0 : i32
    %swap3A_62 = arith.constant 0 : i32
    %swap3A_63 = arith.index_cast %swap3A_61 : i32 to index
    %swap3A_64 = arith.index_cast %swap3A_62 : i32 to index
    %swap3A_65 = arith.constant 96 : index
    %swap3A_66 = tpu.vector_load %arg9[%swap3A_63, %swap3A_64, %swap3A_65] {strides = array<i32>} : memref<8x16x128xf32, #tpu.memory_space<vmem>>, vector<16xf32>,
    tpu.vector_store %arg9[%swap3A_63, %swap3A_64, %swap3A_65], %broadcast_in_dim3A_25 {strides = array<i32>} : memref<8x16x128xf32, #tpu.memory_space<vmem>>, vector<16xf32>,
    %swap3A_67 = arith.constant 0 : i32
    %swap3A_68 = arith.constant 0 : i32
    %swap3A_69 = arith.index_cast %swap3A_67 : i32 to index
    %swap3A_70 = arith.index_cast %swap3A_68 : i32 to index
    %swap3A_71 = arith.constant 112 : index
    %swap3A_72 = tpu.vector_load %arg9[%swap3A_69, %swap3A_70, %swap3A_71] {strides = array<i32>} : memref<8x16x128xf32, #tpu.memory_space<vmem>>, vector<16xf32>,
    tpu.vector_store %arg9[%swap3A_69, %swap3A_70, %swap3A_71], %broadcast_in_dim3A_25 {strides = array<i32>} : memref<8x16x128xf32, #tpu.memory_space<vmem>>, vector<16xf32>,
    %swap3A_73 = arith.constant 0 : i32
    %swap3A_74 = arith.constant 1 : i32
    %swap3A_75 = arith.index_cast %swap3A_73 : i32 to index
    %swap3A_76 = arith.index_cast %swap3A_74 : i32 to index
    %swap3A_77 = arith.constant 0 : index
    %swap3A_78 = tpu.vector_load %arg9[%swap3A_75, %swap3A_76, %swap3A_77] {strides = array<i32>} : memref<8x16x128xf32, #tpu.memory_space<vmem>>, vector<16xf32>,
    tpu.vector_store %arg9[%swap3A_75, %swap3A_76, %swap3A_77], %broadcast_in_dim3A_25 {strides = array<i32>} : memref<8x16x128xf32, #tpu.memory_space<vmem>>, vector<16xf32>,
    %swap3A_79 = arith.constant 0 : i32
    %swap3A_80 = arith.constant 1 : i32
    %swap3A_81 = arith.index_cast %swap3A_79 : i32 to index
    %swap3A_82 = arith.index_cast %swap3A_80 : i32 to index
    %swap3A_83 = arith.constant 16 : index
    %swap3A_84 = tpu.vector_load %arg9[%swap3A_81, %swap3A_82, %swap3A_83] {strides = array<i32>} : memref<8x16x128xf32, #tpu.memory_space<vmem>>, vector<16xf32>,
    tpu.vector_store %arg9[%swap3A_81, %swap3A_82, %swap3A_83], %broadcast_in_dim3A_25 {strides = array<i32>} : memref<8x16x128xf32, #tpu.memory_space<vmem>>, vector<16xf32>,
    %swap3A_85 = arith.constant 0 : i32
    %swap3A_86 = arith.constant 1 : i32
    %swap3A_87 = arith.index_cast %swap3A_85 : i32 to index
    %swap3A_88 = arith.index_cast %swap3A_86 : i32 to index
    %swap3A_89 = arith.constant 32 : index
    %swap3A_90 = tpu.vector_load %arg9[%swap3A_87, %swap3A_88, %swap3A_89] {strides = array<i32>} : memref<8x16x128xf32, #tpu.memory_space<vmem>>, vector<16xf32>,
    tpu.vector_store %arg9[%swap3A_87, %swap3A_88, %swap3A_89], %broadcast_in_dim3A_25 {strides = array<i32>} : memref<8x16x128xf32, #tpu.memory_space<vmem>>, vector<16xf32>,
    %swap3A_91 = arith.constant 0 : i32
    %swap3A_92 = arith.constant 1 : i32
    %swap3A_93 = arith.index_cast %swap3A_91 : i32 to index
    %swap3A_94 = arith.index_cast %swap3A_92 : i32 to index
    %swap3A_95 = arith.constant 48 : index
    %swap3A_96 = tpu.vector_load %arg9[%swap3A_93, %swap3A_94, %swap3A_95] {strides = array<i32>} : memref<8x16x128xf32, #tpu.memory_space<vmem>>, vector<16xf32>,
    tpu.vector_store %arg9[%swap3A_93, %swap3A_94, %swap3A_95], %broadcast_in_dim3A_25 {strides = array<i32>} : memref<8x16x128xf32, #tpu.memory_space<vmem>>, vector<16xf32>,
    %swap3A_97 = arith.constant 0 : i32
    %swap3A_98 = arith.constant 1 : i32
    %swap3A_99 = arith.index_cast %swap3A_97 : i32 to index
    %swap3A_100 = arith.index_cast %swap3A_98 : i32 to index
    %swap3A_101 = arith.constant 64 : index
    %swap3A_102 = tpu.vector_load %arg9[%swap3A_99, %swap3A_100, %swap3A_101] {strides = array<i32>} : memref<8x16x128xf32, #tpu.memory_space<vmem>>, vector<16xf32>,
    tpu.vector_store %arg9[%swap3A_99, %swap3A_100, %swap3A_101], %broadcast_in_dim3A_25 {strides = array<i32>} : memref<8x16x128xf32, #tpu.memory_space<vmem>>, vector<16xf32>,
    %swap3A_103 = arith.constant 0 : i32
    %swap3A_104 = arith.constant 1 : i32
    %swap3A_105 = arith.index_cast %swap3A_103 : i32 to index
    %swap3A_106 = arith.index_cast %swap3A_104 : i32 to index
    %swap3A_107 = arith.constant 80 : index
    %swap3A_108 = tpu.vector_load %arg9[%swap3A_105, %swap3A_106, %swap3A_107] {strides = array<i32>} : memref<8x16x128xf32, #tpu.memory_space<vmem>>, vector<16xf32>,
    tpu.vector_store %arg9[%swap3A_105, %swap3A_106, %swap3A_107], %broadcast_in_dim3A_25 {strides = array<i32>} : memref<8x16x128xf32, #tpu.memory_space<vmem>>, vector<16xf32>,
    %swap3A_109 = arith.constant 0 : i32
    %swap3A_110 = arith.constant 1 : i32
    %swap3A_111 = arith.index_cast %swap3A_109 : i32 to index
    %swap3A_112 = arith.index_cast %swap3A_110 : i32 to index
    %swap3A_113 = arith.constant 96 : index
    %swap3A_114 = tpu.vector_load %arg9[%swap3A_111, %swap3A_112, %swap3A_113] {strides = array<i32>} : memref<8x16x128xf32, #tpu.memory_space<vmem>>, vector<16xf32>,
    tpu.vector_store %arg9[%swap3A_111, %swap3A_112, %swap3A_113], %broadcast_in_dim3A_25 {strides = array<i32>} : memref<8x16x128xf32, #tpu.memory_space<vmem>>, vector<16xf32>,
    %swap3A_115 = arith.constant 0 : i32
    %swap3A_116 = arith.constant 1 : i32
    %swap3A_117 = arith.index_cast %swap3A_115 : i32 to index
    %swap3A_118 = arith.index_cast %swap3A_116 : i32 to index
    %swap3A_119 = arith.constant 112 : index
    %swap3A_120 = tpu.vector_load %arg9[%swap3A_117, %swap3A_118, %swap3A_119] {strides = array<i32>} : memref<8x16x128xf32, #tpu.memory_space<vmem>>, vector<16xf32>,
    tpu.vector_store %arg9[%swap3A_117, %swap3A_118, %swap3A_119], %broadcast_in_dim3A_25 {strides = array<i32>} : memref<8x16x128xf32, #tpu.memory_space<vmem>>, vector<16xf32>,
    %swap3A_121 = arith.constant 0 : i32
    %swap3A_122 = arith.constant 2 : i32
    %swap3A_123 = arith.index_cast %swap3A_121 : i32 to index
    %swap3A_124 = arith.index_cast %swap3A_122 : i32 to index
    %swap3A_125 = arith.constant 0 : index
    %swap3A_126 = tpu.vector_load %arg9[%swap3A_123, %swap3A_124, %swap3A_125] {strides = array<i32>} : memref<8x16x128xf32, #tpu.memory_space<vmem>>, vector<16xf32>,
    tpu.vector_store %arg9[%swap3A_123, %swap3A_124, %swap3A_125], %broadcast_in_dim3A_25 {strides = array<i32>} : memref<8x16x128xf32, #tpu.memory_space<vmem>>, vector<16xf32>,
    %swap3A_127 = arith.constant 0 : i32
    %swap3A_128 = arith.constant 2 : i32
    %swap3A_129 = arith.index_cast %swap3A_127 : i32 to index
    %swap3A_130 = arith.index_cast %swap3A_128 : i32 to index
    %swap3A_131 = arith.constant 16 : index
    %swap3A_132 = tpu.vector_load %arg9[%swap3A_129, %swap3A_130, %swap3A_131] {strides = array<i32>} : memref<8x16x128xf32, #tpu.memory_space<vmem>>, vector<16xf32>,
    tpu.vector_store %arg9[%swap3A_129, %swap3A_130, %swap3A_131], %broadcast_in_dim3A_25 {strides = array<i32>} : memref<8x16x128xf32, #tpu.memory_space<vmem>>, vector<16xf32>,
    %swap3A_133 = arith.constant 0 : i32
    %swap3A_134 = arith.constant 2 : i32
    %swap3A_135 = arith.index_cast %swap3A_133 : i32 to index
    %swap3A_136 = arith.index_cast %swap3A_134 : i32 to index
    %swap3A_137 = arith.constant 32 : index
    %swap3A_138 = tpu.vector_load %arg9[%swap3A_135, %swap3A_136, %swap3A_137] {strides = array<i32>} : memref<8x16x128xf32, #tpu.memory_space<vmem>>, vector<16xf32>,
    tpu.vector_store %arg9[%swap3A_135, %swap3A_136, %swap3A_137], %broadcast_in_dim3A_25 {strides = array<i32>} : memref<8x16x128xf32, #tpu.memory_space<vmem>>, vector<16xf32>,
    %swap3A_139 = arith.constant 0 : i32
    %swap3A_140 = arith.constant 2 : i32
    %swap3A_141 = arith.index_cast %swap3A_139 : i32 to index
    %swap3A_142 = arith.index_cast %swap3A_140 : i32 to index
    %swap3A_143 = arith.constant 48 : index
    %swap3A_144 = tpu.vector_load %arg9[%swap3A_141, %swap3A_142, %swap3A_143] {strides = array<i32>} : memref<8x16x128xf32, #tpu.memory_space<vmem>>, vector<16xf32>,
    tpu.vector_store %arg9[%swap3A_141, %swap3A_142, %swap3A_143], %broadcast_in_dim3A_25 {strides = array<i32>} : memref<8x16x128xf32, #tpu.memory_space<vmem>>, vector<16xf32>,
    %swap3A_145 = arith.constant 0 : i32
    %swap3A_146 = arith.constant 2 : i32
    %swap3A_147 = arith.index_cast %swap3A_145 : i32 to index
    %swap3A_148 = arith.index_cast %swap3A_146 : i32 to index
    %swap3A_149 = arith.constant 64 : index
    %swap3A_150 = tpu.vector_load %arg9[%swap3A_147, %swap3A_148, %swap3A_149] {strides = array<i32>} : memref<8x16x128xf32, #tpu.memory_space<vmem>>, vector<16xf32>,
    tpu.vector_store %arg9[%swap3A_147, %swap3A_148, %swap3A_149], %broadcast_in_dim3A_25 {strides = array<i32>} : memref<8x16x128xf32, #tpu.memory_space<vmem>>, vector<16xf32>,
    %swap3A_151 = arith.constant 0 : i32
    %swap3A_152 = arith.constant 2 : i32
    %swap3A_153 = arith.index_cast %swap3A_151 : i32 to index
    %swap3A_154 = arith.index_cast %swap3A_152 : i32 to index
    %swap3A_155 = arith.constant 80 : index
    %swap3A_156 = tpu.vector_load %arg9[%swap3A_153, %swap3A_154, %swap3A_155] {strides = array<i32>} : memref<8x16x128xf32, #tpu.memory_space<vmem>>, vector<16xf32>,
    tpu.vector_store %arg9[%swap3A_153, %swap3A_154, %swap3A_155], %broadcast_in_dim3A_25 {strides = array<i32>} : memref<8x16x128xf32, #tpu.memory_space<vmem>>, vector<16xf32>,
    %swap3A_157 = arith.constant 0 : i32
    %swap3A_158 = arith.constant 2 : i32
    %swap3A_159 = arith.index_cast %swap3A_157 : i32 to index
    %swap3A_160 = arith.index_cast %swap3A_158 : i32 to index
    %swap3A_161 = arith.constant 96 : index
    %swap3A_162 = tpu.vector_load %arg9[%swap3A_159, %swap3A_160, %swap3A_161] {strides = array<i32>} : memref<8x16x128xf32, #tpu.memory_space<vmem>>, vector<16xf32>,
    tpu.vector_store %arg9[%swap3A_159, %swap3A_160, %swap3A_161], %broadcast_in_dim3A_25 {strides = array<i32>} : memref<8x16x128xf32, #tpu.memory_space<vmem>>, vector<16xf32>,
    %swap3A_163 = arith.constant 0 : i32
    %swap3A_164 = arith.constant 2 : i32
    %swap3A_165 = arith.index_cast %swap3A_163 : i32 to index
    %swap3A_166 = arith.index_cast %swap3A_164 : i32 to index
    %swap3A_167 = arith.constant 112 : index
    %swap3A_168 = tpu.vector_load %arg9[%swap3A_165, %swap3A_166, %swap3A_167] {strides = array<i32>} : memref<8x16x128xf32, #tpu.memory_space<vmem>>, vector<16xf32>,
    tpu.vector_store %arg9[%swap3A_165, %swap3A_166, %swap3A_167], %broadcast_in_dim3A_25 {strides = array<i32>} : memref<8x16x128xf32, #tpu.memory_space<vmem>>, vector<16xf32>,
    %swap3A_169 = arith.constant 0 : i32
    %swap3A_170 = arith.constant 3 : i32
    %swap3A_171 = arith.index_cast %swap3A_169 : i32 to index
    %swap3A_172 = arith.index_cast %swap3A_170 : i32 to index
    %swap3A_173 = arith.constant 0 : index
    %swap3A_174 = tpu.vector_load %arg9[%swap3A_171, %swap3A_172, %swap3A_173] {strides = array<i32>} : memref<8x16x128xf32, #tpu.memory_space<vmem>>, vector<16xf32>,
    tpu.vector_store %arg9[%swap3A_171, %swap3A_172, %swap3A_173], %broadcast_in_dim3A_25 {strides = array<i32>} : memref<8x16x128xf32, #tpu.memory_space<vmem>>, vector<16xf32>,
    %swap3A_175 = arith.constant 0 : i32
    %swap3A_176 = arith.constant 3 : i32
    %swap3A_177 = arith.index_cast %swap3A_175 : i32 to index
    %swap3A_178 = arith.index_cast %swap3A_176 : i32 to index
    %swap3A_179 = arith.constant 16 : index
    %swap3A_180 = tpu.vector_load %arg9[%swap3A_177, %swap3A_178, %swap3A_179] {strides = array<i32>} : memref<8x16x128xf32, #tpu.memory_space<vmem>>, vector<16xf32>,
    tpu.vector_store %arg9[%swap3A_177, %swap3A_178, %swap3A_179], %broadcast_in_dim3A_25 {strides = array<i32>} : memref<8x16x128xf32, #tpu.memory_space<vmem>>, vector<16xf32>,
    %swap3A_181 = arith.constant 0 : i32
    %swap3A_182 = arith.constant 3 : i32
    %swap3A_183 = arith.index_cast %swap3A_181 : i32 to index
    %swap3A_184 = arith.index_cast %swap3A_182 : i32 to index
    %swap3A_185 = arith.constant 32 : index
    %swap3A_186 = tpu.vector_load %arg9[%swap3A_183, %swap3A_184, %swap3A_185] {strides = array<i32>} : memref<8x16x128xf32, #tpu.memory_space<vmem>>, vector<16xf32>,
    tpu.vector_store %arg9[%swap3A_183, %swap3A_184, %swap3A_185], %broadcast_in_dim3A_25 {strides = array<i32>} : memref<8x16x128xf32, #tpu.memory_space<vmem>>, vector<16xf32>,
    %swap3A_187 = arith.constant 0 : i32
    %swap3A_188 = arith.constant 3 : i32
    %swap3A_189 = arith.index_cast %swap3A_187 : i32 to index
    %swap3A_190 = arith.index_cast %swap3A_188 : i32 to index
    %swap3A_191 = arith.constant 48 : index
    %swap3A_192 = tpu.vector_load %arg9[%swap3A_189, %swap3A_190, %swap3A_191] {strides = array<i32>} : memref<8x16x128xf32, #tpu.memory_space<vmem>>, vector<16xf32>,
    tpu.vector_store %arg9[%swap3A_189, %swap3A_190, %swap3A_191], %broadcast_in_dim3A_25 {strides = array<i32>} : memref<8x16x128xf32, #tpu.memory_space<vmem>>, vector<16xf32>,
    %swap3A_193 = arith.constant 0 : i32
    %swap3A_194 = arith.constant 3 : i32
    %swap3A_195 = arith.index_cast %swap3A_193 : i32 to index
    %swap3A_196 = arith.index_cast %swap3A_194 : i32 to index
    %swap3A_197 = arith.constant 64 : index
    %swap3A_198 = tpu.vector_load %arg9[%swap3A_195, %swap3A_196, %swap3A_197] {strides = array<i32>} : memref<8x16x128xf32, #tpu.memory_space<vmem>>, vector<16xf32>,
    tpu.vector_store %arg9[%swap3A_195, %swap3A_196, %swap3A_197], %broadcast_in_dim3A_25 {strides = array<i32>} : memref<8x16x128xf32, #tpu.memory_space<vmem>>, vector<16xf32>,
    %swap3A_199 = arith.constant 0 : i32
    %swap3A_200 = arith.constant 3 : i32
    %swap3A_201 = arith.index_cast %swap3A_199 : i32 to index
    %swap3A_202 = arith.index_cast %swap3A_200 : i32 to index
    %swap3A_203 = arith.constant 80 : index
    %swap3A_204 = tpu.vector_load %arg9[%swap3A_201, %swap3A_202, %swap3A_203] {strides = array<i32>} : memref<8x16x128xf32, #tpu.memory_space<vmem>>, vector<16xf32>,
    tpu.vector_store %arg9[%swap3A_201, %swap3A_202, %swap3A_203], %broadcast_in_dim3A_25 {strides = array<i32>} : memref<8x16x128xf32, #tpu.memory_space<vmem>>, vector<16xf32>,
    %swap3A_205 = arith.constant 0 : i32
    %swap3A_206 = arith.constant 3 : i32
    %swap3A_207 = arith.index_cast %swap3A_205 : i32 to index
    %swap3A_208 = arith.index_cast %swap3A_206 : i32 to index
    %swap3A_209 = arith.constant 96 : index
    %swap3A_210 = tpu.vector_load %arg9[%swap3A_207, %swap3A_208, %swap3A_209] {strides = array<i32>} : memref<8x16x128xf32, #tpu.memory_space<vmem>>, vector<16xf32>,
    tpu.vector_store %arg9[%swap3A_207, %swap3A_208, %swap3A_209], %broadcast_in_dim3A_25 {strides = array<i32>} : memref<8x16x128xf32, #tpu.memory_space<vmem>>, vector<16xf32>,
    %swap3A_211 = arith.constant 0 : i32
    %swap3A_212 = arith.constant 3 : i32
    %swap3A_213 = arith.index_cast %swap3A_211 : i32 to index
    %swap3A_214 = arith.index_cast %swap3A_212 : i32 to index
    %swap3A_215 = arith.constant 112 : index
    %swap3A_216 = tpu.vector_load %arg9[%swap3A_213, %swap3A_214, %swap3A_215] {strides = array<i32>} : memref<8x16x128xf32, #tpu.memory_space<vmem>>, vector<16xf32>,
    tpu.vector_store %arg9[%swap3A_213, %swap3A_214, %swap3A_215], %broadcast_in_dim3A_25 {strides = array<i32>} : memref<8x16x128xf32, #tpu.memory_space<vmem>>, vector<16xf32>,
    %swap3A_217 = arith.constant 0 : i32
    %swap3A_218 = arith.constant 4 : i32
    %swap3A_219 = arith.index_cast %swap3A_217 : i32 to index
    %swap3A_220 = arith.index_cast %swap3A_218 : i32 to index
    %swap3A_221 = arith.constant 0 : index
    %swap3A_222 = tpu.vector_load %arg9[%swap3A_219, %swap3A_220, %swap3A_221] {strides = array<i32>} : memref<8x16x128xf32, #tpu.memory_space<vmem>>, vector<16xf32>,
    tpu.vector_store %arg9[%swap3A_219, %swap3A_220, %swap3A_221], %broadcast_in_dim3A_25 {strides = array<i32>} : memref<8x16x128xf32, #tpu.memory_space<vmem>>, vector<16xf32>,
    %swap3A_223 = arith.constant 0 : i32
    %swap3A_224 = arith.constant 4 : i32
    %swap3A_225 = arith.index_cast %swap3A_223 : i32 to index
    %swap3A_226 = arith.index_cast %swap3A_224 : i32 to index
    %swap3A_227 = arith.constant 16 : index
    %swap3A_228 = tpu.vector_load %arg9[%swap3A_225, %swap3A_226, %swap3A_227] {strides = array<i32>} : memref<8x16x128xf32, #tpu.memory_space<vmem>>, vector<16xf32>,
    tpu.vector_store %arg9[%swap3A_225, %swap3A_226, %swap3A_227], %broadcast_in_dim3A_25 {strides = array<i32>} : memref<8x16x128xf32, #tpu.memory_space<vmem>>, vector<16xf32>,
    %swap3A_229 = arith.constant 0 : i32
    %swap3A_230 = arith.constant 4 : i32
    %swap3A_231 = arith.index_cast %swap3A_229 : i32 to index
    %swap3A_232 = arith.index_cast %swap3A_230 : i32 to index
    %swap3A_233 = arith.constant 32 : index
    %swap3A_234 = tpu.vector_load %arg9[%swap3A_231, %swap3A_232, %swap3A_233] {strides = array<i32>} : memref<8x16x128xf32, #tpu.memory_space<vmem>>, vector<16xf32>,
    tpu.vector_store %arg9[%swap3A_231, %swap3A_232, %swap3A_233], %broadcast_in_dim3A_25 {strides = array<i32>} : memref<8x16x128xf32, #tpu.memory_space<vmem>>, vector<16xf32>,
    %swap3A_235 = arith.constant 0 : i32
    %swap3A_236 = arith.constant 4 : i32
    %swap3A_237 = arith.index_cast %swap3A_235 : i32 to index
    %swap3A_238 = arith.index_cast %swap3A_236 : i32 to index
    %swap3A_239 = arith.constant 48 : index
    %swap3A_240 = tpu.vector_load %arg9[%swap3A_237, %swap3A_238, %swap3A_239] {strides = array<i32>} : memref<8x16x128xf32, #tpu.memory_space<vmem>>, vector<16xf32>,
    tpu.vector_store %arg9[%swap3A_237, %swap3A_238, %swap3A_239], %broadcast_in_dim3A_25 {strides = array<i32>} : memref<8x16x128xf32, #tpu.memory_space<vmem>>, vector<16xf32>,
    %swap3A_241 = arith.constant 0 : i32
    %swap3A_242 = arith.constant 4 : i32
    %swap3A_243 = arith.index_cast %swap3A_241 : i32 to index
    %swap3A_244 = arith.index_cast %swap3A_242 : i32 to index
    %swap3A_245 = arith.constant 64 : index
    %swap3A_246 = tpu.vector_load %arg9[%swap3A_243, %swap3A_244, %swap3A_245] {strides = array<i32>} : memref<8x16x128xf32, #tpu.memory_space<vmem>>, vector<16xf32>,
    tpu.vector_store %arg9[%swap3A_243, %swap3A_244, %swap3A_245], %broadcast_in_dim3A_25 {strides = array<i32>} : memref<8x16x128xf32, #tpu.memory_space<vmem>>, vector<16xf32>,
    %swap3A_247 = arith.constant 0 : i32
    %swap3A_248 = arith.constant 4 : i32
    %swap3A_249 = arith.index_cast %swap3A_247 : i32 to index
    %swap3A_250 = arith.index_cast %swap3A_248 : i32 to index
    %swap3A_251 = arith.constant 80 : index
    %swap3A_252 = tpu.vector_load %arg9[%swap3A_249, %swap3A_250, %swap3A_251] {strides = array<i32>} : memref<8x16x128xf32, #tpu.memory_space<vmem>>, vector<16xf32>,
    tpu.vector_store %arg9[%swap3A_249, %swap3A_250, %swap3A_251], %broadcast_in_dim3A_25 {strides = array<i32>} : memref<8x16x128xf32, #tpu.memory_space<vmem>>, vector<16xf32>,
    %swap3A_253 = arith.constant 0 : i32
    %swap3A_254 = arith.constant 4 : i32
    %swap3A_255 = arith.index_cast %swap3A_253 : i32 to index
    %swap3A_256 = arith.index_cast %swap3A_254 : i32 to index
    %swap3A_257 = arith.constant 96 : index
    %swap3A_258 = tpu.vector_load %arg9[%swap3A_255, %swap3A_256, %swap3A_257] {strides = array<i32>} : memref<8x16x128xf32, #tpu.memory_space<vmem>>, vector<16xf32>,
    tpu.vector_store %arg9[%swap3A_255, %swap3A_256, %swap3A_257], %broadcast_in_dim3A_25 {strides = array<i32>} : memref<8x16x128xf32, #tpu.memory_space<vmem>>, vector<16xf32>,
    %swap3A_259 = arith.constant 0 : i32
    %swap3A_260 = arith.constant 4 : i32
    %swap3A_261 = arith.index_cast %swap3A_259 : i32 to index
    %swap3A_262 = arith.index_cast %swap3A_260 : i32 to index
    %swap3A_263 = arith.constant 112 : index
    %swap3A_264 = tpu.vector_load %arg9[%swap3A_261, %swap3A_262, %swap3A_263] {strides = array<i32>} : memref<8x16x128xf32, #tpu.memory_space<vmem>>, vector<16xf32>,
    tpu.vector_store %arg9[%swap3A_261, %swap3A_262, %swap3A_263], %broadcast_in_dim3A_25 {strides = array<i32>} : memref<8x16x128xf32, #tpu.memory_space<vmem>>, vector<16xf32>,
    %swap3A_265 = arith.constant 0 : i32
    %swap3A_266 = arith.constant 5 : i32
    %swap3A_267 = arith.index_cast %swap3A_265 : i32 to index
    %swap3A_268 = arith.index_cast %swap3A_266 : i32 to index
    %swap3A_269 = arith.constant 0 : index
    %swap3A_270 = tpu.vector_load %arg9[%swap3A_267, %swap3A_268, %swap3A_269] {strides = array<i32>} : memref<8x16x128xf32, #tpu.memory_space<vmem>>, vector<16xf32>,
    tpu.vector_store %arg9[%swap3A_267, %swap3A_268, %swap3A_269], %broadcast_in_dim3A_25 {strides = array<i32>} : memref<8x16x128xf32, #tpu.memory_space<vmem>>, vector<16xf32>,
    %swap3A_271 = arith.constant 0 : i32
    %swap3A_272 = arith.constant 5 : i32
    %swap3A_273 = arith.index_cast %swap3A_271 : i32 to index
    %swap3A_274 = arith.index_cast %swap3A_272 : i32 to index
    %swap3A_275 = arith.constant 16 : index
    %swap3A_276 = tpu.vector_load %arg9[%swap3A_273, %swap3A_274, %swap3A_275] {strides = array<i32>} : memref<8x16x128xf32, #tpu.memory_space<vmem>>, vector<16xf32>,
    tpu.vector_store %arg9[%swap3A_273, %swap3A_274, %swap3A_275], %broadcast_in_dim3A_25 {strides = array<i32>} : memref<8x16x128xf32, #tpu.memory_space<vmem>>, vector<16xf32>,
    %swap3A_277 = arith.constant 0 : i32
    %swap3A_278 = arith.constant 5 : i32
    %swap3A_279 = arith.index_cast %swap3A_277 : i32 to index
    %swap3A_280 = arith.index_cast %swap3A_278 : i32 to index
    %swap3A_281 = arith.constant 32 : index
    %swap3A_282 = tpu.vector_load %arg9[%swap3A_279, %swap3A_280, %swap3A_281] {strides = array<i32>} : memref<8x16x128xf32, #tpu.memory_space<vmem>>, vector<16xf32>,
    tpu.vector_store %arg9[%swap3A_279, %swap3A_280, %swap3A_281], %broadcast_in_dim3A_25 {strides = array<i32>} : memref<8x16x128xf32, #tpu.memory_space<vmem>>, vector<16xf32>,
    %swap3A_283 = arith.constant 0 : i32
    %swap3A_284 = arith.constant 5 : i32
    %swap3A_285 = arith.index_cast %swap3A_283 : i32 to index
    %swap3A_286 = arith.index_cast %swap3A_284 : i32 to index
    %swap3A_287 = arith.constant 48 : index
    %swap3A_288 = tpu.vector_load %arg9[%swap3A_285, %swap3A_286, %swap3A_287] {strides = array<i32>} : memref<8x16x128xf32, #tpu.memory_space<vmem>>, vector<16xf32>,
    tpu.vector_store %arg9[%swap3A_285, %swap3A_286, %swap3A_287], %broadcast_in_dim3A_25 {strides = array<i32>} : memref<8x16x128xf32, #tpu.memory_space<vmem>>, vector<16xf32>,
    %swap3A_289 = arith.constant 0 : i32
    %swap3A_290 = arith.constant 5 : i32
    %swap3A_291 = arith.index_cast %swap3A_289 : i32 to index
    %swap3A_292 = arith.index_cast %swap3A_290 : i32 to index
    %swap3A_293 = arith.constant 64 : index
    %swap3A_294 = tpu.vector_load %arg9[%swap3A_291, %swap3A_292, %swap3A_293] {strides = array<i32>} : memref<8x16x128xf32, #tpu.memory_space<vmem>>, vector<16xf32>,
    tpu.vector_store %arg9[%swap3A_291, %swap3A_292, %swap3A_293], %broadcast_in_dim3A_25 {strides = array<i32>} : memref<8x16x128xf32, #tpu.memory_space<vmem>>, vector<16xf32>,
    %swap3A_295 = arith.constant 0 : i32
    %swap3A_296 = arith.constant 5 : i32
    %swap3A_297 = arith.index_cast %swap3A_295 : i32 to index
    %swap3A_298 = arith.index_cast %swap3A_296 : i32 to index
    %swap3A_299 = arith.constant 80 : index
    %swap3A_300 = tpu.vector_load %arg9[%swap3A_297, %swap3A_298, %swap3A_299] {strides = array<i32>} : memref<8x16x128xf32, #tpu.memory_space<vmem>>, vector<16xf32>,
    tpu.vector_store %arg9[%swap3A_297, %swap3A_298, %swap3A_299], %broadcast_in_dim3A_25 {strides = array<i32>} : memref<8x16x128xf32, #tpu.memory_space<vmem>>, vector<16xf32>,
    %swap3A_301 = arith.constant 0 : i32
    %swap3A_302 = arith.constant 5 : i32
    %swap3A_303 = arith.index_cast %swap3A_301 : i32 to index
    %swap3A_304 = arith.index_cast %swap3A_302 : i32 to index
    %swap3A_305 = arith.constant 96 : index
    %swap3A_306 = tpu.vector_load %arg9[%swap3A_303, %swap3A_304, %swap3A_305] {strides = array<i32>} : memref<8x16x128xf32, #tpu.memory_space<vmem>>, vector<16xf32>,
    tpu.vector_store %arg9[%swap3A_303, %swap3A_304, %swap3A_305], %broadcast_in_dim3A_25 {strides = array<i32>} : memref<8x16x128xf32, #tpu.memory_space<vmem>>, vector<16xf32>,
    %swap3A_307 = arith.constant 0 : i32
    %swap3A_308 = arith.constant 5 : i32
    %swap3A_309 = arith.index_cast %swap3A_307 : i32 to index
    %swap3A_310 = arith.index_cast %swap3A_308 : i32 to index
    %swap3A_311 = arith.constant 112 : index
    %swap3A_312 = tpu.vector_load %arg9[%swap3A_309, %swap3A_310, %swap3A_311] {strides = array<i32>} : memref<8x16x128xf32, #tpu.memory_space<vmem>>, vector<16xf32>,
    tpu.vector_store %arg9[%swap3A_309, %swap3A_310, %swap3A_311], %broadcast_in_dim3A_25 {strides = array<i32>} : memref<8x16x128xf32, #tpu.memory_space<vmem>>, vector<16xf32>,
    %swap3A_313 = arith.constant 0 : i32
    %swap3A_314 = arith.constant 6 : i32
    %swap3A_315 = arith.index_cast %swap3A_313 : i32 to index
    %swap3A_316 = arith.index_cast %swap3A_314 : i32 to index
    %swap3A_317 = arith.constant 0 : index
    %swap3A_318 = tpu.vector_load %arg9[%swap3A_315, %swap3A_316, %swap3A_317] {strides = array<i32>} : memref<8x16x128xf32, #tpu.memory_space<vmem>>, vector<16xf32>,
    tpu.vector_store %arg9[%swap3A_315, %swap3A_316, %swap3A_317], %broadcast_in_dim3A_25 {strides = array<i32>} : memref<8x16x128xf32, #tpu.memory_space<vmem>>, vector<16xf32>,
    %swap3A_319 = arith.constant 0 : i32
    %swap3A_320 = arith.constant 6 : i32
    %swap3A_321 = arith.index_cast %swap3A_319 : i32 to index
    %swap3A_322 = arith.index_cast %swap3A_320 : i32 to index
    %swap3A_323 = arith.constant 16 : index
    %swap3A_324 = tpu.vector_load %arg9[%swap3A_321, %swap3A_322, %swap3A_323] {strides = array<i32>} : memref<8x16x128xf32, #tpu.memory_space<vmem>>, vector<16xf32>,
    tpu.vector_store %arg9[%swap3A_321, %swap3A_322, %swap3A_323], %broadcast_in_dim3A_25 {strides = array<i32>} : memref<8x16x128xf32, #tpu.memory_space<vmem>>, vector<16xf32>,
    %swap3A_325 = arith.constant 0 : i32
    %swap3A_326 = arith.constant 6 : i32
    %swap3A_327 = arith.index_cast %swap3A_325 : i32 to index
    %swap3A_328 = arith.index_cast %swap3A_326 : i32 to index
    %swap3A_329 = arith.constant 32 : index
    %swap3A_330 = tpu.vector_load %arg9[%swap3A_327, %swap3A_328, %swap3A_329] {strides = array<i32>} : memref<8x16x128xf32, #tpu.memory_space<vmem>>, vector<16xf32>,
    tpu.vector_store %arg9[%swap3A_327, %swap3A_328, %swap3A_329], %broadcast_in_dim3A_25 {strides = array<i32>} : memref<8x16x128xf32, #tpu.memory_space<vmem>>, vector<16xf32>,
    %swap3A_331 = arith.constant 0 : i32
    %swap3A_332 = arith.constant 6 : i32
    %swap3A_333 = arith.index_cast %swap3A_331 : i32 to index
    %swap3A_334 = arith.index_cast %swap3A_332 : i32 to index
    %swap3A_335 = arith.constant 48 : index
    %swap3A_336 = tpu.vector_load %arg9[%swap3A_333, %swap3A_334, %swap3A_335] {strides = array<i32>} : memref<8x16x128xf32, #tpu.memory_space<vmem>>, vector<16xf32>,
    tpu.vector_store %arg9[%swap3A_333, %swap3A_334, %swap3A_335], %broadcast_in_dim3A_25 {strides = array<i32>} : memref<8x16x128xf32, #tpu.memory_space<vmem>>, vector<16xf32>,
    %swap3A_337 = arith.constant 0 : i32
    %swap3A_338 = arith.constant 6 : i32
    %swap3A_339 = arith.index_cast %swap3A_337 : i32 to index
    %swap3A_340 = arith.index_cast %swap3A_338 : i32 to index
    %swap3A_341 = arith.constant 64 : index
    %swap3A_342 = tpu.vector_load %arg9[%swap3A_339, %swap3A_340, %swap3A_341] {strides = array<i32>} : memref<8x16x128xf32, #tpu.memory_space<vmem>>, vector<16xf32>,
    tpu.vector_store %arg9[%swap3A_339, %swap3A_340, %swap3A_341], %broadcast_in_dim3A_25 {strides = array<i32>} : memref<8x16x128xf32, #tpu.memory_space<vmem>>, vector<16xf32>,
    %swap3A_343 = arith.constant 0 : i32
    %swap3A_344 = arith.constant 6 : i32
    %swap3A_345 = arith.index_cast %swap3A_343 : i32 to index
    %swap3A_346 = arith.index_cast %swap3A_344 : i32 to index
    %swap3A_347 = arith.constant 80 : index
    %swap3A_348 = tpu.vector_load %arg9[%swap3A_345, %swap3A_346, %swap3A_347] {strides = array<i32>} : memref<8x16x128xf32, #tpu.memory_space<vmem>>, vector<16xf32>,
    tpu.vector_store %arg9[%swap3A_345, %swap3A_346, %swap3A_347], %broadcast_in_dim3A_25 {strides = array<i32>} : memref<8x16x128xf32, #tpu.memory_space<vmem>>, vector<16xf32>,
    %swap3A_349 = arith.constant 0 : i32
    %swap3A_350 = arith.constant 6 : i32
    %swap3A_351 = arith.index_cast %swap3A_349 : i32 to index
    %swap3A_352 = arith.index_cast %swap3A_350 : i32 to index
    %swap3A_353 = arith.constant 96 : index
    %swap3A_354 = tpu.vector_load %arg9[%swap3A_351, %swap3A_352, %swap3A_353] {strides = array<i32>} : memref<8x16x128xf32, #tpu.memory_space<vmem>>, vector<16xf32>,
    tpu.vector_store %arg9[%swap3A_351, %swap3A_352, %swap3A_353], %broadcast_in_dim3A_25 {strides = array<i32>} : memref<8x16x128xf32, #tpu.memory_space<vmem>>, vector<16xf32>,
    %swap3A_355 = arith.constant 0 : i32
    %swap3A_356 = arith.constant 6 : i32
    %swap3A_357 = arith.index_cast %swap3A_355 : i32 to index
    %swap3A_358 = arith.index_cast %swap3A_356 : i32 to index
    %swap3A_359 = arith.constant 112 : index
    %swap3A_360 = tpu.vector_load %arg9[%swap3A_357, %swap3A_358, %swap3A_359] {strides = array<i32>} : memref<8x16x128xf32, #tpu.memory_space<vmem>>, vector<16xf32>,
    tpu.vector_store %arg9[%swap3A_357, %swap3A_358, %swap3A_359], %broadcast_in_dim3A_25 {strides = array<i32>} : memref<8x16x128xf32, #tpu.memory_space<vmem>>, vector<16xf32>,
    %swap3A_361 = arith.constant 0 : i32
    %swap3A_362 = arith.constant 7 : i32
    %swap3A_363 = arith.index_cast %swap3A_361 : i32 to index
    %swap3A_364 = arith.index_cast %swap3A_362 : i32 to index
    %swap3A_365 = arith.constant 0 : index
    %swap3A_366 = tpu.vector_load %arg9[%swap3A_363, %swap3A_364, %swap3A_365] {strides = array<i32>} : memref<8x16x128xf32, #tpu.memory_space<vmem>>, vector<16xf32>,
    tpu.vector_store %arg9[%swap3A_363, %swap3A_364, %swap3A_365], %broadcast_in_dim3A_25 {strides = array<i32>} : memref<8x16x128xf32, #tpu.memory_space<vmem>>, vector<16xf32>,
    %swap3A_367 = arith.constant 0 : i32
    %swap3A_368 = arith.constant 7 : i32
    %swap3A_369 = arith.index_cast %swap3A_367 : i32 to index
    %swap3A_370 = arith.index_cast %swap3A_368 : i32 to index
    %swap3A_371 = arith.constant 16 : index
    %swap3A_372 = tpu.vector_load %arg9[%swap3A_369, %swap3A_370, %swap3A_371] {strides = array<i32>} : memref<8x16x128xf32, #tpu.memory_space<vmem>>, vector<16xf32>,
    tpu.vector_store %arg9[%swap3A_369, %swap3A_370, %swap3A_371], %broadcast_in_dim3A_25 {strides = array<i32>} : memref<8x16x128xf32, #tpu.memory_space<vmem>>, vector<16xf32>,
    %swap3A_373 = arith.constant 0 : i32
    %swap3A_374 = arith.constant 7 : i32
    %swap3A_375 = arith.index_cast %swap3A_373 : i32 to index
    %swap3A_376 = arith.index_cast %swap3A_374 : i32 to index
    %swap3A_377 = arith.constant 32 : index
    %swap3A_378 = tpu.vector_load %arg9[%swap3A_375, %swap3A_376, %swap3A_377] {strides = array<i32>} : memref<8x16x128xf32, #tpu.memory_space<vmem>>, vector<16xf32>,
    tpu.vector_store %arg9[%swap3A_375, %swap3A_376, %swap3A_377], %broadcast_in_dim3A_25 {strides = array<i32>} : memref<8x16x128xf32, #tpu.memory_space<vmem>>, vector<16xf32>,
    %swap3A_379 = arith.constant 0 : i32
    %swap3A_380 = arith.constant 7 : i32
    %swap3A_381 = arith.index_cast %swap3A_379 : i32 to index
    %swap3A_382 = arith.index_cast %swap3A_380 : i32 to index
    %swap3A_383 = arith.constant 48 : index
    %swap3A_384 = tpu.vector_load %arg9[%swap3A_381, %swap3A_382, %swap3A_383] {strides = array<i32>} : memref<8x16x128xf32, #tpu.memory_space<vmem>>, vector<16xf32>,
    tpu.vector_store %arg9[%swap3A_381, %swap3A_382, %swap3A_383], %broadcast_in_dim3A_25 {strides = array<i32>} : memref<8x16x128xf32, #tpu.memory_space<vmem>>, vector<16xf32>,
    %swap3A_385 = arith.constant 0 : i32
    %swap3A_386 = arith.constant 7 : i32
    %swap3A_387 = arith.index_cast %swap3A_385 : i32 to index
    %swap3A_388 = arith.index_cast %swap3A_386 : i32 to index
    %swap3A_389 = arith.constant 64 : index
    %swap3A_390 = tpu.vector_load %arg9[%swap3A_387, %swap3A_388, %swap3A_389] {strides = array<i32>} : memref<8x16x128xf32, #tpu.memory_space<vmem>>, vector<16xf32>,
    tpu.vector_store %arg9[%swap3A_387, %swap3A_388, %swap3A_389], %broadcast_in_dim3A_25 {strides = array<i32>} : memref<8x16x128xf32, #tpu.memory_space<vmem>>, vector<16xf32>,
    %swap3A_391 = arith.constant 0 : i32
    %swap3A_392 = arith.constant 7 : i32
    %swap3A_393 = arith.index_cast %swap3A_391 : i32 to index
    %swap3A_394 = arith.index_cast %swap3A_392 : i32 to index
    %swap3A_395 = arith.constant 80 : index
    %swap3A_396 = tpu.vector_load %arg9[%swap3A_393, %swap3A_394, %swap3A_395] {strides = array<i32>} : memref<8x16x128xf32, #tpu.memory_space<vmem>>, vector<16xf32>,
    tpu.vector_store %arg9[%swap3A_393, %swap3A_394, %swap3A_395], %broadcast_in_dim3A_25 {strides = array<i32>} : memref<8x16x128xf32, #tpu.memory_space<vmem>>, vector<16xf32>,
    %swap3A_397 = arith.constant 0 : i32
    %swap3A_398 = arith.constant 7 : i32
    %swap3A_399 = arith.index_cast %swap3A_397 : i32 to index
    %swap3A_400 = arith.index_cast %swap3A_398 : i32 to index
    %swap3A_401 = arith.constant 96 : index
    %swap3A_402 = tpu.vector_load %arg9[%swap3A_399, %swap3A_400, %swap3A_401] {strides = array<i32>} : memref<8x16x128xf32, #tpu.memory_space<vmem>>, vector<16xf32>,
    tpu.vector_store %arg9[%swap3A_399, %swap3A_400, %swap3A_401], %broadcast_in_dim3A_25 {strides = array<i32>} : memref<8x16x128xf32, #tpu.memory_space<vmem>>, vector<16xf32>,
    %swap3A_403 = arith.constant 0 : i32
    %swap3A_404 = arith.constant 7 : i32
    %swap3A_405 = arith.index_cast %swap3A_403 : i32 to index
    %swap3A_406 = arith.index_cast %swap3A_404 : i32 to index
    %swap3A_407 = arith.constant 112 : index
    %swap3A_408 = tpu.vector_load %arg9[%swap3A_405, %swap3A_406, %swap3A_407] {strides = array<i32>} : memref<8x16x128xf32, #tpu.memory_space<vmem>>, vector<16xf32>,
    tpu.vector_store %arg9[%swap3A_405, %swap3A_406, %swap3A_407], %broadcast_in_dim3A_25 {strides = array<i32>} : memref<8x16x128xf32, #tpu.memory_space<vmem>>, vector<16xf32>,
    %mul3A_409 = arith.constant 632 : i32
    %mul3A_410 = arith.muli %arg1, %mul3A_409 : i32
    %scan3A = arith.constant 0 : i32
    %scan3A_411 = arith.constant 0 : i32
    %scan3A_412 = arith.constant 79 : i32
    %scan3A_413 = arith.addi %scan3A_411, %scan3A_412 : i32
    %scan3A_414 = arith.constant 1 : i32
    scf.for %scan3A_776 = %scan3A_411 to %scan3A_413 step %scan3A_414  : i32 {
      %mul3A_777 = arith.constant 8 : i32
      %mul3A_778 = arith.muli %scan3A_776, %mul3A_777 : i32
      %add3A_779 = arith.addi %mul3A_410, %mul3A_778 : i32
      %dma_start3A_780 = arith.constant 0 : i32
      %dma_start3A_781 = arith.constant 0 : i32
      %dma_start3A_782 = arith.constant 0 : i32
      %dma_start3A_783 = arith.constant 0 : i32
      %dma_start3A_784 = tpu.memref_slice %arg9[%dma_start3A_780, %dma_start3A_782, %dma_start3A_783] : memref<8x16x128xf32, #tpu.memory_space<vmem>> -> memref<1x8x128xf32, #tpu.memory_space<vmem>>
      %dma_start3A_785 = tpu.memref_squeeze %dma_start3A_784 : memref<1x8x128xf32, #tpu.memory_space<vmem>> -> memref<8x128xf32, #tpu.memory_space<vmem>>
      %dma_start3A_786 = arith.constant 0 : i32
      %dma_start3A_787 = tpu.memref_slice %arg11[%add3A_779, %dma_start3A_786] : memref<10112x128xf32, #tpu.memory_space<vmem_shared>> -> memref<8x128xf32, #tpu.memory_space<vmem_shared>>
      %dma_start3A_788 = tpu.memref_slice %arg13[%dma_start3A_781] : memref<8x!tpu.dma_semaphore, #tpu.memory_space<semaphore_mem>> -> memref<1x!tpu.dma_semaphore, #tpu.memory_space<semaphore_mem>>
      %dma_start3A_789 = tpu.memref_squeeze %dma_start3A_788 : memref<1x!tpu.dma_semaphore, #tpu.memory_space<semaphore_mem>> -> memref<!tpu.dma_semaphore, #tpu.memory_space<semaphore_mem>>
      %dma_start3A_790 = arith.constant 0 : i32
      %dma_start3A_791 = tpu.memref_slice %arg11[%add3A_779, %dma_start3A_790] : memref<10112x128xf32, #tpu.memory_space<vmem_shared>> -> memref<8x128xf32, #tpu.memory_space<vmem_shared>>
      %dma_start3A_792 = arith.constant 0 : i32
      %dma_start3A_793 = arith.constant 0 : i32
      %dma_start3A_794 = tpu.memref_slice %arg9[%dma_start3A_780, %dma_start3A_792, %dma_start3A_793] : memref<8x16x128xf32, #tpu.memory_space<vmem>> -> memref<1x8x128xf32, #tpu.memory_space<vmem>>
      %dma_start3A_795 = tpu.memref_squeeze %dma_start3A_794 : memref<1x8x128xf32, #tpu.memory_space<vmem>> -> memref<8x128xf32, #tpu.memory_space<vmem>>
      tpu.enqueue_dma source(%dma_start3A_795 : memref<8x128xf32, #tpu.memory_space<vmem>>) target(%dma_start3A_791 : memref<8x128xf32, #tpu.memory_space<vmem_shared>>) target_semaphore(%dma_start3A_789 : memref<!tpu.dma_semaphore, #tpu.memory_space<semaphore_mem>>)
    }
    %scan3A_415 = arith.constant 79 : i32
    %dma_wait3A = arith.constant 0 : i32
    %dma_wait3A_416 = arith.constant 0 : i32
    %dma_wait3A_417 = tpu.memref_slice %arg6[%dma_wait3A_416] : memref<10128xi32, #tpu.memory_space<vmem>> -> memref<10000xi32, #tpu.memory_space<vmem>>
    %dma_wait3A_418 = tpu.memref_slice %arg4[%mul3A_2] : memref<640000xi32, #tpu.memory_space<hbm>> -> memref<10000xi32, #tpu.memory_space<hbm>>
    %dma_wait3A_419 = tpu.memref_slice %arg12[%dma_wait3A] : memref<8x!tpu.dma_semaphore, #tpu.memory_space<semaphore_mem>> -> memref<1x!tpu.dma_semaphore, #tpu.memory_space<semaphore_mem>>
    %dma_wait3A_420 = tpu.memref_squeeze %dma_wait3A_419 : memref<1x!tpu.dma_semaphore, #tpu.memory_space<semaphore_mem>> -> memref<!tpu.dma_semaphore, #tpu.memory_space<semaphore_mem>>
    %dma_wait3A_421 = arith.constant 0 : i32
    %dma_wait3A_422 = tpu.memref_slice %arg6[%dma_wait3A_421] : memref<10128xi32, #tpu.memory_space<vmem>> -> memref<10000xi32, #tpu.memory_space<vmem>>
    %dma_wait3A_423 = tpu.memref_slice %arg4[%mul3A_2] : memref<640000xi32, #tpu.memory_space<hbm>> -> memref<10000xi32, #tpu.memory_space<hbm>>
    tpu.wait_dma2 semaphore(%dma_wait3A_420 : memref<!tpu.dma_semaphore, #tpu.memory_space<semaphore_mem>>) src(%dma_wait3A_423 : memref<10000xi32, #tpu.memory_space<hbm>>) dst(%dma_wait3A_422 : memref<10000xi32, #tpu.memory_space<vmem>>)
    %dma_wait3A_424 = arith.constant 1 : i32
    %dma_wait3A_425 = arith.constant 0 : i32
    %dma_wait3A_426 = tpu.memref_slice %arg7[%dma_wait3A_425] : memref<10128xi32, #tpu.memory_space<vmem>> -> memref<10000xi32, #tpu.memory_space<vmem>>
    %dma_wait3A_427 = tpu.memref_slice %arg4[%add3A_4] : memref<640000xi32, #tpu.memory_space<hbm>> -> memref<10000xi32, #tpu.memory_space<hbm>>
    %dma_wait3A_428 = tpu.memref_slice %arg12[%dma_wait3A_424] : memref<8x!tpu.dma_semaphore, #tpu.memory_space<semaphore_mem>> -> memref<1x!tpu.dma_semaphore, #tpu.memory_space<semaphore_mem>>
    %dma_wait3A_429 = tpu.memref_squeeze %dma_wait3A_428 : memref<1x!tpu.dma_semaphore, #tpu.memory_space<semaphore_mem>> -> memref<!tpu.dma_semaphore, #tpu.memory_space<semaphore_mem>>
    %dma_wait3A_430 = arith.constant 0 : i32
    %dma_wait3A_431 = tpu.memref_slice %arg7[%dma_wait3A_430] : memref<10128xi32, #tpu.memory_space<vmem>> -> memref<10000xi32, #tpu.memory_space<vmem>>
    %dma_wait3A_432 = tpu.memref_slice %arg4[%add3A_4] : memref<640000xi32, #tpu.memory_space<hbm>> -> memref<10000xi32, #tpu.memory_space<hbm>>
    tpu.wait_dma2 semaphore(%dma_wait3A_429 : memref<!tpu.dma_semaphore, #tpu.memory_space<semaphore_mem>>) src(%dma_wait3A_432 : memref<10000xi32, #tpu.memory_space<hbm>>) dst(%dma_wait3A_431 : memref<10000xi32, #tpu.memory_space<vmem>>)
    %scan3A_433 = arith.constant 0 : i32
    %scan3A_434 = arith.constant 0 : i32
    %scan3A_435 = arith.constant 625 : i32
    %scan3A_436 = arith.addi %scan3A_434, %scan3A_435 : i32
    %scan3A_437 = arith.constant 1 : i32
    %scan3A_438 = scf.for %scan3A_776 = %scan3A_434 to %scan3A_436 step %scan3A_437 iter_args(%scan3A_777 = %scan3A_433) -> (i32)  : i32 {
      %mul3A_778 = arith.constant 16 : i32
      %mul3A_779 = arith.muli %scan3A_776, %mul3A_778 : i32
      %get3A = arith.index_cast %mul3A_779 : i32 to index
      %get3A_780 = tpu.vector_load %arg6[%get3A] {strides = array<i32>} : memref<10128xi32, #tpu.memory_space<vmem>>, vector<16xi32>,
      %mul3A_781 = arith.constant 16 : i32
      %mul3A_782 = arith.muli %scan3A_776, %mul3A_781 : i32
      %get3A_783 = arith.index_cast %mul3A_782 : i32 to index
      %get3A_784 = tpu.vector_load %arg7[%get3A_783] {strides = array<i32>} : memref<10128xi32, #tpu.memory_space<vmem>>, vector<16xi32>,
      %le3A = arith.cmpi sle, %get3A_780, %get3A_784 : vector<16xi32>
      %swap3A_785 = arith.index_cast %scan3A_777 : i32 to index
      %swap3A_786 = tpu.vector_load %arg6[%swap3A_785] masked %le3A {strides = array<i32>} : memref<10128xi32, #tpu.memory_space<vmem>>, vector<16xi32>, vector<16xi1>
      tpu.vector_store %arg6[%swap3A_785], %get3A_780 masked %le3A {strides = array<i32>} : memref<10128xi32, #tpu.memory_space<vmem>>, vector<16xi32>, vector<16xi1>
      %swap3A_787 = arith.index_cast %scan3A_777 : i32 to index
      %swap3A_788 = tpu.vector_load %arg7[%swap3A_787] masked %le3A {strides = array<i32>} : memref<10128xi32, #tpu.memory_space<vmem>>, vector<16xi32>, vector<16xi1>
      tpu.vector_store %arg7[%swap3A_787], %get3A_784 masked %le3A {strides = array<i32>} : memref<10128xi32, #tpu.memory_space<vmem>>, vector<16xi32>, vector<16xi1>
      %all_reduce_population_count3A = tpu.all_reduce %le3A {dim = 0 : i64, kind = #tpu.reduction_kind<sum>} : vector<16xi1> -> vector<16xi32>
      %slice3A = vector.extract_strided_slice %all_reduce_population_count3A {offsets = [0], sizes = [1], strides = [1]} : vector<16xi32> to vector<1xi32>
      %squeeze3A = vector.extract %slice3A[0] : i32 from vector<1xi32>
      %add3A_789 = arith.addi %scan3A_777, %squeeze3A : i32
      scf.yield %add3A_789 : i32
    }
    %scan3A_439 = arith.constant 625 : i32
    %broadcast_in_dim3A_440 = arith.constant 1 : i32
    %broadcast_in_dim3A_441 = vector.broadcast %broadcast_in_dim3A_440 : i32 to vector<16xi32>
    %add3A_442 = arith.constant 0 : i32
    %add3A_443 = arith.addi %scan3A_438, %add3A_442 : i32
    %swap3A_444 = arith.index_cast %add3A_443 : i32 to index
    %swap3A_445 = tpu.vector_load %arg6[%swap3A_444] {strides = array<i32>} : memref<10128xi32, #tpu.memory_space<vmem>>, vector<16xi32>,
    tpu.vector_store %arg6[%swap3A_444], %broadcast_in_dim3A_441 {strides = array<i32>} : memref<10128xi32, #tpu.memory_space<vmem>>, vector<16xi32>,
    %broadcast_in_dim3A_446 = arith.constant 0 : i32
    %broadcast_in_dim3A_447 = vector.broadcast %broadcast_in_dim3A_446 : i32 to vector<16xi32>
    %add3A_448 = arith.constant 0 : i32
    %add3A_449 = arith.addi %scan3A_438, %add3A_448 : i32
    %swap3A_450 = arith.index_cast %add3A_449 : i32 to index
    %swap3A_451 = tpu.vector_load %arg7[%swap3A_450] {strides = array<i32>} : memref<10128xi32, #tpu.memory_space<vmem>>, vector<16xi32>,
    tpu.vector_store %arg7[%swap3A_450], %broadcast_in_dim3A_447 {strides = array<i32>} : memref<10128xi32, #tpu.memory_space<vmem>>, vector<16xi32>,
    %broadcast_in_dim3A_452 = arith.constant 1 : i32
    %broadcast_in_dim3A_453 = vector.broadcast %broadcast_in_dim3A_452 : i32 to vector<16xi32>
    %add3A_454 = arith.constant 16 : i32
    %add3A_455 = arith.addi %scan3A_438, %add3A_454 : i32
    %swap3A_456 = arith.index_cast %add3A_455 : i32 to index
    %swap3A_457 = tpu.vector_load %arg6[%swap3A_456] {strides = array<i32>} : memref<10128xi32, #tpu.memory_space<vmem>>, vector<16xi32>,
    tpu.vector_store %arg6[%swap3A_456], %broadcast_in_dim3A_453 {strides = array<i32>} : memref<10128xi32, #tpu.memory_space<vmem>>, vector<16xi32>,
    %broadcast_in_dim3A_458 = arith.constant 0 : i32
    %broadcast_in_dim3A_459 = vector.broadcast %broadcast_in_dim3A_458 : i32 to vector<16xi32>
    %add3A_460 = arith.constant 16 : i32
    %add3A_461 = arith.addi %scan3A_438, %add3A_460 : i32
    %swap3A_462 = arith.index_cast %add3A_461 : i32 to index
    %swap3A_463 = tpu.vector_load %arg7[%swap3A_462] {strides = array<i32>} : memref<10128xi32, #tpu.memory_space<vmem>>, vector<16xi32>,
    tpu.vector_store %arg7[%swap3A_462], %broadcast_in_dim3A_459 {strides = array<i32>} : memref<10128xi32, #tpu.memory_space<vmem>>, vector<16xi32>,
    %broadcast_in_dim3A_464 = arith.constant 1 : i32
    %broadcast_in_dim3A_465 = vector.broadcast %broadcast_in_dim3A_464 : i32 to vector<16xi32>
    %add3A_466 = arith.constant 32 : i32
    %add3A_467 = arith.addi %scan3A_438, %add3A_466 : i32
    %swap3A_468 = arith.index_cast %add3A_467 : i32 to index
    %swap3A_469 = tpu.vector_load %arg6[%swap3A_468] {strides = array<i32>} : memref<10128xi32, #tpu.memory_space<vmem>>, vector<16xi32>,
    tpu.vector_store %arg6[%swap3A_468], %broadcast_in_dim3A_465 {strides = array<i32>} : memref<10128xi32, #tpu.memory_space<vmem>>, vector<16xi32>,
    %broadcast_in_dim3A_470 = arith.constant 0 : i32
    %broadcast_in_dim3A_471 = vector.broadcast %broadcast_in_dim3A_470 : i32 to vector<16xi32>
    %add3A_472 = arith.constant 32 : i32
    %add3A_473 = arith.addi %scan3A_438, %add3A_472 : i32
    %swap3A_474 = arith.index_cast %add3A_473 : i32 to index
    %swap3A_475 = tpu.vector_load %arg7[%swap3A_474] {strides = array<i32>} : memref<10128xi32, #tpu.memory_space<vmem>>, vector<16xi32>,
    tpu.vector_store %arg7[%swap3A_474], %broadcast_in_dim3A_471 {strides = array<i32>} : memref<10128xi32, #tpu.memory_space<vmem>>, vector<16xi32>,
    %broadcast_in_dim3A_476 = arith.constant 1 : i32
    %broadcast_in_dim3A_477 = vector.broadcast %broadcast_in_dim3A_476 : i32 to vector<16xi32>
    %add3A_478 = arith.constant 48 : i32
    %add3A_479 = arith.addi %scan3A_438, %add3A_478 : i32
    %swap3A_480 = arith.index_cast %add3A_479 : i32 to index
    %swap3A_481 = tpu.vector_load %arg6[%swap3A_480] {strides = array<i32>} : memref<10128xi32, #tpu.memory_space<vmem>>, vector<16xi32>,
    tpu.vector_store %arg6[%swap3A_480], %broadcast_in_dim3A_477 {strides = array<i32>} : memref<10128xi32, #tpu.memory_space<vmem>>, vector<16xi32>,
    %broadcast_in_dim3A_482 = arith.constant 0 : i32
    %broadcast_in_dim3A_483 = vector.broadcast %broadcast_in_dim3A_482 : i32 to vector<16xi32>
    %add3A_484 = arith.constant 48 : i32
    %add3A_485 = arith.addi %scan3A_438, %add3A_484 : i32
    %swap3A_486 = arith.index_cast %add3A_485 : i32 to index
    %swap3A_487 = tpu.vector_load %arg7[%swap3A_486] {strides = array<i32>} : memref<10128xi32, #tpu.memory_space<vmem>>, vector<16xi32>,
    tpu.vector_store %arg7[%swap3A_486], %broadcast_in_dim3A_483 {strides = array<i32>} : memref<10128xi32, #tpu.memory_space<vmem>>, vector<16xi32>,
    %broadcast_in_dim3A_488 = arith.constant 1 : i32
    %broadcast_in_dim3A_489 = vector.broadcast %broadcast_in_dim3A_488 : i32 to vector<16xi32>
    %add3A_490 = arith.constant 64 : i32
    %add3A_491 = arith.addi %scan3A_438, %add3A_490 : i32
    %swap3A_492 = arith.index_cast %add3A_491 : i32 to index
    %swap3A_493 = tpu.vector_load %arg6[%swap3A_492] {strides = array<i32>} : memref<10128xi32, #tpu.memory_space<vmem>>, vector<16xi32>,
    tpu.vector_store %arg6[%swap3A_492], %broadcast_in_dim3A_489 {strides = array<i32>} : memref<10128xi32, #tpu.memory_space<vmem>>, vector<16xi32>,
    %broadcast_in_dim3A_494 = arith.constant 0 : i32
    %broadcast_in_dim3A_495 = vector.broadcast %broadcast_in_dim3A_494 : i32 to vector<16xi32>
    %add3A_496 = arith.constant 64 : i32
    %add3A_497 = arith.addi %scan3A_438, %add3A_496 : i32
    %swap3A_498 = arith.index_cast %add3A_497 : i32 to index
    %swap3A_499 = tpu.vector_load %arg7[%swap3A_498] {strides = array<i32>} : memref<10128xi32, #tpu.memory_space<vmem>>, vector<16xi32>,
    tpu.vector_store %arg7[%swap3A_498], %broadcast_in_dim3A_495 {strides = array<i32>} : memref<10128xi32, #tpu.memory_space<vmem>>, vector<16xi32>,
    %broadcast_in_dim3A_500 = arith.constant 1 : i32
    %broadcast_in_dim3A_501 = vector.broadcast %broadcast_in_dim3A_500 : i32 to vector<16xi32>
    %add3A_502 = arith.constant 80 : i32
    %add3A_503 = arith.addi %scan3A_438, %add3A_502 : i32
    %swap3A_504 = arith.index_cast %add3A_503 : i32 to index
    %swap3A_505 = tpu.vector_load %arg6[%swap3A_504] {strides = array<i32>} : memref<10128xi32, #tpu.memory_space<vmem>>, vector<16xi32>,
    tpu.vector_store %arg6[%swap3A_504], %broadcast_in_dim3A_501 {strides = array<i32>} : memref<10128xi32, #tpu.memory_space<vmem>>, vector<16xi32>,
    %broadcast_in_dim3A_506 = arith.constant 0 : i32
    %broadcast_in_dim3A_507 = vector.broadcast %broadcast_in_dim3A_506 : i32 to vector<16xi32>
    %add3A_508 = arith.constant 80 : i32
    %add3A_509 = arith.addi %scan3A_438, %add3A_508 : i32
    %swap3A_510 = arith.index_cast %add3A_509 : i32 to index
    %swap3A_511 = tpu.vector_load %arg7[%swap3A_510] {strides = array<i32>} : memref<10128xi32, #tpu.memory_space<vmem>>, vector<16xi32>,
    tpu.vector_store %arg7[%swap3A_510], %broadcast_in_dim3A_507 {strides = array<i32>} : memref<10128xi32, #tpu.memory_space<vmem>>, vector<16xi32>,
    %broadcast_in_dim3A_512 = arith.constant 1 : i32
    %broadcast_in_dim3A_513 = vector.broadcast %broadcast_in_dim3A_512 : i32 to vector<16xi32>
    %add3A_514 = arith.constant 96 : i32
    %add3A_515 = arith.addi %scan3A_438, %add3A_514 : i32
    %swap3A_516 = arith.index_cast %add3A_515 : i32 to index
    %swap3A_517 = tpu.vector_load %arg6[%swap3A_516] {strides = array<i32>} : memref<10128xi32, #tpu.memory_space<vmem>>, vector<16xi32>,
    tpu.vector_store %arg6[%swap3A_516], %broadcast_in_dim3A_513 {strides = array<i32>} : memref<10128xi32, #tpu.memory_space<vmem>>, vector<16xi32>,
    %broadcast_in_dim3A_518 = arith.constant 0 : i32
    %broadcast_in_dim3A_519 = vector.broadcast %broadcast_in_dim3A_518 : i32 to vector<16xi32>
    %add3A_520 = arith.constant 96 : i32
    %add3A_521 = arith.addi %scan3A_438, %add3A_520 : i32
    %swap3A_522 = arith.index_cast %add3A_521 : i32 to index
    %swap3A_523 = tpu.vector_load %arg7[%swap3A_522] {strides = array<i32>} : memref<10128xi32, #tpu.memory_space<vmem>>, vector<16xi32>,
    tpu.vector_store %arg7[%swap3A_522], %broadcast_in_dim3A_519 {strides = array<i32>} : memref<10128xi32, #tpu.memory_space<vmem>>, vector<16xi32>,
    %broadcast_in_dim3A_524 = arith.constant 1 : i32
    %broadcast_in_dim3A_525 = vector.broadcast %broadcast_in_dim3A_524 : i32 to vector<16xi32>
    %add3A_526 = arith.constant 112 : i32
    %add3A_527 = arith.addi %scan3A_438, %add3A_526 : i32
    %swap3A_528 = arith.index_cast %add3A_527 : i32 to index
    %swap3A_529 = tpu.vector_load %arg6[%swap3A_528] {strides = array<i32>} : memref<10128xi32, #tpu.memory_space<vmem>>, vector<16xi32>,
    tpu.vector_store %arg6[%swap3A_528], %broadcast_in_dim3A_525 {strides = array<i32>} : memref<10128xi32, #tpu.memory_space<vmem>>, vector<16xi32>,
    %broadcast_in_dim3A_530 = arith.constant 0 : i32
    %broadcast_in_dim3A_531 = vector.broadcast %broadcast_in_dim3A_530 : i32 to vector<16xi32>
    %add3A_532 = arith.constant 112 : i32
    %add3A_533 = arith.addi %scan3A_438, %add3A_532 : i32
    %swap3A_534 = arith.index_cast %add3A_533 : i32 to index
    %swap3A_535 = tpu.vector_load %arg7[%swap3A_534] {strides = array<i32>} : memref<10128xi32, #tpu.memory_space<vmem>>, vector<16xi32>,
    tpu.vector_store %arg7[%swap3A_534], %broadcast_in_dim3A_531 {strides = array<i32>} : memref<10128xi32, #tpu.memory_space<vmem>>, vector<16xi32>,
    %add3A_536 = arith.constant 16 : i32
    %add3A_537 = arith.addi %scan3A_438, %add3A_536 : i32
    %sub3A = arith.constant 1 : i32
    %sub3A_538 = arith.subi %add3A_537, %sub3A : i32
    %jit3A = arith.constant 16 : i32
    %div3A = arith.divsi %sub3A_538, %jit3A : i32
    %sign3A = arith.constant 0 : i32
    %sign3A_539 = arith.cmpi sgt, %sub3A_538, %sign3A : i32
    %sign3A_540 = arith.extui %sign3A_539 : i1 to i32
    %sign3A_541 = arith.constant 0 : i32
    %sign3A_542 = arith.cmpi slt, %sub3A_538, %sign3A_541 : i32
    %sign3A_543 = arith.extui %sign3A_542 : i1 to i32
    %sign3A_544 = arith.subi %sign3A_540, %sign3A_543 : i32
    %sign3A_545 = arith.constant 0 : i32
    %sign3A_546 = arith.cmpi sgt, %jit3A, %sign3A_545 : i32
    %sign3A_547 = arith.extui %sign3A_546 : i1 to i32
    %sign3A_548 = arith.constant 0 : i32
    %sign3A_549 = arith.cmpi slt, %jit3A, %sign3A_548 : i32
    %sign3A_550 = arith.extui %sign3A_549 : i1 to i32
    %sign3A_551 = arith.subi %sign3A_547, %sign3A_550 : i32
    %ne3A = arith.cmpi ne, %sign3A_544, %sign3A_551 : i32
    %rem3A = arith.remsi %sub3A_538, %jit3A : i32
    %ne3A_552 = arith.constant 0 : i32
    %ne3A_553 = arith.cmpi ne, %rem3A, %ne3A_552 : i32
    %and3A = arith.andi %ne3A, %ne3A_553 : i1
    %sub3A_554 = arith.constant 1 : i32
    %sub3A_555 = arith.subi %div3A, %sub3A_554 : i32
    %select_n3A = arith.select %and3A, %sub3A_555, %div3A : i32
    %max3A = arith.constant 8 : i32
    %max3A_556 = arith.maxsi %select_n3A, %max3A : i32
    %dma_wait3A_557 = arith.constant 2 : i32
    %dma_wait3A_558 = tpu.memref_slice %arg12[%dma_wait3A_557] : memref<8x!tpu.dma_semaphore, #tpu.memory_space<semaphore_mem>> -> memref<1x!tpu.dma_semaphore, #tpu.memory_space<semaphore_mem>>
    %dma_wait3A_559 = tpu.memref_squeeze %dma_wait3A_558 : memref<1x!tpu.dma_semaphore, #tpu.memory_space<semaphore_mem>> -> memref<!tpu.dma_semaphore, #tpu.memory_space<semaphore_mem>>
    tpu.wait_dma2 semaphore(%dma_wait3A_559 : memref<!tpu.dma_semaphore, #tpu.memory_space<semaphore_mem>>) src(%arg3 : memref<10000xf32, #tpu.memory_space<hbm>>) dst(%arg8 : memref<10000xf32, #tpu.memory_space<vmem>>)
    %scan3A_560 = arith.constant 0 : i32
    %scan3A_561 = arith.constant 0 : i32
    %scan3A_562 = arith.constant 79 : i32
    %scan3A_563 = arith.addi %scan3A_561, %scan3A_562 : i32
    %scan3A_564 = arith.constant 1 : i32
    scf.for %scan3A_776 = %scan3A_561 to %scan3A_563 step %scan3A_564  : i32 {
      %dma_wait3A_777 = arith.constant 0 : i32
      %dma_wait3A_778 = arith.constant 0 : i32
      %dma_wait3A_779 = arith.constant 0 : i32
      %dma_wait3A_780 = arith.constant 0 : i32
      %dma_wait3A_781 = tpu.memref_slice %arg9[%dma_wait3A_777, %dma_wait3A_779, %dma_wait3A_780] : memref<8x16x128xf32, #tpu.memory_space<vmem>> -> memref<1x8x128xf32, #tpu.memory_space<vmem>>
      %dma_wait3A_782 = tpu.memref_squeeze %dma_wait3A_781 : memref<1x8x128xf32, #tpu.memory_space<vmem>> -> memref<8x128xf32, #tpu.memory_space<vmem>>
      %dma_wait3A_783 = arith.constant 0 : i32
      %dma_wait3A_784 = tpu.memref_slice %arg11[%mul3A_410, %dma_wait3A_783] : memref<10112x128xf32, #tpu.memory_space<vmem_shared>> -> memref<8x128xf32, #tpu.memory_space<vmem_shared>>
      %dma_wait3A_785 = tpu.memref_slice %arg13[%dma_wait3A_778] : memref<8x!tpu.dma_semaphore, #tpu.memory_space<semaphore_mem>> -> memref<1x!tpu.dma_semaphore, #tpu.memory_space<semaphore_mem>>
      %dma_wait3A_786 = tpu.memref_squeeze %dma_wait3A_785 : memref<1x!tpu.dma_semaphore, #tpu.memory_space<semaphore_mem>> -> memref<!tpu.dma_semaphore, #tpu.memory_space<semaphore_mem>>
      %dma_wait3A_787 = arith.constant 0 : i32
      %dma_wait3A_788 = tpu.memref_slice %arg11[%mul3A_410, %dma_wait3A_787] : memref<10112x128xf32, #tpu.memory_space<vmem_shared>> -> memref<8x128xf32, #tpu.memory_space<vmem_shared>>
      %dma_wait3A_789 = arith.constant 0 : i32
      %dma_wait3A_790 = arith.constant 0 : i32
      %dma_wait3A_791 = tpu.memref_slice %arg9[%dma_wait3A_777, %dma_wait3A_789, %dma_wait3A_790] : memref<8x16x128xf32, #tpu.memory_space<vmem>> -> memref<1x8x128xf32, #tpu.memory_space<vmem>>
      %dma_wait3A_792 = tpu.memref_squeeze %dma_wait3A_791 : memref<1x8x128xf32, #tpu.memory_space<vmem>> -> memref<8x128xf32, #tpu.memory_space<vmem>>
      tpu.wait_dma2 semaphore(%dma_wait3A_786 : memref<!tpu.dma_semaphore, #tpu.memory_space<semaphore_mem>>) src(%dma_wait3A_792 : memref<8x128xf32, #tpu.memory_space<vmem>>) dst(%dma_wait3A_788 : memref<8x128xf32, #tpu.memory_space<vmem_shared>>)
    }
    %scan3A_565 = arith.constant 79 : i32
    %barrier3A = arith.constant 0 : index
    tpu.barrier barrier_id(%barrier3A)
    %dma_start3A_566 = arith.constant 0 : i32
    %dma_start3A_567 = arith.constant 0 : i32
    %dma_start3A_568 = arith.constant 0 : i32
    %dma_start3A_569 = arith.constant 0 : i32
    %dma_start3A_570 = tpu.memref_slice %arg9[%dma_start3A_566, %dma_start3A_568, %dma_start3A_569] : memref<8x16x128xf32, #tpu.memory_space<vmem>> -> memref<1x16x128xf32, #tpu.memory_space<vmem>>
    %dma_start3A_571 = tpu.memref_squeeze %dma_start3A_570 : memref<1x16x128xf32, #tpu.memory_space<vmem>> -> memref<16x128xf32, #tpu.memory_space<vmem>>
    %dma_start3A_572 = arith.constant 0 : i32
    %dma_start3A_573 = tpu.memref_slice %arg6[%dma_start3A_572] : memref<10128xi32, #tpu.memory_space<vmem>> -> memref<16xi32, #tpu.memory_space<vmem>>
    %dma_start3A_574 = arith.constant 0 : i32
    %dma_start3A_575 = arith.constant 0 : i32
    %dma_start3A_576 = tpu.memref_slice %arg2[%dma_start3A_574, %dma_start3A_575] : memref<10000x128xf32, #tpu.memory_space<hbm>> -> memref<10000x128xf32, #tpu.memory_space<hbm>>
    %dma_start3A_577 = tpu.memref_slice %arg12[%dma_start3A_567] : memref<8x!tpu.dma_semaphore, #tpu.memory_space<semaphore_mem>> -> memref<1x!tpu.dma_semaphore, #tpu.memory_space<semaphore_mem>>
    %dma_start3A_578 = tpu.memref_squeeze %dma_start3A_577 : memref<1x!tpu.dma_semaphore, #tpu.memory_space<semaphore_mem>> -> memref<!tpu.dma_semaphore, #tpu.memory_space<semaphore_mem>>
    tpu.enqueue_indirect_dma source(%dma_start3A_576 : memref<10000x128xf32, #tpu.memory_space<hbm>>) target(%dma_start3A_571 : memref<16x128xf32, #tpu.memory_space<vmem>>) offsets(%dma_start3A_573 : memref<16xi32, #tpu.memory_space<vmem>>) semaphore(%dma_start3A_578 : memref<!tpu.dma_semaphore, #tpu.memory_space<semaphore_mem>>)
    %dma_start3A_579 = arith.constant 1 : i32
    %dma_start3A_580 = arith.constant 1 : i32
    %dma_start3A_581 = arith.constant 0 : i32
    %dma_start3A_582 = arith.constant 0 : i32
    %dma_start3A_583 = tpu.memref_slice %arg9[%dma_start3A_579, %dma_start3A_581, %dma_start3A_582] : memref<8x16x128xf32, #tpu.memory_space<vmem>> -> memref<1x16x128xf32, #tpu.memory_space<vmem>>
    %dma_start3A_584 = tpu.memref_squeeze %dma_start3A_583 : memref<1x16x128xf32, #tpu.memory_space<vmem>> -> memref<16x128xf32, #tpu.memory_space<vmem>>
    %dma_start3A_585 = arith.constant 16 : i32
    %dma_start3A_586 = tpu.memref_slice %arg6[%dma_start3A_585] : memref<10128xi32, #tpu.memory_space<vmem>> -> memref<16xi32, #tpu.memory_space<vmem>>
    %dma_start3A_587 = arith.constant 0 : i32
    %dma_start3A_588 = arith.constant 0 : i32
    %dma_start3A_589 = tpu.memref_slice %arg2[%dma_start3A_587, %dma_start3A_588] : memref<10000x128xf32, #tpu.memory_space<hbm>> -> memref<10000x128xf32, #tpu.memory_space<hbm>>
    %dma_start3A_590 = tpu.memref_slice %arg12[%dma_start3A_580] : memref<8x!tpu.dma_semaphore, #tpu.memory_space<semaphore_mem>> -> memref<1x!tpu.dma_semaphore, #tpu.memory_space<semaphore_mem>>
    %dma_start3A_591 = tpu.memref_squeeze %dma_start3A_590 : memref<1x!tpu.dma_semaphore, #tpu.memory_space<semaphore_mem>> -> memref<!tpu.dma_semaphore, #tpu.memory_space<semaphore_mem>>
    tpu.enqueue_indirect_dma source(%dma_start3A_589 : memref<10000x128xf32, #tpu.memory_space<hbm>>) target(%dma_start3A_584 : memref<16x128xf32, #tpu.memory_space<vmem>>) offsets(%dma_start3A_586 : memref<16xi32, #tpu.memory_space<vmem>>) semaphore(%dma_start3A_591 : memref<!tpu.dma_semaphore, #tpu.memory_space<semaphore_mem>>)
    %dma_start3A_592 = arith.constant 2 : i32
    %dma_start3A_593 = arith.constant 2 : i32
    %dma_start3A_594 = arith.constant 0 : i32
    %dma_start3A_595 = arith.constant 0 : i32
    %dma_start3A_596 = tpu.memref_slice %arg9[%dma_start3A_592, %dma_start3A_594, %dma_start3A_595] : memref<8x16x128xf32, #tpu.memory_space<vmem>> -> memref<1x16x128xf32, #tpu.memory_space<vmem>>
    %dma_start3A_597 = tpu.memref_squeeze %dma_start3A_596 : memref<1x16x128xf32, #tpu.memory_space<vmem>> -> memref<16x128xf32, #tpu.memory_space<vmem>>
    %dma_start3A_598 = arith.constant 32 : i32
    %dma_start3A_599 = tpu.memref_slice %arg6[%dma_start3A_598] : memref<10128xi32, #tpu.memory_space<vmem>> -> memref<16xi32, #tpu.memory_space<vmem>>
    %dma_start3A_600 = arith.constant 0 : i32
    %dma_start3A_601 = arith.constant 0 : i32
    %dma_start3A_602 = tpu.memref_slice %arg2[%dma_start3A_600, %dma_start3A_601] : memref<10000x128xf32, #tpu.memory_space<hbm>> -> memref<10000x128xf32, #tpu.memory_space<hbm>>
    %dma_start3A_603 = tpu.memref_slice %arg12[%dma_start3A_593] : memref<8x!tpu.dma_semaphore, #tpu.memory_space<semaphore_mem>> -> memref<1x!tpu.dma_semaphore, #tpu.memory_space<semaphore_mem>>
    %dma_start3A_604 = tpu.memref_squeeze %dma_start3A_603 : memref<1x!tpu.dma_semaphore, #tpu.memory_space<semaphore_mem>> -> memref<!tpu.dma_semaphore, #tpu.memory_space<semaphore_mem>>
    tpu.enqueue_indirect_dma source(%dma_start3A_602 : memref<10000x128xf32, #tpu.memory_space<hbm>>) target(%dma_start3A_597 : memref<16x128xf32, #tpu.memory_space<vmem>>) offsets(%dma_start3A_599 : memref<16xi32, #tpu.memory_space<vmem>>) semaphore(%dma_start3A_604 : memref<!tpu.dma_semaphore, #tpu.memory_space<semaphore_mem>>)
    %dma_start3A_605 = arith.constant 3 : i32
    %dma_start3A_606 = arith.constant 3 : i32
    %dma_start3A_607 = arith.constant 0 : i32
    %dma_start3A_608 = arith.constant 0 : i32
    %dma_start3A_609 = tpu.memref_slice %arg9[%dma_start3A_605, %dma_start3A_607, %dma_start3A_608] : memref<8x16x128xf32, #tpu.memory_space<vmem>> -> memref<1x16x128xf32, #tpu.memory_space<vmem>>
    %dma_start3A_610 = tpu.memref_squeeze %dma_start3A_609 : memref<1x16x128xf32, #tpu.memory_space<vmem>> -> memref<16x128xf32, #tpu.memory_space<vmem>>
    %dma_start3A_611 = arith.constant 48 : i32
    %dma_start3A_612 = tpu.memref_slice %arg6[%dma_start3A_611] : memref<10128xi32, #tpu.memory_space<vmem>> -> memref<16xi32, #tpu.memory_space<vmem>>
    %dma_start3A_613 = arith.constant 0 : i32
    %dma_start3A_614 = arith.constant 0 : i32
    %dma_start3A_615 = tpu.memref_slice %arg2[%dma_start3A_613, %dma_start3A_614] : memref<10000x128xf32, #tpu.memory_space<hbm>> -> memref<10000x128xf32, #tpu.memory_space<hbm>>
    %dma_start3A_616 = tpu.memref_slice %arg12[%dma_start3A_606] : memref<8x!tpu.dma_semaphore, #tpu.memory_space<semaphore_mem>> -> memref<1x!tpu.dma_semaphore, #tpu.memory_space<semaphore_mem>>
    %dma_start3A_617 = tpu.memref_squeeze %dma_start3A_616 : memref<1x!tpu.dma_semaphore, #tpu.memory_space<semaphore_mem>> -> memref<!tpu.dma_semaphore, #tpu.memory_space<semaphore_mem>>
    tpu.enqueue_indirect_dma source(%dma_start3A_615 : memref<10000x128xf32, #tpu.memory_space<hbm>>) target(%dma_start3A_610 : memref<16x128xf32, #tpu.memory_space<vmem>>) offsets(%dma_start3A_612 : memref<16xi32, #tpu.memory_space<vmem>>) semaphore(%dma_start3A_617 : memref<!tpu.dma_semaphore, #tpu.memory_space<semaphore_mem>>)
    %dma_start3A_618 = arith.constant 4 : i32
    %dma_start3A_619 = arith.constant 4 : i32
    %dma_start3A_620 = arith.constant 0 : i32
    %dma_start3A_621 = arith.constant 0 : i32
    %dma_start3A_622 = tpu.memref_slice %arg9[%dma_start3A_618, %dma_start3A_620, %dma_start3A_621] : memref<8x16x128xf32, #tpu.memory_space<vmem>> -> memref<1x16x128xf32, #tpu.memory_space<vmem>>
    %dma_start3A_623 = tpu.memref_squeeze %dma_start3A_622 : memref<1x16x128xf32, #tpu.memory_space<vmem>> -> memref<16x128xf32, #tpu.memory_space<vmem>>
    %dma_start3A_624 = arith.constant 64 : i32
    %dma_start3A_625 = tpu.memref_slice %arg6[%dma_start3A_624] : memref<10128xi32, #tpu.memory_space<vmem>> -> memref<16xi32, #tpu.memory_space<vmem>>
    %dma_start3A_626 = arith.constant 0 : i32
    %dma_start3A_627 = arith.constant 0 : i32
    %dma_start3A_628 = tpu.memref_slice %arg2[%dma_start3A_626, %dma_start3A_627] : memref<10000x128xf32, #tpu.memory_space<hbm>> -> memref<10000x128xf32, #tpu.memory_space<hbm>>
    %dma_start3A_629 = tpu.memref_slice %arg12[%dma_start3A_619] : memref<8x!tpu.dma_semaphore, #tpu.memory_space<semaphore_mem>> -> memref<1x!tpu.dma_semaphore, #tpu.memory_space<semaphore_mem>>
    %dma_start3A_630 = tpu.memref_squeeze %dma_start3A_629 : memref<1x!tpu.dma_semaphore, #tpu.memory_space<semaphore_mem>> -> memref<!tpu.dma_semaphore, #tpu.memory_space<semaphore_mem>>
    tpu.enqueue_indirect_dma source(%dma_start3A_628 : memref<10000x128xf32, #tpu.memory_space<hbm>>) target(%dma_start3A_623 : memref<16x128xf32, #tpu.memory_space<vmem>>) offsets(%dma_start3A_625 : memref<16xi32, #tpu.memory_space<vmem>>) semaphore(%dma_start3A_630 : memref<!tpu.dma_semaphore, #tpu.memory_space<semaphore_mem>>)
    %dma_start3A_631 = arith.constant 5 : i32
    %dma_start3A_632 = arith.constant 5 : i32
    %dma_start3A_633 = arith.constant 0 : i32
    %dma_start3A_634 = arith.constant 0 : i32
    %dma_start3A_635 = tpu.memref_slice %arg9[%dma_start3A_631, %dma_start3A_633, %dma_start3A_634] : memref<8x16x128xf32, #tpu.memory_space<vmem>> -> memref<1x16x128xf32, #tpu.memory_space<vmem>>
    %dma_start3A_636 = tpu.memref_squeeze %dma_start3A_635 : memref<1x16x128xf32, #tpu.memory_space<vmem>> -> memref<16x128xf32, #tpu.memory_space<vmem>>
    %dma_start3A_637 = arith.constant 80 : i32
    %dma_start3A_638 = tpu.memref_slice %arg6[%dma_start3A_637] : memref<10128xi32, #tpu.memory_space<vmem>> -> memref<16xi32, #tpu.memory_space<vmem>>
    %dma_start3A_639 = arith.constant 0 : i32
    %dma_start3A_640 = arith.constant 0 : i32
    %dma_start3A_641 = tpu.memref_slice %arg2[%dma_start3A_639, %dma_start3A_640] : memref<10000x128xf32, #tpu.memory_space<hbm>> -> memref<10000x128xf32, #tpu.memory_space<hbm>>
    %dma_start3A_642 = tpu.memref_slice %arg12[%dma_start3A_632] : memref<8x!tpu.dma_semaphore, #tpu.memory_space<semaphore_mem>> -> memref<1x!tpu.dma_semaphore, #tpu.memory_space<semaphore_mem>>
    %dma_start3A_643 = tpu.memref_squeeze %dma_start3A_642 : memref<1x!tpu.dma_semaphore, #tpu.memory_space<semaphore_mem>> -> memref<!tpu.dma_semaphore, #tpu.memory_space<semaphore_mem>>
    tpu.enqueue_indirect_dma source(%dma_start3A_641 : memref<10000x128xf32, #tpu.memory_space<hbm>>) target(%dma_start3A_636 : memref<16x128xf32, #tpu.memory_space<vmem>>) offsets(%dma_start3A_638 : memref<16xi32, #tpu.memory_space<vmem>>) semaphore(%dma_start3A_643 : memref<!tpu.dma_semaphore, #tpu.memory_space<semaphore_mem>>)
    %broadcast_in_dim3A_644 = arith.constant -65536 : i32
    %broadcast_in_dim3A_645 = vector.broadcast %broadcast_in_dim3A_644 : i32 to vector<16xi32>
    %while3A = arith.constant 0 : i32
    %while3A_646 = arith.constant 0 : i32
    %while3A_647 = arith.subi %max3A_556, %while3A_646 : i32
    %while3A_648 = arith.addi %while3A_646, %while3A_647 : i32
    %while3A_649 = arith.constant 1 : i32
    %while3A_650 = arith.divsi %while3A_647, %while3A_649 : i32
    %while3A_651 = arith.muli %while3A_650, %while3A_649 : i32
    %while3A_652 = arith.addi %while3A_646, %while3A_651 : i32
    %while3A_653 = arith.constant 1 : i32
    scf.for %while3A_776 = %while3A_646 to %while3A_652 step %while3A_653  : i32 {
      %rem3A_777 = arith.constant 8 : i32
      %rem3A_778 = arith.remsi %while3A_776, %rem3A_777 : i32
      %mul3A_779 = arith.constant 16 : i32
      %mul3A_780 = arith.muli %while3A_776, %mul3A_779 : i32
      %dma_wait3A_781 = arith.constant 0 : i32
      %dma_wait3A_782 = arith.constant 0 : i32
      %dma_wait3A_783 = tpu.memref_slice %arg9[%rem3A_778, %dma_wait3A_781, %dma_wait3A_782] : memref<8x16x128xf32, #tpu.memory_space<vmem>> -> memref<1x16x128xf32, #tpu.memory_space<vmem>>
      %dma_wait3A_784 = tpu.memref_squeeze %dma_wait3A_783 : memref<1x16x128xf32, #tpu.memory_space<vmem>> -> memref<16x128xf32, #tpu.memory_space<vmem>>
      %dma_wait3A_785 = tpu.memref_slice %arg6[%mul3A_780] : memref<10128xi32, #tpu.memory_space<vmem>> -> memref<16xi32, #tpu.memory_space<vmem>>
      %dma_wait3A_786 = arith.constant 0 : i32
      %dma_wait3A_787 = arith.constant 0 : i32
      %dma_wait3A_788 = tpu.memref_slice %arg2[%dma_wait3A_786, %dma_wait3A_787] : memref<10000x128xf32, #tpu.memory_space<hbm>> -> memref<10000x128xf32, #tpu.memory_space<hbm>>
      %dma_wait3A_789 = tpu.memref_slice %arg12[%rem3A_778] : memref<8x!tpu.dma_semaphore, #tpu.memory_space<semaphore_mem>> -> memref<1x!tpu.dma_semaphore, #tpu.memory_space<semaphore_mem>>
      %dma_wait3A_790 = tpu.memref_squeeze %dma_wait3A_789 : memref<1x!tpu.dma_semaphore, #tpu.memory_space<semaphore_mem>> -> memref<!tpu.dma_semaphore, #tpu.memory_space<semaphore_mem>>
      tpu.wait_indirect_dma semaphore(%dma_wait3A_790 : memref<!tpu.dma_semaphore, #tpu.memory_space<semaphore_mem>>) src(%dma_wait3A_788 : memref<10000x128xf32, #tpu.memory_space<hbm>>) dst(%dma_wait3A_784 : memref<16x128xf32, #tpu.memory_space<vmem>>)
      %mul3A_791 = arith.constant 16 : i32
      %mul3A_792 = arith.muli %while3A_776, %mul3A_791 : i32
      %add3A_793 = arith.constant 0 : i32
      %add3A_794 = arith.addi %mul3A_792, %add3A_793 : i32
      %get3A = arith.index_cast %add3A_794 : i32 to index
      %get3A_795 = tpu.vector_load %arg6[%get3A] {strides = array<i32>} : memref<10128xi32, #tpu.memory_space<vmem>>, vector<16xi32>,
      %mul3A_796 = arith.constant 16 : i32
      %mul3A_797 = arith.muli %while3A_776, %mul3A_796 : i32
      %add3A_798 = arith.constant 0 : i32
      %add3A_799 = arith.addi %mul3A_797, %add3A_798 : i32
      %get3A_800 = arith.index_cast %add3A_799 : i32 to index
      %get3A_801 = tpu.vector_load %arg7[%get3A_800] {strides = array<i32>} : memref<10128xi32, #tpu.memory_space<vmem>>, vector<16xi32>,
      %gather3A = tpu.vector_load_idx %arg8[%get3A_795] : memref<10000xf32, #tpu.memory_space<vmem>>[vector<16xi32>], vector<16xf32>,
      %bitcast3A = vector.bitcast %gather3A : vector<16xf32> to vector<16xi32>
      %gather3A_802 = tpu.vector_load_idx %arg8[%get3A_801] : memref<10000xf32, #tpu.memory_space<vmem>>[vector<16xi32>], vector<16xf32>,
      %bitcast3A_803 = vector.bitcast %gather3A_802 : vector<16xf32> to vector<16xi32>
      %shift_left3A = arith.constant 16 : i32
      %shift_left3A_804 = vector.broadcast %shift_left3A : i32 to vector<16xi32>
      %shift_left3A_805 = arith.shli %bitcast3A, %shift_left3A_804 : vector<16xi32>
      %bitcast3A_806 = vector.bitcast %shift_left3A_805 : vector<16xi32> to vector<16xf32>
      %and3A_807 = arith.andi %bitcast3A_803, %broadcast_in_dim3A_645 : vector<16xi32>
      %bitcast3A_808 = vector.bitcast %and3A_807 : vector<16xi32> to vector<16xf32>
      %add3A_809 = arith.addf %bitcast3A_806, %bitcast3A_808 : vector<16xf32>
      %neg3A = arith.constant 0.000000e+00 : f32
      %neg3A_810 = vector.broadcast %neg3A : f32 to vector<16xf32>
      %neg3A_811 = arith.subf %neg3A_810, %add3A_809 : vector<16xf32>
      %exp3A = math.exp %neg3A_811 : vector<16xf32>
      %add3A_812 = arith.constant 1.000000e+00 : f32
      %add3A_813 = vector.broadcast %add3A_812 : f32 to vector<16xf32>
      %add3A_814 = arith.addf %add3A_813, %exp3A : vector<16xf32>
      %div3A_815 = arith.constant 1.000000e+00 : f32
      %div3A_816 = vector.broadcast %div3A_815 : f32 to vector<16xf32>
      %div3A_817 = arith.divf %div3A_816, %add3A_814 : vector<16xf32>
      %le3A = arith.cmpi sle, %get3A_795, %get3A_801 : vector<16xi32>
      %jit3A_818 = arith.constant 0.000000e+00 : f32
      %broadcast_in_dim3A_819 = vector.broadcast %jit3A_818 : f32 to vector<16xf32>
      %select_n3A_820 = arith.select %le3A, %div3A_817, %broadcast_in_dim3A_819 : vector<16xi1>, vector<16xf32>
      %swap3A_821 = arith.index_cast %rem3A_778 : i32 to index
      %swap3A_822 = arith.constant 0 : index
      %swap3A_823 = tpu.vector_load %arg10[%swap3A_821, %swap3A_822] {strides = array<i32>} : memref<8x16xi32, #tpu.memory_space<vmem>>, vector<16xi32>,
      tpu.vector_store %arg10[%swap3A_821, %swap3A_822], %get3A_801 {strides = array<i32>} : memref<8x16xi32, #tpu.memory_space<vmem>>, vector<16xi32>,
      %slice3A = vector.extract_strided_slice %select_n3A_820 {offsets = [0], sizes = [1], strides = [1]} : vector<16xf32> to vector<1xf32>
      %squeeze3A = vector.extract %slice3A[0] : f32 from vector<1xf32>
      %get3A_824 = arith.constant 0 : i32
      %get3A_825 = arith.index_cast %rem3A_778 : i32 to index
      %get3A_826 = arith.index_cast %get3A_824 : i32 to index
      %get3A_827 = arith.constant 0 : index
      %get3A_828 = tpu.vector_load %arg9[%get3A_825, %get3A_826, %get3A_827] {strides = array<i32>} : memref<8x16x128xf32, #tpu.memory_space<vmem>>, vector<16xf32>,
      %mul3A_829 = vector.broadcast %squeeze3A : f32 to vector<16xf32>
      %mul3A_830 = arith.mulf %get3A_828, %mul3A_829 : vector<16xf32>
      %swap3A_831 = arith.constant 0 : i32
      %swap3A_832 = arith.index_cast %rem3A_778 : i32 to index
      %swap3A_833 = arith.index_cast %swap3A_831 : i32 to index
      %swap3A_834 = arith.constant 0 : index
      %swap3A_835 = tpu.vector_load %arg9[%swap3A_832, %swap3A_833, %swap3A_834] {strides = array<i32>} : memref<8x16x128xf32, #tpu.memory_space<vmem>>, vector<16xf32>,
      tpu.vector_store %arg9[%swap3A_832, %swap3A_833, %swap3A_834], %mul3A_830 {strides = array<i32>} : memref<8x16x128xf32, #tpu.memory_space<vmem>>, vector<16xf32>,
      %get3A_836 = arith.constant 0 : i32
      %get3A_837 = arith.index_cast %rem3A_778 : i32 to index
      %get3A_838 = arith.index_cast %get3A_836 : i32 to index
      %get3A_839 = arith.constant 16 : index
      %get3A_840 = tpu.vector_load %arg9[%get3A_837, %get3A_838, %get3A_839] {strides = array<i32>} : memref<8x16x128xf32, #tpu.memory_space<vmem>>, vector<16xf32>,
      %mul3A_841 = vector.broadcast %squeeze3A : f32 to vector<16xf32>
      %mul3A_842 = arith.mulf %get3A_840, %mul3A_841 : vector<16xf32>
      %swap3A_843 = arith.constant 0 : i32
      %swap3A_844 = arith.index_cast %rem3A_778 : i32 to index
      %swap3A_845 = arith.index_cast %swap3A_843 : i32 to index
      %swap3A_846 = arith.constant 16 : index
      %swap3A_847 = tpu.vector_load %arg9[%swap3A_844, %swap3A_845, %swap3A_846] {strides = array<i32>} : memref<8x16x128xf32, #tpu.memory_space<vmem>>, vector<16xf32>,
      tpu.vector_store %arg9[%swap3A_844, %swap3A_845, %swap3A_846], %mul3A_842 {strides = array<i32>} : memref<8x16x128xf32, #tpu.memory_space<vmem>>, vector<16xf32>,
      %get3A_848 = arith.constant 0 : i32
      %get3A_849 = arith.index_cast %rem3A_778 : i32 to index
      %get3A_850 = arith.index_cast %get3A_848 : i32 to index
      %get3A_851 = arith.constant 32 : index
      %get3A_852 = tpu.vector_load %arg9[%get3A_849, %get3A_850, %get3A_851] {strides = array<i32>} : memref<8x16x128xf32, #tpu.memory_space<vmem>>, vector<16xf32>,
      %mul3A_853 = vector.broadcast %squeeze3A : f32 to vector<16xf32>
      %mul3A_854 = arith.mulf %get3A_852, %mul3A_853 : vector<16xf32>
      %swap3A_855 = arith.constant 0 : i32
      %swap3A_856 = arith.index_cast %rem3A_778 : i32 to index
      %swap3A_857 = arith.index_cast %swap3A_855 : i32 to index
      %swap3A_858 = arith.constant 32 : index
      %swap3A_859 = tpu.vector_load %arg9[%swap3A_856, %swap3A_857, %swap3A_858] {strides = array<i32>} : memref<8x16x128xf32, #tpu.memory_space<vmem>>, vector<16xf32>,
      tpu.vector_store %arg9[%swap3A_856, %swap3A_857, %swap3A_858], %mul3A_854 {strides = array<i32>} : memref<8x16x128xf32, #tpu.memory_space<vmem>>, vector<16xf32>,
      %get3A_860 = arith.constant 0 : i32
      %get3A_861 = arith.index_cast %rem3A_778 : i32 to index
      %get3A_862 = arith.index_cast %get3A_860 : i32 to index
      %get3A_863 = arith.constant 48 : index
      %get3A_864 = tpu.vector_load %arg9[%get3A_861, %get3A_862, %get3A_863] {strides = array<i32>} : memref<8x16x128xf32, #tpu.memory_space<vmem>>, vector<16xf32>,
      %mul3A_865 = vector.broadcast %squeeze3A : f32 to vector<16xf32>
      %mul3A_866 = arith.mulf %get3A_864, %mul3A_865 : vector<16xf32>
      %swap3A_867 = arith.constant 0 : i32
      %swap3A_868 = arith.index_cast %rem3A_778 : i32 to index
      %swap3A_869 = arith.index_cast %swap3A_867 : i32 to index
      %swap3A_870 = arith.constant 48 : index
      %swap3A_871 = tpu.vector_load %arg9[%swap3A_868, %swap3A_869, %swap3A_870] {strides = array<i32>} : memref<8x16x128xf32, #tpu.memory_space<vmem>>, vector<16xf32>,
      tpu.vector_store %arg9[%swap3A_868, %swap3A_869, %swap3A_870], %mul3A_866 {strides = array<i32>} : memref<8x16x128xf32, #tpu.memory_space<vmem>>, vector<16xf32>,
      %get3A_872 = arith.constant 0 : i32
      %get3A_873 = arith.index_cast %rem3A_778 : i32 to index
      %get3A_874 = arith.index_cast %get3A_872 : i32 to index
      %get3A_875 = arith.constant 64 : index
      %get3A_876 = tpu.vector_load %arg9[%get3A_873, %get3A_874, %get3A_875] {strides = array<i32>} : memref<8x16x128xf32, #tpu.memory_space<vmem>>, vector<16xf32>,
      %mul3A_877 = vector.broadcast %squeeze3A : f32 to vector<16xf32>
      %mul3A_878 = arith.mulf %get3A_876, %mul3A_877 : vector<16xf32>
      %swap3A_879 = arith.constant 0 : i32
      %swap3A_880 = arith.index_cast %rem3A_778 : i32 to index
      %swap3A_881 = arith.index_cast %swap3A_879 : i32 to index
      %swap3A_882 = arith.constant 64 : index
      %swap3A_883 = tpu.vector_load %arg9[%swap3A_880, %swap3A_881, %swap3A_882] {strides = array<i32>} : memref<8x16x128xf32, #tpu.memory_space<vmem>>, vector<16xf32>,
      tpu.vector_store %arg9[%swap3A_880, %swap3A_881, %swap3A_882], %mul3A_878 {strides = array<i32>} : memref<8x16x128xf32, #tpu.memory_space<vmem>>, vector<16xf32>,
      %get3A_884 = arith.constant 0 : i32
      %get3A_885 = arith.index_cast %rem3A_778 : i32 to index
      %get3A_886 = arith.index_cast %get3A_884 : i32 to index
      %get3A_887 = arith.constant 80 : index
      %get3A_888 = tpu.vector_load %arg9[%get3A_885, %get3A_886, %get3A_887] {strides = array<i32>} : memref<8x16x128xf32, #tpu.memory_space<vmem>>, vector<16xf32>,
      %mul3A_889 = vector.broadcast %squeeze3A : f32 to vector<16xf32>
      %mul3A_890 = arith.mulf %get3A_888, %mul3A_889 : vector<16xf32>
      %swap3A_891 = arith.constant 0 : i32
      %swap3A_892 = arith.index_cast %rem3A_778 : i32 to index
      %swap3A_893 = arith.index_cast %swap3A_891 : i32 to index
      %swap3A_894 = arith.constant 80 : index
      %swap3A_895 = tpu.vector_load %arg9[%swap3A_892, %swap3A_893, %swap3A_894] {strides = array<i32>} : memref<8x16x128xf32, #tpu.memory_space<vmem>>, vector<16xf32>,
      tpu.vector_store %arg9[%swap3A_892, %swap3A_893, %swap3A_894], %mul3A_890 {strides = array<i32>} : memref<8x16x128xf32, #tpu.memory_space<vmem>>, vector<16xf32>,
      %get3A_896 = arith.constant 0 : i32
      %get3A_897 = arith.index_cast %rem3A_778 : i32 to index
      %get3A_898 = arith.index_cast %get3A_896 : i32 to index
      %get3A_899 = arith.constant 96 : index
      %get3A_900 = tpu.vector_load %arg9[%get3A_897, %get3A_898, %get3A_899] {strides = array<i32>} : memref<8x16x128xf32, #tpu.memory_space<vmem>>, vector<16xf32>,
      %mul3A_901 = vector.broadcast %squeeze3A : f32 to vector<16xf32>
      %mul3A_902 = arith.mulf %get3A_900, %mul3A_901 : vector<16xf32>
      %swap3A_903 = arith.constant 0 : i32
      %swap3A_904 = arith.index_cast %rem3A_778 : i32 to index
      %swap3A_905 = arith.index_cast %swap3A_903 : i32 to index
      %swap3A_906 = arith.constant 96 : index
      %swap3A_907 = tpu.vector_load %arg9[%swap3A_904, %swap3A_905, %swap3A_906] {strides = array<i32>} : memref<8x16x128xf32, #tpu.memory_space<vmem>>, vector<16xf32>,
      tpu.vector_store %arg9[%swap3A_904, %swap3A_905, %swap3A_906], %mul3A_902 {strides = array<i32>} : memref<8x16x128xf32, #tpu.memory_space<vmem>>, vector<16xf32>,
      %get3A_908 = arith.constant 0 : i32
      %get3A_909 = arith.index_cast %rem3A_778 : i32 to index
      %get3A_910 = arith.index_cast %get3A_908 : i32 to index
      %get3A_911 = arith.constant 112 : index
      %get3A_912 = tpu.vector_load %arg9[%get3A_909, %get3A_910, %get3A_911] {strides = array<i32>} : memref<8x16x128xf32, #tpu.memory_space<vmem>>, vector<16xf32>,
      %mul3A_913 = vector.broadcast %squeeze3A : f32 to vector<16xf32>
      %mul3A_914 = arith.mulf %get3A_912, %mul3A_913 : vector<16xf32>
      %swap3A_915 = arith.constant 0 : i32
      %swap3A_916 = arith.index_cast %rem3A_778 : i32 to index
      %swap3A_917 = arith.index_cast %swap3A_915 : i32 to index
      %swap3A_918 = arith.constant 112 : index
      %swap3A_919 = tpu.vector_load %arg9[%swap3A_916, %swap3A_917, %swap3A_918] {strides = array<i32>} : memref<8x16x128xf32, #tpu.memory_space<vmem>>, vector<16xf32>,
      tpu.vector_store %arg9[%swap3A_916, %swap3A_917, %swap3A_918], %mul3A_914 {strides = array<i32>} : memref<8x16x128xf32, #tpu.memory_space<vmem>>, vector<16xf32>,
      %slice3A_920 = vector.extract_strided_slice %select_n3A_820 {offsets = [1], sizes = [1], strides = [1]} : vector<16xf32> to vector<1xf32>
      %squeeze3A_921 = vector.extract %slice3A_920[0] : f32 from vector<1xf32>
      %get3A_922 = arith.constant 1 : i32
      %get3A_923 = arith.index_cast %rem3A_778 : i32 to index
      %get3A_924 = arith.index_cast %get3A_922 : i32 to index
      %get3A_925 = arith.constant 0 : index
      %get3A_926 = tpu.vector_load %arg9[%get3A_923, %get3A_924, %get3A_925] {strides = array<i32>} : memref<8x16x128xf32, #tpu.memory_space<vmem>>, vector<16xf32>,
      %mul3A_927 = vector.broadcast %squeeze3A_921 : f32 to vector<16xf32>
      %mul3A_928 = arith.mulf %get3A_926, %mul3A_927 : vector<16xf32>
      %swap3A_929 = arith.constant 1 : i32
      %swap3A_930 = arith.index_cast %rem3A_778 : i32 to index
      %swap3A_931 = arith.index_cast %swap3A_929 : i32 to index
      %swap3A_932 = arith.constant 0 : index
      %swap3A_933 = tpu.vector_load %arg9[%swap3A_930, %swap3A_931, %swap3A_932] {strides = array<i32>} : memref<8x16x128xf32, #tpu.memory_space<vmem>>, vector<16xf32>,
      tpu.vector_store %arg9[%swap3A_930, %swap3A_931, %swap3A_932], %mul3A_928 {strides = array<i32>} : memref<8x16x128xf32, #tpu.memory_space<vmem>>, vector<16xf32>,
      %get3A_934 = arith.constant 1 : i32
      %get3A_935 = arith.index_cast %rem3A_778 : i32 to index
      %get3A_936 = arith.index_cast %get3A_934 : i32 to index
      %get3A_937 = arith.constant 16 : index
      %get3A_938 = tpu.vector_load %arg9[%get3A_935, %get3A_936, %get3A_937] {strides = array<i32>} : memref<8x16x128xf32, #tpu.memory_space<vmem>>, vector<16xf32>,
      %mul3A_939 = vector.broadcast %squeeze3A_921 : f32 to vector<16xf32>
      %mul3A_940 = arith.mulf %get3A_938, %mul3A_939 : vector<16xf32>
      %swap3A_941 = arith.constant 1 : i32
      %swap3A_942 = arith.index_cast %rem3A_778 : i32 to index
      %swap3A_943 = arith.index_cast %swap3A_941 : i32 to index
      %swap3A_944 = arith.constant 16 : index
      %swap3A_945 = tpu.vector_load %arg9[%swap3A_942, %swap3A_943, %swap3A_944] {strides = array<i32>} : memref<8x16x128xf32, #tpu.memory_space<vmem>>, vector<16xf32>,
      tpu.vector_store %arg9[%swap3A_942, %swap3A_943, %swap3A_944], %mul3A_940 {strides = array<i32>} : memref<8x16x128xf32, #tpu.memory_space<vmem>>, vector<16xf32>,
      %get3A_946 = arith.constant 1 : i32
      %get3A_947 = arith.index_cast %rem3A_778 : i32 to index
      %get3A_948 = arith.index_cast %get3A_946 : i32 to index
      %get3A_949 = arith.constant 32 : index
      %get3A_950 = tpu.vector_load %arg9[%get3A_947, %get3A_948, %get3A_949] {strides = array<i32>} : memref<8x16x128xf32, #tpu.memory_space<vmem>>, vector<16xf32>,
      %mul3A_951 = vector.broadcast %squeeze3A_921 : f32 to vector<16xf32>
      %mul3A_952 = arith.mulf %get3A_950, %mul3A_951 : vector<16xf32>
      %swap3A_953 = arith.constant 1 : i32
      %swap3A_954 = arith.index_cast %rem3A_778 : i32 to index
      %swap3A_955 = arith.index_cast %swap3A_953 : i32 to index
      %swap3A_956 = arith.constant 32 : index
      %swap3A_957 = tpu.vector_load %arg9[%swap3A_954, %swap3A_955, %swap3A_956] {strides = array<i32>} : memref<8x16x128xf32, #tpu.memory_space<vmem>>, vector<16xf32>,
      tpu.vector_store %arg9[%swap3A_954, %swap3A_955, %swap3A_956], %mul3A_952 {strides = array<i32>} : memref<8x16x128xf32, #tpu.memory_space<vmem>>, vector<16xf32>,
      %get3A_958 = arith.constant 1 : i32
      %get3A_959 = arith.index_cast %rem3A_778 : i32 to index
      %get3A_960 = arith.index_cast %get3A_958 : i32 to index
      %get3A_961 = arith.constant 48 : index
      %get3A_962 = tpu.vector_load %arg9[%get3A_959, %get3A_960, %get3A_961] {strides = array<i32>} : memref<8x16x128xf32, #tpu.memory_space<vmem>>, vector<16xf32>,
      %mul3A_963 = vector.broadcast %squeeze3A_921 : f32 to vector<16xf32>
      %mul3A_964 = arith.mulf %get3A_962, %mul3A_963 : vector<16xf32>
      %swap3A_965 = arith.constant 1 : i32
      %swap3A_966 = arith.index_cast %rem3A_778 : i32 to index
      %swap3A_967 = arith.index_cast %swap3A_965 : i32 to index
      %swap3A_968 = arith.constant 48 : index
      %swap3A_969 = tpu.vector_load %arg9[%swap3A_966, %swap3A_967, %swap3A_968] {strides = array<i32>} : memref<8x16x128xf32, #tpu.memory_space<vmem>>, vector<16xf32>,
      tpu.vector_store %arg9[%swap3A_966, %swap3A_967, %swap3A_968], %mul3A_964 {strides = array<i32>} : memref<8x16x128xf32, #tpu.memory_space<vmem>>, vector<16xf32>,
      %get3A_970 = arith.constant 1 : i32
      %get3A_971 = arith.index_cast %rem3A_778 : i32 to index
      %get3A_972 = arith.index_cast %get3A_970 : i32 to index
      %get3A_973 = arith.constant 64 : index
      %get3A_974 = tpu.vector_load %arg9[%get3A_971, %get3A_972, %get3A_973] {strides = array<i32>} : memref<8x16x128xf32, #tpu.memory_space<vmem>>, vector<16xf32>,
      %mul3A_975 = vector.broadcast %squeeze3A_921 : f32 to vector<16xf32>
      %mul3A_976 = arith.mulf %get3A_974, %mul3A_975 : vector<16xf32>
      %swap3A_977 = arith.constant 1 : i32
      %swap3A_978 = arith.index_cast %rem3A_778 : i32 to index
      %swap3A_979 = arith.index_cast %swap3A_977 : i32 to index
      %swap3A_980 = arith.constant 64 : index
      %swap3A_981 = tpu.vector_load %arg9[%swap3A_978, %swap3A_979, %swap3A_980] {strides = array<i32>} : memref<8x16x128xf32, #tpu.memory_space<vmem>>, vector<16xf32>,
      tpu.vector_store %arg9[%swap3A_978, %swap3A_979, %swap3A_980], %mul3A_976 {strides = array<i32>} : memref<8x16x128xf32, #tpu.memory_space<vmem>>, vector<16xf32>,
      %get3A_982 = arith.constant 1 : i32
      %get3A_983 = arith.index_cast %rem3A_778 : i32 to index
      %get3A_984 = arith.index_cast %get3A_982 : i32 to index
      %get3A_985 = arith.constant 80 : index
      %get3A_986 = tpu.vector_load %arg9[%get3A_983, %get3A_984, %get3A_985] {strides = array<i32>} : memref<8x16x128xf32, #tpu.memory_space<vmem>>, vector<16xf32>,
      %mul3A_987 = vector.broadcast %squeeze3A_921 : f32 to vector<16xf32>
      %mul3A_988 = arith.mulf %get3A_986, %mul3A_987 : vector<16xf32>
      %swap3A_989 = arith.constant 1 : i32
      %swap3A_990 = arith.index_cast %rem3A_778 : i32 to index
      %swap3A_991 = arith.index_cast %swap3A_989 : i32 to index
      %swap3A_992 = arith.constant 80 : index
      %swap3A_993 = tpu.vector_load %arg9[%swap3A_990, %swap3A_991, %swap3A_992] {strides = array<i32>} : memref<8x16x128xf32, #tpu.memory_space<vmem>>, vector<16xf32>,
      tpu.vector_store %arg9[%swap3A_990, %swap3A_991, %swap3A_992], %mul3A_988 {strides = array<i32>} : memref<8x16x128xf32, #tpu.memory_space<vmem>>, vector<16xf32>,
      %get3A_994 = arith.constant 1 : i32
      %get3A_995 = arith.index_cast %rem3A_778 : i32 to index
      %get3A_996 = arith.index_cast %get3A_994 : i32 to index
      %get3A_997 = arith.constant 96 : index
      %get3A_998 = tpu.vector_load %arg9[%get3A_995, %get3A_996, %get3A_997] {strides = array<i32>} : memref<8x16x128xf32, #tpu.memory_space<vmem>>, vector<16xf32>,
      %mul3A_999 = vector.broadcast %squeeze3A_921 : f32 to vector<16xf32>
      %mul3A_1000 = arith.mulf %get3A_998, %mul3A_999 : vector<16xf32>
      %swap3A_1001 = arith.constant 1 : i32
      %swap3A_1002 = arith.index_cast %rem3A_778 : i32 to index
      %swap3A_1003 = arith.index_cast %swap3A_1001 : i32 to index
      %swap3A_1004 = arith.constant 96 : index
      %swap3A_1005 = tpu.vector_load %arg9[%swap3A_1002, %swap3A_1003, %swap3A_1004] {strides = array<i32>} : memref<8x16x128xf32, #tpu.memory_space<vmem>>, vector<16xf32>,
      tpu.vector_store %arg9[%swap3A_1002, %swap3A_1003, %swap3A_1004], %mul3A_1000 {strides = array<i32>} : memref<8x16x128xf32, #tpu.memory_space<vmem>>, vector<16xf32>,
      %get3A_1006 = arith.constant 1 : i32
      %get3A_1007 = arith.index_cast %rem3A_778 : i32 to index
      %get3A_1008 = arith.index_cast %get3A_1006 : i32 to index
      %get3A_1009 = arith.constant 112 : index
      %get3A_1010 = tpu.vector_load %arg9[%get3A_1007, %get3A_1008, %get3A_1009] {strides = array<i32>} : memref<8x16x128xf32, #tpu.memory_space<vmem>>, vector<16xf32>,
      %mul3A_1011 = vector.broadcast %squeeze3A_921 : f32 to vector<16xf32>
      %mul3A_1012 = arith.mulf %get3A_1010, %mul3A_1011 : vector<16xf32>
      %swap3A_1013 = arith.constant 1 : i32
      %swap3A_1014 = arith.index_cast %rem3A_778 : i32 to index
      %swap3A_1015 = arith.index_cast %swap3A_1013 : i32 to index
      %swap3A_1016 = arith.constant 112 : index
      %swap3A_1017 = tpu.vector_load %arg9[%swap3A_1014, %swap3A_1015, %swap3A_1016] {strides = array<i32>} : memref<8x16x128xf32, #tpu.memory_space<vmem>>, vector<16xf32>,
      tpu.vector_store %arg9[%swap3A_1014, %swap3A_1015, %swap3A_1016], %mul3A_1012 {strides = array<i32>} : memref<8x16x128xf32, #tpu.memory_space<vmem>>, vector<16xf32>,
      %slice3A_1018 = vector.extract_strided_slice %select_n3A_820 {offsets = [2], sizes = [1], strides = [1]} : vector<16xf32> to vector<1xf32>
      %squeeze3A_1019 = vector.extract %slice3A_1018[0] : f32 from vector<1xf32>
      %get3A_1020 = arith.constant 2 : i32
      %get3A_1021 = arith.index_cast %rem3A_778 : i32 to index
      %get3A_1022 = arith.index_cast %get3A_1020 : i32 to index
      %get3A_1023 = arith.constant 0 : index
      %get3A_1024 = tpu.vector_load %arg9[%get3A_1021, %get3A_1022, %get3A_1023] {strides = array<i32>} : memref<8x16x128xf32, #tpu.memory_space<vmem>>, vector<16xf32>,
      %mul3A_1025 = vector.broadcast %squeeze3A_1019 : f32 to vector<16xf32>
      %mul3A_1026 = arith.mulf %get3A_1024, %mul3A_1025 : vector<16xf32>
      %swap3A_1027 = arith.constant 2 : i32
      %swap3A_1028 = arith.index_cast %rem3A_778 : i32 to index
      %swap3A_1029 = arith.index_cast %swap3A_1027 : i32 to index
      %swap3A_1030 = arith.constant 0 : index
      %swap3A_1031 = tpu.vector_load %arg9[%swap3A_1028, %swap3A_1029, %swap3A_1030] {strides = array<i32>} : memref<8x16x128xf32, #tpu.memory_space<vmem>>, vector<16xf32>,
      tpu.vector_store %arg9[%swap3A_1028, %swap3A_1029, %swap3A_1030], %mul3A_1026 {strides = array<i32>} : memref<8x16x128xf32, #tpu.memory_space<vmem>>, vector<16xf32>,
      %get3A_1032 = arith.constant 2 : i32
      %get3A_1033 = arith.index_cast %rem3A_778 : i32 to index
      %get3A_1034 = arith.index_cast %get3A_1032 : i32 to index
      %get3A_1035 = arith.constant 16 : index
      %get3A_1036 = tpu.vector_load %arg9[%get3A_1033, %get3A_1034, %get3A_1035] {strides = array<i32>} : memref<8x16x128xf32, #tpu.memory_space<vmem>>, vector<16xf32>,
      %mul3A_1037 = vector.broadcast %squeeze3A_1019 : f32 to vector<16xf32>
      %mul3A_1038 = arith.mulf %get3A_1036, %mul3A_1037 : vector<16xf32>
      %swap3A_1039 = arith.constant 2 : i32
      %swap3A_1040 = arith.index_cast %rem3A_778 : i32 to index
      %swap3A_1041 = arith.index_cast %swap3A_1039 : i32 to index
      %swap3A_1042 = arith.constant 16 : index
      %swap3A_1043 = tpu.vector_load %arg9[%swap3A_1040, %swap3A_1041, %swap3A_1042] {strides = array<i32>} : memref<8x16x128xf32, #tpu.memory_space<vmem>>, vector<16xf32>,
      tpu.vector_store %arg9[%swap3A_1040, %swap3A_1041, %swap3A_1042], %mul3A_1038 {strides = array<i32>} : memref<8x16x128xf32, #tpu.memory_space<vmem>>, vector<16xf32>,
      %get3A_1044 = arith.constant 2 : i32
      %get3A_1045 = arith.index_cast %rem3A_778 : i32 to index
      %get3A_1046 = arith.index_cast %get3A_1044 : i32 to index
      %get3A_1047 = arith.constant 32 : index
      %get3A_1048 = tpu.vector_load %arg9[%get3A_1045, %get3A_1046, %get3A_1047] {strides = array<i32>} : memref<8x16x128xf32, #tpu.memory_space<vmem>>, vector<16xf32>,
      %mul3A_1049 = vector.broadcast %squeeze3A_1019 : f32 to vector<16xf32>
      %mul3A_1050 = arith.mulf %get3A_1048, %mul3A_1049 : vector<16xf32>
      %swap3A_1051 = arith.constant 2 : i32
      %swap3A_1052 = arith.index_cast %rem3A_778 : i32 to index
      %swap3A_1053 = arith.index_cast %swap3A_1051 : i32 to index
      %swap3A_1054 = arith.constant 32 : index
      %swap3A_1055 = tpu.vector_load %arg9[%swap3A_1052, %swap3A_1053, %swap3A_1054] {strides = array<i32>} : memref<8x16x128xf32, #tpu.memory_space<vmem>>, vector<16xf32>,
      tpu.vector_store %arg9[%swap3A_1052, %swap3A_1053, %swap3A_1054], %mul3A_1050 {strides = array<i32>} : memref<8x16x128xf32, #tpu.memory_space<vmem>>, vector<16xf32>,
      %get3A_1056 = arith.constant 2 : i32
      %get3A_1057 = arith.index_cast %rem3A_778 : i32 to index
      %get3A_1058 = arith.index_cast %get3A_1056 : i32 to index
      %get3A_1059 = arith.constant 48 : index
      %get3A_1060 = tpu.vector_load %arg9[%get3A_1057, %get3A_1058, %get3A_1059] {strides = array<i32>} : memref<8x16x128xf32, #tpu.memory_space<vmem>>, vector<16xf32>,
      %mul3A_1061 = vector.broadcast %squeeze3A_1019 : f32 to vector<16xf32>
      %mul3A_1062 = arith.mulf %get3A_1060, %mul3A_1061 : vector<16xf32>
      %swap3A_1063 = arith.constant 2 : i32
      %swap3A_1064 = arith.index_cast %rem3A_778 : i32 to index
      %swap3A_1065 = arith.index_cast %swap3A_1063 : i32 to index
      %swap3A_1066 = arith.constant 48 : index
      %swap3A_1067 = tpu.vector_load %arg9[%swap3A_1064, %swap3A_1065, %swap3A_1066] {strides = array<i32>} : memref<8x16x128xf32, #tpu.memory_space<vmem>>, vector<16xf32>,
      tpu.vector_store %arg9[%swap3A_1064, %swap3A_1065, %swap3A_1066], %mul3A_1062 {strides = array<i32>} : memref<8x16x128xf32, #tpu.memory_space<vmem>>, vector<16xf32>,
      %get3A_1068 = arith.constant 2 : i32
      %get3A_1069 = arith.index_cast %rem3A_778 : i32 to index
      %get3A_1070 = arith.index_cast %get3A_1068 : i32 to index
      %get3A_1071 = arith.constant 64 : index
      %get3A_1072 = tpu.vector_load %arg9[%get3A_1069, %get3A_1070, %get3A_1071] {strides = array<i32>} : memref<8x16x128xf32, #tpu.memory_space<vmem>>, vector<16xf32>,
      %mul3A_1073 = vector.broadcast %squeeze3A_1019 : f32 to vector<16xf32>
      %mul3A_1074 = arith.mulf %get3A_1072, %mul3A_1073 : vector<16xf32>
      %swap3A_1075 = arith.constant 2 : i32
      %swap3A_1076 = arith.index_cast %rem3A_778 : i32 to index
      %swap3A_1077 = arith.index_cast %swap3A_1075 : i32 to index
      %swap3A_1078 = arith.constant 64 : index
      %swap3A_1079 = tpu.vector_load %arg9[%swap3A_1076, %swap3A_1077, %swap3A_1078] {strides = array<i32>} : memref<8x16x128xf32, #tpu.memory_space<vmem>>, vector<16xf32>,
      tpu.vector_store %arg9[%swap3A_1076, %swap3A_1077, %swap3A_1078], %mul3A_1074 {strides = array<i32>} : memref<8x16x128xf32, #tpu.memory_space<vmem>>, vector<16xf32>,
      %get3A_1080 = arith.constant 2 : i32
      %get3A_1081 = arith.index_cast %rem3A_778 : i32 to index
      %get3A_1082 = arith.index_cast %get3A_1080 : i32 to index
      %get3A_1083 = arith.constant 80 : index
      %get3A_1084 = tpu.vector_load %arg9[%get3A_1081, %get3A_1082, %get3A_1083] {strides = array<i32>} : memref<8x16x128xf32, #tpu.memory_space<vmem>>, vector<16xf32>,
      %mul3A_1085 = vector.broadcast %squeeze3A_1019 : f32 to vector<16xf32>
      %mul3A_1086 = arith.mulf %get3A_1084, %mul3A_1085 : vector<16xf32>
      %swap3A_1087 = arith.constant 2 : i32
      %swap3A_1088 = arith.index_cast %rem3A_778 : i32 to index
      %swap3A_1089 = arith.index_cast %swap3A_1087 : i32 to index
      %swap3A_1090 = arith.constant 80 : index
      %swap3A_1091 = tpu.vector_load %arg9[%swap3A_1088, %swap3A_1089, %swap3A_1090] {strides = array<i32>} : memref<8x16x128xf32, #tpu.memory_space<vmem>>, vector<16xf32>,
      tpu.vector_store %arg9[%swap3A_1088, %swap3A_1089, %swap3A_1090], %mul3A_1086 {strides = array<i32>} : memref<8x16x128xf32, #tpu.memory_space<vmem>>, vector<16xf32>,
      %get3A_1092 = arith.constant 2 : i32
      %get3A_1093 = arith.index_cast %rem3A_778 : i32 to index
      %get3A_1094 = arith.index_cast %get3A_1092 : i32 to index
      %get3A_1095 = arith.constant 96 : index
      %get3A_1096 = tpu.vector_load %arg9[%get3A_1093, %get3A_1094, %get3A_1095] {strides = array<i32>} : memref<8x16x128xf32, #tpu.memory_space<vmem>>, vector<16xf32>,
      %mul3A_1097 = vector.broadcast %squeeze3A_1019 : f32 to vector<16xf32>
      %mul3A_1098 = arith.mulf %get3A_1096, %mul3A_1097 : vector<16xf32>
      %swap3A_1099 = arith.constant 2 : i32
      %swap3A_1100 = arith.index_cast %rem3A_778 : i32 to index
      %swap3A_1101 = arith.index_cast %swap3A_1099 : i32 to index
      %swap3A_1102 = arith.constant 96 : index
      %swap3A_1103 = tpu.vector_load %arg9[%swap3A_1100, %swap3A_1101, %swap3A_1102] {strides = array<i32>} : memref<8x16x128xf32, #tpu.memory_space<vmem>>, vector<16xf32>,
      tpu.vector_store %arg9[%swap3A_1100, %swap3A_1101, %swap3A_1102], %mul3A_1098 {strides = array<i32>} : memref<8x16x128xf32, #tpu.memory_space<vmem>>, vector<16xf32>,
      %get3A_1104 = arith.constant 2 : i32
      %get3A_1105 = arith.index_cast %rem3A_778 : i32 to index
      %get3A_1106 = arith.index_cast %get3A_1104 : i32 to index
      %get3A_1107 = arith.constant 112 : index
      %get3A_1108 = tpu.vector_load %arg9[%get3A_1105, %get3A_1106, %get3A_1107] {strides = array<i32>} : memref<8x16x128xf32, #tpu.memory_space<vmem>>, vector<16xf32>,
      %mul3A_1109 = vector.broadcast %squeeze3A_1019 : f32 to vector<16xf32>
      %mul3A_1110 = arith.mulf %get3A_1108, %mul3A_1109 : vector<16xf32>
      %swap3A_1111 = arith.constant 2 : i32
      %swap3A_1112 = arith.index_cast %rem3A_778 : i32 to index
      %swap3A_1113 = arith.index_cast %swap3A_1111 : i32 to index
      %swap3A_1114 = arith.constant 112 : index
      %swap3A_1115 = tpu.vector_load %arg9[%swap3A_1112, %swap3A_1113, %swap3A_1114] {strides = array<i32>} : memref<8x16x128xf32, #tpu.memory_space<vmem>>, vector<16xf32>,
      tpu.vector_store %arg9[%swap3A_1112, %swap3A_1113, %swap3A_1114], %mul3A_1110 {strides = array<i32>} : memref<8x16x128xf32, #tpu.memory_space<vmem>>, vector<16xf32>,
      %slice3A_1116 = vector.extract_strided_slice %select_n3A_820 {offsets = [3], sizes = [1], strides = [1]} : vector<16xf32> to vector<1xf32>
      %squeeze3A_1117 = vector.extract %slice3A_1116[0] : f32 from vector<1xf32>
      %get3A_1118 = arith.constant 3 : i32
      %get3A_1119 = arith.index_cast %rem3A_778 : i32 to index
      %get3A_1120 = arith.index_cast %get3A_1118 : i32 to index
      %get3A_1121 = arith.constant 0 : index
      %get3A_1122 = tpu.vector_load %arg9[%get3A_1119, %get3A_1120, %get3A_1121] {strides = array<i32>} : memref<8x16x128xf32, #tpu.memory_space<vmem>>, vector<16xf32>,
      %mul3A_1123 = vector.broadcast %squeeze3A_1117 : f32 to vector<16xf32>
      %mul3A_1124 = arith.mulf %get3A_1122, %mul3A_1123 : vector<16xf32>
      %swap3A_1125 = arith.constant 3 : i32
      %swap3A_1126 = arith.index_cast %rem3A_778 : i32 to index
      %swap3A_1127 = arith.index_cast %swap3A_1125 : i32 to index
      %swap3A_1128 = arith.constant 0 : index
      %swap3A_1129 = tpu.vector_load %arg9[%swap3A_1126, %swap3A_1127, %swap3A_1128] {strides = array<i32>} : memref<8x16x128xf32, #tpu.memory_space<vmem>>, vector<16xf32>,
      tpu.vector_store %arg9[%swap3A_1126, %swap3A_1127, %swap3A_1128], %mul3A_1124 {strides = array<i32>} : memref<8x16x128xf32, #tpu.memory_space<vmem>>, vector<16xf32>,
      %get3A_1130 = arith.constant 3 : i32
      %get3A_1131 = arith.index_cast %rem3A_778 : i32 to index
      %get3A_1132 = arith.index_cast %get3A_1130 : i32 to index
      %get3A_1133 = arith.constant 16 : index
      %get3A_1134 = tpu.vector_load %arg9[%get3A_1131, %get3A_1132, %get3A_1133] {strides = array<i32>} : memref<8x16x128xf32, #tpu.memory_space<vmem>>, vector<16xf32>,
      %mul3A_1135 = vector.broadcast %squeeze3A_1117 : f32 to vector<16xf32>
      %mul3A_1136 = arith.mulf %get3A_1134, %mul3A_1135 : vector<16xf32>
      %swap3A_1137 = arith.constant 3 : i32
      %swap3A_1138 = arith.index_cast %rem3A_778 : i32 to index
      %swap3A_1139 = arith.index_cast %swap3A_1137 : i32 to index
      %swap3A_1140 = arith.constant 16 : index
      %swap3A_1141 = tpu.vector_load %arg9[%swap3A_1138, %swap3A_1139, %swap3A_1140] {strides = array<i32>} : memref<8x16x128xf32, #tpu.memory_space<vmem>>, vector<16xf32>,
      tpu.vector_store %arg9[%swap3A_1138, %swap3A_1139, %swap3A_1140], %mul3A_1136 {strides = array<i32>} : memref<8x16x128xf32, #tpu.memory_space<vmem>>, vector<16xf32>,
      %get3A_1142 = arith.constant 3 : i32
      %get3A_1143 = arith.index_cast %rem3A_778 : i32 to index
      %get3A_1144 = arith.index_cast %get3A_1142 : i32 to index
      %get3A_1145 = arith.constant 32 : index
      %get3A_1146 = tpu.vector_load %arg9[%get3A_1143, %get3A_1144, %get3A_1145] {strides = array<i32>} : memref<8x16x128xf32, #tpu.memory_space<vmem>>, vector<16xf32>,
      %mul3A_1147 = vector.broadcast %squeeze3A_1117 : f32 to vector<16xf32>
      %mul3A_1148 = arith.mulf %get3A_1146, %mul3A_1147 : vector<16xf32>
      %swap3A_1149 = arith.constant 3 : i32
      %swap3A_1150 = arith.index_cast %rem3A_778 : i32 to index
      %swap3A_1151 = arith.index_cast %swap3A_1149 : i32 to index
      %swap3A_1152 = arith.constant 32 : index
      %swap3A_1153 = tpu.vector_load %arg9[%swap3A_1150, %swap3A_1151, %swap3A_1152] {strides = array<i32>} : memref<8x16x128xf32, #tpu.memory_space<vmem>>, vector<16xf32>,
      tpu.vector_store %arg9[%swap3A_1150, %swap3A_1151, %swap3A_1152], %mul3A_1148 {strides = array<i32>} : memref<8x16x128xf32, #tpu.memory_space<vmem>>, vector<16xf32>,
      %get3A_1154 = arith.constant 3 : i32
      %get3A_1155 = arith.index_cast %rem3A_778 : i32 to index
      %get3A_1156 = arith.index_cast %get3A_1154 : i32 to index
      %get3A_1157 = arith.constant 48 : index
      %get3A_1158 = tpu.vector_load %arg9[%get3A_1155, %get3A_1156, %get3A_1157] {strides = array<i32>} : memref<8x16x128xf32, #tpu.memory_space<vmem>>, vector<16xf32>,
      %mul3A_1159 = vector.broadcast %squeeze3A_1117 : f32 to vector<16xf32>
      %mul3A_1160 = arith.mulf %get3A_1158, %mul3A_1159 : vector<16xf32>
      %swap3A_1161 = arith.constant 3 : i32
      %swap3A_1162 = arith.index_cast %rem3A_778 : i32 to index
      %swap3A_1163 = arith.index_cast %swap3A_1161 : i32 to index
      %swap3A_1164 = arith.constant 48 : index
      %swap3A_1165 = tpu.vector_load %arg9[%swap3A_1162, %swap3A_1163, %swap3A_1164] {strides = array<i32>} : memref<8x16x128xf32, #tpu.memory_space<vmem>>, vector<16xf32>,
      tpu.vector_store %arg9[%swap3A_1162, %swap3A_1163, %swap3A_1164], %mul3A_1160 {strides = array<i32>} : memref<8x16x128xf32, #tpu.memory_space<vmem>>, vector<16xf32>,
      %get3A_1166 = arith.constant 3 : i32
      %get3A_1167 = arith.index_cast %rem3A_778 : i32 to index
      %get3A_1168 = arith.index_cast %get3A_1166 : i32 to index
      %get3A_1169 = arith.constant 64 : index
      %get3A_1170 = tpu.vector_load %arg9[%get3A_1167, %get3A_1168, %get3A_1169] {strides = array<i32>} : memref<8x16x128xf32, #tpu.memory_space<vmem>>, vector<16xf32>,
      %mul3A_1171 = vector.broadcast %squeeze3A_1117 : f32 to vector<16xf32>
      %mul3A_1172 = arith.mulf %get3A_1170, %mul3A_1171 : vector<16xf32>
      %swap3A_1173 = arith.constant 3 : i32
      %swap3A_1174 = arith.index_cast %rem3A_778 : i32 to index
      %swap3A_1175 = arith.index_cast %swap3A_1173 : i32 to index
      %swap3A_1176 = arith.constant 64 : index
      %swap3A_1177 = tpu.vector_load %arg9[%swap3A_1174, %swap3A_1175, %swap3A_1176] {strides = array<i32>} : memref<8x16x128xf32, #tpu.memory_space<vmem>>, vector<16xf32>,
      tpu.vector_store %arg9[%swap3A_1174, %swap3A_1175, %swap3A_1176], %mul3A_1172 {strides = array<i32>} : memref<8x16x128xf32, #tpu.memory_space<vmem>>, vector<16xf32>,
      %get3A_1178 = arith.constant 3 : i32
      %get3A_1179 = arith.index_cast %rem3A_778 : i32 to index
      %get3A_1180 = arith.index_cast %get3A_1178 : i32 to index
      %get3A_1181 = arith.constant 80 : index
      %get3A_1182 = tpu.vector_load %arg9[%get3A_1179, %get3A_1180, %get3A_1181] {strides = array<i32>} : memref<8x16x128xf32, #tpu.memory_space<vmem>>, vector<16xf32>,
      %mul3A_1183 = vector.broadcast %squeeze3A_1117 : f32 to vector<16xf32>
      %mul3A_1184 = arith.mulf %get3A_1182, %mul3A_1183 : vector<16xf32>
      %swap3A_1185 = arith.constant 3 : i32
      %swap3A_1186 = arith.index_cast %rem3A_778 : i32 to index
      %swap3A_1187 = arith.index_cast %swap3A_1185 : i32 to index
      %swap3A_1188 = arith.constant 80 : index
      %swap3A_1189 = tpu.vector_load %arg9[%swap3A_1186, %swap3A_1187, %swap3A_1188] {strides = array<i32>} : memref<8x16x128xf32, #tpu.memory_space<vmem>>, vector<16xf32>,
      tpu.vector_store %arg9[%swap3A_1186, %swap3A_1187, %swap3A_1188], %mul3A_1184 {strides = array<i32>} : memref<8x16x128xf32, #tpu.memory_space<vmem>>, vector<16xf32>,
      %get3A_1190 = arith.constant 3 : i32
      %get3A_1191 = arith.index_cast %rem3A_778 : i32 to index
      %get3A_1192 = arith.index_cast %get3A_1190 : i32 to index
      %get3A_1193 = arith.constant 96 : index
      %get3A_1194 = tpu.vector_load %arg9[%get3A_1191, %get3A_1192, %get3A_1193] {strides = array<i32>} : memref<8x16x128xf32, #tpu.memory_space<vmem>>, vector<16xf32>,
      %mul3A_1195 = vector.broadcast %squeeze3A_1117 : f32 to vector<16xf32>
      %mul3A_1196 = arith.mulf %get3A_1194, %mul3A_1195 : vector<16xf32>
      %swap3A_1197 = arith.constant 3 : i32
      %swap3A_1198 = arith.index_cast %rem3A_778 : i32 to index
      %swap3A_1199 = arith.index_cast %swap3A_1197 : i32 to index
      %swap3A_1200 = arith.constant 96 : index
      %swap3A_1201 = tpu.vector_load %arg9[%swap3A_1198, %swap3A_1199, %swap3A_1200] {strides = array<i32>} : memref<8x16x128xf32, #tpu.memory_space<vmem>>, vector<16xf32>,
      tpu.vector_store %arg9[%swap3A_1198, %swap3A_1199, %swap3A_1200], %mul3A_1196 {strides = array<i32>} : memref<8x16x128xf32, #tpu.memory_space<vmem>>, vector<16xf32>,
      %get3A_1202 = arith.constant 3 : i32
      %get3A_1203 = arith.index_cast %rem3A_778 : i32 to index
      %get3A_1204 = arith.index_cast %get3A_1202 : i32 to index
      %get3A_1205 = arith.constant 112 : index
      %get3A_1206 = tpu.vector_load %arg9[%get3A_1203, %get3A_1204, %get3A_1205] {strides = array<i32>} : memref<8x16x128xf32, #tpu.memory_space<vmem>>, vector<16xf32>,
      %mul3A_1207 = vector.broadcast %squeeze3A_1117 : f32 to vector<16xf32>
      %mul3A_1208 = arith.mulf %get3A_1206, %mul3A_1207 : vector<16xf32>
      %swap3A_1209 = arith.constant 3 : i32
      %swap3A_1210 = arith.index_cast %rem3A_778 : i32 to index
      %swap3A_1211 = arith.index_cast %swap3A_1209 : i32 to index
      %swap3A_1212 = arith.constant 112 : index
      %swap3A_1213 = tpu.vector_load %arg9[%swap3A_1210, %swap3A_1211, %swap3A_1212] {strides = array<i32>} : memref<8x16x128xf32, #tpu.memory_space<vmem>>, vector<16xf32>,
      tpu.vector_store %arg9[%swap3A_1210, %swap3A_1211, %swap3A_1212], %mul3A_1208 {strides = array<i32>} : memref<8x16x128xf32, #tpu.memory_space<vmem>>, vector<16xf32>,
      %slice3A_1214 = vector.extract_strided_slice %select_n3A_820 {offsets = [4], sizes = [1], strides = [1]} : vector<16xf32> to vector<1xf32>
      %squeeze3A_1215 = vector.extract %slice3A_1214[0] : f32 from vector<1xf32>
      %get3A_1216 = arith.constant 4 : i32
      %get3A_1217 = arith.index_cast %rem3A_778 : i32 to index
      %get3A_1218 = arith.index_cast %get3A_1216 : i32 to index
      %get3A_1219 = arith.constant 0 : index
      %get3A_1220 = tpu.vector_load %arg9[%get3A_1217, %get3A_1218, %get3A_1219] {strides = array<i32>} : memref<8x16x128xf32, #tpu.memory_space<vmem>>, vector<16xf32>,
      %mul3A_1221 = vector.broadcast %squeeze3A_1215 : f32 to vector<16xf32>
      %mul3A_1222 = arith.mulf %get3A_1220, %mul3A_1221 : vector<16xf32>
      %swap3A_1223 = arith.constant 4 : i32
      %swap3A_1224 = arith.index_cast %rem3A_778 : i32 to index
      %swap3A_1225 = arith.index_cast %swap3A_1223 : i32 to index
      %swap3A_1226 = arith.constant 0 : index
      %swap3A_1227 = tpu.vector_load %arg9[%swap3A_1224, %swap3A_1225, %swap3A_1226] {strides = array<i32>} : memref<8x16x128xf32, #tpu.memory_space<vmem>>, vector<16xf32>,
      tpu.vector_store %arg9[%swap3A_1224, %swap3A_1225, %swap3A_1226], %mul3A_1222 {strides = array<i32>} : memref<8x16x128xf32, #tpu.memory_space<vmem>>, vector<16xf32>,
      %get3A_1228 = arith.constant 4 : i32
      %get3A_1229 = arith.index_cast %rem3A_778 : i32 to index
      %get3A_1230 = arith.index_cast %get3A_1228 : i32 to index
      %get3A_1231 = arith.constant 16 : index
      %get3A_1232 = tpu.vector_load %arg9[%get3A_1229, %get3A_1230, %get3A_1231] {strides = array<i32>} : memref<8x16x128xf32, #tpu.memory_space<vmem>>, vector<16xf32>,
      %mul3A_1233 = vector.broadcast %squeeze3A_1215 : f32 to vector<16xf32>
      %mul3A_1234 = arith.mulf %get3A_1232, %mul3A_1233 : vector<16xf32>
      %swap3A_1235 = arith.constant 4 : i32
      %swap3A_1236 = arith.index_cast %rem3A_778 : i32 to index
      %swap3A_1237 = arith.index_cast %swap3A_1235 : i32 to index
      %swap3A_1238 = arith.constant 16 : index
      %swap3A_1239 = tpu.vector_load %arg9[%swap3A_1236, %swap3A_1237, %swap3A_1238] {strides = array<i32>} : memref<8x16x128xf32, #tpu.memory_space<vmem>>, vector<16xf32>,
      tpu.vector_store %arg9[%swap3A_1236, %swap3A_1237, %swap3A_1238], %mul3A_1234 {strides = array<i32>} : memref<8x16x128xf32, #tpu.memory_space<vmem>>, vector<16xf32>,
      %get3A_1240 = arith.constant 4 : i32
      %get3A_1241 = arith.index_cast %rem3A_778 : i32 to index
      %get3A_1242 = arith.index_cast %get3A_1240 : i32 to index
      %get3A_1243 = arith.constant 32 : index
      %get3A_1244 = tpu.vector_load %arg9[%get3A_1241, %get3A_1242, %get3A_1243] {strides = array<i32>} : memref<8x16x128xf32, #tpu.memory_space<vmem>>, vector<16xf32>,
      %mul3A_1245 = vector.broadcast %squeeze3A_1215 : f32 to vector<16xf32>
      %mul3A_1246 = arith.mulf %get3A_1244, %mul3A_1245 : vector<16xf32>
      %swap3A_1247 = arith.constant 4 : i32
      %swap3A_1248 = arith.index_cast %rem3A_778 : i32 to index
      %swap3A_1249 = arith.index_cast %swap3A_1247 : i32 to index
      %swap3A_1250 = arith.constant 32 : index
      %swap3A_1251 = tpu.vector_load %arg9[%swap3A_1248, %swap3A_1249, %swap3A_1250] {strides = array<i32>} : memref<8x16x128xf32, #tpu.memory_space<vmem>>, vector<16xf32>,
      tpu.vector_store %arg9[%swap3A_1248, %swap3A_1249, %swap3A_1250], %mul3A_1246 {strides = array<i32>} : memref<8x16x128xf32, #tpu.memory_space<vmem>>, vector<16xf32>,
      %get3A_1252 = arith.constant 4 : i32
      %get3A_1253 = arith.index_cast %rem3A_778 : i32 to index
      %get3A_1254 = arith.index_cast %get3A_1252 : i32 to index
      %get3A_1255 = arith.constant 48 : index
      %get3A_1256 = tpu.vector_load %arg9[%get3A_1253, %get3A_1254, %get3A_1255] {strides = array<i32>} : memref<8x16x128xf32, #tpu.memory_space<vmem>>, vector<16xf32>,
      %mul3A_1257 = vector.broadcast %squeeze3A_1215 : f32 to vector<16xf32>
      %mul3A_1258 = arith.mulf %get3A_1256, %mul3A_1257 : vector<16xf32>
      %swap3A_1259 = arith.constant 4 : i32
      %swap3A_1260 = arith.index_cast %rem3A_778 : i32 to index
      %swap3A_1261 = arith.index_cast %swap3A_1259 : i32 to index
      %swap3A_1262 = arith.constant 48 : index
      %swap3A_1263 = tpu.vector_load %arg9[%swap3A_1260, %swap3A_1261, %swap3A_1262] {strides = array<i32>} : memref<8x16x128xf32, #tpu.memory_space<vmem>>, vector<16xf32>,
      tpu.vector_store %arg9[%swap3A_1260, %swap3A_1261, %swap3A_1262], %mul3A_1258 {strides = array<i32>} : memref<8x16x128xf32, #tpu.memory_space<vmem>>, vector<16xf32>,
      %get3A_1264 = arith.constant 4 : i32
      %get3A_1265 = arith.index_cast %rem3A_778 : i32 to index
      %get3A_1266 = arith.index_cast %get3A_1264 : i32 to index
      %get3A_1267 = arith.constant 64 : index
      %get3A_1268 = tpu.vector_load %arg9[%get3A_1265, %get3A_1266, %get3A_1267] {strides = array<i32>} : memref<8x16x128xf32, #tpu.memory_space<vmem>>, vector<16xf32>,
      %mul3A_1269 = vector.broadcast %squeeze3A_1215 : f32 to vector<16xf32>
      %mul3A_1270 = arith.mulf %get3A_1268, %mul3A_1269 : vector<16xf32>
      %swap3A_1271 = arith.constant 4 : i32
      %swap3A_1272 = arith.index_cast %rem3A_778 : i32 to index
      %swap3A_1273 = arith.index_cast %swap3A_1271 : i32 to index
      %swap3A_1274 = arith.constant 64 : index
      %swap3A_1275 = tpu.vector_load %arg9[%swap3A_1272, %swap3A_1273, %swap3A_1274] {strides = array<i32>} : memref<8x16x128xf32, #tpu.memory_space<vmem>>, vector<16xf32>,
      tpu.vector_store %arg9[%swap3A_1272, %swap3A_1273, %swap3A_1274], %mul3A_1270 {strides = array<i32>} : memref<8x16x128xf32, #tpu.memory_space<vmem>>, vector<16xf32>,
      %get3A_1276 = arith.constant 4 : i32
      %get3A_1277 = arith.index_cast %rem3A_778 : i32 to index
      %get3A_1278 = arith.index_cast %get3A_1276 : i32 to index
      %get3A_1279 = arith.constant 80 : index
      %get3A_1280 = tpu.vector_load %arg9[%get3A_1277, %get3A_1278, %get3A_1279] {strides = array<i32>} : memref<8x16x128xf32, #tpu.memory_space<vmem>>, vector<16xf32>,
      %mul3A_1281 = vector.broadcast %squeeze3A_1215 : f32 to vector<16xf32>
      %mul3A_1282 = arith.mulf %get3A_1280, %mul3A_1281 : vector<16xf32>
      %swap3A_1283 = arith.constant 4 : i32
      %swap3A_1284 = arith.index_cast %rem3A_778 : i32 to index
      %swap3A_1285 = arith.index_cast %swap3A_1283 : i32 to index
      %swap3A_1286 = arith.constant 80 : index
      %swap3A_1287 = tpu.vector_load %arg9[%swap3A_1284, %swap3A_1285, %swap3A_1286] {strides = array<i32>} : memref<8x16x128xf32, #tpu.memory_space<vmem>>, vector<16xf32>,
      tpu.vector_store %arg9[%swap3A_1284, %swap3A_1285, %swap3A_1286], %mul3A_1282 {strides = array<i32>} : memref<8x16x128xf32, #tpu.memory_space<vmem>>, vector<16xf32>,
      %get3A_1288 = arith.constant 4 : i32
      %get3A_1289 = arith.index_cast %rem3A_778 : i32 to index
      %get3A_1290 = arith.index_cast %get3A_1288 : i32 to index
      %get3A_1291 = arith.constant 96 : index
      %get3A_1292 = tpu.vector_load %arg9[%get3A_1289, %get3A_1290, %get3A_1291] {strides = array<i32>} : memref<8x16x128xf32, #tpu.memory_space<vmem>>, vector<16xf32>,
      %mul3A_1293 = vector.broadcast %squeeze3A_1215 : f32 to vector<16xf32>
      %mul3A_1294 = arith.mulf %get3A_1292, %mul3A_1293 : vector<16xf32>
      %swap3A_1295 = arith.constant 4 : i32
      %swap3A_1296 = arith.index_cast %rem3A_778 : i32 to index
      %swap3A_1297 = arith.index_cast %swap3A_1295 : i32 to index
      %swap3A_1298 = arith.constant 96 : index
      %swap3A_1299 = tpu.vector_load %arg9[%swap3A_1296, %swap3A_1297, %swap3A_1298] {strides = array<i32>} : memref<8x16x128xf32, #tpu.memory_space<vmem>>, vector<16xf32>,
      tpu.vector_store %arg9[%swap3A_1296, %swap3A_1297, %swap3A_1298], %mul3A_1294 {strides = array<i32>} : memref<8x16x128xf32, #tpu.memory_space<vmem>>, vector<16xf32>,
      %get3A_1300 = arith.constant 4 : i32
      %get3A_1301 = arith.index_cast %rem3A_778 : i32 to index
      %get3A_1302 = arith.index_cast %get3A_1300 : i32 to index
      %get3A_1303 = arith.constant 112 : index
      %get3A_1304 = tpu.vector_load %arg9[%get3A_1301, %get3A_1302, %get3A_1303] {strides = array<i32>} : memref<8x16x128xf32, #tpu.memory_space<vmem>>, vector<16xf32>,
      %mul3A_1305 = vector.broadcast %squeeze3A_1215 : f32 to vector<16xf32>
      %mul3A_1306 = arith.mulf %get3A_1304, %mul3A_1305 : vector<16xf32>
      %swap3A_1307 = arith.constant 4 : i32
      %swap3A_1308 = arith.index_cast %rem3A_778 : i32 to index
      %swap3A_1309 = arith.index_cast %swap3A_1307 : i32 to index
      %swap3A_1310 = arith.constant 112 : index
      %swap3A_1311 = tpu.vector_load %arg9[%swap3A_1308, %swap3A_1309, %swap3A_1310] {strides = array<i32>} : memref<8x16x128xf32, #tpu.memory_space<vmem>>, vector<16xf32>,
      tpu.vector_store %arg9[%swap3A_1308, %swap3A_1309, %swap3A_1310], %mul3A_1306 {strides = array<i32>} : memref<8x16x128xf32, #tpu.memory_space<vmem>>, vector<16xf32>,
      %slice3A_1312 = vector.extract_strided_slice %select_n3A_820 {offsets = [5], sizes = [1], strides = [1]} : vector<16xf32> to vector<1xf32>
      %squeeze3A_1313 = vector.extract %slice3A_1312[0] : f32 from vector<1xf32>
      %get3A_1314 = arith.constant 5 : i32
      %get3A_1315 = arith.index_cast %rem3A_778 : i32 to index
      %get3A_1316 = arith.index_cast %get3A_1314 : i32 to index
      %get3A_1317 = arith.constant 0 : index
      %get3A_1318 = tpu.vector_load %arg9[%get3A_1315, %get3A_1316, %get3A_1317] {strides = array<i32>} : memref<8x16x128xf32, #tpu.memory_space<vmem>>, vector<16xf32>,
      %mul3A_1319 = vector.broadcast %squeeze3A_1313 : f32 to vector<16xf32>
      %mul3A_1320 = arith.mulf %get3A_1318, %mul3A_1319 : vector<16xf32>
      %swap3A_1321 = arith.constant 5 : i32
      %swap3A_1322 = arith.index_cast %rem3A_778 : i32 to index
      %swap3A_1323 = arith.index_cast %swap3A_1321 : i32 to index
      %swap3A_1324 = arith.constant 0 : index
      %swap3A_1325 = tpu.vector_load %arg9[%swap3A_1322, %swap3A_1323, %swap3A_1324] {strides = array<i32>} : memref<8x16x128xf32, #tpu.memory_space<vmem>>, vector<16xf32>,
      tpu.vector_store %arg9[%swap3A_1322, %swap3A_1323, %swap3A_1324], %mul3A_1320 {strides = array<i32>} : memref<8x16x128xf32, #tpu.memory_space<vmem>>, vector<16xf32>,
      %get3A_1326 = arith.constant 5 : i32
      %get3A_1327 = arith.index_cast %rem3A_778 : i32 to index
      %get3A_1328 = arith.index_cast %get3A_1326 : i32 to index
      %get3A_1329 = arith.constant 16 : index
      %get3A_1330 = tpu.vector_load %arg9[%get3A_1327, %get3A_1328, %get3A_1329] {strides = array<i32>} : memref<8x16x128xf32, #tpu.memory_space<vmem>>, vector<16xf32>,
      %mul3A_1331 = vector.broadcast %squeeze3A_1313 : f32 to vector<16xf32>
      %mul3A_1332 = arith.mulf %get3A_1330, %mul3A_1331 : vector<16xf32>
      %swap3A_1333 = arith.constant 5 : i32
      %swap3A_1334 = arith.index_cast %rem3A_778 : i32 to index
      %swap3A_1335 = arith.index_cast %swap3A_1333 : i32 to index
      %swap3A_1336 = arith.constant 16 : index
      %swap3A_1337 = tpu.vector_load %arg9[%swap3A_1334, %swap3A_1335, %swap3A_1336] {strides = array<i32>} : memref<8x16x128xf32, #tpu.memory_space<vmem>>, vector<16xf32>,
      tpu.vector_store %arg9[%swap3A_1334, %swap3A_1335, %swap3A_1336], %mul3A_1332 {strides = array<i32>} : memref<8x16x128xf32, #tpu.memory_space<vmem>>, vector<16xf32>,
      %get3A_1338 = arith.constant 5 : i32
      %get3A_1339 = arith.index_cast %rem3A_778 : i32 to index
      %get3A_1340 = arith.index_cast %get3A_1338 : i32 to index
      %get3A_1341 = arith.constant 32 : index
      %get3A_1342 = tpu.vector_load %arg9[%get3A_1339, %get3A_1340, %get3A_1341] {strides = array<i32>} : memref<8x16x128xf32, #tpu.memory_space<vmem>>, vector<16xf32>,
      %mul3A_1343 = vector.broadcast %squeeze3A_1313 : f32 to vector<16xf32>
      %mul3A_1344 = arith.mulf %get3A_1342, %mul3A_1343 : vector<16xf32>
      %swap3A_1345 = arith.constant 5 : i32
      %swap3A_1346 = arith.index_cast %rem3A_778 : i32 to index
      %swap3A_1347 = arith.index_cast %swap3A_1345 : i32 to index
      %swap3A_1348 = arith.constant 32 : index
      %swap3A_1349 = tpu.vector_load %arg9[%swap3A_1346, %swap3A_1347, %swap3A_1348] {strides = array<i32>} : memref<8x16x128xf32, #tpu.memory_space<vmem>>, vector<16xf32>,
      tpu.vector_store %arg9[%swap3A_1346, %swap3A_1347, %swap3A_1348], %mul3A_1344 {strides = array<i32>} : memref<8x16x128xf32, #tpu.memory_space<vmem>>, vector<16xf32>,
      %get3A_1350 = arith.constant 5 : i32
      %get3A_1351 = arith.index_cast %rem3A_778 : i32 to index
      %get3A_1352 = arith.index_cast %get3A_1350 : i32 to index
      %get3A_1353 = arith.constant 48 : index
      %get3A_1354 = tpu.vector_load %arg9[%get3A_1351, %get3A_1352, %get3A_1353] {strides = array<i32>} : memref<8x16x128xf32, #tpu.memory_space<vmem>>, vector<16xf32>,
      %mul3A_1355 = vector.broadcast %squeeze3A_1313 : f32 to vector<16xf32>
      %mul3A_1356 = arith.mulf %get3A_1354, %mul3A_1355 : vector<16xf32>
      %swap3A_1357 = arith.constant 5 : i32
      %swap3A_1358 = arith.index_cast %rem3A_778 : i32 to index
      %swap3A_1359 = arith.index_cast %swap3A_1357 : i32 to index
      %swap3A_1360 = arith.constant 48 : index
      %swap3A_1361 = tpu.vector_load %arg9[%swap3A_1358, %swap3A_1359, %swap3A_1360] {strides = array<i32>} : memref<8x16x128xf32, #tpu.memory_space<vmem>>, vector<16xf32>,
      tpu.vector_store %arg9[%swap3A_1358, %swap3A_1359, %swap3A_1360], %mul3A_1356 {strides = array<i32>} : memref<8x16x128xf32, #tpu.memory_space<vmem>>, vector<16xf32>,
      %get3A_1362 = arith.constant 5 : i32
      %get3A_1363 = arith.index_cast %rem3A_778 : i32 to index
      %get3A_1364 = arith.index_cast %get3A_1362 : i32 to index
      %get3A_1365 = arith.constant 64 : index
      %get3A_1366 = tpu.vector_load %arg9[%get3A_1363, %get3A_1364, %get3A_1365] {strides = array<i32>} : memref<8x16x128xf32, #tpu.memory_space<vmem>>, vector<16xf32>,
      %mul3A_1367 = vector.broadcast %squeeze3A_1313 : f32 to vector<16xf32>
      %mul3A_1368 = arith.mulf %get3A_1366, %mul3A_1367 : vector<16xf32>
      %swap3A_1369 = arith.constant 5 : i32
      %swap3A_1370 = arith.index_cast %rem3A_778 : i32 to index
      %swap3A_1371 = arith.index_cast %swap3A_1369 : i32 to index
      %swap3A_1372 = arith.constant 64 : index
      %swap3A_1373 = tpu.vector_load %arg9[%swap3A_1370, %swap3A_1371, %swap3A_1372] {strides = array<i32>} : memref<8x16x128xf32, #tpu.memory_space<vmem>>, vector<16xf32>,
      tpu.vector_store %arg9[%swap3A_1370, %swap3A_1371, %swap3A_1372], %mul3A_1368 {strides = array<i32>} : memref<8x16x128xf32, #tpu.memory_space<vmem>>, vector<16xf32>,
      %get3A_1374 = arith.constant 5 : i32
      %get3A_1375 = arith.index_cast %rem3A_778 : i32 to index
      %get3A_1376 = arith.index_cast %get3A_1374 : i32 to index
      %get3A_1377 = arith.constant 80 : index
      %get3A_1378 = tpu.vector_load %arg9[%get3A_1375, %get3A_1376, %get3A_1377] {strides = array<i32>} : memref<8x16x128xf32, #tpu.memory_space<vmem>>, vector<16xf32>,
      %mul3A_1379 = vector.broadcast %squeeze3A_1313 : f32 to vector<16xf32>
      %mul3A_1380 = arith.mulf %get3A_1378, %mul3A_1379 : vector<16xf32>
      %swap3A_1381 = arith.constant 5 : i32
      %swap3A_1382 = arith.index_cast %rem3A_778 : i32 to index
      %swap3A_1383 = arith.index_cast %swap3A_1381 : i32 to index
      %swap3A_1384 = arith.constant 80 : index
      %swap3A_1385 = tpu.vector_load %arg9[%swap3A_1382, %swap3A_1383, %swap3A_1384] {strides = array<i32>} : memref<8x16x128xf32, #tpu.memory_space<vmem>>, vector<16xf32>,
      tpu.vector_store %arg9[%swap3A_1382, %swap3A_1383, %swap3A_1384], %mul3A_1380 {strides = array<i32>} : memref<8x16x128xf32, #tpu.memory_space<vmem>>, vector<16xf32>,
      %get3A_1386 = arith.constant 5 : i32
      %get3A_1387 = arith.index_cast %rem3A_778 : i32 to index
      %get3A_1388 = arith.index_cast %get3A_1386 : i32 to index
      %get3A_1389 = arith.constant 96 : index
      %get3A_1390 = tpu.vector_load %arg9[%get3A_1387, %get3A_1388, %get3A_1389] {strides = array<i32>} : memref<8x16x128xf32, #tpu.memory_space<vmem>>, vector<16xf32>,
      %mul3A_1391 = vector.broadcast %squeeze3A_1313 : f32 to vector<16xf32>
      %mul3A_1392 = arith.mulf %get3A_1390, %mul3A_1391 : vector<16xf32>
      %swap3A_1393 = arith.constant 5 : i32
      %swap3A_1394 = arith.index_cast %rem3A_778 : i32 to index
      %swap3A_1395 = arith.index_cast %swap3A_1393 : i32 to index
      %swap3A_1396 = arith.constant 96 : index
      %swap3A_1397 = tpu.vector_load %arg9[%swap3A_1394, %swap3A_1395, %swap3A_1396] {strides = array<i32>} : memref<8x16x128xf32, #tpu.memory_space<vmem>>, vector<16xf32>,
      tpu.vector_store %arg9[%swap3A_1394, %swap3A_1395, %swap3A_1396], %mul3A_1392 {strides = array<i32>} : memref<8x16x128xf32, #tpu.memory_space<vmem>>, vector<16xf32>,
      %get3A_1398 = arith.constant 5 : i32
      %get3A_1399 = arith.index_cast %rem3A_778 : i32 to index
      %get3A_1400 = arith.index_cast %get3A_1398 : i32 to index
      %get3A_1401 = arith.constant 112 : index
      %get3A_1402 = tpu.vector_load %arg9[%get3A_1399, %get3A_1400, %get3A_1401] {strides = array<i32>} : memref<8x16x128xf32, #tpu.memory_space<vmem>>, vector<16xf32>,
      %mul3A_1403 = vector.broadcast %squeeze3A_1313 : f32 to vector<16xf32>
      %mul3A_1404 = arith.mulf %get3A_1402, %mul3A_1403 : vector<16xf32>
      %swap3A_1405 = arith.constant 5 : i32
      %swap3A_1406 = arith.index_cast %rem3A_778 : i32 to index
      %swap3A_1407 = arith.index_cast %swap3A_1405 : i32 to index
      %swap3A_1408 = arith.constant 112 : index
      %swap3A_1409 = tpu.vector_load %arg9[%swap3A_1406, %swap3A_1407, %swap3A_1408] {strides = array<i32>} : memref<8x16x128xf32, #tpu.memory_space<vmem>>, vector<16xf32>,
      tpu.vector_store %arg9[%swap3A_1406, %swap3A_1407, %swap3A_1408], %mul3A_1404 {strides = array<i32>} : memref<8x16x128xf32, #tpu.memory_space<vmem>>, vector<16xf32>,
      %slice3A_1410 = vector.extract_strided_slice %select_n3A_820 {offsets = [6], sizes = [1], strides = [1]} : vector<16xf32> to vector<1xf32>
      %squeeze3A_1411 = vector.extract %slice3A_1410[0] : f32 from vector<1xf32>
      %get3A_1412 = arith.constant 6 : i32
      %get3A_1413 = arith.index_cast %rem3A_778 : i32 to index
      %get3A_1414 = arith.index_cast %get3A_1412 : i32 to index
      %get3A_1415 = arith.constant 0 : index
      %get3A_1416 = tpu.vector_load %arg9[%get3A_1413, %get3A_1414, %get3A_1415] {strides = array<i32>} : memref<8x16x128xf32, #tpu.memory_space<vmem>>, vector<16xf32>,
      %mul3A_1417 = vector.broadcast %squeeze3A_1411 : f32 to vector<16xf32>
      %mul3A_1418 = arith.mulf %get3A_1416, %mul3A_1417 : vector<16xf32>
      %swap3A_1419 = arith.constant 6 : i32
      %swap3A_1420 = arith.index_cast %rem3A_778 : i32 to index
      %swap3A_1421 = arith.index_cast %swap3A_1419 : i32 to index
      %swap3A_1422 = arith.constant 0 : index
      %swap3A_1423 = tpu.vector_load %arg9[%swap3A_1420, %swap3A_1421, %swap3A_1422] {strides = array<i32>} : memref<8x16x128xf32, #tpu.memory_space<vmem>>, vector<16xf32>,
      tpu.vector_store %arg9[%swap3A_1420, %swap3A_1421, %swap3A_1422], %mul3A_1418 {strides = array<i32>} : memref<8x16x128xf32, #tpu.memory_space<vmem>>, vector<16xf32>,
      %get3A_1424 = arith.constant 6 : i32
      %get3A_1425 = arith.index_cast %rem3A_778 : i32 to index
      %get3A_1426 = arith.index_cast %get3A_1424 : i32 to index
      %get3A_1427 = arith.constant 16 : index
      %get3A_1428 = tpu.vector_load %arg9[%get3A_1425, %get3A_1426, %get3A_1427] {strides = array<i32>} : memref<8x16x128xf32, #tpu.memory_space<vmem>>, vector<16xf32>,
      %mul3A_1429 = vector.broadcast %squeeze3A_1411 : f32 to vector<16xf32>
      %mul3A_1430 = arith.mulf %get3A_1428, %mul3A_1429 : vector<16xf32>
      %swap3A_1431 = arith.constant 6 : i32
      %swap3A_1432 = arith.index_cast %rem3A_778 : i32 to index
      %swap3A_1433 = arith.index_cast %swap3A_1431 : i32 to index
      %swap3A_1434 = arith.constant 16 : index
      %swap3A_1435 = tpu.vector_load %arg9[%swap3A_1432, %swap3A_1433, %swap3A_1434] {strides = array<i32>} : memref<8x16x128xf32, #tpu.memory_space<vmem>>, vector<16xf32>,
      tpu.vector_store %arg9[%swap3A_1432, %swap3A_1433, %swap3A_1434], %mul3A_1430 {strides = array<i32>} : memref<8x16x128xf32, #tpu.memory_space<vmem>>, vector<16xf32>,
      %get3A_1436 = arith.constant 6 : i32
      %get3A_1437 = arith.index_cast %rem3A_778 : i32 to index
      %get3A_1438 = arith.index_cast %get3A_1436 : i32 to index
      %get3A_1439 = arith.constant 32 : index
      %get3A_1440 = tpu.vector_load %arg9[%get3A_1437, %get3A_1438, %get3A_1439] {strides = array<i32>} : memref<8x16x128xf32, #tpu.memory_space<vmem>>, vector<16xf32>,
      %mul3A_1441 = vector.broadcast %squeeze3A_1411 : f32 to vector<16xf32>
      %mul3A_1442 = arith.mulf %get3A_1440, %mul3A_1441 : vector<16xf32>
      %swap3A_1443 = arith.constant 6 : i32
      %swap3A_1444 = arith.index_cast %rem3A_778 : i32 to index
      %swap3A_1445 = arith.index_cast %swap3A_1443 : i32 to index
      %swap3A_1446 = arith.constant 32 : index
      %swap3A_1447 = tpu.vector_load %arg9[%swap3A_1444, %swap3A_1445, %swap3A_1446] {strides = array<i32>} : memref<8x16x128xf32, #tpu.memory_space<vmem>>, vector<16xf32>,
      tpu.vector_store %arg9[%swap3A_1444, %swap3A_1445, %swap3A_1446], %mul3A_1442 {strides = array<i32>} : memref<8x16x128xf32, #tpu.memory_space<vmem>>, vector<16xf32>,
      %get3A_1448 = arith.constant 6 : i32
      %get3A_1449 = arith.index_cast %rem3A_778 : i32 to index
      %get3A_1450 = arith.index_cast %get3A_1448 : i32 to index
      %get3A_1451 = arith.constant 48 : index
      %get3A_1452 = tpu.vector_load %arg9[%get3A_1449, %get3A_1450, %get3A_1451] {strides = array<i32>} : memref<8x16x128xf32, #tpu.memory_space<vmem>>, vector<16xf32>,
      %mul3A_1453 = vector.broadcast %squeeze3A_1411 : f32 to vector<16xf32>
      %mul3A_1454 = arith.mulf %get3A_1452, %mul3A_1453 : vector<16xf32>
      %swap3A_1455 = arith.constant 6 : i32
      %swap3A_1456 = arith.index_cast %rem3A_778 : i32 to index
      %swap3A_1457 = arith.index_cast %swap3A_1455 : i32 to index
      %swap3A_1458 = arith.constant 48 : index
      %swap3A_1459 = tpu.vector_load %arg9[%swap3A_1456, %swap3A_1457, %swap3A_1458] {strides = array<i32>} : memref<8x16x128xf32, #tpu.memory_space<vmem>>, vector<16xf32>,
      tpu.vector_store %arg9[%swap3A_1456, %swap3A_1457, %swap3A_1458], %mul3A_1454 {strides = array<i32>} : memref<8x16x128xf32, #tpu.memory_space<vmem>>, vector<16xf32>,
      %get3A_1460 = arith.constant 6 : i32
      %get3A_1461 = arith.index_cast %rem3A_778 : i32 to index
      %get3A_1462 = arith.index_cast %get3A_1460 : i32 to index
      %get3A_1463 = arith.constant 64 : index
      %get3A_1464 = tpu.vector_load %arg9[%get3A_1461, %get3A_1462, %get3A_1463] {strides = array<i32>} : memref<8x16x128xf32, #tpu.memory_space<vmem>>, vector<16xf32>,
      %mul3A_1465 = vector.broadcast %squeeze3A_1411 : f32 to vector<16xf32>
      %mul3A_1466 = arith.mulf %get3A_1464, %mul3A_1465 : vector<16xf32>
      %swap3A_1467 = arith.constant 6 : i32
      %swap3A_1468 = arith.index_cast %rem3A_778 : i32 to index
      %swap3A_1469 = arith.index_cast %swap3A_1467 : i32 to index
      %swap3A_1470 = arith.constant 64 : index
      %swap3A_1471 = tpu.vector_load %arg9[%swap3A_1468, %swap3A_1469, %swap3A_1470] {strides = array<i32>} : memref<8x16x128xf32, #tpu.memory_space<vmem>>, vector<16xf32>,
      tpu.vector_store %arg9[%swap3A_1468, %swap3A_1469, %swap3A_1470], %mul3A_1466 {strides = array<i32>} : memref<8x16x128xf32, #tpu.memory_space<vmem>>, vector<16xf32>,
      %get3A_1472 = arith.constant 6 : i32
      %get3A_1473 = arith.index_cast %rem3A_778 : i32 to index
      %get3A_1474 = arith.index_cast %get3A_1472 : i32 to index
      %get3A_1475 = arith.constant 80 : index
      %get3A_1476 = tpu.vector_load %arg9[%get3A_1473, %get3A_1474, %get3A_1475] {strides = array<i32>} : memref<8x16x128xf32, #tpu.memory_space<vmem>>, vector<16xf32>,
      %mul3A_1477 = vector.broadcast %squeeze3A_1411 : f32 to vector<16xf32>
      %mul3A_1478 = arith.mulf %get3A_1476, %mul3A_1477 : vector<16xf32>
      %swap3A_1479 = arith.constant 6 : i32
      %swap3A_1480 = arith.index_cast %rem3A_778 : i32 to index
      %swap3A_1481 = arith.index_cast %swap3A_1479 : i32 to index
      %swap3A_1482 = arith.constant 80 : index
      %swap3A_1483 = tpu.vector_load %arg9[%swap3A_1480, %swap3A_1481, %swap3A_1482] {strides = array<i32>} : memref<8x16x128xf32, #tpu.memory_space<vmem>>, vector<16xf32>,
      tpu.vector_store %arg9[%swap3A_1480, %swap3A_1481, %swap3A_1482], %mul3A_1478 {strides = array<i32>} : memref<8x16x128xf32, #tpu.memory_space<vmem>>, vector<16xf32>,
      %get3A_1484 = arith.constant 6 : i32
      %get3A_1485 = arith.index_cast %rem3A_778 : i32 to index
      %get3A_1486 = arith.index_cast %get3A_1484 : i32 to index
      %get3A_1487 = arith.constant 96 : index
      %get3A_1488 = tpu.vector_load %arg9[%get3A_1485, %get3A_1486, %get3A_1487] {strides = array<i32>} : memref<8x16x128xf32, #tpu.memory_space<vmem>>, vector<16xf32>,
      %mul3A_1489 = vector.broadcast %squeeze3A_1411 : f32 to vector<16xf32>
      %mul3A_1490 = arith.mulf %get3A_1488, %mul3A_1489 : vector<16xf32>
      %swap3A_1491 = arith.constant 6 : i32
      %swap3A_1492 = arith.index_cast %rem3A_778 : i32 to index
      %swap3A_1493 = arith.index_cast %swap3A_1491 : i32 to index
      %swap3A_1494 = arith.constant 96 : index
      %swap3A_1495 = tpu.vector_load %arg9[%swap3A_1492, %swap3A_1493, %swap3A_1494] {strides = array<i32>} : memref<8x16x128xf32, #tpu.memory_space<vmem>>, vector<16xf32>,
      tpu.vector_store %arg9[%swap3A_1492, %swap3A_1493, %swap3A_1494], %mul3A_1490 {strides = array<i32>} : memref<8x16x128xf32, #tpu.memory_space<vmem>>, vector<16xf32>,
      %get3A_1496 = arith.constant 6 : i32
      %get3A_1497 = arith.index_cast %rem3A_778 : i32 to index
      %get3A_1498 = arith.index_cast %get3A_1496 : i32 to index
      %get3A_1499 = arith.constant 112 : index
      %get3A_1500 = tpu.vector_load %arg9[%get3A_1497, %get3A_1498, %get3A_1499] {strides = array<i32>} : memref<8x16x128xf32, #tpu.memory_space<vmem>>, vector<16xf32>,
      %mul3A_1501 = vector.broadcast %squeeze3A_1411 : f32 to vector<16xf32>
      %mul3A_1502 = arith.mulf %get3A_1500, %mul3A_1501 : vector<16xf32>
      %swap3A_1503 = arith.constant 6 : i32
      %swap3A_1504 = arith.index_cast %rem3A_778 : i32 to index
      %swap3A_1505 = arith.index_cast %swap3A_1503 : i32 to index
      %swap3A_1506 = arith.constant 112 : index
      %swap3A_1507 = tpu.vector_load %arg9[%swap3A_1504, %swap3A_1505, %swap3A_1506] {strides = array<i32>} : memref<8x16x128xf32, #tpu.memory_space<vmem>>, vector<16xf32>,
      tpu.vector_store %arg9[%swap3A_1504, %swap3A_1505, %swap3A_1506], %mul3A_1502 {strides = array<i32>} : memref<8x16x128xf32, #tpu.memory_space<vmem>>, vector<16xf32>,
      %slice3A_1508 = vector.extract_strided_slice %select_n3A_820 {offsets = [7], sizes = [1], strides = [1]} : vector<16xf32> to vector<1xf32>
      %squeeze3A_1509 = vector.extract %slice3A_1508[0] : f32 from vector<1xf32>
      %get3A_1510 = arith.constant 7 : i32
      %get3A_1511 = arith.index_cast %rem3A_778 : i32 to index
      %get3A_1512 = arith.index_cast %get3A_1510 : i32 to index
      %get3A_1513 = arith.constant 0 : index
      %get3A_1514 = tpu.vector_load %arg9[%get3A_1511, %get3A_1512, %get3A_1513] {strides = array<i32>} : memref<8x16x128xf32, #tpu.memory_space<vmem>>, vector<16xf32>,
      %mul3A_1515 = vector.broadcast %squeeze3A_1509 : f32 to vector<16xf32>
      %mul3A_1516 = arith.mulf %get3A_1514, %mul3A_1515 : vector<16xf32>
      %swap3A_1517 = arith.constant 7 : i32
      %swap3A_1518 = arith.index_cast %rem3A_778 : i32 to index
      %swap3A_1519 = arith.index_cast %swap3A_1517 : i32 to index
      %swap3A_1520 = arith.constant 0 : index
      %swap3A_1521 = tpu.vector_load %arg9[%swap3A_1518, %swap3A_1519, %swap3A_1520] {strides = array<i32>} : memref<8x16x128xf32, #tpu.memory_space<vmem>>, vector<16xf32>,
      tpu.vector_store %arg9[%swap3A_1518, %swap3A_1519, %swap3A_1520], %mul3A_1516 {strides = array<i32>} : memref<8x16x128xf32, #tpu.memory_space<vmem>>, vector<16xf32>,
      %get3A_1522 = arith.constant 7 : i32
      %get3A_1523 = arith.index_cast %rem3A_778 : i32 to index
      %get3A_1524 = arith.index_cast %get3A_1522 : i32 to index
      %get3A_1525 = arith.constant 16 : index
      %get3A_1526 = tpu.vector_load %arg9[%get3A_1523, %get3A_1524, %get3A_1525] {strides = array<i32>} : memref<8x16x128xf32, #tpu.memory_space<vmem>>, vector<16xf32>,
      %mul3A_1527 = vector.broadcast %squeeze3A_1509 : f32 to vector<16xf32>
      %mul3A_1528 = arith.mulf %get3A_1526, %mul3A_1527 : vector<16xf32>
      %swap3A_1529 = arith.constant 7 : i32
      %swap3A_1530 = arith.index_cast %rem3A_778 : i32 to index
      %swap3A_1531 = arith.index_cast %swap3A_1529 : i32 to index
      %swap3A_1532 = arith.constant 16 : index
      %swap3A_1533 = tpu.vector_load %arg9[%swap3A_1530, %swap3A_1531, %swap3A_1532] {strides = array<i32>} : memref<8x16x128xf32, #tpu.memory_space<vmem>>, vector<16xf32>,
      tpu.vector_store %arg9[%swap3A_1530, %swap3A_1531, %swap3A_1532], %mul3A_1528 {strides = array<i32>} : memref<8x16x128xf32, #tpu.memory_space<vmem>>, vector<16xf32>,
      %get3A_1534 = arith.constant 7 : i32
      %get3A_1535 = arith.index_cast %rem3A_778 : i32 to index
      %get3A_1536 = arith.index_cast %get3A_1534 : i32 to index
      %get3A_1537 = arith.constant 32 : index
      %get3A_1538 = tpu.vector_load %arg9[%get3A_1535, %get3A_1536, %get3A_1537] {strides = array<i32>} : memref<8x16x128xf32, #tpu.memory_space<vmem>>, vector<16xf32>,
      %mul3A_1539 = vector.broadcast %squeeze3A_1509 : f32 to vector<16xf32>
      %mul3A_1540 = arith.mulf %get3A_1538, %mul3A_1539 : vector<16xf32>
      %swap3A_1541 = arith.constant 7 : i32
      %swap3A_1542 = arith.index_cast %rem3A_778 : i32 to index
      %swap3A_1543 = arith.index_cast %swap3A_1541 : i32 to index
      %swap3A_1544 = arith.constant 32 : index
      %swap3A_1545 = tpu.vector_load %arg9[%swap3A_1542, %swap3A_1543, %swap3A_1544] {strides = array<i32>} : memref<8x16x128xf32, #tpu.memory_space<vmem>>, vector<16xf32>,
      tpu.vector_store %arg9[%swap3A_1542, %swap3A_1543, %swap3A_1544], %mul3A_1540 {strides = array<i32>} : memref<8x16x128xf32, #tpu.memory_space<vmem>>, vector<16xf32>,
      %get3A_1546 = arith.constant 7 : i32
      %get3A_1547 = arith.index_cast %rem3A_778 : i32 to index
      %get3A_1548 = arith.index_cast %get3A_1546 : i32 to index
      %get3A_1549 = arith.constant 48 : index
      %get3A_1550 = tpu.vector_load %arg9[%get3A_1547, %get3A_1548, %get3A_1549] {strides = array<i32>} : memref<8x16x128xf32, #tpu.memory_space<vmem>>, vector<16xf32>,
      %mul3A_1551 = vector.broadcast %squeeze3A_1509 : f32 to vector<16xf32>
      %mul3A_1552 = arith.mulf %get3A_1550, %mul3A_1551 : vector<16xf32>
      %swap3A_1553 = arith.constant 7 : i32
      %swap3A_1554 = arith.index_cast %rem3A_778 : i32 to index
      %swap3A_1555 = arith.index_cast %swap3A_1553 : i32 to index
      %swap3A_1556 = arith.constant 48 : index
      %swap3A_1557 = tpu.vector_load %arg9[%swap3A_1554, %swap3A_1555, %swap3A_1556] {strides = array<i32>} : memref<8x16x128xf32, #tpu.memory_space<vmem>>, vector<16xf32>,
      tpu.vector_store %arg9[%swap3A_1554, %swap3A_1555, %swap3A_1556], %mul3A_1552 {strides = array<i32>} : memref<8x16x128xf32, #tpu.memory_space<vmem>>, vector<16xf32>,
      %get3A_1558 = arith.constant 7 : i32
      %get3A_1559 = arith.index_cast %rem3A_778 : i32 to index
      %get3A_1560 = arith.index_cast %get3A_1558 : i32 to index
      %get3A_1561 = arith.constant 64 : index
      %get3A_1562 = tpu.vector_load %arg9[%get3A_1559, %get3A_1560, %get3A_1561] {strides = array<i32>} : memref<8x16x128xf32, #tpu.memory_space<vmem>>, vector<16xf32>,
      %mul3A_1563 = vector.broadcast %squeeze3A_1509 : f32 to vector<16xf32>
      %mul3A_1564 = arith.mulf %get3A_1562, %mul3A_1563 : vector<16xf32>
      %swap3A_1565 = arith.constant 7 : i32
      %swap3A_1566 = arith.index_cast %rem3A_778 : i32 to index
      %swap3A_1567 = arith.index_cast %swap3A_1565 : i32 to index
      %swap3A_1568 = arith.constant 64 : index
      %swap3A_1569 = tpu.vector_load %arg9[%swap3A_1566, %swap3A_1567, %swap3A_1568] {strides = array<i32>} : memref<8x16x128xf32, #tpu.memory_space<vmem>>, vector<16xf32>,
      tpu.vector_store %arg9[%swap3A_1566, %swap3A_1567, %swap3A_1568], %mul3A_1564 {strides = array<i32>} : memref<8x16x128xf32, #tpu.memory_space<vmem>>, vector<16xf32>,
      %get3A_1570 = arith.constant 7 : i32
      %get3A_1571 = arith.index_cast %rem3A_778 : i32 to index
      %get3A_1572 = arith.index_cast %get3A_1570 : i32 to index
      %get3A_1573 = arith.constant 80 : index
      %get3A_1574 = tpu.vector_load %arg9[%get3A_1571, %get3A_1572, %get3A_1573] {strides = array<i32>} : memref<8x16x128xf32, #tpu.memory_space<vmem>>, vector<16xf32>,
      %mul3A_1575 = vector.broadcast %squeeze3A_1509 : f32 to vector<16xf32>
      %mul3A_1576 = arith.mulf %get3A_1574, %mul3A_1575 : vector<16xf32>
      %swap3A_1577 = arith.constant 7 : i32
      %swap3A_1578 = arith.index_cast %rem3A_778 : i32 to index
      %swap3A_1579 = arith.index_cast %swap3A_1577 : i32 to index
      %swap3A_1580 = arith.constant 80 : index
      %swap3A_1581 = tpu.vector_load %arg9[%swap3A_1578, %swap3A_1579, %swap3A_1580] {strides = array<i32>} : memref<8x16x128xf32, #tpu.memory_space<vmem>>, vector<16xf32>,
      tpu.vector_store %arg9[%swap3A_1578, %swap3A_1579, %swap3A_1580], %mul3A_1576 {strides = array<i32>} : memref<8x16x128xf32, #tpu.memory_space<vmem>>, vector<16xf32>,
      %get3A_1582 = arith.constant 7 : i32
      %get3A_1583 = arith.index_cast %rem3A_778 : i32 to index
      %get3A_1584 = arith.index_cast %get3A_1582 : i32 to index
      %get3A_1585 = arith.constant 96 : index
      %get3A_1586 = tpu.vector_load %arg9[%get3A_1583, %get3A_1584, %get3A_1585] {strides = array<i32>} : memref<8x16x128xf32, #tpu.memory_space<vmem>>, vector<16xf32>,
      %mul3A_1587 = vector.broadcast %squeeze3A_1509 : f32 to vector<16xf32>
      %mul3A_1588 = arith.mulf %get3A_1586, %mul3A_1587 : vector<16xf32>
      %swap3A_1589 = arith.constant 7 : i32
      %swap3A_1590 = arith.index_cast %rem3A_778 : i32 to index
      %swap3A_1591 = arith.index_cast %swap3A_1589 : i32 to index
      %swap3A_1592 = arith.constant 96 : index
      %swap3A_1593 = tpu.vector_load %arg9[%swap3A_1590, %swap3A_1591, %swap3A_1592] {strides = array<i32>} : memref<8x16x128xf32, #tpu.memory_space<vmem>>, vector<16xf32>,
      tpu.vector_store %arg9[%swap3A_1590, %swap3A_1591, %swap3A_1592], %mul3A_1588 {strides = array<i32>} : memref<8x16x128xf32, #tpu.memory_space<vmem>>, vector<16xf32>,
      %get3A_1594 = arith.constant 7 : i32
      %get3A_1595 = arith.index_cast %rem3A_778 : i32 to index
      %get3A_1596 = arith.index_cast %get3A_1594 : i32 to index
      %get3A_1597 = arith.constant 112 : index
      %get3A_1598 = tpu.vector_load %arg9[%get3A_1595, %get3A_1596, %get3A_1597] {strides = array<i32>} : memref<8x16x128xf32, #tpu.memory_space<vmem>>, vector<16xf32>,
      %mul3A_1599 = vector.broadcast %squeeze3A_1509 : f32 to vector<16xf32>
      %mul3A_1600 = arith.mulf %get3A_1598, %mul3A_1599 : vector<16xf32>
      %swap3A_1601 = arith.constant 7 : i32
      %swap3A_1602 = arith.index_cast %rem3A_778 : i32 to index
      %swap3A_1603 = arith.index_cast %swap3A_1601 : i32 to index
      %swap3A_1604 = arith.constant 112 : index
      %swap3A_1605 = tpu.vector_load %arg9[%swap3A_1602, %swap3A_1603, %swap3A_1604] {strides = array<i32>} : memref<8x16x128xf32, #tpu.memory_space<vmem>>, vector<16xf32>,
      tpu.vector_store %arg9[%swap3A_1602, %swap3A_1603, %swap3A_1604], %mul3A_1600 {strides = array<i32>} : memref<8x16x128xf32, #tpu.memory_space<vmem>>, vector<16xf32>,
      %slice3A_1606 = vector.extract_strided_slice %select_n3A_820 {offsets = [8], sizes = [1], strides = [1]} : vector<16xf32> to vector<1xf32>
      %squeeze3A_1607 = vector.extract %slice3A_1606[0] : f32 from vector<1xf32>
      %get3A_1608 = arith.constant 8 : i32
      %get3A_1609 = arith.index_cast %rem3A_778 : i32 to index
      %get3A_1610 = arith.index_cast %get3A_1608 : i32 to index
      %get3A_1611 = arith.constant 0 : index
      %get3A_1612 = tpu.vector_load %arg9[%get3A_1609, %get3A_1610, %get3A_1611] {strides = array<i32>} : memref<8x16x128xf32, #tpu.memory_space<vmem>>, vector<16xf32>,
      %mul3A_1613 = vector.broadcast %squeeze3A_1607 : f32 to vector<16xf32>
      %mul3A_1614 = arith.mulf %get3A_1612, %mul3A_1613 : vector<16xf32>
      %swap3A_1615 = arith.constant 8 : i32
      %swap3A_1616 = arith.index_cast %rem3A_778 : i32 to index
      %swap3A_1617 = arith.index_cast %swap3A_1615 : i32 to index
      %swap3A_1618 = arith.constant 0 : index
      %swap3A_1619 = tpu.vector_load %arg9[%swap3A_1616, %swap3A_1617, %swap3A_1618] {strides = array<i32>} : memref<8x16x128xf32, #tpu.memory_space<vmem>>, vector<16xf32>,
      tpu.vector_store %arg9[%swap3A_1616, %swap3A_1617, %swap3A_1618], %mul3A_1614 {strides = array<i32>} : memref<8x16x128xf32, #tpu.memory_space<vmem>>, vector<16xf32>,
      %get3A_1620 = arith.constant 8 : i32
      %get3A_1621 = arith.index_cast %rem3A_778 : i32 to index
      %get3A_1622 = arith.index_cast %get3A_1620 : i32 to index
      %get3A_1623 = arith.constant 16 : index
      %get3A_1624 = tpu.vector_load %arg9[%get3A_1621, %get3A_1622, %get3A_1623] {strides = array<i32>} : memref<8x16x128xf32, #tpu.memory_space<vmem>>, vector<16xf32>,
      %mul3A_1625 = vector.broadcast %squeeze3A_1607 : f32 to vector<16xf32>
      %mul3A_1626 = arith.mulf %get3A_1624, %mul3A_1625 : vector<16xf32>
      %swap3A_1627 = arith.constant 8 : i32
      %swap3A_1628 = arith.index_cast %rem3A_778 : i32 to index
      %swap3A_1629 = arith.index_cast %swap3A_1627 : i32 to index
      %swap3A_1630 = arith.constant 16 : index
      %swap3A_1631 = tpu.vector_load %arg9[%swap3A_1628, %swap3A_1629, %swap3A_1630] {strides = array<i32>} : memref<8x16x128xf32, #tpu.memory_space<vmem>>, vector<16xf32>,
      tpu.vector_store %arg9[%swap3A_1628, %swap3A_1629, %swap3A_1630], %mul3A_1626 {strides = array<i32>} : memref<8x16x128xf32, #tpu.memory_space<vmem>>, vector<16xf32>,
      %get3A_1632 = arith.constant 8 : i32
      %get3A_1633 = arith.index_cast %rem3A_778 : i32 to index
      %get3A_1634 = arith.index_cast %get3A_1632 : i32 to index
      %get3A_1635 = arith.constant 32 : index
      %get3A_1636 = tpu.vector_load %arg9[%get3A_1633, %get3A_1634, %get3A_1635] {strides = array<i32>} : memref<8x16x128xf32, #tpu.memory_space<vmem>>, vector<16xf32>,
      %mul3A_1637 = vector.broadcast %squeeze3A_1607 : f32 to vector<16xf32>
      %mul3A_1638 = arith.mulf %get3A_1636, %mul3A_1637 : vector<16xf32>
      %swap3A_1639 = arith.constant 8 : i32
      %swap3A_1640 = arith.index_cast %rem3A_778 : i32 to index
      %swap3A_1641 = arith.index_cast %swap3A_1639 : i32 to index
      %swap3A_1642 = arith.constant 32 : index
      %swap3A_1643 = tpu.vector_load %arg9[%swap3A_1640, %swap3A_1641, %swap3A_1642] {strides = array<i32>} : memref<8x16x128xf32, #tpu.memory_space<vmem>>, vector<16xf32>,
      tpu.vector_store %arg9[%swap3A_1640, %swap3A_1641, %swap3A_1642], %mul3A_1638 {strides = array<i32>} : memref<8x16x128xf32, #tpu.memory_space<vmem>>, vector<16xf32>,
      %get3A_1644 = arith.constant 8 : i32
      %get3A_1645 = arith.index_cast %rem3A_778 : i32 to index
      %get3A_1646 = arith.index_cast %get3A_1644 : i32 to index
      %get3A_1647 = arith.constant 48 : index
      %get3A_1648 = tpu.vector_load %arg9[%get3A_1645, %get3A_1646, %get3A_1647] {strides = array<i32>} : memref<8x16x128xf32, #tpu.memory_space<vmem>>, vector<16xf32>,
      %mul3A_1649 = vector.broadcast %squeeze3A_1607 : f32 to vector<16xf32>
      %mul3A_1650 = arith.mulf %get3A_1648, %mul3A_1649 : vector<16xf32>
      %swap3A_1651 = arith.constant 8 : i32
      %swap3A_1652 = arith.index_cast %rem3A_778 : i32 to index
      %swap3A_1653 = arith.index_cast %swap3A_1651 : i32 to index
      %swap3A_1654 = arith.constant 48 : index
      %swap3A_1655 = tpu.vector_load %arg9[%swap3A_1652, %swap3A_1653, %swap3A_1654] {strides = array<i32>} : memref<8x16x128xf32, #tpu.memory_space<vmem>>, vector<16xf32>,
      tpu.vector_store %arg9[%swap3A_1652, %swap3A_1653, %swap3A_1654], %mul3A_1650 {strides = array<i32>} : memref<8x16x128xf32, #tpu.memory_space<vmem>>, vector<16xf32>,
      %get3A_1656 = arith.constant 8 : i32
      %get3A_1657 = arith.index_cast %rem3A_778 : i32 to index
      %get3A_1658 = arith.index_cast %get3A_1656 : i32 to index
      %get3A_1659 = arith.constant 64 : index
      %get3A_1660 = tpu.vector_load %arg9[%get3A_1657, %get3A_1658, %get3A_1659] {strides = array<i32>} : memref<8x16x128xf32, #tpu.memory_space<vmem>>, vector<16xf32>,
      %mul3A_1661 = vector.broadcast %squeeze3A_1607 : f32 to vector<16xf32>
      %mul3A_1662 = arith.mulf %get3A_1660, %mul3A_1661 : vector<16xf32>
      %swap3A_1663 = arith.constant 8 : i32
      %swap3A_1664 = arith.index_cast %rem3A_778 : i32 to index
      %swap3A_1665 = arith.index_cast %swap3A_1663 : i32 to index
      %swap3A_1666 = arith.constant 64 : index
      %swap3A_1667 = tpu.vector_load %arg9[%swap3A_1664, %swap3A_1665, %swap3A_1666] {strides = array<i32>} : memref<8x16x128xf32, #tpu.memory_space<vmem>>, vector<16xf32>,
      tpu.vector_store %arg9[%swap3A_1664, %swap3A_1665, %swap3A_1666], %mul3A_1662 {strides = array<i32>} : memref<8x16x128xf32, #tpu.memory_space<vmem>>, vector<16xf32>,
      %get3A_1668 = arith.constant 8 : i32
      %get3A_1669 = arith.index_cast %rem3A_778 : i32 to index
      %get3A_1670 = arith.index_cast %get3A_1668 : i32 to index
      %get3A_1671 = arith.constant 80 : index
      %get3A_1672 = tpu.vector_load %arg9[%get3A_1669, %get3A_1670, %get3A_1671] {strides = array<i32>} : memref<8x16x128xf32, #tpu.memory_space<vmem>>, vector<16xf32>,
      %mul3A_1673 = vector.broadcast %squeeze3A_1607 : f32 to vector<16xf32>
      %mul3A_1674 = arith.mulf %get3A_1672, %mul3A_1673 : vector<16xf32>
      %swap3A_1675 = arith.constant 8 : i32
      %swap3A_1676 = arith.index_cast %rem3A_778 : i32 to index
      %swap3A_1677 = arith.index_cast %swap3A_1675 : i32 to index
      %swap3A_1678 = arith.constant 80 : index
      %swap3A_1679 = tpu.vector_load %arg9[%swap3A_1676, %swap3A_1677, %swap3A_1678] {strides = array<i32>} : memref<8x16x128xf32, #tpu.memory_space<vmem>>, vector<16xf32>,
      tpu.vector_store %arg9[%swap3A_1676, %swap3A_1677, %swap3A_1678], %mul3A_1674 {strides = array<i32>} : memref<8x16x128xf32, #tpu.memory_space<vmem>>, vector<16xf32>,
      %get3A_1680 = arith.constant 8 : i32
      %get3A_1681 = arith.index_cast %rem3A_778 : i32 to index
      %get3A_1682 = arith.index_cast %get3A_1680 : i32 to index
      %get3A_1683 = arith.constant 96 : index
      %get3A_1684 = tpu.vector_load %arg9[%get3A_1681, %get3A_1682, %get3A_1683] {strides = array<i32>} : memref<8x16x128xf32, #tpu.memory_space<vmem>>, vector<16xf32>,
      %mul3A_1685 = vector.broadcast %squeeze3A_1607 : f32 to vector<16xf32>
      %mul3A_1686 = arith.mulf %get3A_1684, %mul3A_1685 : vector<16xf32>
      %swap3A_1687 = arith.constant 8 : i32
      %swap3A_1688 = arith.index_cast %rem3A_778 : i32 to index
      %swap3A_1689 = arith.index_cast %swap3A_1687 : i32 to index
      %swap3A_1690 = arith.constant 96 : index
      %swap3A_1691 = tpu.vector_load %arg9[%swap3A_1688, %swap3A_1689, %swap3A_1690] {strides = array<i32>} : memref<8x16x128xf32, #tpu.memory_space<vmem>>, vector<16xf32>,
      tpu.vector_store %arg9[%swap3A_1688, %swap3A_1689, %swap3A_1690], %mul3A_1686 {strides = array<i32>} : memref<8x16x128xf32, #tpu.memory_space<vmem>>, vector<16xf32>,
      %get3A_1692 = arith.constant 8 : i32
      %get3A_1693 = arith.index_cast %rem3A_778 : i32 to index
      %get3A_1694 = arith.index_cast %get3A_1692 : i32 to index
      %get3A_1695 = arith.constant 112 : index
      %get3A_1696 = tpu.vector_load %arg9[%get3A_1693, %get3A_1694, %get3A_1695] {strides = array<i32>} : memref<8x16x128xf32, #tpu.memory_space<vmem>>, vector<16xf32>,
      %mul3A_1697 = vector.broadcast %squeeze3A_1607 : f32 to vector<16xf32>
      %mul3A_1698 = arith.mulf %get3A_1696, %mul3A_1697 : vector<16xf32>
      %swap3A_1699 = arith.constant 8 : i32
      %swap3A_1700 = arith.index_cast %rem3A_778 : i32 to index
      %swap3A_1701 = arith.index_cast %swap3A_1699 : i32 to index
      %swap3A_1702 = arith.constant 112 : index
      %swap3A_1703 = tpu.vector_load %arg9[%swap3A_1700, %swap3A_1701, %swap3A_1702] {strides = array<i32>} : memref<8x16x128xf32, #tpu.memory_space<vmem>>, vector<16xf32>,
      tpu.vector_store %arg9[%swap3A_1700, %swap3A_1701, %swap3A_1702], %mul3A_1698 {strides = array<i32>} : memref<8x16x128xf32, #tpu.memory_space<vmem>>, vector<16xf32>,
      %slice3A_1704 = vector.extract_strided_slice %select_n3A_820 {offsets = [9], sizes = [1], strides = [1]} : vector<16xf32> to vector<1xf32>
      %squeeze3A_1705 = vector.extract %slice3A_1704[0] : f32 from vector<1xf32>
      %get3A_1706 = arith.constant 9 : i32
      %get3A_1707 = arith.index_cast %rem3A_778 : i32 to index
      %get3A_1708 = arith.index_cast %get3A_1706 : i32 to index
      %get3A_1709 = arith.constant 0 : index
      %get3A_1710 = tpu.vector_load %arg9[%get3A_1707, %get3A_1708, %get3A_1709] {strides = array<i32>} : memref<8x16x128xf32, #tpu.memory_space<vmem>>, vector<16xf32>,
      %mul3A_1711 = vector.broadcast %squeeze3A_1705 : f32 to vector<16xf32>
      %mul3A_1712 = arith.mulf %get3A_1710, %mul3A_1711 : vector<16xf32>
      %swap3A_1713 = arith.constant 9 : i32
      %swap3A_1714 = arith.index_cast %rem3A_778 : i32 to index
      %swap3A_1715 = arith.index_cast %swap3A_1713 : i32 to index
      %swap3A_1716 = arith.constant 0 : index
      %swap3A_1717 = tpu.vector_load %arg9[%swap3A_1714, %swap3A_1715, %swap3A_1716] {strides = array<i32>} : memref<8x16x128xf32, #tpu.memory_space<vmem>>, vector<16xf32>,
      tpu.vector_store %arg9[%swap3A_1714, %swap3A_1715, %swap3A_1716], %mul3A_1712 {strides = array<i32>} : memref<8x16x128xf32, #tpu.memory_space<vmem>>, vector<16xf32>,
      %get3A_1718 = arith.constant 9 : i32
      %get3A_1719 = arith.index_cast %rem3A_778 : i32 to index
      %get3A_1720 = arith.index_cast %get3A_1718 : i32 to index
      %get3A_1721 = arith.constant 16 : index
      %get3A_1722 = tpu.vector_load %arg9[%get3A_1719, %get3A_1720, %get3A_1721] {strides = array<i32>} : memref<8x16x128xf32, #tpu.memory_space<vmem>>, vector<16xf32>,
      %mul3A_1723 = vector.broadcast %squeeze3A_1705 : f32 to vector<16xf32>
      %mul3A_1724 = arith.mulf %get3A_1722, %mul3A_1723 : vector<16xf32>
      %swap3A_1725 = arith.constant 9 : i32
      %swap3A_1726 = arith.index_cast %rem3A_778 : i32 to index
      %swap3A_1727 = arith.index_cast %swap3A_1725 : i32 to index
      %swap3A_1728 = arith.constant 16 : index
      %swap3A_1729 = tpu.vector_load %arg9[%swap3A_1726, %swap3A_1727, %swap3A_1728] {strides = array<i32>} : memref<8x16x128xf32, #tpu.memory_space<vmem>>, vector<16xf32>,
      tpu.vector_store %arg9[%swap3A_1726, %swap3A_1727, %swap3A_1728], %mul3A_1724 {strides = array<i32>} : memref<8x16x128xf32, #tpu.memory_space<vmem>>, vector<16xf32>,
      %get3A_1730 = arith.constant 9 : i32
      %get3A_1731 = arith.index_cast %rem3A_778 : i32 to index
      %get3A_1732 = arith.index_cast %get3A_1730 : i32 to index
      %get3A_1733 = arith.constant 32 : index
      %get3A_1734 = tpu.vector_load %arg9[%get3A_1731, %get3A_1732, %get3A_1733] {strides = array<i32>} : memref<8x16x128xf32, #tpu.memory_space<vmem>>, vector<16xf32>,
      %mul3A_1735 = vector.broadcast %squeeze3A_1705 : f32 to vector<16xf32>
      %mul3A_1736 = arith.mulf %get3A_1734, %mul3A_1735 : vector<16xf32>
      %swap3A_1737 = arith.constant 9 : i32
      %swap3A_1738 = arith.index_cast %rem3A_778 : i32 to index
      %swap3A_1739 = arith.index_cast %swap3A_1737 : i32 to index
      %swap3A_1740 = arith.constant 32 : index
      %swap3A_1741 = tpu.vector_load %arg9[%swap3A_1738, %swap3A_1739, %swap3A_1740] {strides = array<i32>} : memref<8x16x128xf32, #tpu.memory_space<vmem>>, vector<16xf32>,
      tpu.vector_store %arg9[%swap3A_1738, %swap3A_1739, %swap3A_1740], %mul3A_1736 {strides = array<i32>} : memref<8x16x128xf32, #tpu.memory_space<vmem>>, vector<16xf32>,
      %get3A_1742 = arith.constant 9 : i32
      %get3A_1743 = arith.index_cast %rem3A_778 : i32 to index
      %get3A_1744 = arith.index_cast %get3A_1742 : i32 to index
      %get3A_1745 = arith.constant 48 : index
      %get3A_1746 = tpu.vector_load %arg9[%get3A_1743, %get3A_1744, %get3A_1745] {strides = array<i32>} : memref<8x16x128xf32, #tpu.memory_space<vmem>>, vector<16xf32>,
      %mul3A_1747 = vector.broadcast %squeeze3A_1705 : f32 to vector<16xf32>
      %mul3A_1748 = arith.mulf %get3A_1746, %mul3A_1747 : vector<16xf32>
      %swap3A_1749 = arith.constant 9 : i32
      %swap3A_1750 = arith.index_cast %rem3A_778 : i32 to index
      %swap3A_1751 = arith.index_cast %swap3A_1749 : i32 to index
      %swap3A_1752 = arith.constant 48 : index
      %swap3A_1753 = tpu.vector_load %arg9[%swap3A_1750, %swap3A_1751, %swap3A_1752] {strides = array<i32>} : memref<8x16x128xf32, #tpu.memory_space<vmem>>, vector<16xf32>,
      tpu.vector_store %arg9[%swap3A_1750, %swap3A_1751, %swap3A_1752], %mul3A_1748 {strides = array<i32>} : memref<8x16x128xf32, #tpu.memory_space<vmem>>, vector<16xf32>,
      %get3A_1754 = arith.constant 9 : i32
      %get3A_1755 = arith.index_cast %rem3A_778 : i32 to index
      %get3A_1756 = arith.index_cast %get3A_1754 : i32 to index
      %get3A_1757 = arith.constant 64 : index
      %get3A_1758 = tpu.vector_load %arg9[%get3A_1755, %get3A_1756, %get3A_1757] {strides = array<i32>} : memref<8x16x128xf32, #tpu.memory_space<vmem>>, vector<16xf32>,
      %mul3A_1759 = vector.broadcast %squeeze3A_1705 : f32 to vector<16xf32>
      %mul3A_1760 = arith.mulf %get3A_1758, %mul3A_1759 : vector<16xf32>
      %swap3A_1761 = arith.constant 9 : i32
      %swap3A_1762 = arith.index_cast %rem3A_778 : i32 to index
      %swap3A_1763 = arith.index_cast %swap3A_1761 : i32 to index
      %swap3A_1764 = arith.constant 64 : index
      %swap3A_1765 = tpu.vector_load %arg9[%swap3A_1762, %swap3A_1763, %swap3A_1764] {strides = array<i32>} : memref<8x16x128xf32, #tpu.memory_space<vmem>>, vector<16xf32>,
      tpu.vector_store %arg9[%swap3A_1762, %swap3A_1763, %swap3A_1764], %mul3A_1760 {strides = array<i32>} : memref<8x16x128xf32, #tpu.memory_space<vmem>>, vector<16xf32>,
      %get3A_1766 = arith.constant 9 : i32
      %get3A_1767 = arith.index_cast %rem3A_778 : i32 to index
      %get3A_1768 = arith.index_cast %get3A_1766 : i32 to index
      %get3A_1769 = arith.constant 80 : index
      %get3A_1770 = tpu.vector_load %arg9[%get3A_1767, %get3A_1768, %get3A_1769] {strides = array<i32>} : memref<8x16x128xf32, #tpu.memory_space<vmem>>, vector<16xf32>,
      %mul3A_1771 = vector.broadcast %squeeze3A_1705 : f32 to vector<16xf32>
      %mul3A_1772 = arith.mulf %get3A_1770, %mul3A_1771 : vector<16xf32>
      %swap3A_1773 = arith.constant 9 : i32
      %swap3A_1774 = arith.index_cast %rem3A_778 : i32 to index
      %swap3A_1775 = arith.index_cast %swap3A_1773 : i32 to index
      %swap3A_1776 = arith.constant 80 : index
      %swap3A_1777 = tpu.vector_load %arg9[%swap3A_1774, %swap3A_1775, %swap3A_1776] {strides = array<i32>} : memref<8x16x128xf32, #tpu.memory_space<vmem>>, vector<16xf32>,
      tpu.vector_store %arg9[%swap3A_1774, %swap3A_1775, %swap3A_1776], %mul3A_1772 {strides = array<i32>} : memref<8x16x128xf32, #tpu.memory_space<vmem>>, vector<16xf32>,
      %get3A_1778 = arith.constant 9 : i32
      %get3A_1779 = arith.index_cast %rem3A_778 : i32 to index
      %get3A_1780 = arith.index_cast %get3A_1778 : i32 to index
      %get3A_1781 = arith.constant 96 : index
      %get3A_1782 = tpu.vector_load %arg9[%get3A_1779, %get3A_1780, %get3A_1781] {strides = array<i32>} : memref<8x16x128xf32, #tpu.memory_space<vmem>>, vector<16xf32>,
      %mul3A_1783 = vector.broadcast %squeeze3A_1705 : f32 to vector<16xf32>
      %mul3A_1784 = arith.mulf %get3A_1782, %mul3A_1783 : vector<16xf32>
      %swap3A_1785 = arith.constant 9 : i32
      %swap3A_1786 = arith.index_cast %rem3A_778 : i32 to index
      %swap3A_1787 = arith.index_cast %swap3A_1785 : i32 to index
      %swap3A_1788 = arith.constant 96 : index
      %swap3A_1789 = tpu.vector_load %arg9[%swap3A_1786, %swap3A_1787, %swap3A_1788] {strides = array<i32>} : memref<8x16x128xf32, #tpu.memory_space<vmem>>, vector<16xf32>,
      tpu.vector_store %arg9[%swap3A_1786, %swap3A_1787, %swap3A_1788], %mul3A_1784 {strides = array<i32>} : memref<8x16x128xf32, #tpu.memory_space<vmem>>, vector<16xf32>,
      %get3A_1790 = arith.constant 9 : i32
      %get3A_1791 = arith.index_cast %rem3A_778 : i32 to index
      %get3A_1792 = arith.index_cast %get3A_1790 : i32 to index
      %get3A_1793 = arith.constant 112 : index
      %get3A_1794 = tpu.vector_load %arg9[%get3A_1791, %get3A_1792, %get3A_1793] {strides = array<i32>} : memref<8x16x128xf32, #tpu.memory_space<vmem>>, vector<16xf32>,
      %mul3A_1795 = vector.broadcast %squeeze3A_1705 : f32 to vector<16xf32>
      %mul3A_1796 = arith.mulf %get3A_1794, %mul3A_1795 : vector<16xf32>
      %swap3A_1797 = arith.constant 9 : i32
      %swap3A_1798 = arith.index_cast %rem3A_778 : i32 to index
      %swap3A_1799 = arith.index_cast %swap3A_1797 : i32 to index
      %swap3A_1800 = arith.constant 112 : index
      %swap3A_1801 = tpu.vector_load %arg9[%swap3A_1798, %swap3A_1799, %swap3A_1800] {strides = array<i32>} : memref<8x16x128xf32, #tpu.memory_space<vmem>>, vector<16xf32>,
      tpu.vector_store %arg9[%swap3A_1798, %swap3A_1799, %swap3A_1800], %mul3A_1796 {strides = array<i32>} : memref<8x16x128xf32, #tpu.memory_space<vmem>>, vector<16xf32>,
      %slice3A_1802 = vector.extract_strided_slice %select_n3A_820 {offsets = [10], sizes = [1], strides = [1]} : vector<16xf32> to vector<1xf32>
      %squeeze3A_1803 = vector.extract %slice3A_1802[0] : f32 from vector<1xf32>
      %get3A_1804 = arith.constant 10 : i32
      %get3A_1805 = arith.index_cast %rem3A_778 : i32 to index
      %get3A_1806 = arith.index_cast %get3A_1804 : i32 to index
      %get3A_1807 = arith.constant 0 : index
      %get3A_1808 = tpu.vector_load %arg9[%get3A_1805, %get3A_1806, %get3A_1807] {strides = array<i32>} : memref<8x16x128xf32, #tpu.memory_space<vmem>>, vector<16xf32>,
      %mul3A_1809 = vector.broadcast %squeeze3A_1803 : f32 to vector<16xf32>
      %mul3A_1810 = arith.mulf %get3A_1808, %mul3A_1809 : vector<16xf32>
      %swap3A_1811 = arith.constant 10 : i32
      %swap3A_1812 = arith.index_cast %rem3A_778 : i32 to index
      %swap3A_1813 = arith.index_cast %swap3A_1811 : i32 to index
      %swap3A_1814 = arith.constant 0 : index
      %swap3A_1815 = tpu.vector_load %arg9[%swap3A_1812, %swap3A_1813, %swap3A_1814] {strides = array<i32>} : memref<8x16x128xf32, #tpu.memory_space<vmem>>, vector<16xf32>,
      tpu.vector_store %arg9[%swap3A_1812, %swap3A_1813, %swap3A_1814], %mul3A_1810 {strides = array<i32>} : memref<8x16x128xf32, #tpu.memory_space<vmem>>, vector<16xf32>,
      %get3A_1816 = arith.constant 10 : i32
      %get3A_1817 = arith.index_cast %rem3A_778 : i32 to index
      %get3A_1818 = arith.index_cast %get3A_1816 : i32 to index
      %get3A_1819 = arith.constant 16 : index
      %get3A_1820 = tpu.vector_load %arg9[%get3A_1817, %get3A_1818, %get3A_1819] {strides = array<i32>} : memref<8x16x128xf32, #tpu.memory_space<vmem>>, vector<16xf32>,
      %mul3A_1821 = vector.broadcast %squeeze3A_1803 : f32 to vector<16xf32>
      %mul3A_1822 = arith.mulf %get3A_1820, %mul3A_1821 : vector<16xf32>
      %swap3A_1823 = arith.constant 10 : i32
      %swap3A_1824 = arith.index_cast %rem3A_778 : i32 to index
      %swap3A_1825 = arith.index_cast %swap3A_1823 : i32 to index
      %swap3A_1826 = arith.constant 16 : index
      %swap3A_1827 = tpu.vector_load %arg9[%swap3A_1824, %swap3A_1825, %swap3A_1826] {strides = array<i32>} : memref<8x16x128xf32, #tpu.memory_space<vmem>>, vector<16xf32>,
      tpu.vector_store %arg9[%swap3A_1824, %swap3A_1825, %swap3A_1826], %mul3A_1822 {strides = array<i32>} : memref<8x16x128xf32, #tpu.memory_space<vmem>>, vector<16xf32>,
      %get3A_1828 = arith.constant 10 : i32
      %get3A_1829 = arith.index_cast %rem3A_778 : i32 to index
      %get3A_1830 = arith.index_cast %get3A_1828 : i32 to index
      %get3A_1831 = arith.constant 32 : index
      %get3A_1832 = tpu.vector_load %arg9[%get3A_1829, %get3A_1830, %get3A_1831] {strides = array<i32>} : memref<8x16x128xf32, #tpu.memory_space<vmem>>, vector<16xf32>,
      %mul3A_1833 = vector.broadcast %squeeze3A_1803 : f32 to vector<16xf32>
      %mul3A_1834 = arith.mulf %get3A_1832, %mul3A_1833 : vector<16xf32>
      %swap3A_1835 = arith.constant 10 : i32
      %swap3A_1836 = arith.index_cast %rem3A_778 : i32 to index
      %swap3A_1837 = arith.index_cast %swap3A_1835 : i32 to index
      %swap3A_1838 = arith.constant 32 : index
      %swap3A_1839 = tpu.vector_load %arg9[%swap3A_1836, %swap3A_1837, %swap3A_1838] {strides = array<i32>} : memref<8x16x128xf32, #tpu.memory_space<vmem>>, vector<16xf32>,
      tpu.vector_store %arg9[%swap3A_1836, %swap3A_1837, %swap3A_1838], %mul3A_1834 {strides = array<i32>} : memref<8x16x128xf32, #tpu.memory_space<vmem>>, vector<16xf32>,
      %get3A_1840 = arith.constant 10 : i32
      %get3A_1841 = arith.index_cast %rem3A_778 : i32 to index
      %get3A_1842 = arith.index_cast %get3A_1840 : i32 to index
      %get3A_1843 = arith.constant 48 : index
      %get3A_1844 = tpu.vector_load %arg9[%get3A_1841, %get3A_1842, %get3A_1843] {strides = array<i32>} : memref<8x16x128xf32, #tpu.memory_space<vmem>>, vector<16xf32>,
      %mul3A_1845 = vector.broadcast %squeeze3A_1803 : f32 to vector<16xf32>
      %mul3A_1846 = arith.mulf %get3A_1844, %mul3A_1845 : vector<16xf32>
      %swap3A_1847 = arith.constant 10 : i32
      %swap3A_1848 = arith.index_cast %rem3A_778 : i32 to index
      %swap3A_1849 = arith.index_cast %swap3A_1847 : i32 to index
      %swap3A_1850 = arith.constant 48 : index
      %swap3A_1851 = tpu.vector_load %arg9[%swap3A_1848, %swap3A_1849, %swap3A_1850] {strides = array<i32>} : memref<8x16x128xf32, #tpu.memory_space<vmem>>, vector<16xf32>,
      tpu.vector_store %arg9[%swap3A_1848, %swap3A_1849, %swap3A_1850], %mul3A_1846 {strides = array<i32>} : memref<8x16x128xf32, #tpu.memory_space<vmem>>, vector<16xf32>,
      %get3A_1852 = arith.constant 10 : i32
      %get3A_1853 = arith.index_cast %rem3A_778 : i32 to index
      %get3A_1854 = arith.index_cast %get3A_1852 : i32 to index
      %get3A_1855 = arith.constant 64 : index
      %get3A_1856 = tpu.vector_load %arg9[%get3A_1853, %get3A_1854, %get3A_1855] {strides = array<i32>} : memref<8x16x128xf32, #tpu.memory_space<vmem>>, vector<16xf32>,
      %mul3A_1857 = vector.broadcast %squeeze3A_1803 : f32 to vector<16xf32>
      %mul3A_1858 = arith.mulf %get3A_1856, %mul3A_1857 : vector<16xf32>
      %swap3A_1859 = arith.constant 10 : i32
      %swap3A_1860 = arith.index_cast %rem3A_778 : i32 to index
      %swap3A_1861 = arith.index_cast %swap3A_1859 : i32 to index
      %swap3A_1862 = arith.constant 64 : index
      %swap3A_1863 = tpu.vector_load %arg9[%swap3A_1860, %swap3A_1861, %swap3A_1862] {strides = array<i32>} : memref<8x16x128xf32, #tpu.memory_space<vmem>>, vector<16xf32>,
      tpu.vector_store %arg9[%swap3A_1860, %swap3A_1861, %swap3A_1862], %mul3A_1858 {strides = array<i32>} : memref<8x16x128xf32, #tpu.memory_space<vmem>>, vector<16xf32>,
      %get3A_1864 = arith.constant 10 : i32
      %get3A_1865 = arith.index_cast %rem3A_778 : i32 to index
      %get3A_1866 = arith.index_cast %get3A_1864 : i32 to index
      %get3A_1867 = arith.constant 80 : index
      %get3A_1868 = tpu.vector_load %arg9[%get3A_1865, %get3A_1866, %get3A_1867] {strides = array<i32>} : memref<8x16x128xf32, #tpu.memory_space<vmem>>, vector<16xf32>,
      %mul3A_1869 = vector.broadcast %squeeze3A_1803 : f32 to vector<16xf32>
      %mul3A_1870 = arith.mulf %get3A_1868, %mul3A_1869 : vector<16xf32>
      %swap3A_1871 = arith.constant 10 : i32
      %swap3A_1872 = arith.index_cast %rem3A_778 : i32 to index
      %swap3A_1873 = arith.index_cast %swap3A_1871 : i32 to index
      %swap3A_1874 = arith.constant 80 : index
      %swap3A_1875 = tpu.vector_load %arg9[%swap3A_1872, %swap3A_1873, %swap3A_1874] {strides = array<i32>} : memref<8x16x128xf32, #tpu.memory_space<vmem>>, vector<16xf32>,
      tpu.vector_store %arg9[%swap3A_1872, %swap3A_1873, %swap3A_1874], %mul3A_1870 {strides = array<i32>} : memref<8x16x128xf32, #tpu.memory_space<vmem>>, vector<16xf32>,
      %get3A_1876 = arith.constant 10 : i32
      %get3A_1877 = arith.index_cast %rem3A_778 : i32 to index
      %get3A_1878 = arith.index_cast %get3A_1876 : i32 to index
      %get3A_1879 = arith.constant 96 : index
      %get3A_1880 = tpu.vector_load %arg9[%get3A_1877, %get3A_1878, %get3A_1879] {strides = array<i32>} : memref<8x16x128xf32, #tpu.memory_space<vmem>>, vector<16xf32>,
      %mul3A_1881 = vector.broadcast %squeeze3A_1803 : f32 to vector<16xf32>
      %mul3A_1882 = arith.mulf %get3A_1880, %mul3A_1881 : vector<16xf32>
      %swap3A_1883 = arith.constant 10 : i32
      %swap3A_1884 = arith.index_cast %rem3A_778 : i32 to index
      %swap3A_1885 = arith.index_cast %swap3A_1883 : i32 to index
      %swap3A_1886 = arith.constant 96 : index
      %swap3A_1887 = tpu.vector_load %arg9[%swap3A_1884, %swap3A_1885, %swap3A_1886] {strides = array<i32>} : memref<8x16x128xf32, #tpu.memory_space<vmem>>, vector<16xf32>,
      tpu.vector_store %arg9[%swap3A_1884, %swap3A_1885, %swap3A_1886], %mul3A_1882 {strides = array<i32>} : memref<8x16x128xf32, #tpu.memory_space<vmem>>, vector<16xf32>,
      %get3A_1888 = arith.constant 10 : i32
      %get3A_1889 = arith.index_cast %rem3A_778 : i32 to index
      %get3A_1890 = arith.index_cast %get3A_1888 : i32 to index
      %get3A_1891 = arith.constant 112 : index
      %get3A_1892 = tpu.vector_load %arg9[%get3A_1889, %get3A_1890, %get3A_1891] {strides = array<i32>} : memref<8x16x128xf32, #tpu.memory_space<vmem>>, vector<16xf32>,
      %mul3A_1893 = vector.broadcast %squeeze3A_1803 : f32 to vector<16xf32>
      %mul3A_1894 = arith.mulf %get3A_1892, %mul3A_1893 : vector<16xf32>
      %swap3A_1895 = arith.constant 10 : i32
      %swap3A_1896 = arith.index_cast %rem3A_778 : i32 to index
      %swap3A_1897 = arith.index_cast %swap3A_1895 : i32 to index
      %swap3A_1898 = arith.constant 112 : index
      %swap3A_1899 = tpu.vector_load %arg9[%swap3A_1896, %swap3A_1897, %swap3A_1898] {strides = array<i32>} : memref<8x16x128xf32, #tpu.memory_space<vmem>>, vector<16xf32>,
      tpu.vector_store %arg9[%swap3A_1896, %swap3A_1897, %swap3A_1898], %mul3A_1894 {strides = array<i32>} : memref<8x16x128xf32, #tpu.memory_space<vmem>>, vector<16xf32>,
      %slice3A_1900 = vector.extract_strided_slice %select_n3A_820 {offsets = [11], sizes = [1], strides = [1]} : vector<16xf32> to vector<1xf32>
      %squeeze3A_1901 = vector.extract %slice3A_1900[0] : f32 from vector<1xf32>
      %get3A_1902 = arith.constant 11 : i32
      %get3A_1903 = arith.index_cast %rem3A_778 : i32 to index
      %get3A_1904 = arith.index_cast %get3A_1902 : i32 to index
      %get3A_1905 = arith.constant 0 : index
      %get3A_1906 = tpu.vector_load %arg9[%get3A_1903, %get3A_1904, %get3A_1905] {strides = array<i32>} : memref<8x16x128xf32, #tpu.memory_space<vmem>>, vector<16xf32>,
      %mul3A_1907 = vector.broadcast %squeeze3A_1901 : f32 to vector<16xf32>
      %mul3A_1908 = arith.mulf %get3A_1906, %mul3A_1907 : vector<16xf32>
      %swap3A_1909 = arith.constant 11 : i32
      %swap3A_1910 = arith.index_cast %rem3A_778 : i32 to index
      %swap3A_1911 = arith.index_cast %swap3A_1909 : i32 to index
      %swap3A_1912 = arith.constant 0 : index
      %swap3A_1913 = tpu.vector_load %arg9[%swap3A_1910, %swap3A_1911, %swap3A_1912] {strides = array<i32>} : memref<8x16x128xf32, #tpu.memory_space<vmem>>, vector<16xf32>,
      tpu.vector_store %arg9[%swap3A_1910, %swap3A_1911, %swap3A_1912], %mul3A_1908 {strides = array<i32>} : memref<8x16x128xf32, #tpu.memory_space<vmem>>, vector<16xf32>,
      %get3A_1914 = arith.constant 11 : i32
      %get3A_1915 = arith.index_cast %rem3A_778 : i32 to index
      %get3A_1916 = arith.index_cast %get3A_1914 : i32 to index
      %get3A_1917 = arith.constant 16 : index
      %get3A_1918 = tpu.vector_load %arg9[%get3A_1915, %get3A_1916, %get3A_1917] {strides = array<i32>} : memref<8x16x128xf32, #tpu.memory_space<vmem>>, vector<16xf32>,
      %mul3A_1919 = vector.broadcast %squeeze3A_1901 : f32 to vector<16xf32>
      %mul3A_1920 = arith.mulf %get3A_1918, %mul3A_1919 : vector<16xf32>
      %swap3A_1921 = arith.constant 11 : i32
      %swap3A_1922 = arith.index_cast %rem3A_778 : i32 to index
      %swap3A_1923 = arith.index_cast %swap3A_1921 : i32 to index
      %swap3A_1924 = arith.constant 16 : index
      %swap3A_1925 = tpu.vector_load %arg9[%swap3A_1922, %swap3A_1923, %swap3A_1924] {strides = array<i32>} : memref<8x16x128xf32, #tpu.memory_space<vmem>>, vector<16xf32>,
      tpu.vector_store %arg9[%swap3A_1922, %swap3A_1923, %swap3A_1924], %mul3A_1920 {strides = array<i32>} : memref<8x16x128xf32, #tpu.memory_space<vmem>>, vector<16xf32>,
      %get3A_1926 = arith.constant 11 : i32
      %get3A_1927 = arith.index_cast %rem3A_778 : i32 to index
      %get3A_1928 = arith.index_cast %get3A_1926 : i32 to index
      %get3A_1929 = arith.constant 32 : index
      %get3A_1930 = tpu.vector_load %arg9[%get3A_1927, %get3A_1928, %get3A_1929] {strides = array<i32>} : memref<8x16x128xf32, #tpu.memory_space<vmem>>, vector<16xf32>,
      %mul3A_1931 = vector.broadcast %squeeze3A_1901 : f32 to vector<16xf32>
      %mul3A_1932 = arith.mulf %get3A_1930, %mul3A_1931 : vector<16xf32>
      %swap3A_1933 = arith.constant 11 : i32
      %swap3A_1934 = arith.index_cast %rem3A_778 : i32 to index
      %swap3A_1935 = arith.index_cast %swap3A_1933 : i32 to index
      %swap3A_1936 = arith.constant 32 : index
      %swap3A_1937 = tpu.vector_load %arg9[%swap3A_1934, %swap3A_1935, %swap3A_1936] {strides = array<i32>} : memref<8x16x128xf32, #tpu.memory_space<vmem>>, vector<16xf32>,
      tpu.vector_store %arg9[%swap3A_1934, %swap3A_1935, %swap3A_1936], %mul3A_1932 {strides = array<i32>} : memref<8x16x128xf32, #tpu.memory_space<vmem>>, vector<16xf32>,
      %get3A_1938 = arith.constant 11 : i32
      %get3A_1939 = arith.index_cast %rem3A_778 : i32 to index
      %get3A_1940 = arith.index_cast %get3A_1938 : i32 to index
      %get3A_1941 = arith.constant 48 : index
      %get3A_1942 = tpu.vector_load %arg9[%get3A_1939, %get3A_1940, %get3A_1941] {strides = array<i32>} : memref<8x16x128xf32, #tpu.memory_space<vmem>>, vector<16xf32>,
      %mul3A_1943 = vector.broadcast %squeeze3A_1901 : f32 to vector<16xf32>
      %mul3A_1944 = arith.mulf %get3A_1942, %mul3A_1943 : vector<16xf32>
      %swap3A_1945 = arith.constant 11 : i32
      %swap3A_1946 = arith.index_cast %rem3A_778 : i32 to index
      %swap3A_1947 = arith.index_cast %swap3A_1945 : i32 to index
      %swap3A_1948 = arith.constant 48 : index
      %swap3A_1949 = tpu.vector_load %arg9[%swap3A_1946, %swap3A_1947, %swap3A_1948] {strides = array<i32>} : memref<8x16x128xf32, #tpu.memory_space<vmem>>, vector<16xf32>,
      tpu.vector_store %arg9[%swap3A_1946, %swap3A_1947, %swap3A_1948], %mul3A_1944 {strides = array<i32>} : memref<8x16x128xf32, #tpu.memory_space<vmem>>, vector<16xf32>,
      %get3A_1950 = arith.constant 11 : i32
      %get3A_1951 = arith.index_cast %rem3A_778 : i32 to index
      %get3A_1952 = arith.index_cast %get3A_1950 : i32 to index
      %get3A_1953 = arith.constant 64 : index
      %get3A_1954 = tpu.vector_load %arg9[%get3A_1951, %get3A_1952, %get3A_1953] {strides = array<i32>} : memref<8x16x128xf32, #tpu.memory_space<vmem>>, vector<16xf32>,
      %mul3A_1955 = vector.broadcast %squeeze3A_1901 : f32 to vector<16xf32>
      %mul3A_1956 = arith.mulf %get3A_1954, %mul3A_1955 : vector<16xf32>
      %swap3A_1957 = arith.constant 11 : i32
      %swap3A_1958 = arith.index_cast %rem3A_778 : i32 to index
      %swap3A_1959 = arith.index_cast %swap3A_1957 : i32 to index
      %swap3A_1960 = arith.constant 64 : index
      %swap3A_1961 = tpu.vector_load %arg9[%swap3A_1958, %swap3A_1959, %swap3A_1960] {strides = array<i32>} : memref<8x16x128xf32, #tpu.memory_space<vmem>>, vector<16xf32>,
      tpu.vector_store %arg9[%swap3A_1958, %swap3A_1959, %swap3A_1960], %mul3A_1956 {strides = array<i32>} : memref<8x16x128xf32, #tpu.memory_space<vmem>>, vector<16xf32>,
      %get3A_1962 = arith.constant 11 : i32
      %get3A_1963 = arith.index_cast %rem3A_778 : i32 to index
      %get3A_1964 = arith.index_cast %get3A_1962 : i32 to index
      %get3A_1965 = arith.constant 80 : index
      %get3A_1966 = tpu.vector_load %arg9[%get3A_1963, %get3A_1964, %get3A_1965] {strides = array<i32>} : memref<8x16x128xf32, #tpu.memory_space<vmem>>, vector<16xf32>,
      %mul3A_1967 = vector.broadcast %squeeze3A_1901 : f32 to vector<16xf32>
      %mul3A_1968 = arith.mulf %get3A_1966, %mul3A_1967 : vector<16xf32>
      %swap3A_1969 = arith.constant 11 : i32
      %swap3A_1970 = arith.index_cast %rem3A_778 : i32 to index
      %swap3A_1971 = arith.index_cast %swap3A_1969 : i32 to index
      %swap3A_1972 = arith.constant 80 : index
      %swap3A_1973 = tpu.vector_load %arg9[%swap3A_1970, %swap3A_1971, %swap3A_1972] {strides = array<i32>} : memref<8x16x128xf32, #tpu.memory_space<vmem>>, vector<16xf32>,
      tpu.vector_store %arg9[%swap3A_1970, %swap3A_1971, %swap3A_1972], %mul3A_1968 {strides = array<i32>} : memref<8x16x128xf32, #tpu.memory_space<vmem>>, vector<16xf32>,
      %get3A_1974 = arith.constant 11 : i32
      %get3A_1975 = arith.index_cast %rem3A_778 : i32 to index
      %get3A_1976 = arith.index_cast %get3A_1974 : i32 to index
      %get3A_1977 = arith.constant 96 : index
      %get3A_1978 = tpu.vector_load %arg9[%get3A_1975, %get3A_1976, %get3A_1977] {strides = array<i32>} : memref<8x16x128xf32, #tpu.memory_space<vmem>>, vector<16xf32>,
      %mul3A_1979 = vector.broadcast %squeeze3A_1901 : f32 to vector<16xf32>
      %mul3A_1980 = arith.mulf %get3A_1978, %mul3A_1979 : vector<16xf32>
      %swap3A_1981 = arith.constant 11 : i32
      %swap3A_1982 = arith.index_cast %rem3A_778 : i32 to index
      %swap3A_1983 = arith.index_cast %swap3A_1981 : i32 to index
      %swap3A_1984 = arith.constant 96 : index
      %swap3A_1985 = tpu.vector_load %arg9[%swap3A_1982, %swap3A_1983, %swap3A_1984] {strides = array<i32>} : memref<8x16x128xf32, #tpu.memory_space<vmem>>, vector<16xf32>,
      tpu.vector_store %arg9[%swap3A_1982, %swap3A_1983, %swap3A_1984], %mul3A_1980 {strides = array<i32>} : memref<8x16x128xf32, #tpu.memory_space<vmem>>, vector<16xf32>,
      %get3A_1986 = arith.constant 11 : i32
      %get3A_1987 = arith.index_cast %rem3A_778 : i32 to index
      %get3A_1988 = arith.index_cast %get3A_1986 : i32 to index
      %get3A_1989 = arith.constant 112 : index
      %get3A_1990 = tpu.vector_load %arg9[%get3A_1987, %get3A_1988, %get3A_1989] {strides = array<i32>} : memref<8x16x128xf32, #tpu.memory_space<vmem>>, vector<16xf32>,
      %mul3A_1991 = vector.broadcast %squeeze3A_1901 : f32 to vector<16xf32>
      %mul3A_1992 = arith.mulf %get3A_1990, %mul3A_1991 : vector<16xf32>
      %swap3A_1993 = arith.constant 11 : i32
      %swap3A_1994 = arith.index_cast %rem3A_778 : i32 to index
      %swap3A_1995 = arith.index_cast %swap3A_1993 : i32 to index
      %swap3A_1996 = arith.constant 112 : index
      %swap3A_1997 = tpu.vector_load %arg9[%swap3A_1994, %swap3A_1995, %swap3A_1996] {strides = array<i32>} : memref<8x16x128xf32, #tpu.memory_space<vmem>>, vector<16xf32>,
      tpu.vector_store %arg9[%swap3A_1994, %swap3A_1995, %swap3A_1996], %mul3A_1992 {strides = array<i32>} : memref<8x16x128xf32, #tpu.memory_space<vmem>>, vector<16xf32>,
      %slice3A_1998 = vector.extract_strided_slice %select_n3A_820 {offsets = [12], sizes = [1], strides = [1]} : vector<16xf32> to vector<1xf32>
      %squeeze3A_1999 = vector.extract %slice3A_1998[0] : f32 from vector<1xf32>
      %get3A_2000 = arith.constant 12 : i32
      %get3A_2001 = arith.index_cast %rem3A_778 : i32 to index
      %get3A_2002 = arith.index_cast %get3A_2000 : i32 to index
      %get3A_2003 = arith.constant 0 : index
      %get3A_2004 = tpu.vector_load %arg9[%get3A_2001, %get3A_2002, %get3A_2003] {strides = array<i32>} : memref<8x16x128xf32, #tpu.memory_space<vmem>>, vector<16xf32>,
      %mul3A_2005 = vector.broadcast %squeeze3A_1999 : f32 to vector<16xf32>
      %mul3A_2006 = arith.mulf %get3A_2004, %mul3A_2005 : vector<16xf32>
      %swap3A_2007 = arith.constant 12 : i32
      %swap3A_2008 = arith.index_cast %rem3A_778 : i32 to index
      %swap3A_2009 = arith.index_cast %swap3A_2007 : i32 to index
      %swap3A_2010 = arith.constant 0 : index
      %swap3A_2011 = tpu.vector_load %arg9[%swap3A_2008, %swap3A_2009, %swap3A_2010] {strides = array<i32>} : memref<8x16x128xf32, #tpu.memory_space<vmem>>, vector<16xf32>,
      tpu.vector_store %arg9[%swap3A_2008, %swap3A_2009, %swap3A_2010], %mul3A_2006 {strides = array<i32>} : memref<8x16x128xf32, #tpu.memory_space<vmem>>, vector<16xf32>,
      %get3A_2012 = arith.constant 12 : i32
      %get3A_2013 = arith.index_cast %rem3A_778 : i32 to index
      %get3A_2014 = arith.index_cast %get3A_2012 : i32 to index
      %get3A_2015 = arith.constant 16 : index
      %get3A_2016 = tpu.vector_load %arg9[%get3A_2013, %get3A_2014, %get3A_2015] {strides = array<i32>} : memref<8x16x128xf32, #tpu.memory_space<vmem>>, vector<16xf32>,
      %mul3A_2017 = vector.broadcast %squeeze3A_1999 : f32 to vector<16xf32>
      %mul3A_2018 = arith.mulf %get3A_2016, %mul3A_2017 : vector<16xf32>
      %swap3A_2019 = arith.constant 12 : i32
      %swap3A_2020 = arith.index_cast %rem3A_778 : i32 to index
      %swap3A_2021 = arith.index_cast %swap3A_2019 : i32 to index
      %swap3A_2022 = arith.constant 16 : index
      %swap3A_2023 = tpu.vector_load %arg9[%swap3A_2020, %swap3A_2021, %swap3A_2022] {strides = array<i32>} : memref<8x16x128xf32, #tpu.memory_space<vmem>>, vector<16xf32>,
      tpu.vector_store %arg9[%swap3A_2020, %swap3A_2021, %swap3A_2022], %mul3A_2018 {strides = array<i32>} : memref<8x16x128xf32, #tpu.memory_space<vmem>>, vector<16xf32>,
      %get3A_2024 = arith.constant 12 : i32
      %get3A_2025 = arith.index_cast %rem3A_778 : i32 to index
      %get3A_2026 = arith.index_cast %get3A_2024 : i32 to index
      %get3A_2027 = arith.constant 32 : index
      %get3A_2028 = tpu.vector_load %arg9[%get3A_2025, %get3A_2026, %get3A_2027] {strides = array<i32>} : memref<8x16x128xf32, #tpu.memory_space<vmem>>, vector<16xf32>,
      %mul3A_2029 = vector.broadcast %squeeze3A_1999 : f32 to vector<16xf32>
      %mul3A_2030 = arith.mulf %get3A_2028, %mul3A_2029 : vector<16xf32>
      %swap3A_2031 = arith.constant 12 : i32
      %swap3A_2032 = arith.index_cast %rem3A_778 : i32 to index
      %swap3A_2033 = arith.index_cast %swap3A_2031 : i32 to index
      %swap3A_2034 = arith.constant 32 : index
      %swap3A_2035 = tpu.vector_load %arg9[%swap3A_2032, %swap3A_2033, %swap3A_2034] {strides = array<i32>} : memref<8x16x128xf32, #tpu.memory_space<vmem>>, vector<16xf32>,
      tpu.vector_store %arg9[%swap3A_2032, %swap3A_2033, %swap3A_2034], %mul3A_2030 {strides = array<i32>} : memref<8x16x128xf32, #tpu.memory_space<vmem>>, vector<16xf32>,
      %get3A_2036 = arith.constant 12 : i32
      %get3A_2037 = arith.index_cast %rem3A_778 : i32 to index
      %get3A_2038 = arith.index_cast %get3A_2036 : i32 to index
      %get3A_2039 = arith.constant 48 : index
      %get3A_2040 = tpu.vector_load %arg9[%get3A_2037, %get3A_2038, %get3A_2039] {strides = array<i32>} : memref<8x16x128xf32, #tpu.memory_space<vmem>>, vector<16xf32>,
      %mul3A_2041 = vector.broadcast %squeeze3A_1999 : f32 to vector<16xf32>
      %mul3A_2042 = arith.mulf %get3A_2040, %mul3A_2041 : vector<16xf32>
      %swap3A_2043 = arith.constant 12 : i32
      %swap3A_2044 = arith.index_cast %rem3A_778 : i32 to index
      %swap3A_2045 = arith.index_cast %swap3A_2043 : i32 to index
      %swap3A_2046 = arith.constant 48 : index
      %swap3A_2047 = tpu.vector_load %arg9[%swap3A_2044, %swap3A_2045, %swap3A_2046] {strides = array<i32>} : memref<8x16x128xf32, #tpu.memory_space<vmem>>, vector<16xf32>,
      tpu.vector_store %arg9[%swap3A_2044, %swap3A_2045, %swap3A_2046], %mul3A_2042 {strides = array<i32>} : memref<8x16x128xf32, #tpu.memory_space<vmem>>, vector<16xf32>,
      %get3A_2048 = arith.constant 12 : i32
      %get3A_2049 = arith.index_cast %rem3A_778 : i32 to index
      %get3A_2050 = arith.index_cast %get3A_2048 : i32 to index
      %get3A_2051 = arith.constant 64 : index
      %get3A_2052 = tpu.vector_load %arg9[%get3A_2049, %get3A_2050, %get3A_2051] {strides = array<i32>} : memref<8x16x128xf32, #tpu.memory_space<vmem>>, vector<16xf32>,
      %mul3A_2053 = vector.broadcast %squeeze3A_1999 : f32 to vector<16xf32>
      %mul3A_2054 = arith.mulf %get3A_2052, %mul3A_2053 : vector<16xf32>
      %swap3A_2055 = arith.constant 12 : i32
      %swap3A_2056 = arith.index_cast %rem3A_778 : i32 to index
      %swap3A_2057 = arith.index_cast %swap3A_2055 : i32 to index
      %swap3A_2058 = arith.constant 64 : index
      %swap3A_2059 = tpu.vector_load %arg9[%swap3A_2056, %swap3A_2057, %swap3A_2058] {strides = array<i32>} : memref<8x16x128xf32, #tpu.memory_space<vmem>>, vector<16xf32>,
      tpu.vector_store %arg9[%swap3A_2056, %swap3A_2057, %swap3A_2058], %mul3A_2054 {strides = array<i32>} : memref<8x16x128xf32, #tpu.memory_space<vmem>>, vector<16xf32>,
      %get3A_2060 = arith.constant 12 : i32
      %get3A_2061 = arith.index_cast %rem3A_778 : i32 to index
      %get3A_2062 = arith.index_cast %get3A_2060 : i32 to index
      %get3A_2063 = arith.constant 80 : index
      %get3A_2064 = tpu.vector_load %arg9[%get3A_2061, %get3A_2062, %get3A_2063] {strides = array<i32>} : memref<8x16x128xf32, #tpu.memory_space<vmem>>, vector<16xf32>,
      %mul3A_2065 = vector.broadcast %squeeze3A_1999 : f32 to vector<16xf32>
      %mul3A_2066 = arith.mulf %get3A_2064, %mul3A_2065 : vector<16xf32>
      %swap3A_2067 = arith.constant 12 : i32
      %swap3A_2068 = arith.index_cast %rem3A_778 : i32 to index
      %swap3A_2069 = arith.index_cast %swap3A_2067 : i32 to index
      %swap3A_2070 = arith.constant 80 : index
      %swap3A_2071 = tpu.vector_load %arg9[%swap3A_2068, %swap3A_2069, %swap3A_2070] {strides = array<i32>} : memref<8x16x128xf32, #tpu.memory_space<vmem>>, vector<16xf32>,
      tpu.vector_store %arg9[%swap3A_2068, %swap3A_2069, %swap3A_2070], %mul3A_2066 {strides = array<i32>} : memref<8x16x128xf32, #tpu.memory_space<vmem>>, vector<16xf32>,
      %get3A_2072 = arith.constant 12 : i32
      %get3A_2073 = arith.index_cast %rem3A_778 : i32 to index
      %get3A_2074 = arith.index_cast %get3A_2072 : i32 to index
      %get3A_2075 = arith.constant 96 : index
      %get3A_2076 = tpu.vector_load %arg9[%get3A_2073, %get3A_2074, %get3A_2075] {strides = array<i32>} : memref<8x16x128xf32, #tpu.memory_space<vmem>>, vector<16xf32>,
      %mul3A_2077 = vector.broadcast %squeeze3A_1999 : f32 to vector<16xf32>
      %mul3A_2078 = arith.mulf %get3A_2076, %mul3A_2077 : vector<16xf32>
      %swap3A_2079 = arith.constant 12 : i32
      %swap3A_2080 = arith.index_cast %rem3A_778 : i32 to index
      %swap3A_2081 = arith.index_cast %swap3A_2079 : i32 to index
      %swap3A_2082 = arith.constant 96 : index
      %swap3A_2083 = tpu.vector_load %arg9[%swap3A_2080, %swap3A_2081, %swap3A_2082] {strides = array<i32>} : memref<8x16x128xf32, #tpu.memory_space<vmem>>, vector<16xf32>,
      tpu.vector_store %arg9[%swap3A_2080, %swap3A_2081, %swap3A_2082], %mul3A_2078 {strides = array<i32>} : memref<8x16x128xf32, #tpu.memory_space<vmem>>, vector<16xf32>,
      %get3A_2084 = arith.constant 12 : i32
      %get3A_2085 = arith.index_cast %rem3A_778 : i32 to index
      %get3A_2086 = arith.index_cast %get3A_2084 : i32 to index
      %get3A_2087 = arith.constant 112 : index
      %get3A_2088 = tpu.vector_load %arg9[%get3A_2085, %get3A_2086, %get3A_2087] {strides = array<i32>} : memref<8x16x128xf32, #tpu.memory_space<vmem>>, vector<16xf32>,
      %mul3A_2089 = vector.broadcast %squeeze3A_1999 : f32 to vector<16xf32>
      %mul3A_2090 = arith.mulf %get3A_2088, %mul3A_2089 : vector<16xf32>
      %swap3A_2091 = arith.constant 12 : i32
      %swap3A_2092 = arith.index_cast %rem3A_778 : i32 to index
      %swap3A_2093 = arith.index_cast %swap3A_2091 : i32 to index
      %swap3A_2094 = arith.constant 112 : index
      %swap3A_2095 = tpu.vector_load %arg9[%swap3A_2092, %swap3A_2093, %swap3A_2094] {strides = array<i32>} : memref<8x16x128xf32, #tpu.memory_space<vmem>>, vector<16xf32>,
      tpu.vector_store %arg9[%swap3A_2092, %swap3A_2093, %swap3A_2094], %mul3A_2090 {strides = array<i32>} : memref<8x16x128xf32, #tpu.memory_space<vmem>>, vector<16xf32>,
      %slice3A_2096 = vector.extract_strided_slice %select_n3A_820 {offsets = [13], sizes = [1], strides = [1]} : vector<16xf32> to vector<1xf32>
      %squeeze3A_2097 = vector.extract %slice3A_2096[0] : f32 from vector<1xf32>
      %get3A_2098 = arith.constant 13 : i32
      %get3A_2099 = arith.index_cast %rem3A_778 : i32 to index
      %get3A_2100 = arith.index_cast %get3A_2098 : i32 to index
      %get3A_2101 = arith.constant 0 : index
      %get3A_2102 = tpu.vector_load %arg9[%get3A_2099, %get3A_2100, %get3A_2101] {strides = array<i32>} : memref<8x16x128xf32, #tpu.memory_space<vmem>>, vector<16xf32>,
      %mul3A_2103 = vector.broadcast %squeeze3A_2097 : f32 to vector<16xf32>
      %mul3A_2104 = arith.mulf %get3A_2102, %mul3A_2103 : vector<16xf32>
      %swap3A_2105 = arith.constant 13 : i32
      %swap3A_2106 = arith.index_cast %rem3A_778 : i32 to index
      %swap3A_2107 = arith.index_cast %swap3A_2105 : i32 to index
      %swap3A_2108 = arith.constant 0 : index
      %swap3A_2109 = tpu.vector_load %arg9[%swap3A_2106, %swap3A_2107, %swap3A_2108] {strides = array<i32>} : memref<8x16x128xf32, #tpu.memory_space<vmem>>, vector<16xf32>,
      tpu.vector_store %arg9[%swap3A_2106, %swap3A_2107, %swap3A_2108], %mul3A_2104 {strides = array<i32>} : memref<8x16x128xf32, #tpu.memory_space<vmem>>, vector<16xf32>,
      %get3A_2110 = arith.constant 13 : i32
      %get3A_2111 = arith.index_cast %rem3A_778 : i32 to index
      %get3A_2112 = arith.index_cast %get3A_2110 : i32 to index
      %get3A_2113 = arith.constant 16 : index
      %get3A_2114 = tpu.vector_load %arg9[%get3A_2111, %get3A_2112, %get3A_2113] {strides = array<i32>} : memref<8x16x128xf32, #tpu.memory_space<vmem>>, vector<16xf32>,
      %mul3A_2115 = vector.broadcast %squeeze3A_2097 : f32 to vector<16xf32>
      %mul3A_2116 = arith.mulf %get3A_2114, %mul3A_2115 : vector<16xf32>
      %swap3A_2117 = arith.constant 13 : i32
      %swap3A_2118 = arith.index_cast %rem3A_778 : i32 to index
      %swap3A_2119 = arith.index_cast %swap3A_2117 : i32 to index
      %swap3A_2120 = arith.constant 16 : index
      %swap3A_2121 = tpu.vector_load %arg9[%swap3A_2118, %swap3A_2119, %swap3A_2120] {strides = array<i32>} : memref<8x16x128xf32, #tpu.memory_space<vmem>>, vector<16xf32>,
      tpu.vector_store %arg9[%swap3A_2118, %swap3A_2119, %swap3A_2120], %mul3A_2116 {strides = array<i32>} : memref<8x16x128xf32, #tpu.memory_space<vmem>>, vector<16xf32>,
      %get3A_2122 = arith.constant 13 : i32
      %get3A_2123 = arith.index_cast %rem3A_778 : i32 to index
      %get3A_2124 = arith.index_cast %get3A_2122 : i32 to index
      %get3A_2125 = arith.constant 32 : index
      %get3A_2126 = tpu.vector_load %arg9[%get3A_2123, %get3A_2124, %get3A_2125] {strides = array<i32>} : memref<8x16x128xf32, #tpu.memory_space<vmem>>, vector<16xf32>,
      %mul3A_2127 = vector.broadcast %squeeze3A_2097 : f32 to vector<16xf32>
      %mul3A_2128 = arith.mulf %get3A_2126, %mul3A_2127 : vector<16xf32>
      %swap3A_2129 = arith.constant 13 : i32
      %swap3A_2130 = arith.index_cast %rem3A_778 : i32 to index
      %swap3A_2131 = arith.index_cast %swap3A_2129 : i32 to index
      %swap3A_2132 = arith.constant 32 : index
      %swap3A_2133 = tpu.vector_load %arg9[%swap3A_2130, %swap3A_2131, %swap3A_2132] {strides = array<i32>} : memref<8x16x128xf32, #tpu.memory_space<vmem>>, vector<16xf32>,
      tpu.vector_store %arg9[%swap3A_2130, %swap3A_2131, %swap3A_2132], %mul3A_2128 {strides = array<i32>} : memref<8x16x128xf32, #tpu.memory_space<vmem>>, vector<16xf32>,
      %get3A_2134 = arith.constant 13 : i32
      %get3A_2135 = arith.index_cast %rem3A_778 : i32 to index
      %get3A_2136 = arith.index_cast %get3A_2134 : i32 to index
      %get3A_2137 = arith.constant 48 : index
      %get3A_2138 = tpu.vector_load %arg9[%get3A_2135, %get3A_2136, %get3A_2137] {strides = array<i32>} : memref<8x16x128xf32, #tpu.memory_space<vmem>>, vector<16xf32>,
      %mul3A_2139 = vector.broadcast %squeeze3A_2097 : f32 to vector<16xf32>
      %mul3A_2140 = arith.mulf %get3A_2138, %mul3A_2139 : vector<16xf32>
      %swap3A_2141 = arith.constant 13 : i32
      %swap3A_2142 = arith.index_cast %rem3A_778 : i32 to index
      %swap3A_2143 = arith.index_cast %swap3A_2141 : i32 to index
      %swap3A_2144 = arith.constant 48 : index
      %swap3A_2145 = tpu.vector_load %arg9[%swap3A_2142, %swap3A_2143, %swap3A_2144] {strides = array<i32>} : memref<8x16x128xf32, #tpu.memory_space<vmem>>, vector<16xf32>,
      tpu.vector_store %arg9[%swap3A_2142, %swap3A_2143, %swap3A_2144], %mul3A_2140 {strides = array<i32>} : memref<8x16x128xf32, #tpu.memory_space<vmem>>, vector<16xf32>,
      %get3A_2146 = arith.constant 13 : i32
      %get3A_2147 = arith.index_cast %rem3A_778 : i32 to index
      %get3A_2148 = arith.index_cast %get3A_2146 : i32 to index
      %get3A_2149 = arith.constant 64 : index
      %get3A_2150 = tpu.vector_load %arg9[%get3A_2147, %get3A_2148, %get3A_2149] {strides = array<i32>} : memref<8x16x128xf32, #tpu.memory_space<vmem>>, vector<16xf32>,
      %mul3A_2151 = vector.broadcast %squeeze3A_2097 : f32 to vector<16xf32>
      %mul3A_2152 = arith.mulf %get3A_2150, %mul3A_2151 : vector<16xf32>
      %swap3A_2153 = arith.constant 13 : i32
      %swap3A_2154 = arith.index_cast %rem3A_778 : i32 to index
      %swap3A_2155 = arith.index_cast %swap3A_2153 : i32 to index
      %swap3A_2156 = arith.constant 64 : index
      %swap3A_2157 = tpu.vector_load %arg9[%swap3A_2154, %swap3A_2155, %swap3A_2156] {strides = array<i32>} : memref<8x16x128xf32, #tpu.memory_space<vmem>>, vector<16xf32>,
      tpu.vector_store %arg9[%swap3A_2154, %swap3A_2155, %swap3A_2156], %mul3A_2152 {strides = array<i32>} : memref<8x16x128xf32, #tpu.memory_space<vmem>>, vector<16xf32>,
      %get3A_2158 = arith.constant 13 : i32
      %get3A_2159 = arith.index_cast %rem3A_778 : i32 to index
      %get3A_2160 = arith.index_cast %get3A_2158 : i32 to index
      %get3A_2161 = arith.constant 80 : index
      %get3A_2162 = tpu.vector_load %arg9[%get3A_2159, %get3A_2160, %get3A_2161] {strides = array<i32>} : memref<8x16x128xf32, #tpu.memory_space<vmem>>, vector<16xf32>,
      %mul3A_2163 = vector.broadcast %squeeze3A_2097 : f32 to vector<16xf32>
      %mul3A_2164 = arith.mulf %get3A_2162, %mul3A_2163 : vector<16xf32>
      %swap3A_2165 = arith.constant 13 : i32
      %swap3A_2166 = arith.index_cast %rem3A_778 : i32 to index
      %swap3A_2167 = arith.index_cast %swap3A_2165 : i32 to index
      %swap3A_2168 = arith.constant 80 : index
      %swap3A_2169 = tpu.vector_load %arg9[%swap3A_2166, %swap3A_2167, %swap3A_2168] {strides = array<i32>} : memref<8x16x128xf32, #tpu.memory_space<vmem>>, vector<16xf32>,
      tpu.vector_store %arg9[%swap3A_2166, %swap3A_2167, %swap3A_2168], %mul3A_2164 {strides = array<i32>} : memref<8x16x128xf32, #tpu.memory_space<vmem>>, vector<16xf32>,
      %get3A_2170 = arith.constant 13 : i32
      %get3A_2171 = arith.index_cast %rem3A_778 : i32 to index
      %get3A_2172 = arith.index_cast %get3A_2170 : i32 to index
      %get3A_2173 = arith.constant 96 : index
      %get3A_2174 = tpu.vector_load %arg9[%get3A_2171, %get3A_2172, %get3A_2173] {strides = array<i32>} : memref<8x16x128xf32, #tpu.memory_space<vmem>>, vector<16xf32>,
      %mul3A_2175 = vector.broadcast %squeeze3A_2097 : f32 to vector<16xf32>
      %mul3A_2176 = arith.mulf %get3A_2174, %mul3A_2175 : vector<16xf32>
      %swap3A_2177 = arith.constant 13 : i32
      %swap3A_2178 = arith.index_cast %rem3A_778 : i32 to index
      %swap3A_2179 = arith.index_cast %swap3A_2177 : i32 to index
      %swap3A_2180 = arith.constant 96 : index
      %swap3A_2181 = tpu.vector_load %arg9[%swap3A_2178, %swap3A_2179, %swap3A_2180] {strides = array<i32>} : memref<8x16x128xf32, #tpu.memory_space<vmem>>, vector<16xf32>,
      tpu.vector_store %arg9[%swap3A_2178, %swap3A_2179, %swap3A_2180], %mul3A_2176 {strides = array<i32>} : memref<8x16x128xf32, #tpu.memory_space<vmem>>, vector<16xf32>,
      %get3A_2182 = arith.constant 13 : i32
      %get3A_2183 = arith.index_cast %rem3A_778 : i32 to index
      %get3A_2184 = arith.index_cast %get3A_2182 : i32 to index
      %get3A_2185 = arith.constant 112 : index
      %get3A_2186 = tpu.vector_load %arg9[%get3A_2183, %get3A_2184, %get3A_2185] {strides = array<i32>} : memref<8x16x128xf32, #tpu.memory_space<vmem>>, vector<16xf32>,
      %mul3A_2187 = vector.broadcast %squeeze3A_2097 : f32 to vector<16xf32>
      %mul3A_2188 = arith.mulf %get3A_2186, %mul3A_2187 : vector<16xf32>
      %swap3A_2189 = arith.constant 13 : i32
      %swap3A_2190 = arith.index_cast %rem3A_778 : i32 to index
      %swap3A_2191 = arith.index_cast %swap3A_2189 : i32 to index
      %swap3A_2192 = arith.constant 112 : index
      %swap3A_2193 = tpu.vector_load %arg9[%swap3A_2190, %swap3A_2191, %swap3A_2192] {strides = array<i32>} : memref<8x16x128xf32, #tpu.memory_space<vmem>>, vector<16xf32>,
      tpu.vector_store %arg9[%swap3A_2190, %swap3A_2191, %swap3A_2192], %mul3A_2188 {strides = array<i32>} : memref<8x16x128xf32, #tpu.memory_space<vmem>>, vector<16xf32>,
      %slice3A_2194 = vector.extract_strided_slice %select_n3A_820 {offsets = [14], sizes = [1], strides = [1]} : vector<16xf32> to vector<1xf32>
      %squeeze3A_2195 = vector.extract %slice3A_2194[0] : f32 from vector<1xf32>
      %get3A_2196 = arith.constant 14 : i32
      %get3A_2197 = arith.index_cast %rem3A_778 : i32 to index
      %get3A_2198 = arith.index_cast %get3A_2196 : i32 to index
      %get3A_2199 = arith.constant 0 : index
      %get3A_2200 = tpu.vector_load %arg9[%get3A_2197, %get3A_2198, %get3A_2199] {strides = array<i32>} : memref<8x16x128xf32, #tpu.memory_space<vmem>>, vector<16xf32>,
      %mul3A_2201 = vector.broadcast %squeeze3A_2195 : f32 to vector<16xf32>
      %mul3A_2202 = arith.mulf %get3A_2200, %mul3A_2201 : vector<16xf32>
      %swap3A_2203 = arith.constant 14 : i32
      %swap3A_2204 = arith.index_cast %rem3A_778 : i32 to index
      %swap3A_2205 = arith.index_cast %swap3A_2203 : i32 to index
      %swap3A_2206 = arith.constant 0 : index
      %swap3A_2207 = tpu.vector_load %arg9[%swap3A_2204, %swap3A_2205, %swap3A_2206] {strides = array<i32>} : memref<8x16x128xf32, #tpu.memory_space<vmem>>, vector<16xf32>,
      tpu.vector_store %arg9[%swap3A_2204, %swap3A_2205, %swap3A_2206], %mul3A_2202 {strides = array<i32>} : memref<8x16x128xf32, #tpu.memory_space<vmem>>, vector<16xf32>,
      %get3A_2208 = arith.constant 14 : i32
      %get3A_2209 = arith.index_cast %rem3A_778 : i32 to index
      %get3A_2210 = arith.index_cast %get3A_2208 : i32 to index
      %get3A_2211 = arith.constant 16 : index
      %get3A_2212 = tpu.vector_load %arg9[%get3A_2209, %get3A_2210, %get3A_2211] {strides = array<i32>} : memref<8x16x128xf32, #tpu.memory_space<vmem>>, vector<16xf32>,
      %mul3A_2213 = vector.broadcast %squeeze3A_2195 : f32 to vector<16xf32>
      %mul3A_2214 = arith.mulf %get3A_2212, %mul3A_2213 : vector<16xf32>
      %swap3A_2215 = arith.constant 14 : i32
      %swap3A_2216 = arith.index_cast %rem3A_778 : i32 to index
      %swap3A_2217 = arith.index_cast %swap3A_2215 : i32 to index
      %swap3A_2218 = arith.constant 16 : index
      %swap3A_2219 = tpu.vector_load %arg9[%swap3A_2216, %swap3A_2217, %swap3A_2218] {strides = array<i32>} : memref<8x16x128xf32, #tpu.memory_space<vmem>>, vector<16xf32>,
      tpu.vector_store %arg9[%swap3A_2216, %swap3A_2217, %swap3A_2218], %mul3A_2214 {strides = array<i32>} : memref<8x16x128xf32, #tpu.memory_space<vmem>>, vector<16xf32>,
      %get3A_2220 = arith.constant 14 : i32
      %get3A_2221 = arith.index_cast %rem3A_778 : i32 to index
      %get3A_2222 = arith.index_cast %get3A_2220 : i32 to index
      %get3A_2223 = arith.constant 32 : index
      %get3A_2224 = tpu.vector_load %arg9[%get3A_2221, %get3A_2222, %get3A_2223] {strides = array<i32>} : memref<8x16x128xf32, #tpu.memory_space<vmem>>, vector<16xf32>,
      %mul3A_2225 = vector.broadcast %squeeze3A_2195 : f32 to vector<16xf32>
      %mul3A_2226 = arith.mulf %get3A_2224, %mul3A_2225 : vector<16xf32>
      %swap3A_2227 = arith.constant 14 : i32
      %swap3A_2228 = arith.index_cast %rem3A_778 : i32 to index
      %swap3A_2229 = arith.index_cast %swap3A_2227 : i32 to index
      %swap3A_2230 = arith.constant 32 : index
      %swap3A_2231 = tpu.vector_load %arg9[%swap3A_2228, %swap3A_2229, %swap3A_2230] {strides = array<i32>} : memref<8x16x128xf32, #tpu.memory_space<vmem>>, vector<16xf32>,
      tpu.vector_store %arg9[%swap3A_2228, %swap3A_2229, %swap3A_2230], %mul3A_2226 {strides = array<i32>} : memref<8x16x128xf32, #tpu.memory_space<vmem>>, vector<16xf32>,
      %get3A_2232 = arith.constant 14 : i32
      %get3A_2233 = arith.index_cast %rem3A_778 : i32 to index
      %get3A_2234 = arith.index_cast %get3A_2232 : i32 to index
      %get3A_2235 = arith.constant 48 : index
      %get3A_2236 = tpu.vector_load %arg9[%get3A_2233, %get3A_2234, %get3A_2235] {strides = array<i32>} : memref<8x16x128xf32, #tpu.memory_space<vmem>>, vector<16xf32>,
      %mul3A_2237 = vector.broadcast %squeeze3A_2195 : f32 to vector<16xf32>
      %mul3A_2238 = arith.mulf %get3A_2236, %mul3A_2237 : vector<16xf32>
      %swap3A_2239 = arith.constant 14 : i32
      %swap3A_2240 = arith.index_cast %rem3A_778 : i32 to index
      %swap3A_2241 = arith.index_cast %swap3A_2239 : i32 to index
      %swap3A_2242 = arith.constant 48 : index
      %swap3A_2243 = tpu.vector_load %arg9[%swap3A_2240, %swap3A_2241, %swap3A_2242] {strides = array<i32>} : memref<8x16x128xf32, #tpu.memory_space<vmem>>, vector<16xf32>,
      tpu.vector_store %arg9[%swap3A_2240, %swap3A_2241, %swap3A_2242], %mul3A_2238 {strides = array<i32>} : memref<8x16x128xf32, #tpu.memory_space<vmem>>, vector<16xf32>,
      %get3A_2244 = arith.constant 14 : i32
      %get3A_2245 = arith.index_cast %rem3A_778 : i32 to index
      %get3A_2246 = arith.index_cast %get3A_2244 : i32 to index
      %get3A_2247 = arith.constant 64 : index
      %get3A_2248 = tpu.vector_load %arg9[%get3A_2245, %get3A_2246, %get3A_2247] {strides = array<i32>} : memref<8x16x128xf32, #tpu.memory_space<vmem>>, vector<16xf32>,
      %mul3A_2249 = vector.broadcast %squeeze3A_2195 : f32 to vector<16xf32>
      %mul3A_2250 = arith.mulf %get3A_2248, %mul3A_2249 : vector<16xf32>
      %swap3A_2251 = arith.constant 14 : i32
      %swap3A_2252 = arith.index_cast %rem3A_778 : i32 to index
      %swap3A_2253 = arith.index_cast %swap3A_2251 : i32 to index
      %swap3A_2254 = arith.constant 64 : index
      %swap3A_2255 = tpu.vector_load %arg9[%swap3A_2252, %swap3A_2253, %swap3A_2254] {strides = array<i32>} : memref<8x16x128xf32, #tpu.memory_space<vmem>>, vector<16xf32>,
      tpu.vector_store %arg9[%swap3A_2252, %swap3A_2253, %swap3A_2254], %mul3A_2250 {strides = array<i32>} : memref<8x16x128xf32, #tpu.memory_space<vmem>>, vector<16xf32>,
      %get3A_2256 = arith.constant 14 : i32
      %get3A_2257 = arith.index_cast %rem3A_778 : i32 to index
      %get3A_2258 = arith.index_cast %get3A_2256 : i32 to index
      %get3A_2259 = arith.constant 80 : index
      %get3A_2260 = tpu.vector_load %arg9[%get3A_2257, %get3A_2258, %get3A_2259] {strides = array<i32>} : memref<8x16x128xf32, #tpu.memory_space<vmem>>, vector<16xf32>,
      %mul3A_2261 = vector.broadcast %squeeze3A_2195 : f32 to vector<16xf32>
      %mul3A_2262 = arith.mulf %get3A_2260, %mul3A_2261 : vector<16xf32>
      %swap3A_2263 = arith.constant 14 : i32
      %swap3A_2264 = arith.index_cast %rem3A_778 : i32 to index
      %swap3A_2265 = arith.index_cast %swap3A_2263 : i32 to index
      %swap3A_2266 = arith.constant 80 : index
      %swap3A_2267 = tpu.vector_load %arg9[%swap3A_2264, %swap3A_2265, %swap3A_2266] {strides = array<i32>} : memref<8x16x128xf32, #tpu.memory_space<vmem>>, vector<16xf32>,
      tpu.vector_store %arg9[%swap3A_2264, %swap3A_2265, %swap3A_2266], %mul3A_2262 {strides = array<i32>} : memref<8x16x128xf32, #tpu.memory_space<vmem>>, vector<16xf32>,
      %get3A_2268 = arith.constant 14 : i32
      %get3A_2269 = arith.index_cast %rem3A_778 : i32 to index
      %get3A_2270 = arith.index_cast %get3A_2268 : i32 to index
      %get3A_2271 = arith.constant 96 : index
      %get3A_2272 = tpu.vector_load %arg9[%get3A_2269, %get3A_2270, %get3A_2271] {strides = array<i32>} : memref<8x16x128xf32, #tpu.memory_space<vmem>>, vector<16xf32>,
      %mul3A_2273 = vector.broadcast %squeeze3A_2195 : f32 to vector<16xf32>
      %mul3A_2274 = arith.mulf %get3A_2272, %mul3A_2273 : vector<16xf32>
      %swap3A_2275 = arith.constant 14 : i32
      %swap3A_2276 = arith.index_cast %rem3A_778 : i32 to index
      %swap3A_2277 = arith.index_cast %swap3A_2275 : i32 to index
      %swap3A_2278 = arith.constant 96 : index
      %swap3A_2279 = tpu.vector_load %arg9[%swap3A_2276, %swap3A_2277, %swap3A_2278] {strides = array<i32>} : memref<8x16x128xf32, #tpu.memory_space<vmem>>, vector<16xf32>,
      tpu.vector_store %arg9[%swap3A_2276, %swap3A_2277, %swap3A_2278], %mul3A_2274 {strides = array<i32>} : memref<8x16x128xf32, #tpu.memory_space<vmem>>, vector<16xf32>,
      %get3A_2280 = arith.constant 14 : i32
      %get3A_2281 = arith.index_cast %rem3A_778 : i32 to index
      %get3A_2282 = arith.index_cast %get3A_2280 : i32 to index
      %get3A_2283 = arith.constant 112 : index
      %get3A_2284 = tpu.vector_load %arg9[%get3A_2281, %get3A_2282, %get3A_2283] {strides = array<i32>} : memref<8x16x128xf32, #tpu.memory_space<vmem>>, vector<16xf32>,
      %mul3A_2285 = vector.broadcast %squeeze3A_2195 : f32 to vector<16xf32>
      %mul3A_2286 = arith.mulf %get3A_2284, %mul3A_2285 : vector<16xf32>
      %swap3A_2287 = arith.constant 14 : i32
      %swap3A_2288 = arith.index_cast %rem3A_778 : i32 to index
      %swap3A_2289 = arith.index_cast %swap3A_2287 : i32 to index
      %swap3A_2290 = arith.constant 112 : index
      %swap3A_2291 = tpu.vector_load %arg9[%swap3A_2288, %swap3A_2289, %swap3A_2290] {strides = array<i32>} : memref<8x16x128xf32, #tpu.memory_space<vmem>>, vector<16xf32>,
      tpu.vector_store %arg9[%swap3A_2288, %swap3A_2289, %swap3A_2290], %mul3A_2286 {strides = array<i32>} : memref<8x16x128xf32, #tpu.memory_space<vmem>>, vector<16xf32>,
      %slice3A_2292 = vector.extract_strided_slice %select_n3A_820 {offsets = [15], sizes = [1], strides = [1]} : vector<16xf32> to vector<1xf32>
      %squeeze3A_2293 = vector.extract %slice3A_2292[0] : f32 from vector<1xf32>
      %get3A_2294 = arith.constant 15 : i32
      %get3A_2295 = arith.index_cast %rem3A_778 : i32 to index
      %get3A_2296 = arith.index_cast %get3A_2294 : i32 to index
      %get3A_2297 = arith.constant 0 : index
      %get3A_2298 = tpu.vector_load %arg9[%get3A_2295, %get3A_2296, %get3A_2297] {strides = array<i32>} : memref<8x16x128xf32, #tpu.memory_space<vmem>>, vector<16xf32>,
      %mul3A_2299 = vector.broadcast %squeeze3A_2293 : f32 to vector<16xf32>
      %mul3A_2300 = arith.mulf %get3A_2298, %mul3A_2299 : vector<16xf32>
      %swap3A_2301 = arith.constant 15 : i32
      %swap3A_2302 = arith.index_cast %rem3A_778 : i32 to index
      %swap3A_2303 = arith.index_cast %swap3A_2301 : i32 to index
      %swap3A_2304 = arith.constant 0 : index
      %swap3A_2305 = tpu.vector_load %arg9[%swap3A_2302, %swap3A_2303, %swap3A_2304] {strides = array<i32>} : memref<8x16x128xf32, #tpu.memory_space<vmem>>, vector<16xf32>,
      tpu.vector_store %arg9[%swap3A_2302, %swap3A_2303, %swap3A_2304], %mul3A_2300 {strides = array<i32>} : memref<8x16x128xf32, #tpu.memory_space<vmem>>, vector<16xf32>,
      %get3A_2306 = arith.constant 15 : i32
      %get3A_2307 = arith.index_cast %rem3A_778 : i32 to index
      %get3A_2308 = arith.index_cast %get3A_2306 : i32 to index
      %get3A_2309 = arith.constant 16 : index
      %get3A_2310 = tpu.vector_load %arg9[%get3A_2307, %get3A_2308, %get3A_2309] {strides = array<i32>} : memref<8x16x128xf32, #tpu.memory_space<vmem>>, vector<16xf32>,
      %mul3A_2311 = vector.broadcast %squeeze3A_2293 : f32 to vector<16xf32>
      %mul3A_2312 = arith.mulf %get3A_2310, %mul3A_2311 : vector<16xf32>
      %swap3A_2313 = arith.constant 15 : i32
      %swap3A_2314 = arith.index_cast %rem3A_778 : i32 to index
      %swap3A_2315 = arith.index_cast %swap3A_2313 : i32 to index
      %swap3A_2316 = arith.constant 16 : index
      %swap3A_2317 = tpu.vector_load %arg9[%swap3A_2314, %swap3A_2315, %swap3A_2316] {strides = array<i32>} : memref<8x16x128xf32, #tpu.memory_space<vmem>>, vector<16xf32>,
      tpu.vector_store %arg9[%swap3A_2314, %swap3A_2315, %swap3A_2316], %mul3A_2312 {strides = array<i32>} : memref<8x16x128xf32, #tpu.memory_space<vmem>>, vector<16xf32>,
      %get3A_2318 = arith.constant 15 : i32
      %get3A_2319 = arith.index_cast %rem3A_778 : i32 to index
      %get3A_2320 = arith.index_cast %get3A_2318 : i32 to index
      %get3A_2321 = arith.constant 32 : index
      %get3A_2322 = tpu.vector_load %arg9[%get3A_2319, %get3A_2320, %get3A_2321] {strides = array<i32>} : memref<8x16x128xf32, #tpu.memory_space<vmem>>, vector<16xf32>,
      %mul3A_2323 = vector.broadcast %squeeze3A_2293 : f32 to vector<16xf32>
      %mul3A_2324 = arith.mulf %get3A_2322, %mul3A_2323 : vector<16xf32>
      %swap3A_2325 = arith.constant 15 : i32
      %swap3A_2326 = arith.index_cast %rem3A_778 : i32 to index
      %swap3A_2327 = arith.index_cast %swap3A_2325 : i32 to index
      %swap3A_2328 = arith.constant 32 : index
      %swap3A_2329 = tpu.vector_load %arg9[%swap3A_2326, %swap3A_2327, %swap3A_2328] {strides = array<i32>} : memref<8x16x128xf32, #tpu.memory_space<vmem>>, vector<16xf32>,
      tpu.vector_store %arg9[%swap3A_2326, %swap3A_2327, %swap3A_2328], %mul3A_2324 {strides = array<i32>} : memref<8x16x128xf32, #tpu.memory_space<vmem>>, vector<16xf32>,
      %get3A_2330 = arith.constant 15 : i32
      %get3A_2331 = arith.index_cast %rem3A_778 : i32 to index
      %get3A_2332 = arith.index_cast %get3A_2330 : i32 to index
      %get3A_2333 = arith.constant 48 : index
      %get3A_2334 = tpu.vector_load %arg9[%get3A_2331, %get3A_2332, %get3A_2333] {strides = array<i32>} : memref<8x16x128xf32, #tpu.memory_space<vmem>>, vector<16xf32>,
      %mul3A_2335 = vector.broadcast %squeeze3A_2293 : f32 to vector<16xf32>
      %mul3A_2336 = arith.mulf %get3A_2334, %mul3A_2335 : vector<16xf32>
      %swap3A_2337 = arith.constant 15 : i32
      %swap3A_2338 = arith.index_cast %rem3A_778 : i32 to index
      %swap3A_2339 = arith.index_cast %swap3A_2337 : i32 to index
      %swap3A_2340 = arith.constant 48 : index
      %swap3A_2341 = tpu.vector_load %arg9[%swap3A_2338, %swap3A_2339, %swap3A_2340] {strides = array<i32>} : memref<8x16x128xf32, #tpu.memory_space<vmem>>, vector<16xf32>,
      tpu.vector_store %arg9[%swap3A_2338, %swap3A_2339, %swap3A_2340], %mul3A_2336 {strides = array<i32>} : memref<8x16x128xf32, #tpu.memory_space<vmem>>, vector<16xf32>,
      %get3A_2342 = arith.constant 15 : i32
      %get3A_2343 = arith.index_cast %rem3A_778 : i32 to index
      %get3A_2344 = arith.index_cast %get3A_2342 : i32 to index
      %get3A_2345 = arith.constant 64 : index
      %get3A_2346 = tpu.vector_load %arg9[%get3A_2343, %get3A_2344, %get3A_2345] {strides = array<i32>} : memref<8x16x128xf32, #tpu.memory_space<vmem>>, vector<16xf32>,
      %mul3A_2347 = vector.broadcast %squeeze3A_2293 : f32 to vector<16xf32>
      %mul3A_2348 = arith.mulf %get3A_2346, %mul3A_2347 : vector<16xf32>
      %swap3A_2349 = arith.constant 15 : i32
      %swap3A_2350 = arith.index_cast %rem3A_778 : i32 to index
      %swap3A_2351 = arith.index_cast %swap3A_2349 : i32 to index
      %swap3A_2352 = arith.constant 64 : index
      %swap3A_2353 = tpu.vector_load %arg9[%swap3A_2350, %swap3A_2351, %swap3A_2352] {strides = array<i32>} : memref<8x16x128xf32, #tpu.memory_space<vmem>>, vector<16xf32>,
      tpu.vector_store %arg9[%swap3A_2350, %swap3A_2351, %swap3A_2352], %mul3A_2348 {strides = array<i32>} : memref<8x16x128xf32, #tpu.memory_space<vmem>>, vector<16xf32>,
      %get3A_2354 = arith.constant 15 : i32
      %get3A_2355 = arith.index_cast %rem3A_778 : i32 to index
      %get3A_2356 = arith.index_cast %get3A_2354 : i32 to index
      %get3A_2357 = arith.constant 80 : index
      %get3A_2358 = tpu.vector_load %arg9[%get3A_2355, %get3A_2356, %get3A_2357] {strides = array<i32>} : memref<8x16x128xf32, #tpu.memory_space<vmem>>, vector<16xf32>,
      %mul3A_2359 = vector.broadcast %squeeze3A_2293 : f32 to vector<16xf32>
      %mul3A_2360 = arith.mulf %get3A_2358, %mul3A_2359 : vector<16xf32>
      %swap3A_2361 = arith.constant 15 : i32
      %swap3A_2362 = arith.index_cast %rem3A_778 : i32 to index
      %swap3A_2363 = arith.index_cast %swap3A_2361 : i32 to index
      %swap3A_2364 = arith.constant 80 : index
      %swap3A_2365 = tpu.vector_load %arg9[%swap3A_2362, %swap3A_2363, %swap3A_2364] {strides = array<i32>} : memref<8x16x128xf32, #tpu.memory_space<vmem>>, vector<16xf32>,
      tpu.vector_store %arg9[%swap3A_2362, %swap3A_2363, %swap3A_2364], %mul3A_2360 {strides = array<i32>} : memref<8x16x128xf32, #tpu.memory_space<vmem>>, vector<16xf32>,
      %get3A_2366 = arith.constant 15 : i32
      %get3A_2367 = arith.index_cast %rem3A_778 : i32 to index
      %get3A_2368 = arith.index_cast %get3A_2366 : i32 to index
      %get3A_2369 = arith.constant 96 : index
      %get3A_2370 = tpu.vector_load %arg9[%get3A_2367, %get3A_2368, %get3A_2369] {strides = array<i32>} : memref<8x16x128xf32, #tpu.memory_space<vmem>>, vector<16xf32>,
      %mul3A_2371 = vector.broadcast %squeeze3A_2293 : f32 to vector<16xf32>
      %mul3A_2372 = arith.mulf %get3A_2370, %mul3A_2371 : vector<16xf32>
      %swap3A_2373 = arith.constant 15 : i32
      %swap3A_2374 = arith.index_cast %rem3A_778 : i32 to index
      %swap3A_2375 = arith.index_cast %swap3A_2373 : i32 to index
      %swap3A_2376 = arith.constant 96 : index
      %swap3A_2377 = tpu.vector_load %arg9[%swap3A_2374, %swap3A_2375, %swap3A_2376] {strides = array<i32>} : memref<8x16x128xf32, #tpu.memory_space<vmem>>, vector<16xf32>,
      tpu.vector_store %arg9[%swap3A_2374, %swap3A_2375, %swap3A_2376], %mul3A_2372 {strides = array<i32>} : memref<8x16x128xf32, #tpu.memory_space<vmem>>, vector<16xf32>,
      %get3A_2378 = arith.constant 15 : i32
      %get3A_2379 = arith.index_cast %rem3A_778 : i32 to index
      %get3A_2380 = arith.index_cast %get3A_2378 : i32 to index
      %get3A_2381 = arith.constant 112 : index
      %get3A_2382 = tpu.vector_load %arg9[%get3A_2379, %get3A_2380, %get3A_2381] {strides = array<i32>} : memref<8x16x128xf32, #tpu.memory_space<vmem>>, vector<16xf32>,
      %mul3A_2383 = vector.broadcast %squeeze3A_2293 : f32 to vector<16xf32>
      %mul3A_2384 = arith.mulf %get3A_2382, %mul3A_2383 : vector<16xf32>
      %swap3A_2385 = arith.constant 15 : i32
      %swap3A_2386 = arith.index_cast %rem3A_778 : i32 to index
      %swap3A_2387 = arith.index_cast %swap3A_2385 : i32 to index
      %swap3A_2388 = arith.constant 112 : index
      %swap3A_2389 = tpu.vector_load %arg9[%swap3A_2386, %swap3A_2387, %swap3A_2388] {strides = array<i32>} : memref<8x16x128xf32, #tpu.memory_space<vmem>>, vector<16xf32>,
      tpu.vector_store %arg9[%swap3A_2386, %swap3A_2387, %swap3A_2388], %mul3A_2384 {strides = array<i32>} : memref<8x16x128xf32, #tpu.memory_space<vmem>>, vector<16xf32>,
      %dma_start3A_2390 = arith.constant 0 : i32
      %dma_start3A_2391 = arith.constant 0 : i32
      %dma_start3A_2392 = tpu.memref_slice %arg9[%rem3A_778, %dma_start3A_2390, %dma_start3A_2391] : memref<8x16x128xf32, #tpu.memory_space<vmem>> -> memref<1x16x128xf32, #tpu.memory_space<vmem>>
      %dma_start3A_2393 = tpu.memref_squeeze %dma_start3A_2392 : memref<1x16x128xf32, #tpu.memory_space<vmem>> -> memref<16x128xf32, #tpu.memory_space<vmem>>
      %dma_start3A_2394 = arith.constant 0 : i32
      %dma_start3A_2395 = tpu.memref_slice %arg10[%rem3A_778, %dma_start3A_2394] : memref<8x16xi32, #tpu.memory_space<vmem>> -> memref<1x16xi32, #tpu.memory_space<vmem>>
      %dma_start3A_2396 = tpu.memref_squeeze %dma_start3A_2395 : memref<1x16xi32, #tpu.memory_space<vmem>> -> memref<16xi32, #tpu.memory_space<vmem>>
      %dma_start3A_2397 = arith.constant 0 : i32
      %dma_start3A_2398 = arith.constant 0 : i32
      %dma_start3A_2399 = tpu.memref_slice %arg11[%dma_start3A_2397, %dma_start3A_2398] : memref<10112x128xf32, #tpu.memory_space<vmem_shared>> -> memref<10112x128xf32, #tpu.memory_space<vmem_shared>>
      %dma_start3A_2400 = tpu.memref_slice %arg13[%rem3A_778] : memref<8x!tpu.dma_semaphore, #tpu.memory_space<semaphore_mem>> -> memref<1x!tpu.dma_semaphore, #tpu.memory_space<semaphore_mem>>
      %dma_start3A_2401 = tpu.memref_squeeze %dma_start3A_2400 : memref<1x!tpu.dma_semaphore, #tpu.memory_space<semaphore_mem>> -> memref<!tpu.dma_semaphore, #tpu.memory_space<semaphore_mem>>
      tpu.enqueue_indirect_dma source(%dma_start3A_2393 : memref<16x128xf32, #tpu.memory_space<vmem>>) target(%dma_start3A_2399 : memref<10112x128xf32, #tpu.memory_space<vmem_shared>>) offsets(%dma_start3A_2396 : memref<16xi32, #tpu.memory_space<vmem>>) semaphore(%dma_start3A_2401 : memref<!tpu.dma_semaphore, #tpu.memory_space<semaphore_mem>>) {add = true}
      %add3A_2402 = arith.constant 6 : i32
      %add3A_2403 = arith.addi %while3A_776, %add3A_2402 : i32
      %rem3A_2404 = arith.constant 8 : i32
      %rem3A_2405 = arith.remsi %add3A_2403, %rem3A_2404 : i32
      %ge3A = arith.constant 8 : i32
      %ge3A_2406 = arith.cmpi sge, %add3A_2403, %ge3A : i32
      %lt3A = arith.cmpi slt, %add3A_2403, %max3A_556 : i32
      %and3A_2407 = arith.andi %ge3A_2406, %lt3A : i1
      %convert_element_type3A = arith.extui %and3A_2407 : i1 to i32
      %cond3A = arith.constant 0 : i32
      %cond3A_2408 = arith.cmpi ne, %convert_element_type3A, %cond3A : i32
      scf.if %cond3A_2408 {
        %dma_wait3A_2413 = arith.constant 0 : i32
        %dma_wait3A_2414 = arith.constant 0 : i32
        %dma_wait3A_2415 = tpu.memref_slice %arg9[%rem3A_2405, %dma_wait3A_2413, %dma_wait3A_2414] : memref<8x16x128xf32, #tpu.memory_space<vmem>> -> memref<1x16x128xf32, #tpu.memory_space<vmem>>
        %dma_wait3A_2416 = tpu.memref_squeeze %dma_wait3A_2415 : memref<1x16x128xf32, #tpu.memory_space<vmem>> -> memref<16x128xf32, #tpu.memory_space<vmem>>
        %dma_wait3A_2417 = arith.constant 0 : i32
        %dma_wait3A_2418 = tpu.memref_slice %arg10[%rem3A_2405, %dma_wait3A_2417] : memref<8x16xi32, #tpu.memory_space<vmem>> -> memref<1x16xi32, #tpu.memory_space<vmem>>
        %dma_wait3A_2419 = tpu.memref_squeeze %dma_wait3A_2418 : memref<1x16xi32, #tpu.memory_space<vmem>> -> memref<16xi32, #tpu.memory_space<vmem>>
        %dma_wait3A_2420 = arith.constant 0 : i32
        %dma_wait3A_2421 = arith.constant 0 : i32
        %dma_wait3A_2422 = tpu.memref_slice %arg11[%dma_wait3A_2420, %dma_wait3A_2421] : memref<10112x128xf32, #tpu.memory_space<vmem_shared>> -> memref<10112x128xf32, #tpu.memory_space<vmem_shared>>
        %dma_wait3A_2423 = tpu.memref_slice %arg13[%rem3A_2405] : memref<8x!tpu.dma_semaphore, #tpu.memory_space<semaphore_mem>> -> memref<1x!tpu.dma_semaphore, #tpu.memory_space<semaphore_mem>>
        %dma_wait3A_2424 = tpu.memref_squeeze %dma_wait3A_2423 : memref<1x!tpu.dma_semaphore, #tpu.memory_space<semaphore_mem>> -> memref<!tpu.dma_semaphore, #tpu.memory_space<semaphore_mem>>
        tpu.wait_indirect_dma semaphore(%dma_wait3A_2424 : memref<!tpu.dma_semaphore, #tpu.memory_space<semaphore_mem>>) src(%dma_wait3A_2416 : memref<16x128xf32, #tpu.memory_space<vmem>>) dst(%dma_wait3A_2422 : memref<10112x128xf32, #tpu.memory_space<vmem_shared>>)
      } else {
      }
      %lt3A_2409 = arith.cmpi slt, %add3A_2403, %max3A_556 : i32
      %convert_element_type3A_2410 = arith.extui %lt3A_2409 : i1 to i32
      %cond3A_2411 = arith.constant 0 : i32
      %cond3A_2412 = arith.cmpi ne, %convert_element_type3A_2410, %cond3A_2411 : i32
      scf.if %cond3A_2412 {
        %mul3A_2413 = arith.constant 16 : i32
        %mul3A_2414 = arith.muli %add3A_2403, %mul3A_2413 : i32
        %dma_start3A_2415 = arith.constant 0 : i32
        %dma_start3A_2416 = arith.constant 0 : i32
        %dma_start3A_2417 = tpu.memref_slice %arg9[%rem3A_2405, %dma_start3A_2415, %dma_start3A_2416] : memref<8x16x128xf32, #tpu.memory_space<vmem>> -> memref<1x16x128xf32, #tpu.memory_space<vmem>>
        %dma_start3A_2418 = tpu.memref_squeeze %dma_start3A_2417 : memref<1x16x128xf32, #tpu.memory_space<vmem>> -> memref<16x128xf32, #tpu.memory_space<vmem>>
        %dma_start3A_2419 = tpu.memref_slice %arg6[%mul3A_2414] : memref<10128xi32, #tpu.memory_space<vmem>> -> memref<16xi32, #tpu.memory_space<vmem>>
        %dma_start3A_2420 = arith.constant 0 : i32
        %dma_start3A_2421 = arith.constant 0 : i32
        %dma_start3A_2422 = tpu.memref_slice %arg2[%dma_start3A_2420, %dma_start3A_2421] : memref<10000x128xf32, #tpu.memory_space<hbm>> -> memref<10000x128xf32, #tpu.memory_space<hbm>>
        %dma_start3A_2423 = tpu.memref_slice %arg12[%rem3A_2405] : memref<8x!tpu.dma_semaphore, #tpu.memory_space<semaphore_mem>> -> memref<1x!tpu.dma_semaphore, #tpu.memory_space<semaphore_mem>>
        %dma_start3A_2424 = tpu.memref_squeeze %dma_start3A_2423 : memref<1x!tpu.dma_semaphore, #tpu.memory_space<semaphore_mem>> -> memref<!tpu.dma_semaphore, #tpu.memory_space<semaphore_mem>>
        tpu.enqueue_indirect_dma source(%dma_start3A_2422 : memref<10000x128xf32, #tpu.memory_space<hbm>>) target(%dma_start3A_2418 : memref<16x128xf32, #tpu.memory_space<vmem>>) offsets(%dma_start3A_2419 : memref<16xi32, #tpu.memory_space<vmem>>) semaphore(%dma_start3A_2424 : memref<!tpu.dma_semaphore, #tpu.memory_space<semaphore_mem>>)
      } else {
      }
    }
    %while3A_654 = arith.constant 1 : i32
    scf.for %while3A_776 = %while3A_652 to %while3A_648 step %while3A_654  : i32 {
      %rem3A_777 = arith.constant 8 : i32
      %rem3A_778 = arith.remsi %while3A_776, %rem3A_777 : i32
      %mul3A_779 = arith.constant 16 : i32
      %mul3A_780 = arith.muli %while3A_776, %mul3A_779 : i32
      %dma_wait3A_781 = arith.constant 0 : i32
      %dma_wait3A_782 = arith.constant 0 : i32
      %dma_wait3A_783 = tpu.memref_slice %arg9[%rem3A_778, %dma_wait3A_781, %dma_wait3A_782] : memref<8x16x128xf32, #tpu.memory_space<vmem>> -> memref<1x16x128xf32, #tpu.memory_space<vmem>>
      %dma_wait3A_784 = tpu.memref_squeeze %dma_wait3A_783 : memref<1x16x128xf32, #tpu.memory_space<vmem>> -> memref<16x128xf32, #tpu.memory_space<vmem>>
      %dma_wait3A_785 = tpu.memref_slice %arg6[%mul3A_780] : memref<10128xi32, #tpu.memory_space<vmem>> -> memref<16xi32, #tpu.memory_space<vmem>>
      %dma_wait3A_786 = arith.constant 0 : i32
      %dma_wait3A_787 = arith.constant 0 : i32
      %dma_wait3A_788 = tpu.memref_slice %arg2[%dma_wait3A_786, %dma_wait3A_787] : memref<10000x128xf32, #tpu.memory_space<hbm>> -> memref<10000x128xf32, #tpu.memory_space<hbm>>
      %dma_wait3A_789 = tpu.memref_slice %arg12[%rem3A_778] : memref<8x!tpu.dma_semaphore, #tpu.memory_space<semaphore_mem>> -> memref<1x!tpu.dma_semaphore, #tpu.memory_space<semaphore_mem>>
      %dma_wait3A_790 = tpu.memref_squeeze %dma_wait3A_789 : memref<1x!tpu.dma_semaphore, #tpu.memory_space<semaphore_mem>> -> memref<!tpu.dma_semaphore, #tpu.memory_space<semaphore_mem>>
      tpu.wait_indirect_dma semaphore(%dma_wait3A_790 : memref<!tpu.dma_semaphore, #tpu.memory_space<semaphore_mem>>) src(%dma_wait3A_788 : memref<10000x128xf32, #tpu.memory_space<hbm>>) dst(%dma_wait3A_784 : memref<16x128xf32, #tpu.memory_space<vmem>>)
      %mul3A_791 = arith.constant 16 : i32
      %mul3A_792 = arith.muli %while3A_776, %mul3A_791 : i32
      %add3A_793 = arith.constant 0 : i32
      %add3A_794 = arith.addi %mul3A_792, %add3A_793 : i32
      %get3A = arith.index_cast %add3A_794 : i32 to index
      %get3A_795 = tpu.vector_load %arg6[%get3A] {strides = array<i32>} : memref<10128xi32, #tpu.memory_space<vmem>>, vector<16xi32>,
      %mul3A_796 = arith.constant 16 : i32
      %mul3A_797 = arith.muli %while3A_776, %mul3A_796 : i32
      %add3A_798 = arith.constant 0 : i32
      %add3A_799 = arith.addi %mul3A_797, %add3A_798 : i32
      %get3A_800 = arith.index_cast %add3A_799 : i32 to index
      %get3A_801 = tpu.vector_load %arg7[%get3A_800] {strides = array<i32>} : memref<10128xi32, #tpu.memory_space<vmem>>, vector<16xi32>,
      %gather3A = tpu.vector_load_idx %arg8[%get3A_795] : memref<10000xf32, #tpu.memory_space<vmem>>[vector<16xi32>], vector<16xf32>,
      %bitcast3A = vector.bitcast %gather3A : vector<16xf32> to vector<16xi32>
      %gather3A_802 = tpu.vector_load_idx %arg8[%get3A_801] : memref<10000xf32, #tpu.memory_space<vmem>>[vector<16xi32>], vector<16xf32>,
      %bitcast3A_803 = vector.bitcast %gather3A_802 : vector<16xf32> to vector<16xi32>
      %shift_left3A = arith.constant 16 : i32
      %shift_left3A_804 = vector.broadcast %shift_left3A : i32 to vector<16xi32>
      %shift_left3A_805 = arith.shli %bitcast3A, %shift_left3A_804 : vector<16xi32>
      %bitcast3A_806 = vector.bitcast %shift_left3A_805 : vector<16xi32> to vector<16xf32>
      %and3A_807 = arith.andi %bitcast3A_803, %broadcast_in_dim3A_645 : vector<16xi32>
      %bitcast3A_808 = vector.bitcast %and3A_807 : vector<16xi32> to vector<16xf32>
      %add3A_809 = arith.addf %bitcast3A_806, %bitcast3A_808 : vector<16xf32>
      %neg3A = arith.constant 0.000000e+00 : f32
      %neg3A_810 = vector.broadcast %neg3A : f32 to vector<16xf32>
      %neg3A_811 = arith.subf %neg3A_810, %add3A_809 : vector<16xf32>
      %exp3A = math.exp %neg3A_811 : vector<16xf32>
      %add3A_812 = arith.constant 1.000000e+00 : f32
      %add3A_813 = vector.broadcast %add3A_812 : f32 to vector<16xf32>
      %add3A_814 = arith.addf %add3A_813, %exp3A : vector<16xf32>
      %div3A_815 = arith.constant 1.000000e+00 : f32
      %div3A_816 = vector.broadcast %div3A_815 : f32 to vector<16xf32>
      %div3A_817 = arith.divf %div3A_816, %add3A_814 : vector<16xf32>
      %le3A = arith.cmpi sle, %get3A_795, %get3A_801 : vector<16xi32>
      %jit3A_818 = arith.constant 0.000000e+00 : f32
      %broadcast_in_dim3A_819 = vector.broadcast %jit3A_818 : f32 to vector<16xf32>
      %select_n3A_820 = arith.select %le3A, %div3A_817, %broadcast_in_dim3A_819 : vector<16xi1>, vector<16xf32>
      %swap3A_821 = arith.index_cast %rem3A_778 : i32 to index
      %swap3A_822 = arith.constant 0 : index
      %swap3A_823 = tpu.vector_load %arg10[%swap3A_821, %swap3A_822] {strides = array<i32>} : memref<8x16xi32, #tpu.memory_space<vmem>>, vector<16xi32>,
      tpu.vector_store %arg10[%swap3A_821, %swap3A_822], %get3A_801 {strides = array<i32>} : memref<8x16xi32, #tpu.memory_space<vmem>>, vector<16xi32>,
      %slice3A = vector.extract_strided_slice %select_n3A_820 {offsets = [0], sizes = [1], strides = [1]} : vector<16xf32> to vector<1xf32>
      %squeeze3A = vector.extract %slice3A[0] : f32 from vector<1xf32>
      %get3A_824 = arith.constant 0 : i32
      %get3A_825 = arith.index_cast %rem3A_778 : i32 to index
      %get3A_826 = arith.index_cast %get3A_824 : i32 to index
      %get3A_827 = arith.constant 0 : index
      %get3A_828 = tpu.vector_load %arg9[%get3A_825, %get3A_826, %get3A_827] {strides = array<i32>} : memref<8x16x128xf32, #tpu.memory_space<vmem>>, vector<16xf32>,
      %mul3A_829 = vector.broadcast %squeeze3A : f32 to vector<16xf32>
      %mul3A_830 = arith.mulf %get3A_828, %mul3A_829 : vector<16xf32>
      %swap3A_831 = arith.constant 0 : i32
      %swap3A_832 = arith.index_cast %rem3A_778 : i32 to index
      %swap3A_833 = arith.index_cast %swap3A_831 : i32 to index
      %swap3A_834 = arith.constant 0 : index
      %swap3A_835 = tpu.vector_load %arg9[%swap3A_832, %swap3A_833, %swap3A_834] {strides = array<i32>} : memref<8x16x128xf32, #tpu.memory_space<vmem>>, vector<16xf32>,
      tpu.vector_store %arg9[%swap3A_832, %swap3A_833, %swap3A_834], %mul3A_830 {strides = array<i32>} : memref<8x16x128xf32, #tpu.memory_space<vmem>>, vector<16xf32>,
      %get3A_836 = arith.constant 0 : i32
      %get3A_837 = arith.index_cast %rem3A_778 : i32 to index
      %get3A_838 = arith.index_cast %get3A_836 : i32 to index
      %get3A_839 = arith.constant 16 : index
      %get3A_840 = tpu.vector_load %arg9[%get3A_837, %get3A_838, %get3A_839] {strides = array<i32>} : memref<8x16x128xf32, #tpu.memory_space<vmem>>, vector<16xf32>,
      %mul3A_841 = vector.broadcast %squeeze3A : f32 to vector<16xf32>
      %mul3A_842 = arith.mulf %get3A_840, %mul3A_841 : vector<16xf32>
      %swap3A_843 = arith.constant 0 : i32
      %swap3A_844 = arith.index_cast %rem3A_778 : i32 to index
      %swap3A_845 = arith.index_cast %swap3A_843 : i32 to index
      %swap3A_846 = arith.constant 16 : index
      %swap3A_847 = tpu.vector_load %arg9[%swap3A_844, %swap3A_845, %swap3A_846] {strides = array<i32>} : memref<8x16x128xf32, #tpu.memory_space<vmem>>, vector<16xf32>,
      tpu.vector_store %arg9[%swap3A_844, %swap3A_845, %swap3A_846], %mul3A_842 {strides = array<i32>} : memref<8x16x128xf32, #tpu.memory_space<vmem>>, vector<16xf32>,
      %get3A_848 = arith.constant 0 : i32
      %get3A_849 = arith.index_cast %rem3A_778 : i32 to index
      %get3A_850 = arith.index_cast %get3A_848 : i32 to index
      %get3A_851 = arith.constant 32 : index
      %get3A_852 = tpu.vector_load %arg9[%get3A_849, %get3A_850, %get3A_851] {strides = array<i32>} : memref<8x16x128xf32, #tpu.memory_space<vmem>>, vector<16xf32>,
      %mul3A_853 = vector.broadcast %squeeze3A : f32 to vector<16xf32>
      %mul3A_854 = arith.mulf %get3A_852, %mul3A_853 : vector<16xf32>
      %swap3A_855 = arith.constant 0 : i32
      %swap3A_856 = arith.index_cast %rem3A_778 : i32 to index
      %swap3A_857 = arith.index_cast %swap3A_855 : i32 to index
      %swap3A_858 = arith.constant 32 : index
      %swap3A_859 = tpu.vector_load %arg9[%swap3A_856, %swap3A_857, %swap3A_858] {strides = array<i32>} : memref<8x16x128xf32, #tpu.memory_space<vmem>>, vector<16xf32>,
      tpu.vector_store %arg9[%swap3A_856, %swap3A_857, %swap3A_858], %mul3A_854 {strides = array<i32>} : memref<8x16x128xf32, #tpu.memory_space<vmem>>, vector<16xf32>,
      %get3A_860 = arith.constant 0 : i32
      %get3A_861 = arith.index_cast %rem3A_778 : i32 to index
      %get3A_862 = arith.index_cast %get3A_860 : i32 to index
      %get3A_863 = arith.constant 48 : index
      %get3A_864 = tpu.vector_load %arg9[%get3A_861, %get3A_862, %get3A_863] {strides = array<i32>} : memref<8x16x128xf32, #tpu.memory_space<vmem>>, vector<16xf32>,
      %mul3A_865 = vector.broadcast %squeeze3A : f32 to vector<16xf32>
      %mul3A_866 = arith.mulf %get3A_864, %mul3A_865 : vector<16xf32>
      %swap3A_867 = arith.constant 0 : i32
      %swap3A_868 = arith.index_cast %rem3A_778 : i32 to index
      %swap3A_869 = arith.index_cast %swap3A_867 : i32 to index
      %swap3A_870 = arith.constant 48 : index
      %swap3A_871 = tpu.vector_load %arg9[%swap3A_868, %swap3A_869, %swap3A_870] {strides = array<i32>} : memref<8x16x128xf32, #tpu.memory_space<vmem>>, vector<16xf32>,
      tpu.vector_store %arg9[%swap3A_868, %swap3A_869, %swap3A_870], %mul3A_866 {strides = array<i32>} : memref<8x16x128xf32, #tpu.memory_space<vmem>>, vector<16xf32>,
      %get3A_872 = arith.constant 0 : i32
      %get3A_873 = arith.index_cast %rem3A_778 : i32 to index
      %get3A_874 = arith.index_cast %get3A_872 : i32 to index
      %get3A_875 = arith.constant 64 : index
      %get3A_876 = tpu.vector_load %arg9[%get3A_873, %get3A_874, %get3A_875] {strides = array<i32>} : memref<8x16x128xf32, #tpu.memory_space<vmem>>, vector<16xf32>,
      %mul3A_877 = vector.broadcast %squeeze3A : f32 to vector<16xf32>
      %mul3A_878 = arith.mulf %get3A_876, %mul3A_877 : vector<16xf32>
      %swap3A_879 = arith.constant 0 : i32
      %swap3A_880 = arith.index_cast %rem3A_778 : i32 to index
      %swap3A_881 = arith.index_cast %swap3A_879 : i32 to index
      %swap3A_882 = arith.constant 64 : index
      %swap3A_883 = tpu.vector_load %arg9[%swap3A_880, %swap3A_881, %swap3A_882] {strides = array<i32>} : memref<8x16x128xf32, #tpu.memory_space<vmem>>, vector<16xf32>,
      tpu.vector_store %arg9[%swap3A_880, %swap3A_881, %swap3A_882], %mul3A_878 {strides = array<i32>} : memref<8x16x128xf32, #tpu.memory_space<vmem>>, vector<16xf32>,
      %get3A_884 = arith.constant 0 : i32
      %get3A_885 = arith.index_cast %rem3A_778 : i32 to index
      %get3A_886 = arith.index_cast %get3A_884 : i32 to index
      %get3A_887 = arith.constant 80 : index
      %get3A_888 = tpu.vector_load %arg9[%get3A_885, %get3A_886, %get3A_887] {strides = array<i32>} : memref<8x16x128xf32, #tpu.memory_space<vmem>>, vector<16xf32>,
      %mul3A_889 = vector.broadcast %squeeze3A : f32 to vector<16xf32>
      %mul3A_890 = arith.mulf %get3A_888, %mul3A_889 : vector<16xf32>
      %swap3A_891 = arith.constant 0 : i32
      %swap3A_892 = arith.index_cast %rem3A_778 : i32 to index
      %swap3A_893 = arith.index_cast %swap3A_891 : i32 to index
      %swap3A_894 = arith.constant 80 : index
      %swap3A_895 = tpu.vector_load %arg9[%swap3A_892, %swap3A_893, %swap3A_894] {strides = array<i32>} : memref<8x16x128xf32, #tpu.memory_space<vmem>>, vector<16xf32>,
      tpu.vector_store %arg9[%swap3A_892, %swap3A_893, %swap3A_894], %mul3A_890 {strides = array<i32>} : memref<8x16x128xf32, #tpu.memory_space<vmem>>, vector<16xf32>,
      %get3A_896 = arith.constant 0 : i32
      %get3A_897 = arith.index_cast %rem3A_778 : i32 to index
      %get3A_898 = arith.index_cast %get3A_896 : i32 to index
      %get3A_899 = arith.constant 96 : index
      %get3A_900 = tpu.vector_load %arg9[%get3A_897, %get3A_898, %get3A_899] {strides = array<i32>} : memref<8x16x128xf32, #tpu.memory_space<vmem>>, vector<16xf32>,
      %mul3A_901 = vector.broadcast %squeeze3A : f32 to vector<16xf32>
      %mul3A_902 = arith.mulf %get3A_900, %mul3A_901 : vector<16xf32>
      %swap3A_903 = arith.constant 0 : i32
      %swap3A_904 = arith.index_cast %rem3A_778 : i32 to index
      %swap3A_905 = arith.index_cast %swap3A_903 : i32 to index
      %swap3A_906 = arith.constant 96 : index
      %swap3A_907 = tpu.vector_load %arg9[%swap3A_904, %swap3A_905, %swap3A_906] {strides = array<i32>} : memref<8x16x128xf32, #tpu.memory_space<vmem>>, vector<16xf32>,
      tpu.vector_store %arg9[%swap3A_904, %swap3A_905, %swap3A_906], %mul3A_902 {strides = array<i32>} : memref<8x16x128xf32, #tpu.memory_space<vmem>>, vector<16xf32>,
      %get3A_908 = arith.constant 0 : i32
      %get3A_909 = arith.index_cast %rem3A_778 : i32 to index
      %get3A_910 = arith.index_cast %get3A_908 : i32 to index
      %get3A_911 = arith.constant 112 : index
      %get3A_912 = tpu.vector_load %arg9[%get3A_909, %get3A_910, %get3A_911] {strides = array<i32>} : memref<8x16x128xf32, #tpu.memory_space<vmem>>, vector<16xf32>,
      %mul3A_913 = vector.broadcast %squeeze3A : f32 to vector<16xf32>
      %mul3A_914 = arith.mulf %get3A_912, %mul3A_913 : vector<16xf32>
      %swap3A_915 = arith.constant 0 : i32
      %swap3A_916 = arith.index_cast %rem3A_778 : i32 to index
      %swap3A_917 = arith.index_cast %swap3A_915 : i32 to index
      %swap3A_918 = arith.constant 112 : index
      %swap3A_919 = tpu.vector_load %arg9[%swap3A_916, %swap3A_917, %swap3A_918] {strides = array<i32>} : memref<8x16x128xf32, #tpu.memory_space<vmem>>, vector<16xf32>,
      tpu.vector_store %arg9[%swap3A_916, %swap3A_917, %swap3A_918], %mul3A_914 {strides = array<i32>} : memref<8x16x128xf32, #tpu.memory_space<vmem>>, vector<16xf32>,
      %slice3A_920 = vector.extract_strided_slice %select_n3A_820 {offsets = [1], sizes = [1], strides = [1]} : vector<16xf32> to vector<1xf32>
      %squeeze3A_921 = vector.extract %slice3A_920[0] : f32 from vector<1xf32>
      %get3A_922 = arith.constant 1 : i32
      %get3A_923 = arith.index_cast %rem3A_778 : i32 to index
      %get3A_924 = arith.index_cast %get3A_922 : i32 to index
      %get3A_925 = arith.constant 0 : index
      %get3A_926 = tpu.vector_load %arg9[%get3A_923, %get3A_924, %get3A_925] {strides = array<i32>} : memref<8x16x128xf32, #tpu.memory_space<vmem>>, vector<16xf32>,
      %mul3A_927 = vector.broadcast %squeeze3A_921 : f32 to vector<16xf32>
      %mul3A_928 = arith.mulf %get3A_926, %mul3A_927 : vector<16xf32>
      %swap3A_929 = arith.constant 1 : i32
      %swap3A_930 = arith.index_cast %rem3A_778 : i32 to index
      %swap3A_931 = arith.index_cast %swap3A_929 : i32 to index
      %swap3A_932 = arith.constant 0 : index
      %swap3A_933 = tpu.vector_load %arg9[%swap3A_930, %swap3A_931, %swap3A_932] {strides = array<i32>} : memref<8x16x128xf32, #tpu.memory_space<vmem>>, vector<16xf32>,
      tpu.vector_store %arg9[%swap3A_930, %swap3A_931, %swap3A_932], %mul3A_928 {strides = array<i32>} : memref<8x16x128xf32, #tpu.memory_space<vmem>>, vector<16xf32>,
      %get3A_934 = arith.constant 1 : i32
      %get3A_935 = arith.index_cast %rem3A_778 : i32 to index
      %get3A_936 = arith.index_cast %get3A_934 : i32 to index
      %get3A_937 = arith.constant 16 : index
      %get3A_938 = tpu.vector_load %arg9[%get3A_935, %get3A_936, %get3A_937] {strides = array<i32>} : memref<8x16x128xf32, #tpu.memory_space<vmem>>, vector<16xf32>,
      %mul3A_939 = vector.broadcast %squeeze3A_921 : f32 to vector<16xf32>
      %mul3A_940 = arith.mulf %get3A_938, %mul3A_939 : vector<16xf32>
      %swap3A_941 = arith.constant 1 : i32
      %swap3A_942 = arith.index_cast %rem3A_778 : i32 to index
      %swap3A_943 = arith.index_cast %swap3A_941 : i32 to index
      %swap3A_944 = arith.constant 16 : index
      %swap3A_945 = tpu.vector_load %arg9[%swap3A_942, %swap3A_943, %swap3A_944] {strides = array<i32>} : memref<8x16x128xf32, #tpu.memory_space<vmem>>, vector<16xf32>,
      tpu.vector_store %arg9[%swap3A_942, %swap3A_943, %swap3A_944], %mul3A_940 {strides = array<i32>} : memref<8x16x128xf32, #tpu.memory_space<vmem>>, vector<16xf32>,
      %get3A_946 = arith.constant 1 : i32
      %get3A_947 = arith.index_cast %rem3A_778 : i32 to index
      %get3A_948 = arith.index_cast %get3A_946 : i32 to index
      %get3A_949 = arith.constant 32 : index
      %get3A_950 = tpu.vector_load %arg9[%get3A_947, %get3A_948, %get3A_949] {strides = array<i32>} : memref<8x16x128xf32, #tpu.memory_space<vmem>>, vector<16xf32>,
      %mul3A_951 = vector.broadcast %squeeze3A_921 : f32 to vector<16xf32>
      %mul3A_952 = arith.mulf %get3A_950, %mul3A_951 : vector<16xf32>
      %swap3A_953 = arith.constant 1 : i32
      %swap3A_954 = arith.index_cast %rem3A_778 : i32 to index
      %swap3A_955 = arith.index_cast %swap3A_953 : i32 to index
      %swap3A_956 = arith.constant 32 : index
      %swap3A_957 = tpu.vector_load %arg9[%swap3A_954, %swap3A_955, %swap3A_956] {strides = array<i32>} : memref<8x16x128xf32, #tpu.memory_space<vmem>>, vector<16xf32>,
      tpu.vector_store %arg9[%swap3A_954, %swap3A_955, %swap3A_956], %mul3A_952 {strides = array<i32>} : memref<8x16x128xf32, #tpu.memory_space<vmem>>, vector<16xf32>,
      %get3A_958 = arith.constant 1 : i32
      %get3A_959 = arith.index_cast %rem3A_778 : i32 to index
      %get3A_960 = arith.index_cast %get3A_958 : i32 to index
      %get3A_961 = arith.constant 48 : index
      %get3A_962 = tpu.vector_load %arg9[%get3A_959, %get3A_960, %get3A_961] {strides = array<i32>} : memref<8x16x128xf32, #tpu.memory_space<vmem>>, vector<16xf32>,
      %mul3A_963 = vector.broadcast %squeeze3A_921 : f32 to vector<16xf32>
      %mul3A_964 = arith.mulf %get3A_962, %mul3A_963 : vector<16xf32>
      %swap3A_965 = arith.constant 1 : i32
      %swap3A_966 = arith.index_cast %rem3A_778 : i32 to index
      %swap3A_967 = arith.index_cast %swap3A_965 : i32 to index
      %swap3A_968 = arith.constant 48 : index
      %swap3A_969 = tpu.vector_load %arg9[%swap3A_966, %swap3A_967, %swap3A_968] {strides = array<i32>} : memref<8x16x128xf32, #tpu.memory_space<vmem>>, vector<16xf32>,
      tpu.vector_store %arg9[%swap3A_966, %swap3A_967, %swap3A_968], %mul3A_964 {strides = array<i32>} : memref<8x16x128xf32, #tpu.memory_space<vmem>>, vector<16xf32>,
      %get3A_970 = arith.constant 1 : i32
      %get3A_971 = arith.index_cast %rem3A_778 : i32 to index
      %get3A_972 = arith.index_cast %get3A_970 : i32 to index
      %get3A_973 = arith.constant 64 : index
      %get3A_974 = tpu.vector_load %arg9[%get3A_971, %get3A_972, %get3A_973] {strides = array<i32>} : memref<8x16x128xf32, #tpu.memory_space<vmem>>, vector<16xf32>,
      %mul3A_975 = vector.broadcast %squeeze3A_921 : f32 to vector<16xf32>
      %mul3A_976 = arith.mulf %get3A_974, %mul3A_975 : vector<16xf32>
      %swap3A_977 = arith.constant 1 : i32
      %swap3A_978 = arith.index_cast %rem3A_778 : i32 to index
      %swap3A_979 = arith.index_cast %swap3A_977 : i32 to index
      %swap3A_980 = arith.constant 64 : index
      %swap3A_981 = tpu.vector_load %arg9[%swap3A_978, %swap3A_979, %swap3A_980] {strides = array<i32>} : memref<8x16x128xf32, #tpu.memory_space<vmem>>, vector<16xf32>,
      tpu.vector_store %arg9[%swap3A_978, %swap3A_979, %swap3A_980], %mul3A_976 {strides = array<i32>} : memref<8x16x128xf32, #tpu.memory_space<vmem>>, vector<16xf32>,
      %get3A_982 = arith.constant 1 : i32
      %get3A_983 = arith.index_cast %rem3A_778 : i32 to index
      %get3A_984 = arith.index_cast %get3A_982 : i32 to index
      %get3A_985 = arith.constant 80 : index
      %get3A_986 = tpu.vector_load %arg9[%get3A_983, %get3A_984, %get3A_985] {strides = array<i32>} : memref<8x16x128xf32, #tpu.memory_space<vmem>>, vector<16xf32>,
      %mul3A_987 = vector.broadcast %squeeze3A_921 : f32 to vector<16xf32>
      %mul3A_988 = arith.mulf %get3A_986, %mul3A_987 : vector<16xf32>
      %swap3A_989 = arith.constant 1 : i32
      %swap3A_990 = arith.index_cast %rem3A_778 : i32 to index
      %swap3A_991 = arith.index_cast %swap3A_989 : i32 to index
      %swap3A_992 = arith.constant 80 : index
      %swap3A_993 = tpu.vector_load %arg9[%swap3A_990, %swap3A_991, %swap3A_992] {strides = array<i32>} : memref<8x16x128xf32, #tpu.memory_space<vmem>>, vector<16xf32>,
      tpu.vector_store %arg9[%swap3A_990, %swap3A_991, %swap3A_992], %mul3A_988 {strides = array<i32>} : memref<8x16x128xf32, #tpu.memory_space<vmem>>, vector<16xf32>,
      %get3A_994 = arith.constant 1 : i32
      %get3A_995 = arith.index_cast %rem3A_778 : i32 to index
      %get3A_996 = arith.index_cast %get3A_994 : i32 to index
      %get3A_997 = arith.constant 96 : index
      %get3A_998 = tpu.vector_load %arg9[%get3A_995, %get3A_996, %get3A_997] {strides = array<i32>} : memref<8x16x128xf32, #tpu.memory_space<vmem>>, vector<16xf32>,
      %mul3A_999 = vector.broadcast %squeeze3A_921 : f32 to vector<16xf32>
      %mul3A_1000 = arith.mulf %get3A_998, %mul3A_999 : vector<16xf32>
      %swap3A_1001 = arith.constant 1 : i32
      %swap3A_1002 = arith.index_cast %rem3A_778 : i32 to index
      %swap3A_1003 = arith.index_cast %swap3A_1001 : i32 to index
      %swap3A_1004 = arith.constant 96 : index
      %swap3A_1005 = tpu.vector_load %arg9[%swap3A_1002, %swap3A_1003, %swap3A_1004] {strides = array<i32>} : memref<8x16x128xf32, #tpu.memory_space<vmem>>, vector<16xf32>,
      tpu.vector_store %arg9[%swap3A_1002, %swap3A_1003, %swap3A_1004], %mul3A_1000 {strides = array<i32>} : memref<8x16x128xf32, #tpu.memory_space<vmem>>, vector<16xf32>,
      %get3A_1006 = arith.constant 1 : i32
      %get3A_1007 = arith.index_cast %rem3A_778 : i32 to index
      %get3A_1008 = arith.index_cast %get3A_1006 : i32 to index
      %get3A_1009 = arith.constant 112 : index
      %get3A_1010 = tpu.vector_load %arg9[%get3A_1007, %get3A_1008, %get3A_1009] {strides = array<i32>} : memref<8x16x128xf32, #tpu.memory_space<vmem>>, vector<16xf32>,
      %mul3A_1011 = vector.broadcast %squeeze3A_921 : f32 to vector<16xf32>
      %mul3A_1012 = arith.mulf %get3A_1010, %mul3A_1011 : vector<16xf32>
      %swap3A_1013 = arith.constant 1 : i32
      %swap3A_1014 = arith.index_cast %rem3A_778 : i32 to index
      %swap3A_1015 = arith.index_cast %swap3A_1013 : i32 to index
      %swap3A_1016 = arith.constant 112 : index
      %swap3A_1017 = tpu.vector_load %arg9[%swap3A_1014, %swap3A_1015, %swap3A_1016] {strides = array<i32>} : memref<8x16x128xf32, #tpu.memory_space<vmem>>, vector<16xf32>,
      tpu.vector_store %arg9[%swap3A_1014, %swap3A_1015, %swap3A_1016], %mul3A_1012 {strides = array<i32>} : memref<8x16x128xf32, #tpu.memory_space<vmem>>, vector<16xf32>,
      %slice3A_1018 = vector.extract_strided_slice %select_n3A_820 {offsets = [2], sizes = [1], strides = [1]} : vector<16xf32> to vector<1xf32>
      %squeeze3A_1019 = vector.extract %slice3A_1018[0] : f32 from vector<1xf32>
      %get3A_1020 = arith.constant 2 : i32
      %get3A_1021 = arith.index_cast %rem3A_778 : i32 to index
      %get3A_1022 = arith.index_cast %get3A_1020 : i32 to index
      %get3A_1023 = arith.constant 0 : index
      %get3A_1024 = tpu.vector_load %arg9[%get3A_1021, %get3A_1022, %get3A_1023] {strides = array<i32>} : memref<8x16x128xf32, #tpu.memory_space<vmem>>, vector<16xf32>,
      %mul3A_1025 = vector.broadcast %squeeze3A_1019 : f32 to vector<16xf32>
      %mul3A_1026 = arith.mulf %get3A_1024, %mul3A_1025 : vector<16xf32>
      %swap3A_1027 = arith.constant 2 : i32
      %swap3A_1028 = arith.index_cast %rem3A_778 : i32 to index
      %swap3A_1029 = arith.index_cast %swap3A_1027 : i32 to index
      %swap3A_1030 = arith.constant 0 : index
      %swap3A_1031 = tpu.vector_load %arg9[%swap3A_1028, %swap3A_1029, %swap3A_1030] {strides = array<i32>} : memref<8x16x128xf32, #tpu.memory_space<vmem>>, vector<16xf32>,
      tpu.vector_store %arg9[%swap3A_1028, %swap3A_1029, %swap3A_1030], %mul3A_1026 {strides = array<i32>} : memref<8x16x128xf32, #tpu.memory_space<vmem>>, vector<16xf32>,
      %get3A_1032 = arith.constant 2 : i32
      %get3A_1033 = arith.index_cast %rem3A_778 : i32 to index
      %get3A_1034 = arith.index_cast %get3A_1032 : i32 to index
      %get3A_1035 = arith.constant 16 : index
      %get3A_1036 = tpu.vector_load %arg9[%get3A_1033, %get3A_1034, %get3A_1035] {strides = array<i32>} : memref<8x16x128xf32, #tpu.memory_space<vmem>>, vector<16xf32>,
      %mul3A_1037 = vector.broadcast %squeeze3A_1019 : f32 to vector<16xf32>
      %mul3A_1038 = arith.mulf %get3A_1036, %mul3A_1037 : vector<16xf32>
      %swap3A_1039 = arith.constant 2 : i32
      %swap3A_1040 = arith.index_cast %rem3A_778 : i32 to index
      %swap3A_1041 = arith.index_cast %swap3A_1039 : i32 to index
      %swap3A_1042 = arith.constant 16 : index
      %swap3A_1043 = tpu.vector_load %arg9[%swap3A_1040, %swap3A_1041, %swap3A_1042] {strides = array<i32>} : memref<8x16x128xf32, #tpu.memory_space<vmem>>, vector<16xf32>,
      tpu.vector_store %arg9[%swap3A_1040, %swap3A_1041, %swap3A_1042], %mul3A_1038 {strides = array<i32>} : memref<8x16x128xf32, #tpu.memory_space<vmem>>, vector<16xf32>,
      %get3A_1044 = arith.constant 2 : i32
      %get3A_1045 = arith.index_cast %rem3A_778 : i32 to index
      %get3A_1046 = arith.index_cast %get3A_1044 : i32 to index
      %get3A_1047 = arith.constant 32 : index
      %get3A_1048 = tpu.vector_load %arg9[%get3A_1045, %get3A_1046, %get3A_1047] {strides = array<i32>} : memref<8x16x128xf32, #tpu.memory_space<vmem>>, vector<16xf32>,
      %mul3A_1049 = vector.broadcast %squeeze3A_1019 : f32 to vector<16xf32>
      %mul3A_1050 = arith.mulf %get3A_1048, %mul3A_1049 : vector<16xf32>
      %swap3A_1051 = arith.constant 2 : i32
      %swap3A_1052 = arith.index_cast %rem3A_778 : i32 to index
      %swap3A_1053 = arith.index_cast %swap3A_1051 : i32 to index
      %swap3A_1054 = arith.constant 32 : index
      %swap3A_1055 = tpu.vector_load %arg9[%swap3A_1052, %swap3A_1053, %swap3A_1054] {strides = array<i32>} : memref<8x16x128xf32, #tpu.memory_space<vmem>>, vector<16xf32>,
      tpu.vector_store %arg9[%swap3A_1052, %swap3A_1053, %swap3A_1054], %mul3A_1050 {strides = array<i32>} : memref<8x16x128xf32, #tpu.memory_space<vmem>>, vector<16xf32>,
      %get3A_1056 = arith.constant 2 : i32
      %get3A_1057 = arith.index_cast %rem3A_778 : i32 to index
      %get3A_1058 = arith.index_cast %get3A_1056 : i32 to index
      %get3A_1059 = arith.constant 48 : index
      %get3A_1060 = tpu.vector_load %arg9[%get3A_1057, %get3A_1058, %get3A_1059] {strides = array<i32>} : memref<8x16x128xf32, #tpu.memory_space<vmem>>, vector<16xf32>,
      %mul3A_1061 = vector.broadcast %squeeze3A_1019 : f32 to vector<16xf32>
      %mul3A_1062 = arith.mulf %get3A_1060, %mul3A_1061 : vector<16xf32>
      %swap3A_1063 = arith.constant 2 : i32
      %swap3A_1064 = arith.index_cast %rem3A_778 : i32 to index
      %swap3A_1065 = arith.index_cast %swap3A_1063 : i32 to index
      %swap3A_1066 = arith.constant 48 : index
      %swap3A_1067 = tpu.vector_load %arg9[%swap3A_1064, %swap3A_1065, %swap3A_1066] {strides = array<i32>} : memref<8x16x128xf32, #tpu.memory_space<vmem>>, vector<16xf32>,
      tpu.vector_store %arg9[%swap3A_1064, %swap3A_1065, %swap3A_1066], %mul3A_1062 {strides = array<i32>} : memref<8x16x128xf32, #tpu.memory_space<vmem>>, vector<16xf32>,
      %get3A_1068 = arith.constant 2 : i32
      %get3A_1069 = arith.index_cast %rem3A_778 : i32 to index
      %get3A_1070 = arith.index_cast %get3A_1068 : i32 to index
      %get3A_1071 = arith.constant 64 : index
      %get3A_1072 = tpu.vector_load %arg9[%get3A_1069, %get3A_1070, %get3A_1071] {strides = array<i32>} : memref<8x16x128xf32, #tpu.memory_space<vmem>>, vector<16xf32>,
      %mul3A_1073 = vector.broadcast %squeeze3A_1019 : f32 to vector<16xf32>
      %mul3A_1074 = arith.mulf %get3A_1072, %mul3A_1073 : vector<16xf32>
      %swap3A_1075 = arith.constant 2 : i32
      %swap3A_1076 = arith.index_cast %rem3A_778 : i32 to index
      %swap3A_1077 = arith.index_cast %swap3A_1075 : i32 to index
      %swap3A_1078 = arith.constant 64 : index
      %swap3A_1079 = tpu.vector_load %arg9[%swap3A_1076, %swap3A_1077, %swap3A_1078] {strides = array<i32>} : memref<8x16x128xf32, #tpu.memory_space<vmem>>, vector<16xf32>,
      tpu.vector_store %arg9[%swap3A_1076, %swap3A_1077, %swap3A_1078], %mul3A_1074 {strides = array<i32>} : memref<8x16x128xf32, #tpu.memory_space<vmem>>, vector<16xf32>,
      %get3A_1080 = arith.constant 2 : i32
      %get3A_1081 = arith.index_cast %rem3A_778 : i32 to index
      %get3A_1082 = arith.index_cast %get3A_1080 : i32 to index
      %get3A_1083 = arith.constant 80 : index
      %get3A_1084 = tpu.vector_load %arg9[%get3A_1081, %get3A_1082, %get3A_1083] {strides = array<i32>} : memref<8x16x128xf32, #tpu.memory_space<vmem>>, vector<16xf32>,
      %mul3A_1085 = vector.broadcast %squeeze3A_1019 : f32 to vector<16xf32>
      %mul3A_1086 = arith.mulf %get3A_1084, %mul3A_1085 : vector<16xf32>
      %swap3A_1087 = arith.constant 2 : i32
      %swap3A_1088 = arith.index_cast %rem3A_778 : i32 to index
      %swap3A_1089 = arith.index_cast %swap3A_1087 : i32 to index
      %swap3A_1090 = arith.constant 80 : index
      %swap3A_1091 = tpu.vector_load %arg9[%swap3A_1088, %swap3A_1089, %swap3A_1090] {strides = array<i32>} : memref<8x16x128xf32, #tpu.memory_space<vmem>>, vector<16xf32>,
      tpu.vector_store %arg9[%swap3A_1088, %swap3A_1089, %swap3A_1090], %mul3A_1086 {strides = array<i32>} : memref<8x16x128xf32, #tpu.memory_space<vmem>>, vector<16xf32>,
      %get3A_1092 = arith.constant 2 : i32
      %get3A_1093 = arith.index_cast %rem3A_778 : i32 to index
      %get3A_1094 = arith.index_cast %get3A_1092 : i32 to index
      %get3A_1095 = arith.constant 96 : index
      %get3A_1096 = tpu.vector_load %arg9[%get3A_1093, %get3A_1094, %get3A_1095] {strides = array<i32>} : memref<8x16x128xf32, #tpu.memory_space<vmem>>, vector<16xf32>,
      %mul3A_1097 = vector.broadcast %squeeze3A_1019 : f32 to vector<16xf32>
      %mul3A_1098 = arith.mulf %get3A_1096, %mul3A_1097 : vector<16xf32>
      %swap3A_1099 = arith.constant 2 : i32
      %swap3A_1100 = arith.index_cast %rem3A_778 : i32 to index
      %swap3A_1101 = arith.index_cast %swap3A_1099 : i32 to index
      %swap3A_1102 = arith.constant 96 : index
      %swap3A_1103 = tpu.vector_load %arg9[%swap3A_1100, %swap3A_1101, %swap3A_1102] {strides = array<i32>} : memref<8x16x128xf32, #tpu.memory_space<vmem>>, vector<16xf32>,
      tpu.vector_store %arg9[%swap3A_1100, %swap3A_1101, %swap3A_1102], %mul3A_1098 {strides = array<i32>} : memref<8x16x128xf32, #tpu.memory_space<vmem>>, vector<16xf32>,
      %get3A_1104 = arith.constant 2 : i32
      %get3A_1105 = arith.index_cast %rem3A_778 : i32 to index
      %get3A_1106 = arith.index_cast %get3A_1104 : i32 to index
      %get3A_1107 = arith.constant 112 : index
      %get3A_1108 = tpu.vector_load %arg9[%get3A_1105, %get3A_1106, %get3A_1107] {strides = array<i32>} : memref<8x16x128xf32, #tpu.memory_space<vmem>>, vector<16xf32>,
      %mul3A_1109 = vector.broadcast %squeeze3A_1019 : f32 to vector<16xf32>
      %mul3A_1110 = arith.mulf %get3A_1108, %mul3A_1109 : vector<16xf32>
      %swap3A_1111 = arith.constant 2 : i32
      %swap3A_1112 = arith.index_cast %rem3A_778 : i32 to index
      %swap3A_1113 = arith.index_cast %swap3A_1111 : i32 to index
      %swap3A_1114 = arith.constant 112 : index
      %swap3A_1115 = tpu.vector_load %arg9[%swap3A_1112, %swap3A_1113, %swap3A_1114] {strides = array<i32>} : memref<8x16x128xf32, #tpu.memory_space<vmem>>, vector<16xf32>,
      tpu.vector_store %arg9[%swap3A_1112, %swap3A_1113, %swap3A_1114], %mul3A_1110 {strides = array<i32>} : memref<8x16x128xf32, #tpu.memory_space<vmem>>, vector<16xf32>,
      %slice3A_1116 = vector.extract_strided_slice %select_n3A_820 {offsets = [3], sizes = [1], strides = [1]} : vector<16xf32> to vector<1xf32>
      %squeeze3A_1117 = vector.extract %slice3A_1116[0] : f32 from vector<1xf32>
      %get3A_1118 = arith.constant 3 : i32
      %get3A_1119 = arith.index_cast %rem3A_778 : i32 to index
      %get3A_1120 = arith.index_cast %get3A_1118 : i32 to index
      %get3A_1121 = arith.constant 0 : index
      %get3A_1122 = tpu.vector_load %arg9[%get3A_1119, %get3A_1120, %get3A_1121] {strides = array<i32>} : memref<8x16x128xf32, #tpu.memory_space<vmem>>, vector<16xf32>,
      %mul3A_1123 = vector.broadcast %squeeze3A_1117 : f32 to vector<16xf32>
      %mul3A_1124 = arith.mulf %get3A_1122, %mul3A_1123 : vector<16xf32>
      %swap3A_1125 = arith.constant 3 : i32
      %swap3A_1126 = arith.index_cast %rem3A_778 : i32 to index
      %swap3A_1127 = arith.index_cast %swap3A_1125 : i32 to index
      %swap3A_1128 = arith.constant 0 : index
      %swap3A_1129 = tpu.vector_load %arg9[%swap3A_1126, %swap3A_1127, %swap3A_1128] {strides = array<i32>} : memref<8x16x128xf32, #tpu.memory_space<vmem>>, vector<16xf32>,
      tpu.vector_store %arg9[%swap3A_1126, %swap3A_1127, %swap3A_1128], %mul3A_1124 {strides = array<i32>} : memref<8x16x128xf32, #tpu.memory_space<vmem>>, vector<16xf32>,
      %get3A_1130 = arith.constant 3 : i32
      %get3A_1131 = arith.index_cast %rem3A_778 : i32 to index
      %get3A_1132 = arith.index_cast %get3A_1130 : i32 to index
      %get3A_1133 = arith.constant 16 : index
      %get3A_1134 = tpu.vector_load %arg9[%get3A_1131, %get3A_1132, %get3A_1133] {strides = array<i32>} : memref<8x16x128xf32, #tpu.memory_space<vmem>>, vector<16xf32>,
      %mul3A_1135 = vector.broadcast %squeeze3A_1117 : f32 to vector<16xf32>
      %mul3A_1136 = arith.mulf %get3A_1134, %mul3A_1135 : vector<16xf32>
      %swap3A_1137 = arith.constant 3 : i32
      %swap3A_1138 = arith.index_cast %rem3A_778 : i32 to index
      %swap3A_1139 = arith.index_cast %swap3A_1137 : i32 to index
      %swap3A_1140 = arith.constant 16 : index
      %swap3A_1141 = tpu.vector_load %arg9[%swap3A_1138, %swap3A_1139, %swap3A_1140] {strides = array<i32>} : memref<8x16x128xf32, #tpu.memory_space<vmem>>, vector<16xf32>,
      tpu.vector_store %arg9[%swap3A_1138, %swap3A_1139, %swap3A_1140], %mul3A_1136 {strides = array<i32>} : memref<8x16x128xf32, #tpu.memory_space<vmem>>, vector<16xf32>,
      %get3A_1142 = arith.constant 3 : i32
      %get3A_1143 = arith.index_cast %rem3A_778 : i32 to index
      %get3A_1144 = arith.index_cast %get3A_1142 : i32 to index
      %get3A_1145 = arith.constant 32 : index
      %get3A_1146 = tpu.vector_load %arg9[%get3A_1143, %get3A_1144, %get3A_1145] {strides = array<i32>} : memref<8x16x128xf32, #tpu.memory_space<vmem>>, vector<16xf32>,
      %mul3A_1147 = vector.broadcast %squeeze3A_1117 : f32 to vector<16xf32>
      %mul3A_1148 = arith.mulf %get3A_1146, %mul3A_1147 : vector<16xf32>
      %swap3A_1149 = arith.constant 3 : i32
      %swap3A_1150 = arith.index_cast %rem3A_778 : i32 to index
      %swap3A_1151 = arith.index_cast %swap3A_1149 : i32 to index
      %swap3A_1152 = arith.constant 32 : index
      %swap3A_1153 = tpu.vector_load %arg9[%swap3A_1150, %swap3A_1151, %swap3A_1152] {strides = array<i32>} : memref<8x16x128xf32, #tpu.memory_space<vmem>>, vector<16xf32>,
      tpu.vector_store %arg9[%swap3A_1150, %swap3A_1151, %swap3A_1152], %mul3A_1148 {strides = array<i32>} : memref<8x16x128xf32, #tpu.memory_space<vmem>>, vector<16xf32>,
      %get3A_1154 = arith.constant 3 : i32
      %get3A_1155 = arith.index_cast %rem3A_778 : i32 to index
      %get3A_1156 = arith.index_cast %get3A_1154 : i32 to index
      %get3A_1157 = arith.constant 48 : index
      %get3A_1158 = tpu.vector_load %arg9[%get3A_1155, %get3A_1156, %get3A_1157] {strides = array<i32>} : memref<8x16x128xf32, #tpu.memory_space<vmem>>, vector<16xf32>,
      %mul3A_1159 = vector.broadcast %squeeze3A_1117 : f32 to vector<16xf32>
      %mul3A_1160 = arith.mulf %get3A_1158, %mul3A_1159 : vector<16xf32>
      %swap3A_1161 = arith.constant 3 : i32
      %swap3A_1162 = arith.index_cast %rem3A_778 : i32 to index
      %swap3A_1163 = arith.index_cast %swap3A_1161 : i32 to index
      %swap3A_1164 = arith.constant 48 : index
      %swap3A_1165 = tpu.vector_load %arg9[%swap3A_1162, %swap3A_1163, %swap3A_1164] {strides = array<i32>} : memref<8x16x128xf32, #tpu.memory_space<vmem>>, vector<16xf32>,
      tpu.vector_store %arg9[%swap3A_1162, %swap3A_1163, %swap3A_1164], %mul3A_1160 {strides = array<i32>} : memref<8x16x128xf32, #tpu.memory_space<vmem>>, vector<16xf32>,
      %get3A_1166 = arith.constant 3 : i32
      %get3A_1167 = arith.index_cast %rem3A_778 : i32 to index
      %get3A_1168 = arith.index_cast %get3A_1166 : i32 to index
      %get3A_1169 = arith.constant 64 : index
      %get3A_1170 = tpu.vector_load %arg9[%get3A_1167, %get3A_1168, %get3A_1169] {strides = array<i32>} : memref<8x16x128xf32, #tpu.memory_space<vmem>>, vector<16xf32>,
      %mul3A_1171 = vector.broadcast %squeeze3A_1117 : f32 to vector<16xf32>
      %mul3A_1172 = arith.mulf %get3A_1170, %mul3A_1171 : vector<16xf32>
      %swap3A_1173 = arith.constant 3 : i32
      %swap3A_1174 = arith.index_cast %rem3A_778 : i32 to index
      %swap3A_1175 = arith.index_cast %swap3A_1173 : i32 to index
      %swap3A_1176 = arith.constant 64 : index
      %swap3A_1177 = tpu.vector_load %arg9[%swap3A_1174, %swap3A_1175, %swap3A_1176] {strides = array<i32>} : memref<8x16x128xf32, #tpu.memory_space<vmem>>, vector<16xf32>,
      tpu.vector_store %arg9[%swap3A_1174, %swap3A_1175, %swap3A_1176], %mul3A_1172 {strides = array<i32>} : memref<8x16x128xf32, #tpu.memory_space<vmem>>, vector<16xf32>,
      %get3A_1178 = arith.constant 3 : i32
      %get3A_1179 = arith.index_cast %rem3A_778 : i32 to index
      %get3A_1180 = arith.index_cast %get3A_1178 : i32 to index
      %get3A_1181 = arith.constant 80 : index
      %get3A_1182 = tpu.vector_load %arg9[%get3A_1179, %get3A_1180, %get3A_1181] {strides = array<i32>} : memref<8x16x128xf32, #tpu.memory_space<vmem>>, vector<16xf32>,
      %mul3A_1183 = vector.broadcast %squeeze3A_1117 : f32 to vector<16xf32>
      %mul3A_1184 = arith.mulf %get3A_1182, %mul3A_1183 : vector<16xf32>
      %swap3A_1185 = arith.constant 3 : i32
      %swap3A_1186 = arith.index_cast %rem3A_778 : i32 to index
      %swap3A_1187 = arith.index_cast %swap3A_1185 : i32 to index
      %swap3A_1188 = arith.constant 80 : index
      %swap3A_1189 = tpu.vector_load %arg9[%swap3A_1186, %swap3A_1187, %swap3A_1188] {strides = array<i32>} : memref<8x16x128xf32, #tpu.memory_space<vmem>>, vector<16xf32>,
      tpu.vector_store %arg9[%swap3A_1186, %swap3A_1187, %swap3A_1188], %mul3A_1184 {strides = array<i32>} : memref<8x16x128xf32, #tpu.memory_space<vmem>>, vector<16xf32>,
      %get3A_1190 = arith.constant 3 : i32
      %get3A_1191 = arith.index_cast %rem3A_778 : i32 to index
      %get3A_1192 = arith.index_cast %get3A_1190 : i32 to index
      %get3A_1193 = arith.constant 96 : index
      %get3A_1194 = tpu.vector_load %arg9[%get3A_1191, %get3A_1192, %get3A_1193] {strides = array<i32>} : memref<8x16x128xf32, #tpu.memory_space<vmem>>, vector<16xf32>,
      %mul3A_1195 = vector.broadcast %squeeze3A_1117 : f32 to vector<16xf32>
      %mul3A_1196 = arith.mulf %get3A_1194, %mul3A_1195 : vector<16xf32>
      %swap3A_1197 = arith.constant 3 : i32
      %swap3A_1198 = arith.index_cast %rem3A_778 : i32 to index
      %swap3A_1199 = arith.index_cast %swap3A_1197 : i32 to index
      %swap3A_1200 = arith.constant 96 : index
      %swap3A_1201 = tpu.vector_load %arg9[%swap3A_1198, %swap3A_1199, %swap3A_1200] {strides = array<i32>} : memref<8x16x128xf32, #tpu.memory_space<vmem>>, vector<16xf32>,
      tpu.vector_store %arg9[%swap3A_1198, %swap3A_1199, %swap3A_1200], %mul3A_1196 {strides = array<i32>} : memref<8x16x128xf32, #tpu.memory_space<vmem>>, vector<16xf32>,
      %get3A_1202 = arith.constant 3 : i32
      %get3A_1203 = arith.index_cast %rem3A_778 : i32 to index
      %get3A_1204 = arith.index_cast %get3A_1202 : i32 to index
      %get3A_1205 = arith.constant 112 : index
      %get3A_1206 = tpu.vector_load %arg9[%get3A_1203, %get3A_1204, %get3A_1205] {strides = array<i32>} : memref<8x16x128xf32, #tpu.memory_space<vmem>>, vector<16xf32>,
      %mul3A_1207 = vector.broadcast %squeeze3A_1117 : f32 to vector<16xf32>
      %mul3A_1208 = arith.mulf %get3A_1206, %mul3A_1207 : vector<16xf32>
      %swap3A_1209 = arith.constant 3 : i32
      %swap3A_1210 = arith.index_cast %rem3A_778 : i32 to index
      %swap3A_1211 = arith.index_cast %swap3A_1209 : i32 to index
      %swap3A_1212 = arith.constant 112 : index
      %swap3A_1213 = tpu.vector_load %arg9[%swap3A_1210, %swap3A_1211, %swap3A_1212] {strides = array<i32>} : memref<8x16x128xf32, #tpu.memory_space<vmem>>, vector<16xf32>,
      tpu.vector_store %arg9[%swap3A_1210, %swap3A_1211, %swap3A_1212], %mul3A_1208 {strides = array<i32>} : memref<8x16x128xf32, #tpu.memory_space<vmem>>, vector<16xf32>,
      %slice3A_1214 = vector.extract_strided_slice %select_n3A_820 {offsets = [4], sizes = [1], strides = [1]} : vector<16xf32> to vector<1xf32>
      %squeeze3A_1215 = vector.extract %slice3A_1214[0] : f32 from vector<1xf32>
      %get3A_1216 = arith.constant 4 : i32
      %get3A_1217 = arith.index_cast %rem3A_778 : i32 to index
      %get3A_1218 = arith.index_cast %get3A_1216 : i32 to index
      %get3A_1219 = arith.constant 0 : index
      %get3A_1220 = tpu.vector_load %arg9[%get3A_1217, %get3A_1218, %get3A_1219] {strides = array<i32>} : memref<8x16x128xf32, #tpu.memory_space<vmem>>, vector<16xf32>,
      %mul3A_1221 = vector.broadcast %squeeze3A_1215 : f32 to vector<16xf32>
      %mul3A_1222 = arith.mulf %get3A_1220, %mul3A_1221 : vector<16xf32>
      %swap3A_1223 = arith.constant 4 : i32
      %swap3A_1224 = arith.index_cast %rem3A_778 : i32 to index
      %swap3A_1225 = arith.index_cast %swap3A_1223 : i32 to index
      %swap3A_1226 = arith.constant 0 : index
      %swap3A_1227 = tpu.vector_load %arg9[%swap3A_1224, %swap3A_1225, %swap3A_1226] {strides = array<i32>} : memref<8x16x128xf32, #tpu.memory_space<vmem>>, vector<16xf32>,
      tpu.vector_store %arg9[%swap3A_1224, %swap3A_1225, %swap3A_1226], %mul3A_1222 {strides = array<i32>} : memref<8x16x128xf32, #tpu.memory_space<vmem>>, vector<16xf32>,
      %get3A_1228 = arith.constant 4 : i32
      %get3A_1229 = arith.index_cast %rem3A_778 : i32 to index
      %get3A_1230 = arith.index_cast %get3A_1228 : i32 to index
      %get3A_1231 = arith.constant 16 : index
      %get3A_1232 = tpu.vector_load %arg9[%get3A_1229, %get3A_1230, %get3A_1231] {strides = array<i32>} : memref<8x16x128xf32, #tpu.memory_space<vmem>>, vector<16xf32>,
      %mul3A_1233 = vector.broadcast %squeeze3A_1215 : f32 to vector<16xf32>
      %mul3A_1234 = arith.mulf %get3A_1232, %mul3A_1233 : vector<16xf32>
      %swap3A_1235 = arith.constant 4 : i32
      %swap3A_1236 = arith.index_cast %rem3A_778 : i32 to index
      %swap3A_1237 = arith.index_cast %swap3A_1235 : i32 to index
      %swap3A_1238 = arith.constant 16 : index
      %swap3A_1239 = tpu.vector_load %arg9[%swap3A_1236, %swap3A_1237, %swap3A_1238] {strides = array<i32>} : memref<8x16x128xf32, #tpu.memory_space<vmem>>, vector<16xf32>,
      tpu.vector_store %arg9[%swap3A_1236, %swap3A_1237, %swap3A_1238], %mul3A_1234 {strides = array<i32>} : memref<8x16x128xf32, #tpu.memory_space<vmem>>, vector<16xf32>,
      %get3A_1240 = arith.constant 4 : i32
      %get3A_1241 = arith.index_cast %rem3A_778 : i32 to index
      %get3A_1242 = arith.index_cast %get3A_1240 : i32 to index
      %get3A_1243 = arith.constant 32 : index
      %get3A_1244 = tpu.vector_load %arg9[%get3A_1241, %get3A_1242, %get3A_1243] {strides = array<i32>} : memref<8x16x128xf32, #tpu.memory_space<vmem>>, vector<16xf32>,
      %mul3A_1245 = vector.broadcast %squeeze3A_1215 : f32 to vector<16xf32>
      %mul3A_1246 = arith.mulf %get3A_1244, %mul3A_1245 : vector<16xf32>
      %swap3A_1247 = arith.constant 4 : i32
      %swap3A_1248 = arith.index_cast %rem3A_778 : i32 to index
      %swap3A_1249 = arith.index_cast %swap3A_1247 : i32 to index
      %swap3A_1250 = arith.constant 32 : index
      %swap3A_1251 = tpu.vector_load %arg9[%swap3A_1248, %swap3A_1249, %swap3A_1250] {strides = array<i32>} : memref<8x16x128xf32, #tpu.memory_space<vmem>>, vector<16xf32>,
      tpu.vector_store %arg9[%swap3A_1248, %swap3A_1249, %swap3A_1250], %mul3A_1246 {strides = array<i32>} : memref<8x16x128xf32, #tpu.memory_space<vmem>>, vector<16xf32>,
      %get3A_1252 = arith.constant 4 : i32
      %get3A_1253 = arith.index_cast %rem3A_778 : i32 to index
      %get3A_1254 = arith.index_cast %get3A_1252 : i32 to index
      %get3A_1255 = arith.constant 48 : index
      %get3A_1256 = tpu.vector_load %arg9[%get3A_1253, %get3A_1254, %get3A_1255] {strides = array<i32>} : memref<8x16x128xf32, #tpu.memory_space<vmem>>, vector<16xf32>,
      %mul3A_1257 = vector.broadcast %squeeze3A_1215 : f32 to vector<16xf32>
      %mul3A_1258 = arith.mulf %get3A_1256, %mul3A_1257 : vector<16xf32>
      %swap3A_1259 = arith.constant 4 : i32
      %swap3A_1260 = arith.index_cast %rem3A_778 : i32 to index
      %swap3A_1261 = arith.index_cast %swap3A_1259 : i32 to index
      %swap3A_1262 = arith.constant 48 : index
      %swap3A_1263 = tpu.vector_load %arg9[%swap3A_1260, %swap3A_1261, %swap3A_1262] {strides = array<i32>} : memref<8x16x128xf32, #tpu.memory_space<vmem>>, vector<16xf32>,
      tpu.vector_store %arg9[%swap3A_1260, %swap3A_1261, %swap3A_1262], %mul3A_1258 {strides = array<i32>} : memref<8x16x128xf32, #tpu.memory_space<vmem>>, vector<16xf32>,
      %get3A_1264 = arith.constant 4 : i32
      %get3A_1265 = arith.index_cast %rem3A_778 : i32 to index
      %get3A_1266 = arith.index_cast %get3A_1264 : i32 to index
      %get3A_1267 = arith.constant 64 : index
      %get3A_1268 = tpu.vector_load %arg9[%get3A_1265, %get3A_1266, %get3A_1267] {strides = array<i32>} : memref<8x16x128xf32, #tpu.memory_space<vmem>>, vector<16xf32>,
      %mul3A_1269 = vector.broadcast %squeeze3A_1215 : f32 to vector<16xf32>
      %mul3A_1270 = arith.mulf %get3A_1268, %mul3A_1269 : vector<16xf32>
      %swap3A_1271 = arith.constant 4 : i32
      %swap3A_1272 = arith.index_cast %rem3A_778 : i32 to index
      %swap3A_1273 = arith.index_cast %swap3A_1271 : i32 to index
      %swap3A_1274 = arith.constant 64 : index
      %swap3A_1275 = tpu.vector_load %arg9[%swap3A_1272, %swap3A_1273, %swap3A_1274] {strides = array<i32>} : memref<8x16x128xf32, #tpu.memory_space<vmem>>, vector<16xf32>,
      tpu.vector_store %arg9[%swap3A_1272, %swap3A_1273, %swap3A_1274], %mul3A_1270 {strides = array<i32>} : memref<8x16x128xf32, #tpu.memory_space<vmem>>, vector<16xf32>,
      %get3A_1276 = arith.constant 4 : i32
      %get3A_1277 = arith.index_cast %rem3A_778 : i32 to index
      %get3A_1278 = arith.index_cast %get3A_1276 : i32 to index
      %get3A_1279 = arith.constant 80 : index
      %get3A_1280 = tpu.vector_load %arg9[%get3A_1277, %get3A_1278, %get3A_1279] {strides = array<i32>} : memref<8x16x128xf32, #tpu.memory_space<vmem>>, vector<16xf32>,
      %mul3A_1281 = vector.broadcast %squeeze3A_1215 : f32 to vector<16xf32>
      %mul3A_1282 = arith.mulf %get3A_1280, %mul3A_1281 : vector<16xf32>
      %swap3A_1283 = arith.constant 4 : i32
      %swap3A_1284 = arith.index_cast %rem3A_778 : i32 to index
      %swap3A_1285 = arith.index_cast %swap3A_1283 : i32 to index
      %swap3A_1286 = arith.constant 80 : index
      %swap3A_1287 = tpu.vector_load %arg9[%swap3A_1284, %swap3A_1285, %swap3A_1286] {strides = array<i32>} : memref<8x16x128xf32, #tpu.memory_space<vmem>>, vector<16xf32>,
      tpu.vector_store %arg9[%swap3A_1284, %swap3A_1285, %swap3A_1286], %mul3A_1282 {strides = array<i32>} : memref<8x16x128xf32, #tpu.memory_space<vmem>>, vector<16xf32>,
      %get3A_1288 = arith.constant 4 : i32
      %get3A_1289 = arith.index_cast %rem3A_778 : i32 to index
      %get3A_1290 = arith.index_cast %get3A_1288 : i32 to index
      %get3A_1291 = arith.constant 96 : index
      %get3A_1292 = tpu.vector_load %arg9[%get3A_1289, %get3A_1290, %get3A_1291] {strides = array<i32>} : memref<8x16x128xf32, #tpu.memory_space<vmem>>, vector<16xf32>,
      %mul3A_1293 = vector.broadcast %squeeze3A_1215 : f32 to vector<16xf32>
      %mul3A_1294 = arith.mulf %get3A_1292, %mul3A_1293 : vector<16xf32>
      %swap3A_1295 = arith.constant 4 : i32
      %swap3A_1296 = arith.index_cast %rem3A_778 : i32 to index
      %swap3A_1297 = arith.index_cast %swap3A_1295 : i32 to index
      %swap3A_1298 = arith.constant 96 : index
      %swap3A_1299 = tpu.vector_load %arg9[%swap3A_1296, %swap3A_1297, %swap3A_1298] {strides = array<i32>} : memref<8x16x128xf32, #tpu.memory_space<vmem>>, vector<16xf32>,
      tpu.vector_store %arg9[%swap3A_1296, %swap3A_1297, %swap3A_1298], %mul3A_1294 {strides = array<i32>} : memref<8x16x128xf32, #tpu.memory_space<vmem>>, vector<16xf32>,
      %get3A_1300 = arith.constant 4 : i32
      %get3A_1301 = arith.index_cast %rem3A_778 : i32 to index
      %get3A_1302 = arith.index_cast %get3A_1300 : i32 to index
      %get3A_1303 = arith.constant 112 : index
      %get3A_1304 = tpu.vector_load %arg9[%get3A_1301, %get3A_1302, %get3A_1303] {strides = array<i32>} : memref<8x16x128xf32, #tpu.memory_space<vmem>>, vector<16xf32>,
      %mul3A_1305 = vector.broadcast %squeeze3A_1215 : f32 to vector<16xf32>
      %mul3A_1306 = arith.mulf %get3A_1304, %mul3A_1305 : vector<16xf32>
      %swap3A_1307 = arith.constant 4 : i32
      %swap3A_1308 = arith.index_cast %rem3A_778 : i32 to index
      %swap3A_1309 = arith.index_cast %swap3A_1307 : i32 to index
      %swap3A_1310 = arith.constant 112 : index
      %swap3A_1311 = tpu.vector_load %arg9[%swap3A_1308, %swap3A_1309, %swap3A_1310] {strides = array<i32>} : memref<8x16x128xf32, #tpu.memory_space<vmem>>, vector<16xf32>,
      tpu.vector_store %arg9[%swap3A_1308, %swap3A_1309, %swap3A_1310], %mul3A_1306 {strides = array<i32>} : memref<8x16x128xf32, #tpu.memory_space<vmem>>, vector<16xf32>,
      %slice3A_1312 = vector.extract_strided_slice %select_n3A_820 {offsets = [5], sizes = [1], strides = [1]} : vector<16xf32> to vector<1xf32>
      %squeeze3A_1313 = vector.extract %slice3A_1312[0] : f32 from vector<1xf32>
      %get3A_1314 = arith.constant 5 : i32
      %get3A_1315 = arith.index_cast %rem3A_778 : i32 to index
      %get3A_1316 = arith.index_cast %get3A_1314 : i32 to index
      %get3A_1317 = arith.constant 0 : index
      %get3A_1318 = tpu.vector_load %arg9[%get3A_1315, %get3A_1316, %get3A_1317] {strides = array<i32>} : memref<8x16x128xf32, #tpu.memory_space<vmem>>, vector<16xf32>,
      %mul3A_1319 = vector.broadcast %squeeze3A_1313 : f32 to vector<16xf32>
      %mul3A_1320 = arith.mulf %get3A_1318, %mul3A_1319 : vector<16xf32>
      %swap3A_1321 = arith.constant 5 : i32
      %swap3A_1322 = arith.index_cast %rem3A_778 : i32 to index
      %swap3A_1323 = arith.index_cast %swap3A_1321 : i32 to index
      %swap3A_1324 = arith.constant 0 : index
      %swap3A_1325 = tpu.vector_load %arg9[%swap3A_1322, %swap3A_1323, %swap3A_1324] {strides = array<i32>} : memref<8x16x128xf32, #tpu.memory_space<vmem>>, vector<16xf32>,
      tpu.vector_store %arg9[%swap3A_1322, %swap3A_1323, %swap3A_1324], %mul3A_1320 {strides = array<i32>} : memref<8x16x128xf32, #tpu.memory_space<vmem>>, vector<16xf32>,
      %get3A_1326 = arith.constant 5 : i32
      %get3A_1327 = arith.index_cast %rem3A_778 : i32 to index
      %get3A_1328 = arith.index_cast %get3A_1326 : i32 to index
      %get3A_1329 = arith.constant 16 : index
      %get3A_1330 = tpu.vector_load %arg9[%get3A_1327, %get3A_1328, %get3A_1329] {strides = array<i32>} : memref<8x16x128xf32, #tpu.memory_space<vmem>>, vector<16xf32>,
      %mul3A_1331 = vector.broadcast %squeeze3A_1313 : f32 to vector<16xf32>
      %mul3A_1332 = arith.mulf %get3A_1330, %mul3A_1331 : vector<16xf32>
      %swap3A_1333 = arith.constant 5 : i32
      %swap3A_1334 = arith.index_cast %rem3A_778 : i32 to index
      %swap3A_1335 = arith.index_cast %swap3A_1333 : i32 to index
      %swap3A_1336 = arith.constant 16 : index
      %swap3A_1337 = tpu.vector_load %arg9[%swap3A_1334, %swap3A_1335, %swap3A_1336] {strides = array<i32>} : memref<8x16x128xf32, #tpu.memory_space<vmem>>, vector<16xf32>,
      tpu.vector_store %arg9[%swap3A_1334, %swap3A_1335, %swap3A_1336], %mul3A_1332 {strides = array<i32>} : memref<8x16x128xf32, #tpu.memory_space<vmem>>, vector<16xf32>,
      %get3A_1338 = arith.constant 5 : i32
      %get3A_1339 = arith.index_cast %rem3A_778 : i32 to index
      %get3A_1340 = arith.index_cast %get3A_1338 : i32 to index
      %get3A_1341 = arith.constant 32 : index
      %get3A_1342 = tpu.vector_load %arg9[%get3A_1339, %get3A_1340, %get3A_1341] {strides = array<i32>} : memref<8x16x128xf32, #tpu.memory_space<vmem>>, vector<16xf32>,
      %mul3A_1343 = vector.broadcast %squeeze3A_1313 : f32 to vector<16xf32>
      %mul3A_1344 = arith.mulf %get3A_1342, %mul3A_1343 : vector<16xf32>
      %swap3A_1345 = arith.constant 5 : i32
      %swap3A_1346 = arith.index_cast %rem3A_778 : i32 to index
      %swap3A_1347 = arith.index_cast %swap3A_1345 : i32 to index
      %swap3A_1348 = arith.constant 32 : index
      %swap3A_1349 = tpu.vector_load %arg9[%swap3A_1346, %swap3A_1347, %swap3A_1348] {strides = array<i32>} : memref<8x16x128xf32, #tpu.memory_space<vmem>>, vector<16xf32>,
      tpu.vector_store %arg9[%swap3A_1346, %swap3A_1347, %swap3A_1348], %mul3A_1344 {strides = array<i32>} : memref<8x16x128xf32, #tpu.memory_space<vmem>>, vector<16xf32>,
      %get3A_1350 = arith.constant 5 : i32
      %get3A_1351 = arith.index_cast %rem3A_778 : i32 to index
      %get3A_1352 = arith.index_cast %get3A_1350 : i32 to index
      %get3A_1353 = arith.constant 48 : index
      %get3A_1354 = tpu.vector_load %arg9[%get3A_1351, %get3A_1352, %get3A_1353] {strides = array<i32>} : memref<8x16x128xf32, #tpu.memory_space<vmem>>, vector<16xf32>,
      %mul3A_1355 = vector.broadcast %squeeze3A_1313 : f32 to vector<16xf32>
      %mul3A_1356 = arith.mulf %get3A_1354, %mul3A_1355 : vector<16xf32>
      %swap3A_1357 = arith.constant 5 : i32
      %swap3A_1358 = arith.index_cast %rem3A_778 : i32 to index
      %swap3A_1359 = arith.index_cast %swap3A_1357 : i32 to index
      %swap3A_1360 = arith.constant 48 : index
      %swap3A_1361 = tpu.vector_load %arg9[%swap3A_1358, %swap3A_1359, %swap3A_1360] {strides = array<i32>} : memref<8x16x128xf32, #tpu.memory_space<vmem>>, vector<16xf32>,
      tpu.vector_store %arg9[%swap3A_1358, %swap3A_1359, %swap3A_1360], %mul3A_1356 {strides = array<i32>} : memref<8x16x128xf32, #tpu.memory_space<vmem>>, vector<16xf32>,
      %get3A_1362 = arith.constant 5 : i32
      %get3A_1363 = arith.index_cast %rem3A_778 : i32 to index
      %get3A_1364 = arith.index_cast %get3A_1362 : i32 to index
      %get3A_1365 = arith.constant 64 : index
      %get3A_1366 = tpu.vector_load %arg9[%get3A_1363, %get3A_1364, %get3A_1365] {strides = array<i32>} : memref<8x16x128xf32, #tpu.memory_space<vmem>>, vector<16xf32>,
      %mul3A_1367 = vector.broadcast %squeeze3A_1313 : f32 to vector<16xf32>
      %mul3A_1368 = arith.mulf %get3A_1366, %mul3A_1367 : vector<16xf32>
      %swap3A_1369 = arith.constant 5 : i32
      %swap3A_1370 = arith.index_cast %rem3A_778 : i32 to index
      %swap3A_1371 = arith.index_cast %swap3A_1369 : i32 to index
      %swap3A_1372 = arith.constant 64 : index
      %swap3A_1373 = tpu.vector_load %arg9[%swap3A_1370, %swap3A_1371, %swap3A_1372] {strides = array<i32>} : memref<8x16x128xf32, #tpu.memory_space<vmem>>, vector<16xf32>,
      tpu.vector_store %arg9[%swap3A_1370, %swap3A_1371, %swap3A_1372], %mul3A_1368 {strides = array<i32>} : memref<8x16x128xf32, #tpu.memory_space<vmem>>, vector<16xf32>,
      %get3A_1374 = arith.constant 5 : i32
      %get3A_1375 = arith.index_cast %rem3A_778 : i32 to index
      %get3A_1376 = arith.index_cast %get3A_1374 : i32 to index
      %get3A_1377 = arith.constant 80 : index
      %get3A_1378 = tpu.vector_load %arg9[%get3A_1375, %get3A_1376, %get3A_1377] {strides = array<i32>} : memref<8x16x128xf32, #tpu.memory_space<vmem>>, vector<16xf32>,
      %mul3A_1379 = vector.broadcast %squeeze3A_1313 : f32 to vector<16xf32>
      %mul3A_1380 = arith.mulf %get3A_1378, %mul3A_1379 : vector<16xf32>
      %swap3A_1381 = arith.constant 5 : i32
      %swap3A_1382 = arith.index_cast %rem3A_778 : i32 to index
      %swap3A_1383 = arith.index_cast %swap3A_1381 : i32 to index
      %swap3A_1384 = arith.constant 80 : index
      %swap3A_1385 = tpu.vector_load %arg9[%swap3A_1382, %swap3A_1383, %swap3A_1384] {strides = array<i32>} : memref<8x16x128xf32, #tpu.memory_space<vmem>>, vector<16xf32>,
      tpu.vector_store %arg9[%swap3A_1382, %swap3A_1383, %swap3A_1384], %mul3A_1380 {strides = array<i32>} : memref<8x16x128xf32, #tpu.memory_space<vmem>>, vector<16xf32>,
      %get3A_1386 = arith.constant 5 : i32
      %get3A_1387 = arith.index_cast %rem3A_778 : i32 to index
      %get3A_1388 = arith.index_cast %get3A_1386 : i32 to index
      %get3A_1389 = arith.constant 96 : index
      %get3A_1390 = tpu.vector_load %arg9[%get3A_1387, %get3A_1388, %get3A_1389] {strides = array<i32>} : memref<8x16x128xf32, #tpu.memory_space<vmem>>, vector<16xf32>,
      %mul3A_1391 = vector.broadcast %squeeze3A_1313 : f32 to vector<16xf32>
      %mul3A_1392 = arith.mulf %get3A_1390, %mul3A_1391 : vector<16xf32>
      %swap3A_1393 = arith.constant 5 : i32
      %swap3A_1394 = arith.index_cast %rem3A_778 : i32 to index
      %swap3A_1395 = arith.index_cast %swap3A_1393 : i32 to index
      %swap3A_1396 = arith.constant 96 : index
      %swap3A_1397 = tpu.vector_load %arg9[%swap3A_1394, %swap3A_1395, %swap3A_1396] {strides = array<i32>} : memref<8x16x128xf32, #tpu.memory_space<vmem>>, vector<16xf32>,
      tpu.vector_store %arg9[%swap3A_1394, %swap3A_1395, %swap3A_1396], %mul3A_1392 {strides = array<i32>} : memref<8x16x128xf32, #tpu.memory_space<vmem>>, vector<16xf32>,
      %get3A_1398 = arith.constant 5 : i32
      %get3A_1399 = arith.index_cast %rem3A_778 : i32 to index
      %get3A_1400 = arith.index_cast %get3A_1398 : i32 to index
      %get3A_1401 = arith.constant 112 : index
      %get3A_1402 = tpu.vector_load %arg9[%get3A_1399, %get3A_1400, %get3A_1401] {strides = array<i32>} : memref<8x16x128xf32, #tpu.memory_space<vmem>>, vector<16xf32>,
      %mul3A_1403 = vector.broadcast %squeeze3A_1313 : f32 to vector<16xf32>
      %mul3A_1404 = arith.mulf %get3A_1402, %mul3A_1403 : vector<16xf32>
      %swap3A_1405 = arith.constant 5 : i32
      %swap3A_1406 = arith.index_cast %rem3A_778 : i32 to index
      %swap3A_1407 = arith.index_cast %swap3A_1405 : i32 to index
      %swap3A_1408 = arith.constant 112 : index
      %swap3A_1409 = tpu.vector_load %arg9[%swap3A_1406, %swap3A_1407, %swap3A_1408] {strides = array<i32>} : memref<8x16x128xf32, #tpu.memory_space<vmem>>, vector<16xf32>,
      tpu.vector_store %arg9[%swap3A_1406, %swap3A_1407, %swap3A_1408], %mul3A_1404 {strides = array<i32>} : memref<8x16x128xf32, #tpu.memory_space<vmem>>, vector<16xf32>,
      %slice3A_1410 = vector.extract_strided_slice %select_n3A_820 {offsets = [6], sizes = [1], strides = [1]} : vector<16xf32> to vector<1xf32>
      %squeeze3A_1411 = vector.extract %slice3A_1410[0] : f32 from vector<1xf32>
      %get3A_1412 = arith.constant 6 : i32
      %get3A_1413 = arith.index_cast %rem3A_778 : i32 to index
      %get3A_1414 = arith.index_cast %get3A_1412 : i32 to index
      %get3A_1415 = arith.constant 0 : index
      %get3A_1416 = tpu.vector_load %arg9[%get3A_1413, %get3A_1414, %get3A_1415] {strides = array<i32>} : memref<8x16x128xf32, #tpu.memory_space<vmem>>, vector<16xf32>,
      %mul3A_1417 = vector.broadcast %squeeze3A_1411 : f32 to vector<16xf32>
      %mul3A_1418 = arith.mulf %get3A_1416, %mul3A_1417 : vector<16xf32>
      %swap3A_1419 = arith.constant 6 : i32
      %swap3A_1420 = arith.index_cast %rem3A_778 : i32 to index
      %swap3A_1421 = arith.index_cast %swap3A_1419 : i32 to index
      %swap3A_1422 = arith.constant 0 : index
      %swap3A_1423 = tpu.vector_load %arg9[%swap3A_1420, %swap3A_1421, %swap3A_1422] {strides = array<i32>} : memref<8x16x128xf32, #tpu.memory_space<vmem>>, vector<16xf32>,
      tpu.vector_store %arg9[%swap3A_1420, %swap3A_1421, %swap3A_1422], %mul3A_1418 {strides = array<i32>} : memref<8x16x128xf32, #tpu.memory_space<vmem>>, vector<16xf32>,
      %get3A_1424 = arith.constant 6 : i32
      %get3A_1425 = arith.index_cast %rem3A_778 : i32 to index
      %get3A_1426 = arith.index_cast %get3A_1424 : i32 to index
      %get3A_1427 = arith.constant 16 : index
      %get3A_1428 = tpu.vector_load %arg9[%get3A_1425, %get3A_1426, %get3A_1427] {strides = array<i32>} : memref<8x16x128xf32, #tpu.memory_space<vmem>>, vector<16xf32>,
      %mul3A_1429 = vector.broadcast %squeeze3A_1411 : f32 to vector<16xf32>
      %mul3A_1430 = arith.mulf %get3A_1428, %mul3A_1429 : vector<16xf32>
      %swap3A_1431 = arith.constant 6 : i32
      %swap3A_1432 = arith.index_cast %rem3A_778 : i32 to index
      %swap3A_1433 = arith.index_cast %swap3A_1431 : i32 to index
      %swap3A_1434 = arith.constant 16 : index
      %swap3A_1435 = tpu.vector_load %arg9[%swap3A_1432, %swap3A_1433, %swap3A_1434] {strides = array<i32>} : memref<8x16x128xf32, #tpu.memory_space<vmem>>, vector<16xf32>,
      tpu.vector_store %arg9[%swap3A_1432, %swap3A_1433, %swap3A_1434], %mul3A_1430 {strides = array<i32>} : memref<8x16x128xf32, #tpu.memory_space<vmem>>, vector<16xf32>,
      %get3A_1436 = arith.constant 6 : i32
      %get3A_1437 = arith.index_cast %rem3A_778 : i32 to index
      %get3A_1438 = arith.index_cast %get3A_1436 : i32 to index
      %get3A_1439 = arith.constant 32 : index
      %get3A_1440 = tpu.vector_load %arg9[%get3A_1437, %get3A_1438, %get3A_1439] {strides = array<i32>} : memref<8x16x128xf32, #tpu.memory_space<vmem>>, vector<16xf32>,
      %mul3A_1441 = vector.broadcast %squeeze3A_1411 : f32 to vector<16xf32>
      %mul3A_1442 = arith.mulf %get3A_1440, %mul3A_1441 : vector<16xf32>
      %swap3A_1443 = arith.constant 6 : i32
      %swap3A_1444 = arith.index_cast %rem3A_778 : i32 to index
      %swap3A_1445 = arith.index_cast %swap3A_1443 : i32 to index
      %swap3A_1446 = arith.constant 32 : index
      %swap3A_1447 = tpu.vector_load %arg9[%swap3A_1444, %swap3A_1445, %swap3A_1446] {strides = array<i32>} : memref<8x16x128xf32, #tpu.memory_space<vmem>>, vector<16xf32>,
      tpu.vector_store %arg9[%swap3A_1444, %swap3A_1445, %swap3A_1446], %mul3A_1442 {strides = array<i32>} : memref<8x16x128xf32, #tpu.memory_space<vmem>>, vector<16xf32>,
      %get3A_1448 = arith.constant 6 : i32
      %get3A_1449 = arith.index_cast %rem3A_778 : i32 to index
      %get3A_1450 = arith.index_cast %get3A_1448 : i32 to index
      %get3A_1451 = arith.constant 48 : index
      %get3A_1452 = tpu.vector_load %arg9[%get3A_1449, %get3A_1450, %get3A_1451] {strides = array<i32>} : memref<8x16x128xf32, #tpu.memory_space<vmem>>, vector<16xf32>,
      %mul3A_1453 = vector.broadcast %squeeze3A_1411 : f32 to vector<16xf32>
      %mul3A_1454 = arith.mulf %get3A_1452, %mul3A_1453 : vector<16xf32>
      %swap3A_1455 = arith.constant 6 : i32
      %swap3A_1456 = arith.index_cast %rem3A_778 : i32 to index
      %swap3A_1457 = arith.index_cast %swap3A_1455 : i32 to index
      %swap3A_1458 = arith.constant 48 : index
      %swap3A_1459 = tpu.vector_load %arg9[%swap3A_1456, %swap3A_1457, %swap3A_1458] {strides = array<i32>} : memref<8x16x128xf32, #tpu.memory_space<vmem>>, vector<16xf32>,
      tpu.vector_store %arg9[%swap3A_1456, %swap3A_1457, %swap3A_1458], %mul3A_1454 {strides = array<i32>} : memref<8x16x128xf32, #tpu.memory_space<vmem>>, vector<16xf32>,
      %get3A_1460 = arith.constant 6 : i32
      %get3A_1461 = arith.index_cast %rem3A_778 : i32 to index
      %get3A_1462 = arith.index_cast %get3A_1460 : i32 to index
      %get3A_1463 = arith.constant 64 : index
      %get3A_1464 = tpu.vector_load %arg9[%get3A_1461, %get3A_1462, %get3A_1463] {strides = array<i32>} : memref<8x16x128xf32, #tpu.memory_space<vmem>>, vector<16xf32>,
      %mul3A_1465 = vector.broadcast %squeeze3A_1411 : f32 to vector<16xf32>
      %mul3A_1466 = arith.mulf %get3A_1464, %mul3A_1465 : vector<16xf32>
      %swap3A_1467 = arith.constant 6 : i32
      %swap3A_1468 = arith.index_cast %rem3A_778 : i32 to index
      %swap3A_1469 = arith.index_cast %swap3A_1467 : i32 to index
      %swap3A_1470 = arith.constant 64 : index
      %swap3A_1471 = tpu.vector_load %arg9[%swap3A_1468, %swap3A_1469, %swap3A_1470] {strides = array<i32>} : memref<8x16x128xf32, #tpu.memory_space<vmem>>, vector<16xf32>,
      tpu.vector_store %arg9[%swap3A_1468, %swap3A_1469, %swap3A_1470], %mul3A_1466 {strides = array<i32>} : memref<8x16x128xf32, #tpu.memory_space<vmem>>, vector<16xf32>,
      %get3A_1472 = arith.constant 6 : i32
      %get3A_1473 = arith.index_cast %rem3A_778 : i32 to index
      %get3A_1474 = arith.index_cast %get3A_1472 : i32 to index
      %get3A_1475 = arith.constant 80 : index
      %get3A_1476 = tpu.vector_load %arg9[%get3A_1473, %get3A_1474, %get3A_1475] {strides = array<i32>} : memref<8x16x128xf32, #tpu.memory_space<vmem>>, vector<16xf32>,
      %mul3A_1477 = vector.broadcast %squeeze3A_1411 : f32 to vector<16xf32>
      %mul3A_1478 = arith.mulf %get3A_1476, %mul3A_1477 : vector<16xf32>
      %swap3A_1479 = arith.constant 6 : i32
      %swap3A_1480 = arith.index_cast %rem3A_778 : i32 to index
      %swap3A_1481 = arith.index_cast %swap3A_1479 : i32 to index
      %swap3A_1482 = arith.constant 80 : index
      %swap3A_1483 = tpu.vector_load %arg9[%swap3A_1480, %swap3A_1481, %swap3A_1482] {strides = array<i32>} : memref<8x16x128xf32, #tpu.memory_space<vmem>>, vector<16xf32>,
      tpu.vector_store %arg9[%swap3A_1480, %swap3A_1481, %swap3A_1482], %mul3A_1478 {strides = array<i32>} : memref<8x16x128xf32, #tpu.memory_space<vmem>>, vector<16xf32>,
      %get3A_1484 = arith.constant 6 : i32
      %get3A_1485 = arith.index_cast %rem3A_778 : i32 to index
      %get3A_1486 = arith.index_cast %get3A_1484 : i32 to index
      %get3A_1487 = arith.constant 96 : index
      %get3A_1488 = tpu.vector_load %arg9[%get3A_1485, %get3A_1486, %get3A_1487] {strides = array<i32>} : memref<8x16x128xf32, #tpu.memory_space<vmem>>, vector<16xf32>,
      %mul3A_1489 = vector.broadcast %squeeze3A_1411 : f32 to vector<16xf32>
      %mul3A_1490 = arith.mulf %get3A_1488, %mul3A_1489 : vector<16xf32>
      %swap3A_1491 = arith.constant 6 : i32
      %swap3A_1492 = arith.index_cast %rem3A_778 : i32 to index
      %swap3A_1493 = arith.index_cast %swap3A_1491 : i32 to index
      %swap3A_1494 = arith.constant 96 : index
      %swap3A_1495 = tpu.vector_load %arg9[%swap3A_1492, %swap3A_1493, %swap3A_1494] {strides = array<i32>} : memref<8x16x128xf32, #tpu.memory_space<vmem>>, vector<16xf32>,
      tpu.vector_store %arg9[%swap3A_1492, %swap3A_1493, %swap3A_1494], %mul3A_1490 {strides = array<i32>} : memref<8x16x128xf32, #tpu.memory_space<vmem>>, vector<16xf32>,
      %get3A_1496 = arith.constant 6 : i32
      %get3A_1497 = arith.index_cast %rem3A_778 : i32 to index
      %get3A_1498 = arith.index_cast %get3A_1496 : i32 to index
      %get3A_1499 = arith.constant 112 : index
      %get3A_1500 = tpu.vector_load %arg9[%get3A_1497, %get3A_1498, %get3A_1499] {strides = array<i32>} : memref<8x16x128xf32, #tpu.memory_space<vmem>>, vector<16xf32>,
      %mul3A_1501 = vector.broadcast %squeeze3A_1411 : f32 to vector<16xf32>
      %mul3A_1502 = arith.mulf %get3A_1500, %mul3A_1501 : vector<16xf32>
      %swap3A_1503 = arith.constant 6 : i32
      %swap3A_1504 = arith.index_cast %rem3A_778 : i32 to index
      %swap3A_1505 = arith.index_cast %swap3A_1503 : i32 to index
      %swap3A_1506 = arith.constant 112 : index
      %swap3A_1507 = tpu.vector_load %arg9[%swap3A_1504, %swap3A_1505, %swap3A_1506] {strides = array<i32>} : memref<8x16x128xf32, #tpu.memory_space<vmem>>, vector<16xf32>,
      tpu.vector_store %arg9[%swap3A_1504, %swap3A_1505, %swap3A_1506], %mul3A_1502 {strides = array<i32>} : memref<8x16x128xf32, #tpu.memory_space<vmem>>, vector<16xf32>,
      %slice3A_1508 = vector.extract_strided_slice %select_n3A_820 {offsets = [7], sizes = [1], strides = [1]} : vector<16xf32> to vector<1xf32>
      %squeeze3A_1509 = vector.extract %slice3A_1508[0] : f32 from vector<1xf32>
      %get3A_1510 = arith.constant 7 : i32
      %get3A_1511 = arith.index_cast %rem3A_778 : i32 to index
      %get3A_1512 = arith.index_cast %get3A_1510 : i32 to index
      %get3A_1513 = arith.constant 0 : index
      %get3A_1514 = tpu.vector_load %arg9[%get3A_1511, %get3A_1512, %get3A_1513] {strides = array<i32>} : memref<8x16x128xf32, #tpu.memory_space<vmem>>, vector<16xf32>,
      %mul3A_1515 = vector.broadcast %squeeze3A_1509 : f32 to vector<16xf32>
      %mul3A_1516 = arith.mulf %get3A_1514, %mul3A_1515 : vector<16xf32>
      %swap3A_1517 = arith.constant 7 : i32
      %swap3A_1518 = arith.index_cast %rem3A_778 : i32 to index
      %swap3A_1519 = arith.index_cast %swap3A_1517 : i32 to index
      %swap3A_1520 = arith.constant 0 : index
      %swap3A_1521 = tpu.vector_load %arg9[%swap3A_1518, %swap3A_1519, %swap3A_1520] {strides = array<i32>} : memref<8x16x128xf32, #tpu.memory_space<vmem>>, vector<16xf32>,
      tpu.vector_store %arg9[%swap3A_1518, %swap3A_1519, %swap3A_1520], %mul3A_1516 {strides = array<i32>} : memref<8x16x128xf32, #tpu.memory_space<vmem>>, vector<16xf32>,
      %get3A_1522 = arith.constant 7 : i32
      %get3A_1523 = arith.index_cast %rem3A_778 : i32 to index
      %get3A_1524 = arith.index_cast %get3A_1522 : i32 to index
      %get3A_1525 = arith.constant 16 : index
      %get3A_1526 = tpu.vector_load %arg9[%get3A_1523, %get3A_1524, %get3A_1525] {strides = array<i32>} : memref<8x16x128xf32, #tpu.memory_space<vmem>>, vector<16xf32>,
      %mul3A_1527 = vector.broadcast %squeeze3A_1509 : f32 to vector<16xf32>
      %mul3A_1528 = arith.mulf %get3A_1526, %mul3A_1527 : vector<16xf32>
      %swap3A_1529 = arith.constant 7 : i32
      %swap3A_1530 = arith.index_cast %rem3A_778 : i32 to index
      %swap3A_1531 = arith.index_cast %swap3A_1529 : i32 to index
      %swap3A_1532 = arith.constant 16 : index
      %swap3A_1533 = tpu.vector_load %arg9[%swap3A_1530, %swap3A_1531, %swap3A_1532] {strides = array<i32>} : memref<8x16x128xf32, #tpu.memory_space<vmem>>, vector<16xf32>,
      tpu.vector_store %arg9[%swap3A_1530, %swap3A_1531, %swap3A_1532], %mul3A_1528 {strides = array<i32>} : memref<8x16x128xf32, #tpu.memory_space<vmem>>, vector<16xf32>,
      %get3A_1534 = arith.constant 7 : i32
      %get3A_1535 = arith.index_cast %rem3A_778 : i32 to index
      %get3A_1536 = arith.index_cast %get3A_1534 : i32 to index
      %get3A_1537 = arith.constant 32 : index
      %get3A_1538 = tpu.vector_load %arg9[%get3A_1535, %get3A_1536, %get3A_1537] {strides = array<i32>} : memref<8x16x128xf32, #tpu.memory_space<vmem>>, vector<16xf32>,
      %mul3A_1539 = vector.broadcast %squeeze3A_1509 : f32 to vector<16xf32>
      %mul3A_1540 = arith.mulf %get3A_1538, %mul3A_1539 : vector<16xf32>
      %swap3A_1541 = arith.constant 7 : i32
      %swap3A_1542 = arith.index_cast %rem3A_778 : i32 to index
      %swap3A_1543 = arith.index_cast %swap3A_1541 : i32 to index
      %swap3A_1544 = arith.constant 32 : index
      %swap3A_1545 = tpu.vector_load %arg9[%swap3A_1542, %swap3A_1543, %swap3A_1544] {strides = array<i32>} : memref<8x16x128xf32, #tpu.memory_space<vmem>>, vector<16xf32>,
      tpu.vector_store %arg9[%swap3A_1542, %swap3A_1543, %swap3A_1544], %mul3A_1540 {strides = array<i32>} : memref<8x16x128xf32, #tpu.memory_space<vmem>>, vector<16xf32>,
      %get3A_1546 = arith.constant 7 : i32
      %get3A_1547 = arith.index_cast %rem3A_778 : i32 to index
      %get3A_1548 = arith.index_cast %get3A_1546 : i32 to index
      %get3A_1549 = arith.constant 48 : index
      %get3A_1550 = tpu.vector_load %arg9[%get3A_1547, %get3A_1548, %get3A_1549] {strides = array<i32>} : memref<8x16x128xf32, #tpu.memory_space<vmem>>, vector<16xf32>,
      %mul3A_1551 = vector.broadcast %squeeze3A_1509 : f32 to vector<16xf32>
      %mul3A_1552 = arith.mulf %get3A_1550, %mul3A_1551 : vector<16xf32>
      %swap3A_1553 = arith.constant 7 : i32
      %swap3A_1554 = arith.index_cast %rem3A_778 : i32 to index
      %swap3A_1555 = arith.index_cast %swap3A_1553 : i32 to index
      %swap3A_1556 = arith.constant 48 : index
      %swap3A_1557 = tpu.vector_load %arg9[%swap3A_1554, %swap3A_1555, %swap3A_1556] {strides = array<i32>} : memref<8x16x128xf32, #tpu.memory_space<vmem>>, vector<16xf32>,
      tpu.vector_store %arg9[%swap3A_1554, %swap3A_1555, %swap3A_1556], %mul3A_1552 {strides = array<i32>} : memref<8x16x128xf32, #tpu.memory_space<vmem>>, vector<16xf32>,
      %get3A_1558 = arith.constant 7 : i32
      %get3A_1559 = arith.index_cast %rem3A_778 : i32 to index
      %get3A_1560 = arith.index_cast %get3A_1558 : i32 to index
      %get3A_1561 = arith.constant 64 : index
      %get3A_1562 = tpu.vector_load %arg9[%get3A_1559, %get3A_1560, %get3A_1561] {strides = array<i32>} : memref<8x16x128xf32, #tpu.memory_space<vmem>>, vector<16xf32>,
      %mul3A_1563 = vector.broadcast %squeeze3A_1509 : f32 to vector<16xf32>
      %mul3A_1564 = arith.mulf %get3A_1562, %mul3A_1563 : vector<16xf32>
      %swap3A_1565 = arith.constant 7 : i32
      %swap3A_1566 = arith.index_cast %rem3A_778 : i32 to index
      %swap3A_1567 = arith.index_cast %swap3A_1565 : i32 to index
      %swap3A_1568 = arith.constant 64 : index
      %swap3A_1569 = tpu.vector_load %arg9[%swap3A_1566, %swap3A_1567, %swap3A_1568] {strides = array<i32>} : memref<8x16x128xf32, #tpu.memory_space<vmem>>, vector<16xf32>,
      tpu.vector_store %arg9[%swap3A_1566, %swap3A_1567, %swap3A_1568], %mul3A_1564 {strides = array<i32>} : memref<8x16x128xf32, #tpu.memory_space<vmem>>, vector<16xf32>,
      %get3A_1570 = arith.constant 7 : i32
      %get3A_1571 = arith.index_cast %rem3A_778 : i32 to index
      %get3A_1572 = arith.index_cast %get3A_1570 : i32 to index
      %get3A_1573 = arith.constant 80 : index
      %get3A_1574 = tpu.vector_load %arg9[%get3A_1571, %get3A_1572, %get3A_1573] {strides = array<i32>} : memref<8x16x128xf32, #tpu.memory_space<vmem>>, vector<16xf32>,
      %mul3A_1575 = vector.broadcast %squeeze3A_1509 : f32 to vector<16xf32>
      %mul3A_1576 = arith.mulf %get3A_1574, %mul3A_1575 : vector<16xf32>
      %swap3A_1577 = arith.constant 7 : i32
      %swap3A_1578 = arith.index_cast %rem3A_778 : i32 to index
      %swap3A_1579 = arith.index_cast %swap3A_1577 : i32 to index
      %swap3A_1580 = arith.constant 80 : index
      %swap3A_1581 = tpu.vector_load %arg9[%swap3A_1578, %swap3A_1579, %swap3A_1580] {strides = array<i32>} : memref<8x16x128xf32, #tpu.memory_space<vmem>>, vector<16xf32>,
      tpu.vector_store %arg9[%swap3A_1578, %swap3A_1579, %swap3A_1580], %mul3A_1576 {strides = array<i32>} : memref<8x16x128xf32, #tpu.memory_space<vmem>>, vector<16xf32>,
      %get3A_1582 = arith.constant 7 : i32
      %get3A_1583 = arith.index_cast %rem3A_778 : i32 to index
      %get3A_1584 = arith.index_cast %get3A_1582 : i32 to index
      %get3A_1585 = arith.constant 96 : index
      %get3A_1586 = tpu.vector_load %arg9[%get3A_1583, %get3A_1584, %get3A_1585] {strides = array<i32>} : memref<8x16x128xf32, #tpu.memory_space<vmem>>, vector<16xf32>,
      %mul3A_1587 = vector.broadcast %squeeze3A_1509 : f32 to vector<16xf32>
      %mul3A_1588 = arith.mulf %get3A_1586, %mul3A_1587 : vector<16xf32>
      %swap3A_1589 = arith.constant 7 : i32
      %swap3A_1590 = arith.index_cast %rem3A_778 : i32 to index
      %swap3A_1591 = arith.index_cast %swap3A_1589 : i32 to index
      %swap3A_1592 = arith.constant 96 : index
      %swap3A_1593 = tpu.vector_load %arg9[%swap3A_1590, %swap3A_1591, %swap3A_1592] {strides = array<i32>} : memref<8x16x128xf32, #tpu.memory_space<vmem>>, vector<16xf32>,
      tpu.vector_store %arg9[%swap3A_1590, %swap3A_1591, %swap3A_1592], %mul3A_1588 {strides = array<i32>} : memref<8x16x128xf32, #tpu.memory_space<vmem>>, vector<16xf32>,
      %get3A_1594 = arith.constant 7 : i32
      %get3A_1595 = arith.index_cast %rem3A_778 : i32 to index
      %get3A_1596 = arith.index_cast %get3A_1594 : i32 to index
      %get3A_1597 = arith.constant 112 : index
      %get3A_1598 = tpu.vector_load %arg9[%get3A_1595, %get3A_1596, %get3A_1597] {strides = array<i32>} : memref<8x16x128xf32, #tpu.memory_space<vmem>>, vector<16xf32>,
      %mul3A_1599 = vector.broadcast %squeeze3A_1509 : f32 to vector<16xf32>
      %mul3A_1600 = arith.mulf %get3A_1598, %mul3A_1599 : vector<16xf32>
      %swap3A_1601 = arith.constant 7 : i32
      %swap3A_1602 = arith.index_cast %rem3A_778 : i32 to index
      %swap3A_1603 = arith.index_cast %swap3A_1601 : i32 to index
      %swap3A_1604 = arith.constant 112 : index
      %swap3A_1605 = tpu.vector_load %arg9[%swap3A_1602, %swap3A_1603, %swap3A_1604] {strides = array<i32>} : memref<8x16x128xf32, #tpu.memory_space<vmem>>, vector<16xf32>,
      tpu.vector_store %arg9[%swap3A_1602, %swap3A_1603, %swap3A_1604], %mul3A_1600 {strides = array<i32>} : memref<8x16x128xf32, #tpu.memory_space<vmem>>, vector<16xf32>,
      %slice3A_1606 = vector.extract_strided_slice %select_n3A_820 {offsets = [8], sizes = [1], strides = [1]} : vector<16xf32> to vector<1xf32>
      %squeeze3A_1607 = vector.extract %slice3A_1606[0] : f32 from vector<1xf32>
      %get3A_1608 = arith.constant 8 : i32
      %get3A_1609 = arith.index_cast %rem3A_778 : i32 to index
      %get3A_1610 = arith.index_cast %get3A_1608 : i32 to index
      %get3A_1611 = arith.constant 0 : index
      %get3A_1612 = tpu.vector_load %arg9[%get3A_1609, %get3A_1610, %get3A_1611] {strides = array<i32>} : memref<8x16x128xf32, #tpu.memory_space<vmem>>, vector<16xf32>,
      %mul3A_1613 = vector.broadcast %squeeze3A_1607 : f32 to vector<16xf32>
      %mul3A_1614 = arith.mulf %get3A_1612, %mul3A_1613 : vector<16xf32>
      %swap3A_1615 = arith.constant 8 : i32
      %swap3A_1616 = arith.index_cast %rem3A_778 : i32 to index
      %swap3A_1617 = arith.index_cast %swap3A_1615 : i32 to index
      %swap3A_1618 = arith.constant 0 : index
      %swap3A_1619 = tpu.vector_load %arg9[%swap3A_1616, %swap3A_1617, %swap3A_1618] {strides = array<i32>} : memref<8x16x128xf32, #tpu.memory_space<vmem>>, vector<16xf32>,
      tpu.vector_store %arg9[%swap3A_1616, %swap3A_1617, %swap3A_1618], %mul3A_1614 {strides = array<i32>} : memref<8x16x128xf32, #tpu.memory_space<vmem>>, vector<16xf32>,
      %get3A_1620 = arith.constant 8 : i32
      %get3A_1621 = arith.index_cast %rem3A_778 : i32 to index
      %get3A_1622 = arith.index_cast %get3A_1620 : i32 to index
      %get3A_1623 = arith.constant 16 : index
      %get3A_1624 = tpu.vector_load %arg9[%get3A_1621, %get3A_1622, %get3A_1623] {strides = array<i32>} : memref<8x16x128xf32, #tpu.memory_space<vmem>>, vector<16xf32>,
      %mul3A_1625 = vector.broadcast %squeeze3A_1607 : f32 to vector<16xf32>
      %mul3A_1626 = arith.mulf %get3A_1624, %mul3A_1625 : vector<16xf32>
      %swap3A_1627 = arith.constant 8 : i32
      %swap3A_1628 = arith.index_cast %rem3A_778 : i32 to index
      %swap3A_1629 = arith.index_cast %swap3A_1627 : i32 to index
      %swap3A_1630 = arith.constant 16 : index
      %swap3A_1631 = tpu.vector_load %arg9[%swap3A_1628, %swap3A_1629, %swap3A_1630] {strides = array<i32>} : memref<8x16x128xf32, #tpu.memory_space<vmem>>, vector<16xf32>,
      tpu.vector_store %arg9[%swap3A_1628, %swap3A_1629, %swap3A_1630], %mul3A_1626 {strides = array<i32>} : memref<8x16x128xf32, #tpu.memory_space<vmem>>, vector<16xf32>,
      %get3A_1632 = arith.constant 8 : i32
      %get3A_1633 = arith.index_cast %rem3A_778 : i32 to index
      %get3A_1634 = arith.index_cast %get3A_1632 : i32 to index
      %get3A_1635 = arith.constant 32 : index
      %get3A_1636 = tpu.vector_load %arg9[%get3A_1633, %get3A_1634, %get3A_1635] {strides = array<i32>} : memref<8x16x128xf32, #tpu.memory_space<vmem>>, vector<16xf32>,
      %mul3A_1637 = vector.broadcast %squeeze3A_1607 : f32 to vector<16xf32>
      %mul3A_1638 = arith.mulf %get3A_1636, %mul3A_1637 : vector<16xf32>
      %swap3A_1639 = arith.constant 8 : i32
      %swap3A_1640 = arith.index_cast %rem3A_778 : i32 to index
      %swap3A_1641 = arith.index_cast %swap3A_1639 : i32 to index
      %swap3A_1642 = arith.constant 32 : index
      %swap3A_1643 = tpu.vector_load %arg9[%swap3A_1640, %swap3A_1641, %swap3A_1642] {strides = array<i32>} : memref<8x16x128xf32, #tpu.memory_space<vmem>>, vector<16xf32>,
      tpu.vector_store %arg9[%swap3A_1640, %swap3A_1641, %swap3A_1642], %mul3A_1638 {strides = array<i32>} : memref<8x16x128xf32, #tpu.memory_space<vmem>>, vector<16xf32>,
      %get3A_1644 = arith.constant 8 : i32
      %get3A_1645 = arith.index_cast %rem3A_778 : i32 to index
      %get3A_1646 = arith.index_cast %get3A_1644 : i32 to index
      %get3A_1647 = arith.constant 48 : index
      %get3A_1648 = tpu.vector_load %arg9[%get3A_1645, %get3A_1646, %get3A_1647] {strides = array<i32>} : memref<8x16x128xf32, #tpu.memory_space<vmem>>, vector<16xf32>,
      %mul3A_1649 = vector.broadcast %squeeze3A_1607 : f32 to vector<16xf32>
      %mul3A_1650 = arith.mulf %get3A_1648, %mul3A_1649 : vector<16xf32>
      %swap3A_1651 = arith.constant 8 : i32
      %swap3A_1652 = arith.index_cast %rem3A_778 : i32 to index
      %swap3A_1653 = arith.index_cast %swap3A_1651 : i32 to index
      %swap3A_1654 = arith.constant 48 : index
      %swap3A_1655 = tpu.vector_load %arg9[%swap3A_1652, %swap3A_1653, %swap3A_1654] {strides = array<i32>} : memref<8x16x128xf32, #tpu.memory_space<vmem>>, vector<16xf32>,
      tpu.vector_store %arg9[%swap3A_1652, %swap3A_1653, %swap3A_1654], %mul3A_1650 {strides = array<i32>} : memref<8x16x128xf32, #tpu.memory_space<vmem>>, vector<16xf32>,
      %get3A_1656 = arith.constant 8 : i32
      %get3A_1657 = arith.index_cast %rem3A_778 : i32 to index
      %get3A_1658 = arith.index_cast %get3A_1656 : i32 to index
      %get3A_1659 = arith.constant 64 : index
      %get3A_1660 = tpu.vector_load %arg9[%get3A_1657, %get3A_1658, %get3A_1659] {strides = array<i32>} : memref<8x16x128xf32, #tpu.memory_space<vmem>>, vector<16xf32>,
      %mul3A_1661 = vector.broadcast %squeeze3A_1607 : f32 to vector<16xf32>
      %mul3A_1662 = arith.mulf %get3A_1660, %mul3A_1661 : vector<16xf32>
      %swap3A_1663 = arith.constant 8 : i32
      %swap3A_1664 = arith.index_cast %rem3A_778 : i32 to index
      %swap3A_1665 = arith.index_cast %swap3A_1663 : i32 to index
      %swap3A_1666 = arith.constant 64 : index
      %swap3A_1667 = tpu.vector_load %arg9[%swap3A_1664, %swap3A_1665, %swap3A_1666] {strides = array<i32>} : memref<8x16x128xf32, #tpu.memory_space<vmem>>, vector<16xf32>,
      tpu.vector_store %arg9[%swap3A_1664, %swap3A_1665, %swap3A_1666], %mul3A_1662 {strides = array<i32>} : memref<8x16x128xf32, #tpu.memory_space<vmem>>, vector<16xf32>,
      %get3A_1668 = arith.constant 8 : i32
      %get3A_1669 = arith.index_cast %rem3A_778 : i32 to index
      %get3A_1670 = arith.index_cast %get3A_1668 : i32 to index
      %get3A_1671 = arith.constant 80 : index
      %get3A_1672 = tpu.vector_load %arg9[%get3A_1669, %get3A_1670, %get3A_1671] {strides = array<i32>} : memref<8x16x128xf32, #tpu.memory_space<vmem>>, vector<16xf32>,
      %mul3A_1673 = vector.broadcast %squeeze3A_1607 : f32 to vector<16xf32>
      %mul3A_1674 = arith.mulf %get3A_1672, %mul3A_1673 : vector<16xf32>
      %swap3A_1675 = arith.constant 8 : i32
      %swap3A_1676 = arith.index_cast %rem3A_778 : i32 to index
      %swap3A_1677 = arith.index_cast %swap3A_1675 : i32 to index
      %swap3A_1678 = arith.constant 80 : index
      %swap3A_1679 = tpu.vector_load %arg9[%swap3A_1676, %swap3A_1677, %swap3A_1678] {strides = array<i32>} : memref<8x16x128xf32, #tpu.memory_space<vmem>>, vector<16xf32>,
      tpu.vector_store %arg9[%swap3A_1676, %swap3A_1677, %swap3A_1678], %mul3A_1674 {strides = array<i32>} : memref<8x16x128xf32, #tpu.memory_space<vmem>>, vector<16xf32>,
      %get3A_1680 = arith.constant 8 : i32
      %get3A_1681 = arith.index_cast %rem3A_778 : i32 to index
      %get3A_1682 = arith.index_cast %get3A_1680 : i32 to index
      %get3A_1683 = arith.constant 96 : index
      %get3A_1684 = tpu.vector_load %arg9[%get3A_1681, %get3A_1682, %get3A_1683] {strides = array<i32>} : memref<8x16x128xf32, #tpu.memory_space<vmem>>, vector<16xf32>,
      %mul3A_1685 = vector.broadcast %squeeze3A_1607 : f32 to vector<16xf32>
      %mul3A_1686 = arith.mulf %get3A_1684, %mul3A_1685 : vector<16xf32>
      %swap3A_1687 = arith.constant 8 : i32
      %swap3A_1688 = arith.index_cast %rem3A_778 : i32 to index
      %swap3A_1689 = arith.index_cast %swap3A_1687 : i32 to index
      %swap3A_1690 = arith.constant 96 : index
      %swap3A_1691 = tpu.vector_load %arg9[%swap3A_1688, %swap3A_1689, %swap3A_1690] {strides = array<i32>} : memref<8x16x128xf32, #tpu.memory_space<vmem>>, vector<16xf32>,
      tpu.vector_store %arg9[%swap3A_1688, %swap3A_1689, %swap3A_1690], %mul3A_1686 {strides = array<i32>} : memref<8x16x128xf32, #tpu.memory_space<vmem>>, vector<16xf32>,
      %get3A_1692 = arith.constant 8 : i32
      %get3A_1693 = arith.index_cast %rem3A_778 : i32 to index
      %get3A_1694 = arith.index_cast %get3A_1692 : i32 to index
      %get3A_1695 = arith.constant 112 : index
      %get3A_1696 = tpu.vector_load %arg9[%get3A_1693, %get3A_1694, %get3A_1695] {strides = array<i32>} : memref<8x16x128xf32, #tpu.memory_space<vmem>>, vector<16xf32>,
      %mul3A_1697 = vector.broadcast %squeeze3A_1607 : f32 to vector<16xf32>
      %mul3A_1698 = arith.mulf %get3A_1696, %mul3A_1697 : vector<16xf32>
      %swap3A_1699 = arith.constant 8 : i32
      %swap3A_1700 = arith.index_cast %rem3A_778 : i32 to index
      %swap3A_1701 = arith.index_cast %swap3A_1699 : i32 to index
      %swap3A_1702 = arith.constant 112 : index
      %swap3A_1703 = tpu.vector_load %arg9[%swap3A_1700, %swap3A_1701, %swap3A_1702] {strides = array<i32>} : memref<8x16x128xf32, #tpu.memory_space<vmem>>, vector<16xf32>,
      tpu.vector_store %arg9[%swap3A_1700, %swap3A_1701, %swap3A_1702], %mul3A_1698 {strides = array<i32>} : memref<8x16x128xf32, #tpu.memory_space<vmem>>, vector<16xf32>,
      %slice3A_1704 = vector.extract_strided_slice %select_n3A_820 {offsets = [9], sizes = [1], strides = [1]} : vector<16xf32> to vector<1xf32>
      %squeeze3A_1705 = vector.extract %slice3A_1704[0] : f32 from vector<1xf32>
      %get3A_1706 = arith.constant 9 : i32
      %get3A_1707 = arith.index_cast %rem3A_778 : i32 to index
      %get3A_1708 = arith.index_cast %get3A_1706 : i32 to index
      %get3A_1709 = arith.constant 0 : index
      %get3A_1710 = tpu.vector_load %arg9[%get3A_1707, %get3A_1708, %get3A_1709] {strides = array<i32>} : memref<8x16x128xf32, #tpu.memory_space<vmem>>, vector<16xf32>,
      %mul3A_1711 = vector.broadcast %squeeze3A_1705 : f32 to vector<16xf32>
      %mul3A_1712 = arith.mulf %get3A_1710, %mul3A_1711 : vector<16xf32>
      %swap3A_1713 = arith.constant 9 : i32
      %swap3A_1714 = arith.index_cast %rem3A_778 : i32 to index
      %swap3A_1715 = arith.index_cast %swap3A_1713 : i32 to index
      %swap3A_1716 = arith.constant 0 : index
      %swap3A_1717 = tpu.vector_load %arg9[%swap3A_1714, %swap3A_1715, %swap3A_1716] {strides = array<i32>} : memref<8x16x128xf32, #tpu.memory_space<vmem>>, vector<16xf32>,
      tpu.vector_store %arg9[%swap3A_1714, %swap3A_1715, %swap3A_1716], %mul3A_1712 {strides = array<i32>} : memref<8x16x128xf32, #tpu.memory_space<vmem>>, vector<16xf32>,
      %get3A_1718 = arith.constant 9 : i32
      %get3A_1719 = arith.index_cast %rem3A_778 : i32 to index
      %get3A_1720 = arith.index_cast %get3A_1718 : i32 to index
      %get3A_1721 = arith.constant 16 : index
      %get3A_1722 = tpu.vector_load %arg9[%get3A_1719, %get3A_1720, %get3A_1721] {strides = array<i32>} : memref<8x16x128xf32, #tpu.memory_space<vmem>>, vector<16xf32>,
      %mul3A_1723 = vector.broadcast %squeeze3A_1705 : f32 to vector<16xf32>
      %mul3A_1724 = arith.mulf %get3A_1722, %mul3A_1723 : vector<16xf32>
      %swap3A_1725 = arith.constant 9 : i32
      %swap3A_1726 = arith.index_cast %rem3A_778 : i32 to index
      %swap3A_1727 = arith.index_cast %swap3A_1725 : i32 to index
      %swap3A_1728 = arith.constant 16 : index
      %swap3A_1729 = tpu.vector_load %arg9[%swap3A_1726, %swap3A_1727, %swap3A_1728] {strides = array<i32>} : memref<8x16x128xf32, #tpu.memory_space<vmem>>, vector<16xf32>,
      tpu.vector_store %arg9[%swap3A_1726, %swap3A_1727, %swap3A_1728], %mul3A_1724 {strides = array<i32>} : memref<8x16x128xf32, #tpu.memory_space<vmem>>, vector<16xf32>,
      %get3A_1730 = arith.constant 9 : i32
      %get3A_1731 = arith.index_cast %rem3A_778 : i32 to index
      %get3A_1732 = arith.index_cast %get3A_1730 : i32 to index
      %get3A_1733 = arith.constant 32 : index
      %get3A_1734 = tpu.vector_load %arg9[%get3A_1731, %get3A_1732, %get3A_1733] {strides = array<i32>} : memref<8x16x128xf32, #tpu.memory_space<vmem>>, vector<16xf32>,
      %mul3A_1735 = vector.broadcast %squeeze3A_1705 : f32 to vector<16xf32>
      %mul3A_1736 = arith.mulf %get3A_1734, %mul3A_1735 : vector<16xf32>
      %swap3A_1737 = arith.constant 9 : i32
      %swap3A_1738 = arith.index_cast %rem3A_778 : i32 to index
      %swap3A_1739 = arith.index_cast %swap3A_1737 : i32 to index
      %swap3A_1740 = arith.constant 32 : index
      %swap3A_1741 = tpu.vector_load %arg9[%swap3A_1738, %swap3A_1739, %swap3A_1740] {strides = array<i32>} : memref<8x16x128xf32, #tpu.memory_space<vmem>>, vector<16xf32>,
      tpu.vector_store %arg9[%swap3A_1738, %swap3A_1739, %swap3A_1740], %mul3A_1736 {strides = array<i32>} : memref<8x16x128xf32, #tpu.memory_space<vmem>>, vector<16xf32>,
      %get3A_1742 = arith.constant 9 : i32
      %get3A_1743 = arith.index_cast %rem3A_778 : i32 to index
      %get3A_1744 = arith.index_cast %get3A_1742 : i32 to index
      %get3A_1745 = arith.constant 48 : index
      %get3A_1746 = tpu.vector_load %arg9[%get3A_1743, %get3A_1744, %get3A_1745] {strides = array<i32>} : memref<8x16x128xf32, #tpu.memory_space<vmem>>, vector<16xf32>,
      %mul3A_1747 = vector.broadcast %squeeze3A_1705 : f32 to vector<16xf32>
      %mul3A_1748 = arith.mulf %get3A_1746, %mul3A_1747 : vector<16xf32>
      %swap3A_1749 = arith.constant 9 : i32
      %swap3A_1750 = arith.index_cast %rem3A_778 : i32 to index
      %swap3A_1751 = arith.index_cast %swap3A_1749 : i32 to index
      %swap3A_1752 = arith.constant 48 : index
      %swap3A_1753 = tpu.vector_load %arg9[%swap3A_1750, %swap3A_1751, %swap3A_1752] {strides = array<i32>} : memref<8x16x128xf32, #tpu.memory_space<vmem>>, vector<16xf32>,
      tpu.vector_store %arg9[%swap3A_1750, %swap3A_1751, %swap3A_1752], %mul3A_1748 {strides = array<i32>} : memref<8x16x128xf32, #tpu.memory_space<vmem>>, vector<16xf32>,
      %get3A_1754 = arith.constant 9 : i32
      %get3A_1755 = arith.index_cast %rem3A_778 : i32 to index
      %get3A_1756 = arith.index_cast %get3A_1754 : i32 to index
      %get3A_1757 = arith.constant 64 : index
      %get3A_1758 = tpu.vector_load %arg9[%get3A_1755, %get3A_1756, %get3A_1757] {strides = array<i32>} : memref<8x16x128xf32, #tpu.memory_space<vmem>>, vector<16xf32>,
      %mul3A_1759 = vector.broadcast %squeeze3A_1705 : f32 to vector<16xf32>
      %mul3A_1760 = arith.mulf %get3A_1758, %mul3A_1759 : vector<16xf32>
      %swap3A_1761 = arith.constant 9 : i32
      %swap3A_1762 = arith.index_cast %rem3A_778 : i32 to index
      %swap3A_1763 = arith.index_cast %swap3A_1761 : i32 to index
      %swap3A_1764 = arith.constant 64 : index
      %swap3A_1765 = tpu.vector_load %arg9[%swap3A_1762, %swap3A_1763, %swap3A_1764] {strides = array<i32>} : memref<8x16x128xf32, #tpu.memory_space<vmem>>, vector<16xf32>,
      tpu.vector_store %arg9[%swap3A_1762, %swap3A_1763, %swap3A_1764], %mul3A_1760 {strides = array<i32>} : memref<8x16x128xf32, #tpu.memory_space<vmem>>, vector<16xf32>,
      %get3A_1766 = arith.constant 9 : i32
      %get3A_1767 = arith.index_cast %rem3A_778 : i32 to index
      %get3A_1768 = arith.index_cast %get3A_1766 : i32 to index
      %get3A_1769 = arith.constant 80 : index
      %get3A_1770 = tpu.vector_load %arg9[%get3A_1767, %get3A_1768, %get3A_1769] {strides = array<i32>} : memref<8x16x128xf32, #tpu.memory_space<vmem>>, vector<16xf32>,
      %mul3A_1771 = vector.broadcast %squeeze3A_1705 : f32 to vector<16xf32>
      %mul3A_1772 = arith.mulf %get3A_1770, %mul3A_1771 : vector<16xf32>
      %swap3A_1773 = arith.constant 9 : i32
      %swap3A_1774 = arith.index_cast %rem3A_778 : i32 to index
      %swap3A_1775 = arith.index_cast %swap3A_1773 : i32 to index
      %swap3A_1776 = arith.constant 80 : index
      %swap3A_1777 = tpu.vector_load %arg9[%swap3A_1774, %swap3A_1775, %swap3A_1776] {strides = array<i32>} : memref<8x16x128xf32, #tpu.memory_space<vmem>>, vector<16xf32>,
      tpu.vector_store %arg9[%swap3A_1774, %swap3A_1775, %swap3A_1776], %mul3A_1772 {strides = array<i32>} : memref<8x16x128xf32, #tpu.memory_space<vmem>>, vector<16xf32>,
      %get3A_1778 = arith.constant 9 : i32
      %get3A_1779 = arith.index_cast %rem3A_778 : i32 to index
      %get3A_1780 = arith.index_cast %get3A_1778 : i32 to index
      %get3A_1781 = arith.constant 96 : index
      %get3A_1782 = tpu.vector_load %arg9[%get3A_1779, %get3A_1780, %get3A_1781] {strides = array<i32>} : memref<8x16x128xf32, #tpu.memory_space<vmem>>, vector<16xf32>,
      %mul3A_1783 = vector.broadcast %squeeze3A_1705 : f32 to vector<16xf32>
      %mul3A_1784 = arith.mulf %get3A_1782, %mul3A_1783 : vector<16xf32>
      %swap3A_1785 = arith.constant 9 : i32
      %swap3A_1786 = arith.index_cast %rem3A_778 : i32 to index
      %swap3A_1787 = arith.index_cast %swap3A_1785 : i32 to index
      %swap3A_1788 = arith.constant 96 : index
      %swap3A_1789 = tpu.vector_load %arg9[%swap3A_1786, %swap3A_1787, %swap3A_1788] {strides = array<i32>} : memref<8x16x128xf32, #tpu.memory_space<vmem>>, vector<16xf32>,
      tpu.vector_store %arg9[%swap3A_1786, %swap3A_1787, %swap3A_1788], %mul3A_1784 {strides = array<i32>} : memref<8x16x128xf32, #tpu.memory_space<vmem>>, vector<16xf32>,
      %get3A_1790 = arith.constant 9 : i32
      %get3A_1791 = arith.index_cast %rem3A_778 : i32 to index
      %get3A_1792 = arith.index_cast %get3A_1790 : i32 to index
      %get3A_1793 = arith.constant 112 : index
      %get3A_1794 = tpu.vector_load %arg9[%get3A_1791, %get3A_1792, %get3A_1793] {strides = array<i32>} : memref<8x16x128xf32, #tpu.memory_space<vmem>>, vector<16xf32>,
      %mul3A_1795 = vector.broadcast %squeeze3A_1705 : f32 to vector<16xf32>
      %mul3A_1796 = arith.mulf %get3A_1794, %mul3A_1795 : vector<16xf32>
      %swap3A_1797 = arith.constant 9 : i32
      %swap3A_1798 = arith.index_cast %rem3A_778 : i32 to index
      %swap3A_1799 = arith.index_cast %swap3A_1797 : i32 to index
      %swap3A_1800 = arith.constant 112 : index
      %swap3A_1801 = tpu.vector_load %arg9[%swap3A_1798, %swap3A_1799, %swap3A_1800] {strides = array<i32>} : memref<8x16x128xf32, #tpu.memory_space<vmem>>, vector<16xf32>,
      tpu.vector_store %arg9[%swap3A_1798, %swap3A_1799, %swap3A_1800], %mul3A_1796 {strides = array<i32>} : memref<8x16x128xf32, #tpu.memory_space<vmem>>, vector<16xf32>,
      %slice3A_1802 = vector.extract_strided_slice %select_n3A_820 {offsets = [10], sizes = [1], strides = [1]} : vector<16xf32> to vector<1xf32>
      %squeeze3A_1803 = vector.extract %slice3A_1802[0] : f32 from vector<1xf32>
      %get3A_1804 = arith.constant 10 : i32
      %get3A_1805 = arith.index_cast %rem3A_778 : i32 to index
      %get3A_1806 = arith.index_cast %get3A_1804 : i32 to index
      %get3A_1807 = arith.constant 0 : index
      %get3A_1808 = tpu.vector_load %arg9[%get3A_1805, %get3A_1806, %get3A_1807] {strides = array<i32>} : memref<8x16x128xf32, #tpu.memory_space<vmem>>, vector<16xf32>,
      %mul3A_1809 = vector.broadcast %squeeze3A_1803 : f32 to vector<16xf32>
      %mul3A_1810 = arith.mulf %get3A_1808, %mul3A_1809 : vector<16xf32>
      %swap3A_1811 = arith.constant 10 : i32
      %swap3A_1812 = arith.index_cast %rem3A_778 : i32 to index
      %swap3A_1813 = arith.index_cast %swap3A_1811 : i32 to index
      %swap3A_1814 = arith.constant 0 : index
      %swap3A_1815 = tpu.vector_load %arg9[%swap3A_1812, %swap3A_1813, %swap3A_1814] {strides = array<i32>} : memref<8x16x128xf32, #tpu.memory_space<vmem>>, vector<16xf32>,
      tpu.vector_store %arg9[%swap3A_1812, %swap3A_1813, %swap3A_1814], %mul3A_1810 {strides = array<i32>} : memref<8x16x128xf32, #tpu.memory_space<vmem>>, vector<16xf32>,
      %get3A_1816 = arith.constant 10 : i32
      %get3A_1817 = arith.index_cast %rem3A_778 : i32 to index
      %get3A_1818 = arith.index_cast %get3A_1816 : i32 to index
      %get3A_1819 = arith.constant 16 : index
      %get3A_1820 = tpu.vector_load %arg9[%get3A_1817, %get3A_1818, %get3A_1819] {strides = array<i32>} : memref<8x16x128xf32, #tpu.memory_space<vmem>>, vector<16xf32>,
      %mul3A_1821 = vector.broadcast %squeeze3A_1803 : f32 to vector<16xf32>
      %mul3A_1822 = arith.mulf %get3A_1820, %mul3A_1821 : vector<16xf32>
      %swap3A_1823 = arith.constant 10 : i32
      %swap3A_1824 = arith.index_cast %rem3A_778 : i32 to index
      %swap3A_1825 = arith.index_cast %swap3A_1823 : i32 to index
      %swap3A_1826 = arith.constant 16 : index
      %swap3A_1827 = tpu.vector_load %arg9[%swap3A_1824, %swap3A_1825, %swap3A_1826] {strides = array<i32>} : memref<8x16x128xf32, #tpu.memory_space<vmem>>, vector<16xf32>,
      tpu.vector_store %arg9[%swap3A_1824, %swap3A_1825, %swap3A_1826], %mul3A_1822 {strides = array<i32>} : memref<8x16x128xf32, #tpu.memory_space<vmem>>, vector<16xf32>,
      %get3A_1828 = arith.constant 10 : i32
      %get3A_1829 = arith.index_cast %rem3A_778 : i32 to index
      %get3A_1830 = arith.index_cast %get3A_1828 : i32 to index
      %get3A_1831 = arith.constant 32 : index
      %get3A_1832 = tpu.vector_load %arg9[%get3A_1829, %get3A_1830, %get3A_1831] {strides = array<i32>} : memref<8x16x128xf32, #tpu.memory_space<vmem>>, vector<16xf32>,
      %mul3A_1833 = vector.broadcast %squeeze3A_1803 : f32 to vector<16xf32>
      %mul3A_1834 = arith.mulf %get3A_1832, %mul3A_1833 : vector<16xf32>
      %swap3A_1835 = arith.constant 10 : i32
      %swap3A_1836 = arith.index_cast %rem3A_778 : i32 to index
      %swap3A_1837 = arith.index_cast %swap3A_1835 : i32 to index
      %swap3A_1838 = arith.constant 32 : index
      %swap3A_1839 = tpu.vector_load %arg9[%swap3A_1836, %swap3A_1837, %swap3A_1838] {strides = array<i32>} : memref<8x16x128xf32, #tpu.memory_space<vmem>>, vector<16xf32>,
      tpu.vector_store %arg9[%swap3A_1836, %swap3A_1837, %swap3A_1838], %mul3A_1834 {strides = array<i32>} : memref<8x16x128xf32, #tpu.memory_space<vmem>>, vector<16xf32>,
      %get3A_1840 = arith.constant 10 : i32
      %get3A_1841 = arith.index_cast %rem3A_778 : i32 to index
      %get3A_1842 = arith.index_cast %get3A_1840 : i32 to index
      %get3A_1843 = arith.constant 48 : index
      %get3A_1844 = tpu.vector_load %arg9[%get3A_1841, %get3A_1842, %get3A_1843] {strides = array<i32>} : memref<8x16x128xf32, #tpu.memory_space<vmem>>, vector<16xf32>,
      %mul3A_1845 = vector.broadcast %squeeze3A_1803 : f32 to vector<16xf32>
      %mul3A_1846 = arith.mulf %get3A_1844, %mul3A_1845 : vector<16xf32>
      %swap3A_1847 = arith.constant 10 : i32
      %swap3A_1848 = arith.index_cast %rem3A_778 : i32 to index
      %swap3A_1849 = arith.index_cast %swap3A_1847 : i32 to index
      %swap3A_1850 = arith.constant 48 : index
      %swap3A_1851 = tpu.vector_load %arg9[%swap3A_1848, %swap3A_1849, %swap3A_1850] {strides = array<i32>} : memref<8x16x128xf32, #tpu.memory_space<vmem>>, vector<16xf32>,
      tpu.vector_store %arg9[%swap3A_1848, %swap3A_1849, %swap3A_1850], %mul3A_1846 {strides = array<i32>} : memref<8x16x128xf32, #tpu.memory_space<vmem>>, vector<16xf32>,
      %get3A_1852 = arith.constant 10 : i32
      %get3A_1853 = arith.index_cast %rem3A_778 : i32 to index
      %get3A_1854 = arith.index_cast %get3A_1852 : i32 to index
      %get3A_1855 = arith.constant 64 : index
      %get3A_1856 = tpu.vector_load %arg9[%get3A_1853, %get3A_1854, %get3A_1855] {strides = array<i32>} : memref<8x16x128xf32, #tpu.memory_space<vmem>>, vector<16xf32>,
      %mul3A_1857 = vector.broadcast %squeeze3A_1803 : f32 to vector<16xf32>
      %mul3A_1858 = arith.mulf %get3A_1856, %mul3A_1857 : vector<16xf32>
      %swap3A_1859 = arith.constant 10 : i32
      %swap3A_1860 = arith.index_cast %rem3A_778 : i32 to index
      %swap3A_1861 = arith.index_cast %swap3A_1859 : i32 to index
      %swap3A_1862 = arith.constant 64 : index
      %swap3A_1863 = tpu.vector_load %arg9[%swap3A_1860, %swap3A_1861, %swap3A_1862] {strides = array<i32>} : memref<8x16x128xf32, #tpu.memory_space<vmem>>, vector<16xf32>,
      tpu.vector_store %arg9[%swap3A_1860, %swap3A_1861, %swap3A_1862], %mul3A_1858 {strides = array<i32>} : memref<8x16x128xf32, #tpu.memory_space<vmem>>, vector<16xf32>,
      %get3A_1864 = arith.constant 10 : i32
      %get3A_1865 = arith.index_cast %rem3A_778 : i32 to index
      %get3A_1866 = arith.index_cast %get3A_1864 : i32 to index
      %get3A_1867 = arith.constant 80 : index
      %get3A_1868 = tpu.vector_load %arg9[%get3A_1865, %get3A_1866, %get3A_1867] {strides = array<i32>} : memref<8x16x128xf32, #tpu.memory_space<vmem>>, vector<16xf32>,
      %mul3A_1869 = vector.broadcast %squeeze3A_1803 : f32 to vector<16xf32>
      %mul3A_1870 = arith.mulf %get3A_1868, %mul3A_1869 : vector<16xf32>
      %swap3A_1871 = arith.constant 10 : i32
      %swap3A_1872 = arith.index_cast %rem3A_778 : i32 to index
      %swap3A_1873 = arith.index_cast %swap3A_1871 : i32 to index
      %swap3A_1874 = arith.constant 80 : index
      %swap3A_1875 = tpu.vector_load %arg9[%swap3A_1872, %swap3A_1873, %swap3A_1874] {strides = array<i32>} : memref<8x16x128xf32, #tpu.memory_space<vmem>>, vector<16xf32>,
      tpu.vector_store %arg9[%swap3A_1872, %swap3A_1873, %swap3A_1874], %mul3A_1870 {strides = array<i32>} : memref<8x16x128xf32, #tpu.memory_space<vmem>>, vector<16xf32>,
      %get3A_1876 = arith.constant 10 : i32
      %get3A_1877 = arith.index_cast %rem3A_778 : i32 to index
      %get3A_1878 = arith.index_cast %get3A_1876 : i32 to index
      %get3A_1879 = arith.constant 96 : index
      %get3A_1880 = tpu.vector_load %arg9[%get3A_1877, %get3A_1878, %get3A_1879] {strides = array<i32>} : memref<8x16x128xf32, #tpu.memory_space<vmem>>, vector<16xf32>,
      %mul3A_1881 = vector.broadcast %squeeze3A_1803 : f32 to vector<16xf32>
      %mul3A_1882 = arith.mulf %get3A_1880, %mul3A_1881 : vector<16xf32>
      %swap3A_1883 = arith.constant 10 : i32
      %swap3A_1884 = arith.index_cast %rem3A_778 : i32 to index
      %swap3A_1885 = arith.index_cast %swap3A_1883 : i32 to index
      %swap3A_1886 = arith.constant 96 : index
      %swap3A_1887 = tpu.vector_load %arg9[%swap3A_1884, %swap3A_1885, %swap3A_1886] {strides = array<i32>} : memref<8x16x128xf32, #tpu.memory_space<vmem>>, vector<16xf32>,
      tpu.vector_store %arg9[%swap3A_1884, %swap3A_1885, %swap3A_1886], %mul3A_1882 {strides = array<i32>} : memref<8x16x128xf32, #tpu.memory_space<vmem>>, vector<16xf32>,
      %get3A_1888 = arith.constant 10 : i32
      %get3A_1889 = arith.index_cast %rem3A_778 : i32 to index
      %get3A_1890 = arith.index_cast %get3A_1888 : i32 to index
      %get3A_1891 = arith.constant 112 : index
      %get3A_1892 = tpu.vector_load %arg9[%get3A_1889, %get3A_1890, %get3A_1891] {strides = array<i32>} : memref<8x16x128xf32, #tpu.memory_space<vmem>>, vector<16xf32>,
      %mul3A_1893 = vector.broadcast %squeeze3A_1803 : f32 to vector<16xf32>
      %mul3A_1894 = arith.mulf %get3A_1892, %mul3A_1893 : vector<16xf32>
      %swap3A_1895 = arith.constant 10 : i32
      %swap3A_1896 = arith.index_cast %rem3A_778 : i32 to index
      %swap3A_1897 = arith.index_cast %swap3A_1895 : i32 to index
      %swap3A_1898 = arith.constant 112 : index
      %swap3A_1899 = tpu.vector_load %arg9[%swap3A_1896, %swap3A_1897, %swap3A_1898] {strides = array<i32>} : memref<8x16x128xf32, #tpu.memory_space<vmem>>, vector<16xf32>,
      tpu.vector_store %arg9[%swap3A_1896, %swap3A_1897, %swap3A_1898], %mul3A_1894 {strides = array<i32>} : memref<8x16x128xf32, #tpu.memory_space<vmem>>, vector<16xf32>,
      %slice3A_1900 = vector.extract_strided_slice %select_n3A_820 {offsets = [11], sizes = [1], strides = [1]} : vector<16xf32> to vector<1xf32>
      %squeeze3A_1901 = vector.extract %slice3A_1900[0] : f32 from vector<1xf32>
      %get3A_1902 = arith.constant 11 : i32
      %get3A_1903 = arith.index_cast %rem3A_778 : i32 to index
      %get3A_1904 = arith.index_cast %get3A_1902 : i32 to index
      %get3A_1905 = arith.constant 0 : index
      %get3A_1906 = tpu.vector_load %arg9[%get3A_1903, %get3A_1904, %get3A_1905] {strides = array<i32>} : memref<8x16x128xf32, #tpu.memory_space<vmem>>, vector<16xf32>,
      %mul3A_1907 = vector.broadcast %squeeze3A_1901 : f32 to vector<16xf32>
      %mul3A_1908 = arith.mulf %get3A_1906, %mul3A_1907 : vector<16xf32>
      %swap3A_1909 = arith.constant 11 : i32
      %swap3A_1910 = arith.index_cast %rem3A_778 : i32 to index
      %swap3A_1911 = arith.index_cast %swap3A_1909 : i32 to index
      %swap3A_1912 = arith.constant 0 : index
      %swap3A_1913 = tpu.vector_load %arg9[%swap3A_1910, %swap3A_1911, %swap3A_1912] {strides = array<i32>} : memref<8x16x128xf32, #tpu.memory_space<vmem>>, vector<16xf32>,
      tpu.vector_store %arg9[%swap3A_1910, %swap3A_1911, %swap3A_1912], %mul3A_1908 {strides = array<i32>} : memref<8x16x128xf32, #tpu.memory_space<vmem>>, vector<16xf32>,
      %get3A_1914 = arith.constant 11 : i32
      %get3A_1915 = arith.index_cast %rem3A_778 : i32 to index
      %get3A_1916 = arith.index_cast %get3A_1914 : i32 to index
      %get3A_1917 = arith.constant 16 : index
      %get3A_1918 = tpu.vector_load %arg9[%get3A_1915, %get3A_1916, %get3A_1917] {strides = array<i32>} : memref<8x16x128xf32, #tpu.memory_space<vmem>>, vector<16xf32>,
      %mul3A_1919 = vector.broadcast %squeeze3A_1901 : f32 to vector<16xf32>
      %mul3A_1920 = arith.mulf %get3A_1918, %mul3A_1919 : vector<16xf32>
      %swap3A_1921 = arith.constant 11 : i32
      %swap3A_1922 = arith.index_cast %rem3A_778 : i32 to index
      %swap3A_1923 = arith.index_cast %swap3A_1921 : i32 to index
      %swap3A_1924 = arith.constant 16 : index
      %swap3A_1925 = tpu.vector_load %arg9[%swap3A_1922, %swap3A_1923, %swap3A_1924] {strides = array<i32>} : memref<8x16x128xf32, #tpu.memory_space<vmem>>, vector<16xf32>,
      tpu.vector_store %arg9[%swap3A_1922, %swap3A_1923, %swap3A_1924], %mul3A_1920 {strides = array<i32>} : memref<8x16x128xf32, #tpu.memory_space<vmem>>, vector<16xf32>,
      %get3A_1926 = arith.constant 11 : i32
      %get3A_1927 = arith.index_cast %rem3A_778 : i32 to index
      %get3A_1928 = arith.index_cast %get3A_1926 : i32 to index
      %get3A_1929 = arith.constant 32 : index
      %get3A_1930 = tpu.vector_load %arg9[%get3A_1927, %get3A_1928, %get3A_1929] {strides = array<i32>} : memref<8x16x128xf32, #tpu.memory_space<vmem>>, vector<16xf32>,
      %mul3A_1931 = vector.broadcast %squeeze3A_1901 : f32 to vector<16xf32>
      %mul3A_1932 = arith.mulf %get3A_1930, %mul3A_1931 : vector<16xf32>
      %swap3A_1933 = arith.constant 11 : i32
      %swap3A_1934 = arith.index_cast %rem3A_778 : i32 to index
      %swap3A_1935 = arith.index_cast %swap3A_1933 : i32 to index
      %swap3A_1936 = arith.constant 32 : index
      %swap3A_1937 = tpu.vector_load %arg9[%swap3A_1934, %swap3A_1935, %swap3A_1936] {strides = array<i32>} : memref<8x16x128xf32, #tpu.memory_space<vmem>>, vector<16xf32>,
      tpu.vector_store %arg9[%swap3A_1934, %swap3A_1935, %swap3A_1936], %mul3A_1932 {strides = array<i32>} : memref<8x16x128xf32, #tpu.memory_space<vmem>>, vector<16xf32>,
      %get3A_1938 = arith.constant 11 : i32
      %get3A_1939 = arith.index_cast %rem3A_778 : i32 to index
      %get3A_1940 = arith.index_cast %get3A_1938 : i32 to index
      %get3A_1941 = arith.constant 48 : index
      %get3A_1942 = tpu.vector_load %arg9[%get3A_1939, %get3A_1940, %get3A_1941] {strides = array<i32>} : memref<8x16x128xf32, #tpu.memory_space<vmem>>, vector<16xf32>,
      %mul3A_1943 = vector.broadcast %squeeze3A_1901 : f32 to vector<16xf32>
      %mul3A_1944 = arith.mulf %get3A_1942, %mul3A_1943 : vector<16xf32>
      %swap3A_1945 = arith.constant 11 : i32
      %swap3A_1946 = arith.index_cast %rem3A_778 : i32 to index
      %swap3A_1947 = arith.index_cast %swap3A_1945 : i32 to index
      %swap3A_1948 = arith.constant 48 : index
      %swap3A_1949 = tpu.vector_load %arg9[%swap3A_1946, %swap3A_1947, %swap3A_1948] {strides = array<i32>} : memref<8x16x128xf32, #tpu.memory_space<vmem>>, vector<16xf32>,
      tpu.vector_store %arg9[%swap3A_1946, %swap3A_1947, %swap3A_1948], %mul3A_1944 {strides = array<i32>} : memref<8x16x128xf32, #tpu.memory_space<vmem>>, vector<16xf32>,
      %get3A_1950 = arith.constant 11 : i32
      %get3A_1951 = arith.index_cast %rem3A_778 : i32 to index
      %get3A_1952 = arith.index_cast %get3A_1950 : i32 to index
      %get3A_1953 = arith.constant 64 : index
      %get3A_1954 = tpu.vector_load %arg9[%get3A_1951, %get3A_1952, %get3A_1953] {strides = array<i32>} : memref<8x16x128xf32, #tpu.memory_space<vmem>>, vector<16xf32>,
      %mul3A_1955 = vector.broadcast %squeeze3A_1901 : f32 to vector<16xf32>
      %mul3A_1956 = arith.mulf %get3A_1954, %mul3A_1955 : vector<16xf32>
      %swap3A_1957 = arith.constant 11 : i32
      %swap3A_1958 = arith.index_cast %rem3A_778 : i32 to index
      %swap3A_1959 = arith.index_cast %swap3A_1957 : i32 to index
      %swap3A_1960 = arith.constant 64 : index
      %swap3A_1961 = tpu.vector_load %arg9[%swap3A_1958, %swap3A_1959, %swap3A_1960] {strides = array<i32>} : memref<8x16x128xf32, #tpu.memory_space<vmem>>, vector<16xf32>,
      tpu.vector_store %arg9[%swap3A_1958, %swap3A_1959, %swap3A_1960], %mul3A_1956 {strides = array<i32>} : memref<8x16x128xf32, #tpu.memory_space<vmem>>, vector<16xf32>,
      %get3A_1962 = arith.constant 11 : i32
      %get3A_1963 = arith.index_cast %rem3A_778 : i32 to index
      %get3A_1964 = arith.index_cast %get3A_1962 : i32 to index
      %get3A_1965 = arith.constant 80 : index
      %get3A_1966 = tpu.vector_load %arg9[%get3A_1963, %get3A_1964, %get3A_1965] {strides = array<i32>} : memref<8x16x128xf32, #tpu.memory_space<vmem>>, vector<16xf32>,
      %mul3A_1967 = vector.broadcast %squeeze3A_1901 : f32 to vector<16xf32>
      %mul3A_1968 = arith.mulf %get3A_1966, %mul3A_1967 : vector<16xf32>
      %swap3A_1969 = arith.constant 11 : i32
      %swap3A_1970 = arith.index_cast %rem3A_778 : i32 to index
      %swap3A_1971 = arith.index_cast %swap3A_1969 : i32 to index
      %swap3A_1972 = arith.constant 80 : index
      %swap3A_1973 = tpu.vector_load %arg9[%swap3A_1970, %swap3A_1971, %swap3A_1972] {strides = array<i32>} : memref<8x16x128xf32, #tpu.memory_space<vmem>>, vector<16xf32>,
      tpu.vector_store %arg9[%swap3A_1970, %swap3A_1971, %swap3A_1972], %mul3A_1968 {strides = array<i32>} : memref<8x16x128xf32, #tpu.memory_space<vmem>>, vector<16xf32>,
      %get3A_1974 = arith.constant 11 : i32
      %get3A_1975 = arith.index_cast %rem3A_778 : i32 to index
      %get3A_1976 = arith.index_cast %get3A_1974 : i32 to index
      %get3A_1977 = arith.constant 96 : index
      %get3A_1978 = tpu.vector_load %arg9[%get3A_1975, %get3A_1976, %get3A_1977] {strides = array<i32>} : memref<8x16x128xf32, #tpu.memory_space<vmem>>, vector<16xf32>,
      %mul3A_1979 = vector.broadcast %squeeze3A_1901 : f32 to vector<16xf32>
      %mul3A_1980 = arith.mulf %get3A_1978, %mul3A_1979 : vector<16xf32>
      %swap3A_1981 = arith.constant 11 : i32
      %swap3A_1982 = arith.index_cast %rem3A_778 : i32 to index
      %swap3A_1983 = arith.index_cast %swap3A_1981 : i32 to index
      %swap3A_1984 = arith.constant 96 : index
      %swap3A_1985 = tpu.vector_load %arg9[%swap3A_1982, %swap3A_1983, %swap3A_1984] {strides = array<i32>} : memref<8x16x128xf32, #tpu.memory_space<vmem>>, vector<16xf32>,
      tpu.vector_store %arg9[%swap3A_1982, %swap3A_1983, %swap3A_1984], %mul3A_1980 {strides = array<i32>} : memref<8x16x128xf32, #tpu.memory_space<vmem>>, vector<16xf32>,
      %get3A_1986 = arith.constant 11 : i32
      %get3A_1987 = arith.index_cast %rem3A_778 : i32 to index
      %get3A_1988 = arith.index_cast %get3A_1986 : i32 to index
      %get3A_1989 = arith.constant 112 : index
      %get3A_1990 = tpu.vector_load %arg9[%get3A_1987, %get3A_1988, %get3A_1989] {strides = array<i32>} : memref<8x16x128xf32, #tpu.memory_space<vmem>>, vector<16xf32>,
      %mul3A_1991 = vector.broadcast %squeeze3A_1901 : f32 to vector<16xf32>
      %mul3A_1992 = arith.mulf %get3A_1990, %mul3A_1991 : vector<16xf32>
      %swap3A_1993 = arith.constant 11 : i32
      %swap3A_1994 = arith.index_cast %rem3A_778 : i32 to index
      %swap3A_1995 = arith.index_cast %swap3A_1993 : i32 to index
      %swap3A_1996 = arith.constant 112 : index
      %swap3A_1997 = tpu.vector_load %arg9[%swap3A_1994, %swap3A_1995, %swap3A_1996] {strides = array<i32>} : memref<8x16x128xf32, #tpu.memory_space<vmem>>, vector<16xf32>,
      tpu.vector_store %arg9[%swap3A_1994, %swap3A_1995, %swap3A_1996], %mul3A_1992 {strides = array<i32>} : memref<8x16x128xf32, #tpu.memory_space<vmem>>, vector<16xf32>,
      %slice3A_1998 = vector.extract_strided_slice %select_n3A_820 {offsets = [12], sizes = [1], strides = [1]} : vector<16xf32> to vector<1xf32>
      %squeeze3A_1999 = vector.extract %slice3A_1998[0] : f32 from vector<1xf32>
      %get3A_2000 = arith.constant 12 : i32
      %get3A_2001 = arith.index_cast %rem3A_778 : i32 to index
      %get3A_2002 = arith.index_cast %get3A_2000 : i32 to index
      %get3A_2003 = arith.constant 0 : index
      %get3A_2004 = tpu.vector_load %arg9[%get3A_2001, %get3A_2002, %get3A_2003] {strides = array<i32>} : memref<8x16x128xf32, #tpu.memory_space<vmem>>, vector<16xf32>,
      %mul3A_2005 = vector.broadcast %squeeze3A_1999 : f32 to vector<16xf32>
      %mul3A_2006 = arith.mulf %get3A_2004, %mul3A_2005 : vector<16xf32>
      %swap3A_2007 = arith.constant 12 : i32
      %swap3A_2008 = arith.index_cast %rem3A_778 : i32 to index
      %swap3A_2009 = arith.index_cast %swap3A_2007 : i32 to index
      %swap3A_2010 = arith.constant 0 : index
      %swap3A_2011 = tpu.vector_load %arg9[%swap3A_2008, %swap3A_2009, %swap3A_2010] {strides = array<i32>} : memref<8x16x128xf32, #tpu.memory_space<vmem>>, vector<16xf32>,
      tpu.vector_store %arg9[%swap3A_2008, %swap3A_2009, %swap3A_2010], %mul3A_2006 {strides = array<i32>} : memref<8x16x128xf32, #tpu.memory_space<vmem>>, vector<16xf32>,
      %get3A_2012 = arith.constant 12 : i32
      %get3A_2013 = arith.index_cast %rem3A_778 : i32 to index
      %get3A_2014 = arith.index_cast %get3A_2012 : i32 to index
      %get3A_2015 = arith.constant 16 : index
      %get3A_2016 = tpu.vector_load %arg9[%get3A_2013, %get3A_2014, %get3A_2015] {strides = array<i32>} : memref<8x16x128xf32, #tpu.memory_space<vmem>>, vector<16xf32>,
      %mul3A_2017 = vector.broadcast %squeeze3A_1999 : f32 to vector<16xf32>
      %mul3A_2018 = arith.mulf %get3A_2016, %mul3A_2017 : vector<16xf32>
      %swap3A_2019 = arith.constant 12 : i32
      %swap3A_2020 = arith.index_cast %rem3A_778 : i32 to index
      %swap3A_2021 = arith.index_cast %swap3A_2019 : i32 to index
      %swap3A_2022 = arith.constant 16 : index
      %swap3A_2023 = tpu.vector_load %arg9[%swap3A_2020, %swap3A_2021, %swap3A_2022] {strides = array<i32>} : memref<8x16x128xf32, #tpu.memory_space<vmem>>, vector<16xf32>,
      tpu.vector_store %arg9[%swap3A_2020, %swap3A_2021, %swap3A_2022], %mul3A_2018 {strides = array<i32>} : memref<8x16x128xf32, #tpu.memory_space<vmem>>, vector<16xf32>,
      %get3A_2024 = arith.constant 12 : i32
      %get3A_2025 = arith.index_cast %rem3A_778 : i32 to index
      %get3A_2026 = arith.index_cast %get3A_2024 : i32 to index
      %get3A_2027 = arith.constant 32 : index
      %get3A_2028 = tpu.vector_load %arg9[%get3A_2025, %get3A_2026, %get3A_2027] {strides = array<i32>} : memref<8x16x128xf32, #tpu.memory_space<vmem>>, vector<16xf32>,
      %mul3A_2029 = vector.broadcast %squeeze3A_1999 : f32 to vector<16xf32>
      %mul3A_2030 = arith.mulf %get3A_2028, %mul3A_2029 : vector<16xf32>
      %swap3A_2031 = arith.constant 12 : i32
      %swap3A_2032 = arith.index_cast %rem3A_778 : i32 to index
      %swap3A_2033 = arith.index_cast %swap3A_2031 : i32 to index
      %swap3A_2034 = arith.constant 32 : index
      %swap3A_2035 = tpu.vector_load %arg9[%swap3A_2032, %swap3A_2033, %swap3A_2034] {strides = array<i32>} : memref<8x16x128xf32, #tpu.memory_space<vmem>>, vector<16xf32>,
      tpu.vector_store %arg9[%swap3A_2032, %swap3A_2033, %swap3A_2034], %mul3A_2030 {strides = array<i32>} : memref<8x16x128xf32, #tpu.memory_space<vmem>>, vector<16xf32>,
      %get3A_2036 = arith.constant 12 : i32
      %get3A_2037 = arith.index_cast %rem3A_778 : i32 to index
      %get3A_2038 = arith.index_cast %get3A_2036 : i32 to index
      %get3A_2039 = arith.constant 48 : index
      %get3A_2040 = tpu.vector_load %arg9[%get3A_2037, %get3A_2038, %get3A_2039] {strides = array<i32>} : memref<8x16x128xf32, #tpu.memory_space<vmem>>, vector<16xf32>,
      %mul3A_2041 = vector.broadcast %squeeze3A_1999 : f32 to vector<16xf32>
      %mul3A_2042 = arith.mulf %get3A_2040, %mul3A_2041 : vector<16xf32>
      %swap3A_2043 = arith.constant 12 : i32
      %swap3A_2044 = arith.index_cast %rem3A_778 : i32 to index
      %swap3A_2045 = arith.index_cast %swap3A_2043 : i32 to index
      %swap3A_2046 = arith.constant 48 : index
      %swap3A_2047 = tpu.vector_load %arg9[%swap3A_2044, %swap3A_2045, %swap3A_2046] {strides = array<i32>} : memref<8x16x128xf32, #tpu.memory_space<vmem>>, vector<16xf32>,
      tpu.vector_store %arg9[%swap3A_2044, %swap3A_2045, %swap3A_2046], %mul3A_2042 {strides = array<i32>} : memref<8x16x128xf32, #tpu.memory_space<vmem>>, vector<16xf32>,
      %get3A_2048 = arith.constant 12 : i32
      %get3A_2049 = arith.index_cast %rem3A_778 : i32 to index
      %get3A_2050 = arith.index_cast %get3A_2048 : i32 to index
      %get3A_2051 = arith.constant 64 : index
      %get3A_2052 = tpu.vector_load %arg9[%get3A_2049, %get3A_2050, %get3A_2051] {strides = array<i32>} : memref<8x16x128xf32, #tpu.memory_space<vmem>>, vector<16xf32>,
      %mul3A_2053 = vector.broadcast %squeeze3A_1999 : f32 to vector<16xf32>
      %mul3A_2054 = arith.mulf %get3A_2052, %mul3A_2053 : vector<16xf32>
      %swap3A_2055 = arith.constant 12 : i32
      %swap3A_2056 = arith.index_cast %rem3A_778 : i32 to index
      %swap3A_2057 = arith.index_cast %swap3A_2055 : i32 to index
      %swap3A_2058 = arith.constant 64 : index
      %swap3A_2059 = tpu.vector_load %arg9[%swap3A_2056, %swap3A_2057, %swap3A_2058] {strides = array<i32>} : memref<8x16x128xf32, #tpu.memory_space<vmem>>, vector<16xf32>,
      tpu.vector_store %arg9[%swap3A_2056, %swap3A_2057, %swap3A_2058], %mul3A_2054 {strides = array<i32>} : memref<8x16x128xf32, #tpu.memory_space<vmem>>, vector<16xf32>,
      %get3A_2060 = arith.constant 12 : i32
      %get3A_2061 = arith.index_cast %rem3A_778 : i32 to index
      %get3A_2062 = arith.index_cast %get3A_2060 : i32 to index
      %get3A_2063 = arith.constant 80 : index
      %get3A_2064 = tpu.vector_load %arg9[%get3A_2061, %get3A_2062, %get3A_2063] {strides = array<i32>} : memref<8x16x128xf32, #tpu.memory_space<vmem>>, vector<16xf32>,
      %mul3A_2065 = vector.broadcast %squeeze3A_1999 : f32 to vector<16xf32>
      %mul3A_2066 = arith.mulf %get3A_2064, %mul3A_2065 : vector<16xf32>
      %swap3A_2067 = arith.constant 12 : i32
      %swap3A_2068 = arith.index_cast %rem3A_778 : i32 to index
      %swap3A_2069 = arith.index_cast %swap3A_2067 : i32 to index
      %swap3A_2070 = arith.constant 80 : index
      %swap3A_2071 = tpu.vector_load %arg9[%swap3A_2068, %swap3A_2069, %swap3A_2070] {strides = array<i32>} : memref<8x16x128xf32, #tpu.memory_space<vmem>>, vector<16xf32>,
      tpu.vector_store %arg9[%swap3A_2068, %swap3A_2069, %swap3A_2070], %mul3A_2066 {strides = array<i32>} : memref<8x16x128xf32, #tpu.memory_space<vmem>>, vector<16xf32>,
      %get3A_2072 = arith.constant 12 : i32
      %get3A_2073 = arith.index_cast %rem3A_778 : i32 to index
      %get3A_2074 = arith.index_cast %get3A_2072 : i32 to index
      %get3A_2075 = arith.constant 96 : index
      %get3A_2076 = tpu.vector_load %arg9[%get3A_2073, %get3A_2074, %get3A_2075] {strides = array<i32>} : memref<8x16x128xf32, #tpu.memory_space<vmem>>, vector<16xf32>,
      %mul3A_2077 = vector.broadcast %squeeze3A_1999 : f32 to vector<16xf32>
      %mul3A_2078 = arith.mulf %get3A_2076, %mul3A_2077 : vector<16xf32>
      %swap3A_2079 = arith.constant 12 : i32
      %swap3A_2080 = arith.index_cast %rem3A_778 : i32 to index
      %swap3A_2081 = arith.index_cast %swap3A_2079 : i32 to index
      %swap3A_2082 = arith.constant 96 : index
      %swap3A_2083 = tpu.vector_load %arg9[%swap3A_2080, %swap3A_2081, %swap3A_2082] {strides = array<i32>} : memref<8x16x128xf32, #tpu.memory_space<vmem>>, vector<16xf32>,
      tpu.vector_store %arg9[%swap3A_2080, %swap3A_2081, %swap3A_2082], %mul3A_2078 {strides = array<i32>} : memref<8x16x128xf32, #tpu.memory_space<vmem>>, vector<16xf32>,
      %get3A_2084 = arith.constant 12 : i32
      %get3A_2085 = arith.index_cast %rem3A_778 : i32 to index
      %get3A_2086 = arith.index_cast %get3A_2084 : i32 to index
      %get3A_2087 = arith.constant 112 : index
      %get3A_2088 = tpu.vector_load %arg9[%get3A_2085, %get3A_2086, %get3A_2087] {strides = array<i32>} : memref<8x16x128xf32, #tpu.memory_space<vmem>>, vector<16xf32>,
      %mul3A_2089 = vector.broadcast %squeeze3A_1999 : f32 to vector<16xf32>
      %mul3A_2090 = arith.mulf %get3A_2088, %mul3A_2089 : vector<16xf32>
      %swap3A_2091 = arith.constant 12 : i32
      %swap3A_2092 = arith.index_cast %rem3A_778 : i32 to index
      %swap3A_2093 = arith.index_cast %swap3A_2091 : i32 to index
      %swap3A_2094 = arith.constant 112 : index
      %swap3A_2095 = tpu.vector_load %arg9[%swap3A_2092, %swap3A_2093, %swap3A_2094] {strides = array<i32>} : memref<8x16x128xf32, #tpu.memory_space<vmem>>, vector<16xf32>,
      tpu.vector_store %arg9[%swap3A_2092, %swap3A_2093, %swap3A_2094], %mul3A_2090 {strides = array<i32>} : memref<8x16x128xf32, #tpu.memory_space<vmem>>, vector<16xf32>,
      %slice3A_2096 = vector.extract_strided_slice %select_n3A_820 {offsets = [13], sizes = [1], strides = [1]} : vector<16xf32> to vector<1xf32>
      %squeeze3A_2097 = vector.extract %slice3A_2096[0] : f32 from vector<1xf32>
      %get3A_2098 = arith.constant 13 : i32
      %get3A_2099 = arith.index_cast %rem3A_778 : i32 to index
      %get3A_2100 = arith.index_cast %get3A_2098 : i32 to index
      %get3A_2101 = arith.constant 0 : index
      %get3A_2102 = tpu.vector_load %arg9[%get3A_2099, %get3A_2100, %get3A_2101] {strides = array<i32>} : memref<8x16x128xf32, #tpu.memory_space<vmem>>, vector<16xf32>,
      %mul3A_2103 = vector.broadcast %squeeze3A_2097 : f32 to vector<16xf32>
      %mul3A_2104 = arith.mulf %get3A_2102, %mul3A_2103 : vector<16xf32>
      %swap3A_2105 = arith.constant 13 : i32
      %swap3A_2106 = arith.index_cast %rem3A_778 : i32 to index
      %swap3A_2107 = arith.index_cast %swap3A_2105 : i32 to index
      %swap3A_2108 = arith.constant 0 : index
      %swap3A_2109 = tpu.vector_load %arg9[%swap3A_2106, %swap3A_2107, %swap3A_2108] {strides = array<i32>} : memref<8x16x128xf32, #tpu.memory_space<vmem>>, vector<16xf32>,
      tpu.vector_store %arg9[%swap3A_2106, %swap3A_2107, %swap3A_2108], %mul3A_2104 {strides = array<i32>} : memref<8x16x128xf32, #tpu.memory_space<vmem>>, vector<16xf32>,
      %get3A_2110 = arith.constant 13 : i32
      %get3A_2111 = arith.index_cast %rem3A_778 : i32 to index
      %get3A_2112 = arith.index_cast %get3A_2110 : i32 to index
      %get3A_2113 = arith.constant 16 : index
      %get3A_2114 = tpu.vector_load %arg9[%get3A_2111, %get3A_2112, %get3A_2113] {strides = array<i32>} : memref<8x16x128xf32, #tpu.memory_space<vmem>>, vector<16xf32>,
      %mul3A_2115 = vector.broadcast %squeeze3A_2097 : f32 to vector<16xf32>
      %mul3A_2116 = arith.mulf %get3A_2114, %mul3A_2115 : vector<16xf32>
      %swap3A_2117 = arith.constant 13 : i32
      %swap3A_2118 = arith.index_cast %rem3A_778 : i32 to index
      %swap3A_2119 = arith.index_cast %swap3A_2117 : i32 to index
      %swap3A_2120 = arith.constant 16 : index
      %swap3A_2121 = tpu.vector_load %arg9[%swap3A_2118, %swap3A_2119, %swap3A_2120] {strides = array<i32>} : memref<8x16x128xf32, #tpu.memory_space<vmem>>, vector<16xf32>,
      tpu.vector_store %arg9[%swap3A_2118, %swap3A_2119, %swap3A_2120], %mul3A_2116 {strides = array<i32>} : memref<8x16x128xf32, #tpu.memory_space<vmem>>, vector<16xf32>,
      %get3A_2122 = arith.constant 13 : i32
      %get3A_2123 = arith.index_cast %rem3A_778 : i32 to index
      %get3A_2124 = arith.index_cast %get3A_2122 : i32 to index
      %get3A_2125 = arith.constant 32 : index
      %get3A_2126 = tpu.vector_load %arg9[%get3A_2123, %get3A_2124, %get3A_2125] {strides = array<i32>} : memref<8x16x128xf32, #tpu.memory_space<vmem>>, vector<16xf32>,
      %mul3A_2127 = vector.broadcast %squeeze3A_2097 : f32 to vector<16xf32>
      %mul3A_2128 = arith.mulf %get3A_2126, %mul3A_2127 : vector<16xf32>
      %swap3A_2129 = arith.constant 13 : i32
      %swap3A_2130 = arith.index_cast %rem3A_778 : i32 to index
      %swap3A_2131 = arith.index_cast %swap3A_2129 : i32 to index
      %swap3A_2132 = arith.constant 32 : index
      %swap3A_2133 = tpu.vector_load %arg9[%swap3A_2130, %swap3A_2131, %swap3A_2132] {strides = array<i32>} : memref<8x16x128xf32, #tpu.memory_space<vmem>>, vector<16xf32>,
      tpu.vector_store %arg9[%swap3A_2130, %swap3A_2131, %swap3A_2132], %mul3A_2128 {strides = array<i32>} : memref<8x16x128xf32, #tpu.memory_space<vmem>>, vector<16xf32>,
      %get3A_2134 = arith.constant 13 : i32
      %get3A_2135 = arith.index_cast %rem3A_778 : i32 to index
      %get3A_2136 = arith.index_cast %get3A_2134 : i32 to index
      %get3A_2137 = arith.constant 48 : index
      %get3A_2138 = tpu.vector_load %arg9[%get3A_2135, %get3A_2136, %get3A_2137] {strides = array<i32>} : memref<8x16x128xf32, #tpu.memory_space<vmem>>, vector<16xf32>,
      %mul3A_2139 = vector.broadcast %squeeze3A_2097 : f32 to vector<16xf32>
      %mul3A_2140 = arith.mulf %get3A_2138, %mul3A_2139 : vector<16xf32>
      %swap3A_2141 = arith.constant 13 : i32
      %swap3A_2142 = arith.index_cast %rem3A_778 : i32 to index
      %swap3A_2143 = arith.index_cast %swap3A_2141 : i32 to index
      %swap3A_2144 = arith.constant 48 : index
      %swap3A_2145 = tpu.vector_load %arg9[%swap3A_2142, %swap3A_2143, %swap3A_2144] {strides = array<i32>} : memref<8x16x128xf32, #tpu.memory_space<vmem>>, vector<16xf32>,
      tpu.vector_store %arg9[%swap3A_2142, %swap3A_2143, %swap3A_2144], %mul3A_2140 {strides = array<i32>} : memref<8x16x128xf32, #tpu.memory_space<vmem>>, vector<16xf32>,
      %get3A_2146 = arith.constant 13 : i32
      %get3A_2147 = arith.index_cast %rem3A_778 : i32 to index
      %get3A_2148 = arith.index_cast %get3A_2146 : i32 to index
      %get3A_2149 = arith.constant 64 : index
      %get3A_2150 = tpu.vector_load %arg9[%get3A_2147, %get3A_2148, %get3A_2149] {strides = array<i32>} : memref<8x16x128xf32, #tpu.memory_space<vmem>>, vector<16xf32>,
      %mul3A_2151 = vector.broadcast %squeeze3A_2097 : f32 to vector<16xf32>
      %mul3A_2152 = arith.mulf %get3A_2150, %mul3A_2151 : vector<16xf32>
      %swap3A_2153 = arith.constant 13 : i32
      %swap3A_2154 = arith.index_cast %rem3A_778 : i32 to index
      %swap3A_2155 = arith.index_cast %swap3A_2153 : i32 to index
      %swap3A_2156 = arith.constant 64 : index
      %swap3A_2157 = tpu.vector_load %arg9[%swap3A_2154, %swap3A_2155, %swap3A_2156] {strides = array<i32>} : memref<8x16x128xf32, #tpu.memory_space<vmem>>, vector<16xf32>,
      tpu.vector_store %arg9[%swap3A_2154, %swap3A_2155, %swap3A_2156], %mul3A_2152 {strides = array<i32>} : memref<8x16x128xf32, #tpu.memory_space<vmem>>, vector<16xf32>,
      %get3A_2158 = arith.constant 13 : i32
      %get3A_2159 = arith.index_cast %rem3A_778 : i32 to index
      %get3A_2160 = arith.index_cast %get3A_2158 : i32 to index
      %get3A_2161 = arith.constant 80 : index
      %get3A_2162 = tpu.vector_load %arg9[%get3A_2159, %get3A_2160, %get3A_2161] {strides = array<i32>} : memref<8x16x128xf32, #tpu.memory_space<vmem>>, vector<16xf32>,
      %mul3A_2163 = vector.broadcast %squeeze3A_2097 : f32 to vector<16xf32>
      %mul3A_2164 = arith.mulf %get3A_2162, %mul3A_2163 : vector<16xf32>
      %swap3A_2165 = arith.constant 13 : i32
      %swap3A_2166 = arith.index_cast %rem3A_778 : i32 to index
      %swap3A_2167 = arith.index_cast %swap3A_2165 : i32 to index
      %swap3A_2168 = arith.constant 80 : index
      %swap3A_2169 = tpu.vector_load %arg9[%swap3A_2166, %swap3A_2167, %swap3A_2168] {strides = array<i32>} : memref<8x16x128xf32, #tpu.memory_space<vmem>>, vector<16xf32>,
      tpu.vector_store %arg9[%swap3A_2166, %swap3A_2167, %swap3A_2168], %mul3A_2164 {strides = array<i32>} : memref<8x16x128xf32, #tpu.memory_space<vmem>>, vector<16xf32>,
      %get3A_2170 = arith.constant 13 : i32
      %get3A_2171 = arith.index_cast %rem3A_778 : i32 to index
      %get3A_2172 = arith.index_cast %get3A_2170 : i32 to index
      %get3A_2173 = arith.constant 96 : index
      %get3A_2174 = tpu.vector_load %arg9[%get3A_2171, %get3A_2172, %get3A_2173] {strides = array<i32>} : memref<8x16x128xf32, #tpu.memory_space<vmem>>, vector<16xf32>,
      %mul3A_2175 = vector.broadcast %squeeze3A_2097 : f32 to vector<16xf32>
      %mul3A_2176 = arith.mulf %get3A_2174, %mul3A_2175 : vector<16xf32>
      %swap3A_2177 = arith.constant 13 : i32
      %swap3A_2178 = arith.index_cast %rem3A_778 : i32 to index
      %swap3A_2179 = arith.index_cast %swap3A_2177 : i32 to index
      %swap3A_2180 = arith.constant 96 : index
      %swap3A_2181 = tpu.vector_load %arg9[%swap3A_2178, %swap3A_2179, %swap3A_2180] {strides = array<i32>} : memref<8x16x128xf32, #tpu.memory_space<vmem>>, vector<16xf32>,
      tpu.vector_store %arg9[%swap3A_2178, %swap3A_2179, %swap3A_2180], %mul3A_2176 {strides = array<i32>} : memref<8x16x128xf32, #tpu.memory_space<vmem>>, vector<16xf32>,
      %get3A_2182 = arith.constant 13 : i32
      %get3A_2183 = arith.index_cast %rem3A_778 : i32 to index
      %get3A_2184 = arith.index_cast %get3A_2182 : i32 to index
      %get3A_2185 = arith.constant 112 : index
      %get3A_2186 = tpu.vector_load %arg9[%get3A_2183, %get3A_2184, %get3A_2185] {strides = array<i32>} : memref<8x16x128xf32, #tpu.memory_space<vmem>>, vector<16xf32>,
      %mul3A_2187 = vector.broadcast %squeeze3A_2097 : f32 to vector<16xf32>
      %mul3A_2188 = arith.mulf %get3A_2186, %mul3A_2187 : vector<16xf32>
      %swap3A_2189 = arith.constant 13 : i32
      %swap3A_2190 = arith.index_cast %rem3A_778 : i32 to index
      %swap3A_2191 = arith.index_cast %swap3A_2189 : i32 to index
      %swap3A_2192 = arith.constant 112 : index
      %swap3A_2193 = tpu.vector_load %arg9[%swap3A_2190, %swap3A_2191, %swap3A_2192] {strides = array<i32>} : memref<8x16x128xf32, #tpu.memory_space<vmem>>, vector<16xf32>,
      tpu.vector_store %arg9[%swap3A_2190, %swap3A_2191, %swap3A_2192], %mul3A_2188 {strides = array<i32>} : memref<8x16x128xf32, #tpu.memory_space<vmem>>, vector<16xf32>,
      %slice3A_2194 = vector.extract_strided_slice %select_n3A_820 {offsets = [14], sizes = [1], strides = [1]} : vector<16xf32> to vector<1xf32>
      %squeeze3A_2195 = vector.extract %slice3A_2194[0] : f32 from vector<1xf32>
      %get3A_2196 = arith.constant 14 : i32
      %get3A_2197 = arith.index_cast %rem3A_778 : i32 to index
      %get3A_2198 = arith.index_cast %get3A_2196 : i32 to index
      %get3A_2199 = arith.constant 0 : index
      %get3A_2200 = tpu.vector_load %arg9[%get3A_2197, %get3A_2198, %get3A_2199] {strides = array<i32>} : memref<8x16x128xf32, #tpu.memory_space<vmem>>, vector<16xf32>,
      %mul3A_2201 = vector.broadcast %squeeze3A_2195 : f32 to vector<16xf32>
      %mul3A_2202 = arith.mulf %get3A_2200, %mul3A_2201 : vector<16xf32>
      %swap3A_2203 = arith.constant 14 : i32
      %swap3A_2204 = arith.index_cast %rem3A_778 : i32 to index
      %swap3A_2205 = arith.index_cast %swap3A_2203 : i32 to index
      %swap3A_2206 = arith.constant 0 : index
      %swap3A_2207 = tpu.vector_load %arg9[%swap3A_2204, %swap3A_2205, %swap3A_2206] {strides = array<i32>} : memref<8x16x128xf32, #tpu.memory_space<vmem>>, vector<16xf32>,
      tpu.vector_store %arg9[%swap3A_2204, %swap3A_2205, %swap3A_2206], %mul3A_2202 {strides = array<i32>} : memref<8x16x128xf32, #tpu.memory_space<vmem>>, vector<16xf32>,
      %get3A_2208 = arith.constant 14 : i32
      %get3A_2209 = arith.index_cast %rem3A_778 : i32 to index
      %get3A_2210 = arith.index_cast %get3A_2208 : i32 to index
      %get3A_2211 = arith.constant 16 : index
      %get3A_2212 = tpu.vector_load %arg9[%get3A_2209, %get3A_2210, %get3A_2211] {strides = array<i32>} : memref<8x16x128xf32, #tpu.memory_space<vmem>>, vector<16xf32>,
      %mul3A_2213 = vector.broadcast %squeeze3A_2195 : f32 to vector<16xf32>
      %mul3A_2214 = arith.mulf %get3A_2212, %mul3A_2213 : vector<16xf32>
      %swap3A_2215 = arith.constant 14 : i32
      %swap3A_2216 = arith.index_cast %rem3A_778 : i32 to index
      %swap3A_2217 = arith.index_cast %swap3A_2215 : i32 to index
      %swap3A_2218 = arith.constant 16 : index
      %swap3A_2219 = tpu.vector_load %arg9[%swap3A_2216, %swap3A_2217, %swap3A_2218] {strides = array<i32>} : memref<8x16x128xf32, #tpu.memory_space<vmem>>, vector<16xf32>,
      tpu.vector_store %arg9[%swap3A_2216, %swap3A_2217, %swap3A_2218], %mul3A_2214 {strides = array<i32>} : memref<8x16x128xf32, #tpu.memory_space<vmem>>, vector<16xf32>,
      %get3A_2220 = arith.constant 14 : i32
      %get3A_2221 = arith.index_cast %rem3A_778 : i32 to index
      %get3A_2222 = arith.index_cast %get3A_2220 : i32 to index
      %get3A_2223 = arith.constant 32 : index
      %get3A_2224 = tpu.vector_load %arg9[%get3A_2221, %get3A_2222, %get3A_2223] {strides = array<i32>} : memref<8x16x128xf32, #tpu.memory_space<vmem>>, vector<16xf32>,
      %mul3A_2225 = vector.broadcast %squeeze3A_2195 : f32 to vector<16xf32>
      %mul3A_2226 = arith.mulf %get3A_2224, %mul3A_2225 : vector<16xf32>
      %swap3A_2227 = arith.constant 14 : i32
      %swap3A_2228 = arith.index_cast %rem3A_778 : i32 to index
      %swap3A_2229 = arith.index_cast %swap3A_2227 : i32 to index
      %swap3A_2230 = arith.constant 32 : index
      %swap3A_2231 = tpu.vector_load %arg9[%swap3A_2228, %swap3A_2229, %swap3A_2230] {strides = array<i32>} : memref<8x16x128xf32, #tpu.memory_space<vmem>>, vector<16xf32>,
      tpu.vector_store %arg9[%swap3A_2228, %swap3A_2229, %swap3A_2230], %mul3A_2226 {strides = array<i32>} : memref<8x16x128xf32, #tpu.memory_space<vmem>>, vector<16xf32>,
      %get3A_2232 = arith.constant 14 : i32
      %get3A_2233 = arith.index_cast %rem3A_778 : i32 to index
      %get3A_2234 = arith.index_cast %get3A_2232 : i32 to index
      %get3A_2235 = arith.constant 48 : index
      %get3A_2236 = tpu.vector_load %arg9[%get3A_2233, %get3A_2234, %get3A_2235] {strides = array<i32>} : memref<8x16x128xf32, #tpu.memory_space<vmem>>, vector<16xf32>,
      %mul3A_2237 = vector.broadcast %squeeze3A_2195 : f32 to vector<16xf32>
      %mul3A_2238 = arith.mulf %get3A_2236, %mul3A_2237 : vector<16xf32>
      %swap3A_2239 = arith.constant 14 : i32
      %swap3A_2240 = arith.index_cast %rem3A_778 : i32 to index
      %swap3A_2241 = arith.index_cast %swap3A_2239 : i32 to index
      %swap3A_2242 = arith.constant 48 : index
      %swap3A_2243 = tpu.vector_load %arg9[%swap3A_2240, %swap3A_2241, %swap3A_2242] {strides = array<i32>} : memref<8x16x128xf32, #tpu.memory_space<vmem>>, vector<16xf32>,
      tpu.vector_store %arg9[%swap3A_2240, %swap3A_2241, %swap3A_2242], %mul3A_2238 {strides = array<i32>} : memref<8x16x128xf32, #tpu.memory_space<vmem>>, vector<16xf32>,
      %get3A_2244 = arith.constant 14 : i32
      %get3A_2245 = arith.index_cast %rem3A_778 : i32 to index
      %get3A_2246 = arith.index_cast %get3A_2244 : i32 to index
      %get3A_2247 = arith.constant 64 : index
      %get3A_2248 = tpu.vector_load %arg9[%get3A_2245, %get3A_2246, %get3A_2247] {strides = array<i32>} : memref<8x16x128xf32, #tpu.memory_space<vmem>>, vector<16xf32>,
      %mul3A_2249 = vector.broadcast %squeeze3A_2195 : f32 to vector<16xf32>
      %mul3A_2250 = arith.mulf %get3A_2248, %mul3A_2249 : vector<16xf32>
      %swap3A_2251 = arith.constant 14 : i32
      %swap3A_2252 = arith.index_cast %rem3A_778 : i32 to index
      %swap3A_2253 = arith.index_cast %swap3A_2251 : i32 to index
      %swap3A_2254 = arith.constant 64 : index
      %swap3A_2255 = tpu.vector_load %arg9[%swap3A_2252, %swap3A_2253, %swap3A_2254] {strides = array<i32>} : memref<8x16x128xf32, #tpu.memory_space<vmem>>, vector<16xf32>,
      tpu.vector_store %arg9[%swap3A_2252, %swap3A_2253, %swap3A_2254], %mul3A_2250 {strides = array<i32>} : memref<8x16x128xf32, #tpu.memory_space<vmem>>, vector<16xf32>,
      %get3A_2256 = arith.constant 14 : i32
      %get3A_2257 = arith.index_cast %rem3A_778 : i32 to index
      %get3A_2258 = arith.index_cast %get3A_2256 : i32 to index
      %get3A_2259 = arith.constant 80 : index
      %get3A_2260 = tpu.vector_load %arg9[%get3A_2257, %get3A_2258, %get3A_2259] {strides = array<i32>} : memref<8x16x128xf32, #tpu.memory_space<vmem>>, vector<16xf32>,
      %mul3A_2261 = vector.broadcast %squeeze3A_2195 : f32 to vector<16xf32>
      %mul3A_2262 = arith.mulf %get3A_2260, %mul3A_2261 : vector<16xf32>
      %swap3A_2263 = arith.constant 14 : i32
      %swap3A_2264 = arith.index_cast %rem3A_778 : i32 to index
      %swap3A_2265 = arith.index_cast %swap3A_2263 : i32 to index
      %swap3A_2266 = arith.constant 80 : index
      %swap3A_2267 = tpu.vector_load %arg9[%swap3A_2264, %swap3A_2265, %swap3A_2266] {strides = array<i32>} : memref<8x16x128xf32, #tpu.memory_space<vmem>>, vector<16xf32>,
      tpu.vector_store %arg9[%swap3A_2264, %swap3A_2265, %swap3A_2266], %mul3A_2262 {strides = array<i32>} : memref<8x16x128xf32, #tpu.memory_space<vmem>>, vector<16xf32>,
      %get3A_2268 = arith.constant 14 : i32
      %get3A_2269 = arith.index_cast %rem3A_778 : i32 to index
      %get3A_2270 = arith.index_cast %get3A_2268 : i32 to index
      %get3A_2271 = arith.constant 96 : index
      %get3A_2272 = tpu.vector_load %arg9[%get3A_2269, %get3A_2270, %get3A_2271] {strides = array<i32>} : memref<8x16x128xf32, #tpu.memory_space<vmem>>, vector<16xf32>,
      %mul3A_2273 = vector.broadcast %squeeze3A_2195 : f32 to vector<16xf32>
      %mul3A_2274 = arith.mulf %get3A_2272, %mul3A_2273 : vector<16xf32>
      %swap3A_2275 = arith.constant 14 : i32
      %swap3A_2276 = arith.index_cast %rem3A_778 : i32 to index
      %swap3A_2277 = arith.index_cast %swap3A_2275 : i32 to index
      %swap3A_2278 = arith.constant 96 : index
      %swap3A_2279 = tpu.vector_load %arg9[%swap3A_2276, %swap3A_2277, %swap3A_2278] {strides = array<i32>} : memref<8x16x128xf32, #tpu.memory_space<vmem>>, vector<16xf32>,
      tpu.vector_store %arg9[%swap3A_2276, %swap3A_2277, %swap3A_2278], %mul3A_2274 {strides = array<i32>} : memref<8x16x128xf32, #tpu.memory_space<vmem>>, vector<16xf32>,
      %get3A_2280 = arith.constant 14 : i32
      %get3A_2281 = arith.index_cast %rem3A_778 : i32 to index
      %get3A_2282 = arith.index_cast %get3A_2280 : i32 to index
      %get3A_2283 = arith.constant 112 : index
      %get3A_2284 = tpu.vector_load %arg9[%get3A_2281, %get3A_2282, %get3A_2283] {strides = array<i32>} : memref<8x16x128xf32, #tpu.memory_space<vmem>>, vector<16xf32>,
      %mul3A_2285 = vector.broadcast %squeeze3A_2195 : f32 to vector<16xf32>
      %mul3A_2286 = arith.mulf %get3A_2284, %mul3A_2285 : vector<16xf32>
      %swap3A_2287 = arith.constant 14 : i32
      %swap3A_2288 = arith.index_cast %rem3A_778 : i32 to index
      %swap3A_2289 = arith.index_cast %swap3A_2287 : i32 to index
      %swap3A_2290 = arith.constant 112 : index
      %swap3A_2291 = tpu.vector_load %arg9[%swap3A_2288, %swap3A_2289, %swap3A_2290] {strides = array<i32>} : memref<8x16x128xf32, #tpu.memory_space<vmem>>, vector<16xf32>,
      tpu.vector_store %arg9[%swap3A_2288, %swap3A_2289, %swap3A_2290], %mul3A_2286 {strides = array<i32>} : memref<8x16x128xf32, #tpu.memory_space<vmem>>, vector<16xf32>,
      %slice3A_2292 = vector.extract_strided_slice %select_n3A_820 {offsets = [15], sizes = [1], strides = [1]} : vector<16xf32> to vector<1xf32>
      %squeeze3A_2293 = vector.extract %slice3A_2292[0] : f32 from vector<1xf32>
      %get3A_2294 = arith.constant 15 : i32
      %get3A_2295 = arith.index_cast %rem3A_778 : i32 to index
      %get3A_2296 = arith.index_cast %get3A_2294 : i32 to index
      %get3A_2297 = arith.constant 0 : index
      %get3A_2298 = tpu.vector_load %arg9[%get3A_2295, %get3A_2296, %get3A_2297] {strides = array<i32>} : memref<8x16x128xf32, #tpu.memory_space<vmem>>, vector<16xf32>,
      %mul3A_2299 = vector.broadcast %squeeze3A_2293 : f32 to vector<16xf32>
      %mul3A_2300 = arith.mulf %get3A_2298, %mul3A_2299 : vector<16xf32>
      %swap3A_2301 = arith.constant 15 : i32
      %swap3A_2302 = arith.index_cast %rem3A_778 : i32 to index
      %swap3A_2303 = arith.index_cast %swap3A_2301 : i32 to index
      %swap3A_2304 = arith.constant 0 : index
      %swap3A_2305 = tpu.vector_load %arg9[%swap3A_2302, %swap3A_2303, %swap3A_2304] {strides = array<i32>} : memref<8x16x128xf32, #tpu.memory_space<vmem>>, vector<16xf32>,
      tpu.vector_store %arg9[%swap3A_2302, %swap3A_2303, %swap3A_2304], %mul3A_2300 {strides = array<i32>} : memref<8x16x128xf32, #tpu.memory_space<vmem>>, vector<16xf32>,
      %get3A_2306 = arith.constant 15 : i32
      %get3A_2307 = arith.index_cast %rem3A_778 : i32 to index
      %get3A_2308 = arith.index_cast %get3A_2306 : i32 to index
      %get3A_2309 = arith.constant 16 : index
      %get3A_2310 = tpu.vector_load %arg9[%get3A_2307, %get3A_2308, %get3A_2309] {strides = array<i32>} : memref<8x16x128xf32, #tpu.memory_space<vmem>>, vector<16xf32>,
      %mul3A_2311 = vector.broadcast %squeeze3A_2293 : f32 to vector<16xf32>
      %mul3A_2312 = arith.mulf %get3A_2310, %mul3A_2311 : vector<16xf32>
      %swap3A_2313 = arith.constant 15 : i32
      %swap3A_2314 = arith.index_cast %rem3A_778 : i32 to index
      %swap3A_2315 = arith.index_cast %swap3A_2313 : i32 to index
      %swap3A_2316 = arith.constant 16 : index
      %swap3A_2317 = tpu.vector_load %arg9[%swap3A_2314, %swap3A_2315, %swap3A_2316] {strides = array<i32>} : memref<8x16x128xf32, #tpu.memory_space<vmem>>, vector<16xf32>,
      tpu.vector_store %arg9[%swap3A_2314, %swap3A_2315, %swap3A_2316], %mul3A_2312 {strides = array<i32>} : memref<8x16x128xf32, #tpu.memory_space<vmem>>, vector<16xf32>,
      %get3A_2318 = arith.constant 15 : i32
      %get3A_2319 = arith.index_cast %rem3A_778 : i32 to index
      %get3A_2320 = arith.index_cast %get3A_2318 : i32 to index
      %get3A_2321 = arith.constant 32 : index
      %get3A_2322 = tpu.vector_load %arg9[%get3A_2319, %get3A_2320, %get3A_2321] {strides = array<i32>} : memref<8x16x128xf32, #tpu.memory_space<vmem>>, vector<16xf32>,
      %mul3A_2323 = vector.broadcast %squeeze3A_2293 : f32 to vector<16xf32>
      %mul3A_2324 = arith.mulf %get3A_2322, %mul3A_2323 : vector<16xf32>
      %swap3A_2325 = arith.constant 15 : i32
      %swap3A_2326 = arith.index_cast %rem3A_778 : i32 to index
      %swap3A_2327 = arith.index_cast %swap3A_2325 : i32 to index
      %swap3A_2328 = arith.constant 32 : index
      %swap3A_2329 = tpu.vector_load %arg9[%swap3A_2326, %swap3A_2327, %swap3A_2328] {strides = array<i32>} : memref<8x16x128xf32, #tpu.memory_space<vmem>>, vector<16xf32>,
      tpu.vector_store %arg9[%swap3A_2326, %swap3A_2327, %swap3A_2328], %mul3A_2324 {strides = array<i32>} : memref<8x16x128xf32, #tpu.memory_space<vmem>>, vector<16xf32>,
      %get3A_2330 = arith.constant 15 : i32
      %get3A_2331 = arith.index_cast %rem3A_778 : i32 to index
      %get3A_2332 = arith.index_cast %get3A_2330 : i32 to index
      %get3A_2333 = arith.constant 48 : index
      %get3A_2334 = tpu.vector_load %arg9[%get3A_2331, %get3A_2332, %get3A_2333] {strides = array<i32>} : memref<8x16x128xf32, #tpu.memory_space<vmem>>, vector<16xf32>,
      %mul3A_2335 = vector.broadcast %squeeze3A_2293 : f32 to vector<16xf32>
      %mul3A_2336 = arith.mulf %get3A_2334, %mul3A_2335 : vector<16xf32>
      %swap3A_2337 = arith.constant 15 : i32
      %swap3A_2338 = arith.index_cast %rem3A_778 : i32 to index
      %swap3A_2339 = arith.index_cast %swap3A_2337 : i32 to index
      %swap3A_2340 = arith.constant 48 : index
      %swap3A_2341 = tpu.vector_load %arg9[%swap3A_2338, %swap3A_2339, %swap3A_2340] {strides = array<i32>} : memref<8x16x128xf32, #tpu.memory_space<vmem>>, vector<16xf32>,
      tpu.vector_store %arg9[%swap3A_2338, %swap3A_2339, %swap3A_2340], %mul3A_2336 {strides = array<i32>} : memref<8x16x128xf32, #tpu.memory_space<vmem>>, vector<16xf32>,
      %get3A_2342 = arith.constant 15 : i32
      %get3A_2343 = arith.index_cast %rem3A_778 : i32 to index
      %get3A_2344 = arith.index_cast %get3A_2342 : i32 to index
      %get3A_2345 = arith.constant 64 : index
      %get3A_2346 = tpu.vector_load %arg9[%get3A_2343, %get3A_2344, %get3A_2345] {strides = array<i32>} : memref<8x16x128xf32, #tpu.memory_space<vmem>>, vector<16xf32>,
      %mul3A_2347 = vector.broadcast %squeeze3A_2293 : f32 to vector<16xf32>
      %mul3A_2348 = arith.mulf %get3A_2346, %mul3A_2347 : vector<16xf32>
      %swap3A_2349 = arith.constant 15 : i32
      %swap3A_2350 = arith.index_cast %rem3A_778 : i32 to index
      %swap3A_2351 = arith.index_cast %swap3A_2349 : i32 to index
      %swap3A_2352 = arith.constant 64 : index
      %swap3A_2353 = tpu.vector_load %arg9[%swap3A_2350, %swap3A_2351, %swap3A_2352] {strides = array<i32>} : memref<8x16x128xf32, #tpu.memory_space<vmem>>, vector<16xf32>,
      tpu.vector_store %arg9[%swap3A_2350, %swap3A_2351, %swap3A_2352], %mul3A_2348 {strides = array<i32>} : memref<8x16x128xf32, #tpu.memory_space<vmem>>, vector<16xf32>,
      %get3A_2354 = arith.constant 15 : i32
      %get3A_2355 = arith.index_cast %rem3A_778 : i32 to index
      %get3A_2356 = arith.index_cast %get3A_2354 : i32 to index
      %get3A_2357 = arith.constant 80 : index
      %get3A_2358 = tpu.vector_load %arg9[%get3A_2355, %get3A_2356, %get3A_2357] {strides = array<i32>} : memref<8x16x128xf32, #tpu.memory_space<vmem>>, vector<16xf32>,
      %mul3A_2359 = vector.broadcast %squeeze3A_2293 : f32 to vector<16xf32>
      %mul3A_2360 = arith.mulf %get3A_2358, %mul3A_2359 : vector<16xf32>
      %swap3A_2361 = arith.constant 15 : i32
      %swap3A_2362 = arith.index_cast %rem3A_778 : i32 to index
      %swap3A_2363 = arith.index_cast %swap3A_2361 : i32 to index
      %swap3A_2364 = arith.constant 80 : index
      %swap3A_2365 = tpu.vector_load %arg9[%swap3A_2362, %swap3A_2363, %swap3A_2364] {strides = array<i32>} : memref<8x16x128xf32, #tpu.memory_space<vmem>>, vector<16xf32>,
      tpu.vector_store %arg9[%swap3A_2362, %swap3A_2363, %swap3A_2364], %mul3A_2360 {strides = array<i32>} : memref<8x16x128xf32, #tpu.memory_space<vmem>>, vector<16xf32>,
      %get3A_2366 = arith.constant 15 : i32
      %get3A_2367 = arith.index_cast %rem3A_778 : i32 to index
      %get3A_2368 = arith.index_cast %get3A_2366 : i32 to index
      %get3A_2369 = arith.constant 96 : index
      %get3A_2370 = tpu.vector_load %arg9[%get3A_2367, %get3A_2368, %get3A_2369] {strides = array<i32>} : memref<8x16x128xf32, #tpu.memory_space<vmem>>, vector<16xf32>,
      %mul3A_2371 = vector.broadcast %squeeze3A_2293 : f32 to vector<16xf32>
      %mul3A_2372 = arith.mulf %get3A_2370, %mul3A_2371 : vector<16xf32>
      %swap3A_2373 = arith.constant 15 : i32
      %swap3A_2374 = arith.index_cast %rem3A_778 : i32 to index
      %swap3A_2375 = arith.index_cast %swap3A_2373 : i32 to index
      %swap3A_2376 = arith.constant 96 : index
      %swap3A_2377 = tpu.vector_load %arg9[%swap3A_2374, %swap3A_2375, %swap3A_2376] {strides = array<i32>} : memref<8x16x128xf32, #tpu.memory_space<vmem>>, vector<16xf32>,
      tpu.vector_store %arg9[%swap3A_2374, %swap3A_2375, %swap3A_2376], %mul3A_2372 {strides = array<i32>} : memref<8x16x128xf32, #tpu.memory_space<vmem>>, vector<16xf32>,
      %get3A_2378 = arith.constant 15 : i32
      %get3A_2379 = arith.index_cast %rem3A_778 : i32 to index
      %get3A_2380 = arith.index_cast %get3A_2378 : i32 to index
      %get3A_2381 = arith.constant 112 : index
      %get3A_2382 = tpu.vector_load %arg9[%get3A_2379, %get3A_2380, %get3A_2381] {strides = array<i32>} : memref<8x16x128xf32, #tpu.memory_space<vmem>>, vector<16xf32>,
      %mul3A_2383 = vector.broadcast %squeeze3A_2293 : f32 to vector<16xf32>
      %mul3A_2384 = arith.mulf %get3A_2382, %mul3A_2383 : vector<16xf32>
      %swap3A_2385 = arith.constant 15 : i32
      %swap3A_2386 = arith.index_cast %rem3A_778 : i32 to index
      %swap3A_2387 = arith.index_cast %swap3A_2385 : i32 to index
      %swap3A_2388 = arith.constant 112 : index
      %swap3A_2389 = tpu.vector_load %arg9[%swap3A_2386, %swap3A_2387, %swap3A_2388] {strides = array<i32>} : memref<8x16x128xf32, #tpu.memory_space<vmem>>, vector<16xf32>,
      tpu.vector_store %arg9[%swap3A_2386, %swap3A_2387, %swap3A_2388], %mul3A_2384 {strides = array<i32>} : memref<8x16x128xf32, #tpu.memory_space<vmem>>, vector<16xf32>,
      %dma_start3A_2390 = arith.constant 0 : i32
      %dma_start3A_2391 = arith.constant 0 : i32
      %dma_start3A_2392 = tpu.memref_slice %arg9[%rem3A_778, %dma_start3A_2390, %dma_start3A_2391] : memref<8x16x128xf32, #tpu.memory_space<vmem>> -> memref<1x16x128xf32, #tpu.memory_space<vmem>>
      %dma_start3A_2393 = tpu.memref_squeeze %dma_start3A_2392 : memref<1x16x128xf32, #tpu.memory_space<vmem>> -> memref<16x128xf32, #tpu.memory_space<vmem>>
      %dma_start3A_2394 = arith.constant 0 : i32
      %dma_start3A_2395 = tpu.memref_slice %arg10[%rem3A_778, %dma_start3A_2394] : memref<8x16xi32, #tpu.memory_space<vmem>> -> memref<1x16xi32, #tpu.memory_space<vmem>>
      %dma_start3A_2396 = tpu.memref_squeeze %dma_start3A_2395 : memref<1x16xi32, #tpu.memory_space<vmem>> -> memref<16xi32, #tpu.memory_space<vmem>>
      %dma_start3A_2397 = arith.constant 0 : i32
      %dma_start3A_2398 = arith.constant 0 : i32
      %dma_start3A_2399 = tpu.memref_slice %arg11[%dma_start3A_2397, %dma_start3A_2398] : memref<10112x128xf32, #tpu.memory_space<vmem_shared>> -> memref<10112x128xf32, #tpu.memory_space<vmem_shared>>
      %dma_start3A_2400 = tpu.memref_slice %arg13[%rem3A_778] : memref<8x!tpu.dma_semaphore, #tpu.memory_space<semaphore_mem>> -> memref<1x!tpu.dma_semaphore, #tpu.memory_space<semaphore_mem>>
      %dma_start3A_2401 = tpu.memref_squeeze %dma_start3A_2400 : memref<1x!tpu.dma_semaphore, #tpu.memory_space<semaphore_mem>> -> memref<!tpu.dma_semaphore, #tpu.memory_space<semaphore_mem>>
      tpu.enqueue_indirect_dma source(%dma_start3A_2393 : memref<16x128xf32, #tpu.memory_space<vmem>>) target(%dma_start3A_2399 : memref<10112x128xf32, #tpu.memory_space<vmem_shared>>) offsets(%dma_start3A_2396 : memref<16xi32, #tpu.memory_space<vmem>>) semaphore(%dma_start3A_2401 : memref<!tpu.dma_semaphore, #tpu.memory_space<semaphore_mem>>) {add = true}
      %add3A_2402 = arith.constant 6 : i32
      %add3A_2403 = arith.addi %while3A_776, %add3A_2402 : i32
      %rem3A_2404 = arith.constant 8 : i32
      %rem3A_2405 = arith.remsi %add3A_2403, %rem3A_2404 : i32
      %ge3A = arith.constant 8 : i32
      %ge3A_2406 = arith.cmpi sge, %add3A_2403, %ge3A : i32
      %lt3A = arith.cmpi slt, %add3A_2403, %max3A_556 : i32
      %and3A_2407 = arith.andi %ge3A_2406, %lt3A : i1
      %convert_element_type3A = arith.extui %and3A_2407 : i1 to i32
      %cond3A = arith.constant 0 : i32
      %cond3A_2408 = arith.cmpi ne, %convert_element_type3A, %cond3A : i32
      scf.if %cond3A_2408 {
        %dma_wait3A_2413 = arith.constant 0 : i32
        %dma_wait3A_2414 = arith.constant 0 : i32
        %dma_wait3A_2415 = tpu.memref_slice %arg9[%rem3A_2405, %dma_wait3A_2413, %dma_wait3A_2414] : memref<8x16x128xf32, #tpu.memory_space<vmem>> -> memref<1x16x128xf32, #tpu.memory_space<vmem>>
        %dma_wait3A_2416 = tpu.memref_squeeze %dma_wait3A_2415 : memref<1x16x128xf32, #tpu.memory_space<vmem>> -> memref<16x128xf32, #tpu.memory_space<vmem>>
        %dma_wait3A_2417 = arith.constant 0 : i32
        %dma_wait3A_2418 = tpu.memref_slice %arg10[%rem3A_2405, %dma_wait3A_2417] : memref<8x16xi32, #tpu.memory_space<vmem>> -> memref<1x16xi32, #tpu.memory_space<vmem>>
        %dma_wait3A_2419 = tpu.memref_squeeze %dma_wait3A_2418 : memref<1x16xi32, #tpu.memory_space<vmem>> -> memref<16xi32, #tpu.memory_space<vmem>>
        %dma_wait3A_2420 = arith.constant 0 : i32
        %dma_wait3A_2421 = arith.constant 0 : i32
        %dma_wait3A_2422 = tpu.memref_slice %arg11[%dma_wait3A_2420, %dma_wait3A_2421] : memref<10112x128xf32, #tpu.memory_space<vmem_shared>> -> memref<10112x128xf32, #tpu.memory_space<vmem_shared>>
        %dma_wait3A_2423 = tpu.memref_slice %arg13[%rem3A_2405] : memref<8x!tpu.dma_semaphore, #tpu.memory_space<semaphore_mem>> -> memref<1x!tpu.dma_semaphore, #tpu.memory_space<semaphore_mem>>
        %dma_wait3A_2424 = tpu.memref_squeeze %dma_wait3A_2423 : memref<1x!tpu.dma_semaphore, #tpu.memory_space<semaphore_mem>> -> memref<!tpu.dma_semaphore, #tpu.memory_space<semaphore_mem>>
        tpu.wait_indirect_dma semaphore(%dma_wait3A_2424 : memref<!tpu.dma_semaphore, #tpu.memory_space<semaphore_mem>>) src(%dma_wait3A_2416 : memref<16x128xf32, #tpu.memory_space<vmem>>) dst(%dma_wait3A_2422 : memref<10112x128xf32, #tpu.memory_space<vmem_shared>>)
      } else {
      }
      %lt3A_2409 = arith.cmpi slt, %add3A_2403, %max3A_556 : i32
      %convert_element_type3A_2410 = arith.extui %lt3A_2409 : i1 to i32
      %cond3A_2411 = arith.constant 0 : i32
      %cond3A_2412 = arith.cmpi ne, %convert_element_type3A_2410, %cond3A_2411 : i32
      scf.if %cond3A_2412 {
        %mul3A_2413 = arith.constant 16 : i32
        %mul3A_2414 = arith.muli %add3A_2403, %mul3A_2413 : i32
        %dma_start3A_2415 = arith.constant 0 : i32
        %dma_start3A_2416 = arith.constant 0 : i32
        %dma_start3A_2417 = tpu.memref_slice %arg9[%rem3A_2405, %dma_start3A_2415, %dma_start3A_2416] : memref<8x16x128xf32, #tpu.memory_space<vmem>> -> memref<1x16x128xf32, #tpu.memory_space<vmem>>
        %dma_start3A_2418 = tpu.memref_squeeze %dma_start3A_2417 : memref<1x16x128xf32, #tpu.memory_space<vmem>> -> memref<16x128xf32, #tpu.memory_space<vmem>>
        %dma_start3A_2419 = tpu.memref_slice %arg6[%mul3A_2414] : memref<10128xi32, #tpu.memory_space<vmem>> -> memref<16xi32, #tpu.memory_space<vmem>>
        %dma_start3A_2420 = arith.constant 0 : i32
        %dma_start3A_2421 = arith.constant 0 : i32
        %dma_start3A_2422 = tpu.memref_slice %arg2[%dma_start3A_2420, %dma_start3A_2421] : memref<10000x128xf32, #tpu.memory_space<hbm>> -> memref<10000x128xf32, #tpu.memory_space<hbm>>
        %dma_start3A_2423 = tpu.memref_slice %arg12[%rem3A_2405] : memref<8x!tpu.dma_semaphore, #tpu.memory_space<semaphore_mem>> -> memref<1x!tpu.dma_semaphore, #tpu.memory_space<semaphore_mem>>
        %dma_start3A_2424 = tpu.memref_squeeze %dma_start3A_2423 : memref<1x!tpu.dma_semaphore, #tpu.memory_space<semaphore_mem>> -> memref<!tpu.dma_semaphore, #tpu.memory_space<semaphore_mem>>
        tpu.enqueue_indirect_dma source(%dma_start3A_2422 : memref<10000x128xf32, #tpu.memory_space<hbm>>) target(%dma_start3A_2418 : memref<16x128xf32, #tpu.memory_space<vmem>>) offsets(%dma_start3A_2419 : memref<16xi32, #tpu.memory_space<vmem>>) semaphore(%dma_start3A_2424 : memref<!tpu.dma_semaphore, #tpu.memory_space<semaphore_mem>>)
      } else {
      }
    }
    %dma_wait3A_655 = arith.constant 0 : i32
    %dma_wait3A_656 = arith.constant 0 : i32
    %dma_wait3A_657 = arith.constant 0 : i32
    %dma_wait3A_658 = arith.constant 0 : i32
    %dma_wait3A_659 = arith.constant 0 : i32
    %dma_wait3A_660 = tpu.memref_slice %arg9[%dma_wait3A_655, %dma_wait3A_658, %dma_wait3A_659] : memref<8x16x128xf32, #tpu.memory_space<vmem>> -> memref<1x16x128xf32, #tpu.memory_space<vmem>>
    %dma_wait3A_661 = tpu.memref_squeeze %dma_wait3A_660 : memref<1x16x128xf32, #tpu.memory_space<vmem>> -> memref<16x128xf32, #tpu.memory_space<vmem>>
    %dma_wait3A_662 = arith.constant 0 : i32
    %dma_wait3A_663 = tpu.memref_slice %arg10[%dma_wait3A_656, %dma_wait3A_662] : memref<8x16xi32, #tpu.memory_space<vmem>> -> memref<1x16xi32, #tpu.memory_space<vmem>>
    %dma_wait3A_664 = tpu.memref_squeeze %dma_wait3A_663 : memref<1x16xi32, #tpu.memory_space<vmem>> -> memref<16xi32, #tpu.memory_space<vmem>>
    %dma_wait3A_665 = arith.constant 0 : i32
    %dma_wait3A_666 = arith.constant 0 : i32
    %dma_wait3A_667 = tpu.memref_slice %arg11[%dma_wait3A_665, %dma_wait3A_666] : memref<10112x128xf32, #tpu.memory_space<vmem_shared>> -> memref<10112x128xf32, #tpu.memory_space<vmem_shared>>
    %dma_wait3A_668 = tpu.memref_slice %arg13[%dma_wait3A_657] : memref<8x!tpu.dma_semaphore, #tpu.memory_space<semaphore_mem>> -> memref<1x!tpu.dma_semaphore, #tpu.memory_space<semaphore_mem>>
    %dma_wait3A_669 = tpu.memref_squeeze %dma_wait3A_668 : memref<1x!tpu.dma_semaphore, #tpu.memory_space<semaphore_mem>> -> memref<!tpu.dma_semaphore, #tpu.memory_space<semaphore_mem>>
    tpu.wait_indirect_dma semaphore(%dma_wait3A_669 : memref<!tpu.dma_semaphore, #tpu.memory_space<semaphore_mem>>) src(%dma_wait3A_661 : memref<16x128xf32, #tpu.memory_space<vmem>>) dst(%dma_wait3A_667 : memref<10112x128xf32, #tpu.memory_space<vmem_shared>>)
    %dma_wait3A_670 = arith.constant 1 : i32
    %dma_wait3A_671 = arith.constant 1 : i32
    %dma_wait3A_672 = arith.constant 1 : i32
    %dma_wait3A_673 = arith.constant 0 : i32
    %dma_wait3A_674 = arith.constant 0 : i32
    %dma_wait3A_675 = tpu.memref_slice %arg9[%dma_wait3A_670, %dma_wait3A_673, %dma_wait3A_674] : memref<8x16x128xf32, #tpu.memory_space<vmem>> -> memref<1x16x128xf32, #tpu.memory_space<vmem>>
    %dma_wait3A_676 = tpu.memref_squeeze %dma_wait3A_675 : memref<1x16x128xf32, #tpu.memory_space<vmem>> -> memref<16x128xf32, #tpu.memory_space<vmem>>
    %dma_wait3A_677 = arith.constant 0 : i32
    %dma_wait3A_678 = tpu.memref_slice %arg10[%dma_wait3A_671, %dma_wait3A_677] : memref<8x16xi32, #tpu.memory_space<vmem>> -> memref<1x16xi32, #tpu.memory_space<vmem>>
    %dma_wait3A_679 = tpu.memref_squeeze %dma_wait3A_678 : memref<1x16xi32, #tpu.memory_space<vmem>> -> memref<16xi32, #tpu.memory_space<vmem>>
    %dma_wait3A_680 = arith.constant 0 : i32
    %dma_wait3A_681 = arith.constant 0 : i32
    %dma_wait3A_682 = tpu.memref_slice %arg11[%dma_wait3A_680, %dma_wait3A_681] : memref<10112x128xf32, #tpu.memory_space<vmem_shared>> -> memref<10112x128xf32, #tpu.memory_space<vmem_shared>>
    %dma_wait3A_683 = tpu.memref_slice %arg13[%dma_wait3A_672] : memref<8x!tpu.dma_semaphore, #tpu.memory_space<semaphore_mem>> -> memref<1x!tpu.dma_semaphore, #tpu.memory_space<semaphore_mem>>
    %dma_wait3A_684 = tpu.memref_squeeze %dma_wait3A_683 : memref<1x!tpu.dma_semaphore, #tpu.memory_space<semaphore_mem>> -> memref<!tpu.dma_semaphore, #tpu.memory_space<semaphore_mem>>
    tpu.wait_indirect_dma semaphore(%dma_wait3A_684 : memref<!tpu.dma_semaphore, #tpu.memory_space<semaphore_mem>>) src(%dma_wait3A_676 : memref<16x128xf32, #tpu.memory_space<vmem>>) dst(%dma_wait3A_682 : memref<10112x128xf32, #tpu.memory_space<vmem_shared>>)
    %dma_wait3A_685 = arith.constant 2 : i32
    %dma_wait3A_686 = arith.constant 2 : i32
    %dma_wait3A_687 = arith.constant 2 : i32
    %dma_wait3A_688 = arith.constant 0 : i32
    %dma_wait3A_689 = arith.constant 0 : i32
    %dma_wait3A_690 = tpu.memref_slice %arg9[%dma_wait3A_685, %dma_wait3A_688, %dma_wait3A_689] : memref<8x16x128xf32, #tpu.memory_space<vmem>> -> memref<1x16x128xf32, #tpu.memory_space<vmem>>
    %dma_wait3A_691 = tpu.memref_squeeze %dma_wait3A_690 : memref<1x16x128xf32, #tpu.memory_space<vmem>> -> memref<16x128xf32, #tpu.memory_space<vmem>>
    %dma_wait3A_692 = arith.constant 0 : i32
    %dma_wait3A_693 = tpu.memref_slice %arg10[%dma_wait3A_686, %dma_wait3A_692] : memref<8x16xi32, #tpu.memory_space<vmem>> -> memref<1x16xi32, #tpu.memory_space<vmem>>
    %dma_wait3A_694 = tpu.memref_squeeze %dma_wait3A_693 : memref<1x16xi32, #tpu.memory_space<vmem>> -> memref<16xi32, #tpu.memory_space<vmem>>
    %dma_wait3A_695 = arith.constant 0 : i32
    %dma_wait3A_696 = arith.constant 0 : i32
    %dma_wait3A_697 = tpu.memref_slice %arg11[%dma_wait3A_695, %dma_wait3A_696] : memref<10112x128xf32, #tpu.memory_space<vmem_shared>> -> memref<10112x128xf32, #tpu.memory_space<vmem_shared>>
    %dma_wait3A_698 = tpu.memref_slice %arg13[%dma_wait3A_687] : memref<8x!tpu.dma_semaphore, #tpu.memory_space<semaphore_mem>> -> memref<1x!tpu.dma_semaphore, #tpu.memory_space<semaphore_mem>>
    %dma_wait3A_699 = tpu.memref_squeeze %dma_wait3A_698 : memref<1x!tpu.dma_semaphore, #tpu.memory_space<semaphore_mem>> -> memref<!tpu.dma_semaphore, #tpu.memory_space<semaphore_mem>>
    tpu.wait_indirect_dma semaphore(%dma_wait3A_699 : memref<!tpu.dma_semaphore, #tpu.memory_space<semaphore_mem>>) src(%dma_wait3A_691 : memref<16x128xf32, #tpu.memory_space<vmem>>) dst(%dma_wait3A_697 : memref<10112x128xf32, #tpu.memory_space<vmem_shared>>)
    %dma_wait3A_700 = arith.constant 3 : i32
    %dma_wait3A_701 = arith.constant 3 : i32
    %dma_wait3A_702 = arith.constant 3 : i32
    %dma_wait3A_703 = arith.constant 0 : i32
    %dma_wait3A_704 = arith.constant 0 : i32
    %dma_wait3A_705 = tpu.memref_slice %arg9[%dma_wait3A_700, %dma_wait3A_703, %dma_wait3A_704] : memref<8x16x128xf32, #tpu.memory_space<vmem>> -> memref<1x16x128xf32, #tpu.memory_space<vmem>>
    %dma_wait3A_706 = tpu.memref_squeeze %dma_wait3A_705 : memref<1x16x128xf32, #tpu.memory_space<vmem>> -> memref<16x128xf32, #tpu.memory_space<vmem>>
    %dma_wait3A_707 = arith.constant 0 : i32
    %dma_wait3A_708 = tpu.memref_slice %arg10[%dma_wait3A_701, %dma_wait3A_707] : memref<8x16xi32, #tpu.memory_space<vmem>> -> memref<1x16xi32, #tpu.memory_space<vmem>>
    %dma_wait3A_709 = tpu.memref_squeeze %dma_wait3A_708 : memref<1x16xi32, #tpu.memory_space<vmem>> -> memref<16xi32, #tpu.memory_space<vmem>>
    %dma_wait3A_710 = arith.constant 0 : i32
    %dma_wait3A_711 = arith.constant 0 : i32
    %dma_wait3A_712 = tpu.memref_slice %arg11[%dma_wait3A_710, %dma_wait3A_711] : memref<10112x128xf32, #tpu.memory_space<vmem_shared>> -> memref<10112x128xf32, #tpu.memory_space<vmem_shared>>
    %dma_wait3A_713 = tpu.memref_slice %arg13[%dma_wait3A_702] : memref<8x!tpu.dma_semaphore, #tpu.memory_space<semaphore_mem>> -> memref<1x!tpu.dma_semaphore, #tpu.memory_space<semaphore_mem>>
    %dma_wait3A_714 = tpu.memref_squeeze %dma_wait3A_713 : memref<1x!tpu.dma_semaphore, #tpu.memory_space<semaphore_mem>> -> memref<!tpu.dma_semaphore, #tpu.memory_space<semaphore_mem>>
    tpu.wait_indirect_dma semaphore(%dma_wait3A_714 : memref<!tpu.dma_semaphore, #tpu.memory_space<semaphore_mem>>) src(%dma_wait3A_706 : memref<16x128xf32, #tpu.memory_space<vmem>>) dst(%dma_wait3A_712 : memref<10112x128xf32, #tpu.memory_space<vmem_shared>>)
    %dma_wait3A_715 = arith.constant 4 : i32
    %dma_wait3A_716 = arith.constant 4 : i32
    %dma_wait3A_717 = arith.constant 4 : i32
    %dma_wait3A_718 = arith.constant 0 : i32
    %dma_wait3A_719 = arith.constant 0 : i32
    %dma_wait3A_720 = tpu.memref_slice %arg9[%dma_wait3A_715, %dma_wait3A_718, %dma_wait3A_719] : memref<8x16x128xf32, #tpu.memory_space<vmem>> -> memref<1x16x128xf32, #tpu.memory_space<vmem>>
    %dma_wait3A_721 = tpu.memref_squeeze %dma_wait3A_720 : memref<1x16x128xf32, #tpu.memory_space<vmem>> -> memref<16x128xf32, #tpu.memory_space<vmem>>
    %dma_wait3A_722 = arith.constant 0 : i32
    %dma_wait3A_723 = tpu.memref_slice %arg10[%dma_wait3A_716, %dma_wait3A_722] : memref<8x16xi32, #tpu.memory_space<vmem>> -> memref<1x16xi32, #tpu.memory_space<vmem>>
    %dma_wait3A_724 = tpu.memref_squeeze %dma_wait3A_723 : memref<1x16xi32, #tpu.memory_space<vmem>> -> memref<16xi32, #tpu.memory_space<vmem>>
    %dma_wait3A_725 = arith.constant 0 : i32
    %dma_wait3A_726 = arith.constant 0 : i32
    %dma_wait3A_727 = tpu.memref_slice %arg11[%dma_wait3A_725, %dma_wait3A_726] : memref<10112x128xf32, #tpu.memory_space<vmem_shared>> -> memref<10112x128xf32, #tpu.memory_space<vmem_shared>>
    %dma_wait3A_728 = tpu.memref_slice %arg13[%dma_wait3A_717] : memref<8x!tpu.dma_semaphore, #tpu.memory_space<semaphore_mem>> -> memref<1x!tpu.dma_semaphore, #tpu.memory_space<semaphore_mem>>
    %dma_wait3A_729 = tpu.memref_squeeze %dma_wait3A_728 : memref<1x!tpu.dma_semaphore, #tpu.memory_space<semaphore_mem>> -> memref<!tpu.dma_semaphore, #tpu.memory_space<semaphore_mem>>
    tpu.wait_indirect_dma semaphore(%dma_wait3A_729 : memref<!tpu.dma_semaphore, #tpu.memory_space<semaphore_mem>>) src(%dma_wait3A_721 : memref<16x128xf32, #tpu.memory_space<vmem>>) dst(%dma_wait3A_727 : memref<10112x128xf32, #tpu.memory_space<vmem_shared>>)
    %dma_wait3A_730 = arith.constant 5 : i32
    %dma_wait3A_731 = arith.constant 5 : i32
    %dma_wait3A_732 = arith.constant 5 : i32
    %dma_wait3A_733 = arith.constant 0 : i32
    %dma_wait3A_734 = arith.constant 0 : i32
    %dma_wait3A_735 = tpu.memref_slice %arg9[%dma_wait3A_730, %dma_wait3A_733, %dma_wait3A_734] : memref<8x16x128xf32, #tpu.memory_space<vmem>> -> memref<1x16x128xf32, #tpu.memory_space<vmem>>
    %dma_wait3A_736 = tpu.memref_squeeze %dma_wait3A_735 : memref<1x16x128xf32, #tpu.memory_space<vmem>> -> memref<16x128xf32, #tpu.memory_space<vmem>>
    %dma_wait3A_737 = arith.constant 0 : i32
    %dma_wait3A_738 = tpu.memref_slice %arg10[%dma_wait3A_731, %dma_wait3A_737] : memref<8x16xi32, #tpu.memory_space<vmem>> -> memref<1x16xi32, #tpu.memory_space<vmem>>
    %dma_wait3A_739 = tpu.memref_squeeze %dma_wait3A_738 : memref<1x16xi32, #tpu.memory_space<vmem>> -> memref<16xi32, #tpu.memory_space<vmem>>
    %dma_wait3A_740 = arith.constant 0 : i32
    %dma_wait3A_741 = arith.constant 0 : i32
    %dma_wait3A_742 = tpu.memref_slice %arg11[%dma_wait3A_740, %dma_wait3A_741] : memref<10112x128xf32, #tpu.memory_space<vmem_shared>> -> memref<10112x128xf32, #tpu.memory_space<vmem_shared>>
    %dma_wait3A_743 = tpu.memref_slice %arg13[%dma_wait3A_732] : memref<8x!tpu.dma_semaphore, #tpu.memory_space<semaphore_mem>> -> memref<1x!tpu.dma_semaphore, #tpu.memory_space<semaphore_mem>>
    %dma_wait3A_744 = tpu.memref_squeeze %dma_wait3A_743 : memref<1x!tpu.dma_semaphore, #tpu.memory_space<semaphore_mem>> -> memref<!tpu.dma_semaphore, #tpu.memory_space<semaphore_mem>>
    tpu.wait_indirect_dma semaphore(%dma_wait3A_744 : memref<!tpu.dma_semaphore, #tpu.memory_space<semaphore_mem>>) src(%dma_wait3A_736 : memref<16x128xf32, #tpu.memory_space<vmem>>) dst(%dma_wait3A_742 : memref<10112x128xf32, #tpu.memory_space<vmem_shared>>)
    %dma_wait3A_745 = arith.constant 6 : i32
    %dma_wait3A_746 = arith.constant 6 : i32
    %dma_wait3A_747 = arith.constant 6 : i32
    %dma_wait3A_748 = arith.constant 0 : i32
    %dma_wait3A_749 = arith.constant 0 : i32
    %dma_wait3A_750 = tpu.memref_slice %arg9[%dma_wait3A_745, %dma_wait3A_748, %dma_wait3A_749] : memref<8x16x128xf32, #tpu.memory_space<vmem>> -> memref<1x16x128xf32, #tpu.memory_space<vmem>>
    %dma_wait3A_751 = tpu.memref_squeeze %dma_wait3A_750 : memref<1x16x128xf32, #tpu.memory_space<vmem>> -> memref<16x128xf32, #tpu.memory_space<vmem>>
    %dma_wait3A_752 = arith.constant 0 : i32
    %dma_wait3A_753 = tpu.memref_slice %arg10[%dma_wait3A_746, %dma_wait3A_752] : memref<8x16xi32, #tpu.memory_space<vmem>> -> memref<1x16xi32, #tpu.memory_space<vmem>>
    %dma_wait3A_754 = tpu.memref_squeeze %dma_wait3A_753 : memref<1x16xi32, #tpu.memory_space<vmem>> -> memref<16xi32, #tpu.memory_space<vmem>>
    %dma_wait3A_755 = arith.constant 0 : i32
    %dma_wait3A_756 = arith.constant 0 : i32
    %dma_wait3A_757 = tpu.memref_slice %arg11[%dma_wait3A_755, %dma_wait3A_756] : memref<10112x128xf32, #tpu.memory_space<vmem_shared>> -> memref<10112x128xf32, #tpu.memory_space<vmem_shared>>
    %dma_wait3A_758 = tpu.memref_slice %arg13[%dma_wait3A_747] : memref<8x!tpu.dma_semaphore, #tpu.memory_space<semaphore_mem>> -> memref<1x!tpu.dma_semaphore, #tpu.memory_space<semaphore_mem>>
    %dma_wait3A_759 = tpu.memref_squeeze %dma_wait3A_758 : memref<1x!tpu.dma_semaphore, #tpu.memory_space<semaphore_mem>> -> memref<!tpu.dma_semaphore, #tpu.memory_space<semaphore_mem>>
    tpu.wait_indirect_dma semaphore(%dma_wait3A_759 : memref<!tpu.dma_semaphore, #tpu.memory_space<semaphore_mem>>) src(%dma_wait3A_751 : memref<16x128xf32, #tpu.memory_space<vmem>>) dst(%dma_wait3A_757 : memref<10112x128xf32, #tpu.memory_space<vmem_shared>>)
    %dma_wait3A_760 = arith.constant 7 : i32
    %dma_wait3A_761 = arith.constant 7 : i32
    %dma_wait3A_762 = arith.constant 7 : i32
    %dma_wait3A_763 = arith.constant 0 : i32
    %dma_wait3A_764 = arith.constant 0 : i32
    %dma_wait3A_765 = tpu.memref_slice %arg9[%dma_wait3A_760, %dma_wait3A_763, %dma_wait3A_764] : memref<8x16x128xf32, #tpu.memory_space<vmem>> -> memref<1x16x128xf32, #tpu.memory_space<vmem>>
    %dma_wait3A_766 = tpu.memref_squeeze %dma_wait3A_765 : memref<1x16x128xf32, #tpu.memory_space<vmem>> -> memref<16x128xf32, #tpu.memory_space<vmem>>
    %dma_wait3A_767 = arith.constant 0 : i32
    %dma_wait3A_768 = tpu.memref_slice %arg10[%dma_wait3A_761, %dma_wait3A_767] : memref<8x16xi32, #tpu.memory_space<vmem>> -> memref<1x16xi32, #tpu.memory_space<vmem>>
    %dma_wait3A_769 = tpu.memref_squeeze %dma_wait3A_768 : memref<1x16xi32, #tpu.memory_space<vmem>> -> memref<16xi32, #tpu.memory_space<vmem>>
    %dma_wait3A_770 = arith.constant 0 : i32
    %dma_wait3A_771 = arith.constant 0 : i32
    %dma_wait3A_772 = tpu.memref_slice %arg11[%dma_wait3A_770, %dma_wait3A_771] : memref<10112x128xf32, #tpu.memory_space<vmem_shared>> -> memref<10112x128xf32, #tpu.memory_space<vmem_shared>>
    %dma_wait3A_773 = tpu.memref_slice %arg13[%dma_wait3A_762] : memref<8x!tpu.dma_semaphore, #tpu.memory_space<semaphore_mem>> -> memref<1x!tpu.dma_semaphore, #tpu.memory_space<semaphore_mem>>
    %dma_wait3A_774 = tpu.memref_squeeze %dma_wait3A_773 : memref<1x!tpu.dma_semaphore, #tpu.memory_space<semaphore_mem>> -> memref<!tpu.dma_semaphore, #tpu.memory_space<semaphore_mem>>
    tpu.wait_indirect_dma semaphore(%dma_wait3A_774 : memref<!tpu.dma_semaphore, #tpu.memory_space<semaphore_mem>>) src(%dma_wait3A_766 : memref<16x128xf32, #tpu.memory_space<vmem>>) dst(%dma_wait3A_772 : memref<10112x128xf32, #tpu.memory_space<vmem_shared>>)
    %barrier3A_775 = arith.constant 0 : index
    tpu.barrier barrier_id(%barrier3A_775)
    "tpu.region"() ({
      %run_scoped3A = tpu.sem_alloc : memref<!tpu.dma_semaphore, #tpu.memory_space<semaphore_mem>>
      %dma_start3A_776 = arith.constant 0 : i32
      %dma_start3A_777 = tpu.memref_slice %arg5[%arg0, %mul3A_410, %dma_start3A_776] : memref<2x10112x128xf32, #tpu.memory_space<hbm>> -> memref<1x632x128xf32, #tpu.memory_space<hbm>>
      %dma_start3A_778 = tpu.memref_squeeze %dma_start3A_777 : memref<1x632x128xf32, #tpu.memory_space<hbm>> -> memref<632x128xf32, #tpu.memory_space<hbm>>
      %dma_start3A_779 = arith.constant 0 : i32
      %dma_start3A_780 = tpu.memref_slice %arg11[%mul3A_410, %dma_start3A_779] : memref<10112x128xf32, #tpu.memory_space<vmem_shared>> -> memref<632x128xf32, #tpu.memory_space<vmem_shared>>
      tpu.enqueue_dma source(%dma_start3A_780 : memref<632x128xf32, #tpu.memory_space<vmem_shared>>) target(%dma_start3A_778 : memref<632x128xf32, #tpu.memory_space<hbm>>) target_semaphore(%run_scoped3A : memref<!tpu.dma_semaphore, #tpu.memory_space<semaphore_mem>>)
      %dma_wait3A_781 = arith.constant 0 : i32
      %dma_wait3A_782 = tpu.memref_slice %arg5[%arg0, %mul3A_410, %dma_wait3A_781] : memref<2x10112x128xf32, #tpu.memory_space<hbm>> -> memref<1x632x128xf32, #tpu.memory_space<hbm>>
      %dma_wait3A_783 = tpu.memref_squeeze %dma_wait3A_782 : memref<1x632x128xf32, #tpu.memory_space<hbm>> -> memref<632x128xf32, #tpu.memory_space<hbm>>
      %dma_wait3A_784 = arith.constant 0 : i32
      %dma_wait3A_785 = tpu.memref_slice %arg11[%mul3A_410, %dma_wait3A_784] : memref<10112x128xf32, #tpu.memory_space<vmem_shared>> -> memref<632x128xf32, #tpu.memory_space<vmem_shared>>
      tpu.wait_dma2 semaphore(%run_scoped3A : memref<!tpu.dma_semaphore, #tpu.memory_space<semaphore_mem>>) src(%dma_wait3A_785 : memref<632x128xf32, #tpu.memory_space<vmem_shared>>) dst(%dma_wait3A_783 : memref<632x128xf32, #tpu.memory_space<hbm>>)
      tpu.yield
    }) : () -> ()
    return
  }
}

module attributes {stable_mosaic.version = 14 : i64} {
  func.func @_stage_a_body(%arg0: i32, %arg1: memref<2000x128xf32, #tpu.memory_space<vmem>>, %arg2: memref<128x128xf32, #tpu.memory_space<vmem>>, %arg3: memref<128x2xf32, #tpu.memory_space<vmem>>, %arg4: memref<128x2xf32, #tpu.memory_space<vmem>>, %arg5: memref<1x2xf32, #tpu.memory_space<vmem>>, %arg6: memref<2000x128xf32, #tpu.memory_space<vmem>>, %arg7: memref<2000x1xf32, #tpu.memory_space<vmem>>) attributes {dimension_semantics = [#tpu.dimension_semantics<arbitrary>], iteration_bounds = array<i64: 5>, scalar_prefetch = 0 : i64, scratch_operands = 0 : i64, tpu.core_type = #tpu.core_type<tc>, window_params = [{transform_indices = @transform_0, window_bounds = array<i64: 2000, 128>}, {pipeline_mode = #tpu.pipeline_mode<synchronous>, transform_indices = @transform_1, window_bounds = array<i64: 128, 128>}, {pipeline_mode = #tpu.pipeline_mode<synchronous>, transform_indices = @transform_2, window_bounds = array<i64: 128, 2>}, {pipeline_mode = #tpu.pipeline_mode<synchronous>, transform_indices = @transform_3, window_bounds = array<i64: 128, 2>}, {pipeline_mode = #tpu.pipeline_mode<synchronous>, transform_indices = @transform_4, window_bounds = array<i64: 1, 2>}, {transform_indices = @transform_5, window_bounds = array<i64: 2000, 128>}, {transform_indices = @transform_6, window_bounds = array<i64: 2000, 1>}]} {
    %get3A = arith.constant 0 : index
    %get3A_0 = arith.constant 0 : index
    %get3A_1 = vector.load %arg1[%get3A, %get3A_0] : memref<2000x128xf32, #tpu.memory_space<vmem>>, vector<2000x128xf32>
    %get3A_2 = arith.constant 0 : index
    %get3A_3 = arith.constant 0 : index
    %get3A_4 = vector.load %arg2[%get3A_2, %get3A_3] : memref<128x128xf32, #tpu.memory_space<vmem>>, vector<128x128xf32>
    %dot_general3A = arith.constant dense<0.000000e+00> : vector<2000x128xf32>
    %dot_general3A_5 = tpu.matmul %get3A_1, %get3A_4, %dot_general3A {dimension_numbers = #tpu.dot_dimension_numbers<[1], [0], [0], [1], [0, 0, 1, 1], [], []>, transpose_lhs_hint = false} : vector<2000x128xf32>, vector<128x128xf32>, vector<2000x128xf32> -> vector<2000x128xf32>
    %swap3A = arith.constant 0 : index
    %swap3A_6 = arith.constant 0 : index
    %swap3A_7 = vector.load %arg6[%swap3A, %swap3A_6] : memref<2000x128xf32, #tpu.memory_space<vmem>>, vector<2000x128xf32>
    tpu.vector_store %arg6[%swap3A, %swap3A_6], %dot_general3A_5 {strides = array<i32>} : memref<2000x128xf32, #tpu.memory_space<vmem>>, vector<2000x128xf32>,
    %get3A_8 = arith.constant 0 : index
    %get3A_9 = arith.constant 0 : index
    %get3A_10 = vector.load %arg3[%get3A_8, %get3A_9] : memref<128x2xf32, #tpu.memory_space<vmem>>, vector<128x2xf32>
    %dot_general3A_11 = arith.constant dense<0.000000e+00> : vector<2000x2xf32>
    %dot_general3A_12 = tpu.matmul %get3A_1, %get3A_10, %dot_general3A_11 {dimension_numbers = #tpu.dot_dimension_numbers<[1], [0], [0], [1], [0, 0, 1, 1], [], []>, transpose_lhs_hint = false} : vector<2000x128xf32>, vector<128x2xf32>, vector<2000x2xf32> -> vector<2000x2xf32>
    %get3A_13 = arith.constant 0 : index
    %get3A_14 = arith.constant 0 : index
    %get3A_15 = vector.load %arg5[%get3A_13, %get3A_14] : memref<1x2xf32, #tpu.memory_space<vmem>>, vector<1x2xf32>
    %add3A = vector.broadcast %get3A_15 : vector<1x2xf32> to vector<2000x2xf32>
    %add3A_16 = arith.addf %dot_general3A_12, %add3A : vector<2000x2xf32>
    %get3A_17 = arith.constant 0 : index
    %get3A_18 = arith.constant 0 : index
    %get3A_19 = vector.load %arg4[%get3A_17, %get3A_18] : memref<128x2xf32, #tpu.memory_space<vmem>>, vector<128x2xf32>
    %dot_general3A_20 = arith.constant dense<0.000000e+00> : vector<2000x2xf32>
    %dot_general3A_21 = tpu.matmul %get3A_1, %get3A_19, %dot_general3A_20 {dimension_numbers = #tpu.dot_dimension_numbers<[1], [0], [0], [1], [0, 0, 1, 1], [], []>, transpose_lhs_hint = false} : vector<2000x128xf32>, vector<128x2xf32>, vector<2000x2xf32> -> vector<2000x2xf32>
    %slice3A = vector.extract_strided_slice %add3A_16 {offsets = [0, 1], sizes = [2000, 1], strides = [1, 1]} : vector<2000x2xf32> to vector<2000x1xf32>
    %slice3A_22 = vector.extract_strided_slice %add3A_16 {offsets = [0, 0], sizes = [2000, 1], strides = [1, 1]} : vector<2000x2xf32> to vector<2000x1xf32>
    %sub3A = arith.subf %slice3A, %slice3A_22 : vector<2000x1xf32>
    %slice3A_23 = vector.extract_strided_slice %dot_general3A_21 {offsets = [0, 1], sizes = [2000, 1], strides = [1, 1]} : vector<2000x2xf32> to vector<2000x1xf32>
    %slice3A_24 = vector.extract_strided_slice %dot_general3A_21 {offsets = [0, 0], sizes = [2000, 1], strides = [1, 1]} : vector<2000x2xf32> to vector<2000x1xf32>
    %sub3A_25 = arith.subf %slice3A_23, %slice3A_24 : vector<2000x1xf32>
    %bitcast_convert_type3A = tpu.bitcast %sub3A : vector<2000x1xf32> -> vector<2000x1xi32>
    %add3A_26 = arith.constant 32768 : i32
    %add3A_27 = vector.broadcast %add3A_26 : i32 to vector<2000x1xi32>
    %add3A_28 = arith.addi %bitcast_convert_type3A, %add3A_27 : vector<2000x1xi32>
    %bitcast_convert_type3A_29 = tpu.bitcast %sub3A_25 : vector<2000x1xf32> -> vector<2000x1xi32>
    %add3A_30 = arith.constant 32768 : i32
    %add3A_31 = vector.broadcast %add3A_30 : i32 to vector<2000x1xi32>
    %add3A_32 = arith.addi %bitcast_convert_type3A_29, %add3A_31 : vector<2000x1xi32>
    %and3A = arith.constant -65536 : i32
    %and3A_33 = vector.broadcast %and3A : i32 to vector<2000x1xi32>
    %and3A_34 = arith.andi %add3A_32, %and3A_33 : vector<2000x1xi32>
    %shift_right_logical3A = arith.constant 16 : i32
    %shift_right_logical3A_35 = vector.broadcast %shift_right_logical3A : i32 to vector<2000x1xi32>
    %shift_right_logical3A_36 = arith.shrui %add3A_28, %shift_right_logical3A_35 : vector<2000x1xi32>
    %or3A = arith.ori %and3A_34, %shift_right_logical3A_36 : vector<2000x1xi32>
    %bitcast_convert_type3A_37 = tpu.bitcast %or3A : vector<2000x1xi32> -> vector<2000x1xf32>
    %swap3A_38 = arith.constant 0 : index
    %swap3A_39 = arith.constant 0 : index
    %swap3A_40 = vector.load %arg7[%swap3A_38, %swap3A_39] : memref<2000x1xf32, #tpu.memory_space<vmem>>, vector<2000x1xf32>
    tpu.vector_store %arg7[%swap3A_38, %swap3A_39], %bitcast_convert_type3A_37 {strides = array<i32>} : memref<2000x1xf32, #tpu.memory_space<vmem>>, vector<2000x1xf32>,
    return
  }
  func.func @transform_0(%arg0: i32) -> (i32, i32) {
    %c0_i32 = arith.constant 0 : i32
    %c0_i32_0 = arith.constant 0 : i32
    return %arg0, %c0_i32 : i32, i32
  }
  func.func @transform_1(%arg0: i32) -> (i32, i32) {
    %c0_i32 = arith.constant 0 : i32
    %c0_i32_0 = arith.constant 0 : i32
    %c0_i32_1 = arith.constant 0 : i32
    return %c0_i32, %c0_i32_0 : i32, i32
  }
  func.func @transform_2(%arg0: i32) -> (i32, i32) {
    %c0_i32 = arith.constant 0 : i32
    %c0_i32_0 = arith.constant 0 : i32
    %c0_i32_1 = arith.constant 0 : i32
    return %c0_i32, %c0_i32_0 : i32, i32
  }
  func.func @transform_3(%arg0: i32) -> (i32, i32) {
    %c0_i32 = arith.constant 0 : i32
    %c0_i32_0 = arith.constant 0 : i32
    %c0_i32_1 = arith.constant 0 : i32
    return %c0_i32, %c0_i32_0 : i32, i32
  }
  func.func @transform_4(%arg0: i32) -> (i32, i32) {
    %c0_i32 = arith.constant 0 : i32
    %c0_i32_0 = arith.constant 0 : i32
    %c0_i32_1 = arith.constant 0 : i32
    return %c0_i32, %c0_i32_0 : i32, i32
  }
  func.func @transform_5(%arg0: i32) -> (i32, i32) {
    %c0_i32 = arith.constant 0 : i32
    %c0_i32_0 = arith.constant 0 : i32
    return %arg0, %c0_i32 : i32, i32
  }
  func.func @transform_6(%arg0: i32) -> (i32, i32) {
    %c0_i32 = arith.constant 0 : i32
    %c0_i32_0 = arith.constant 0 : i32
    return %arg0, %c0_i32 : i32, i32
  }
}

module attributes {stable_mosaic.version = 14 : i64} {
  func.func @_stage_b_body(%arg0: i32, %arg1: memref<2000x128xf32, #tpu.memory_space<vmem>>, %arg2: memref<128x128xf32, #tpu.memory_space<vmem>>, %arg3: memref<2x2000x128xf32, #tpu.memory_space<vmem>>, %arg4: memref<128x64xf32, #tpu.memory_space<vmem>>, %arg5: memref<1x64xf32, #tpu.memory_space<vmem>>, %arg6: memref<2000x64xf32, #tpu.memory_space<vmem>>) attributes {dimension_semantics = [#tpu.dimension_semantics<arbitrary>], iteration_bounds = array<i64: 5>, scalar_prefetch = 0 : i64, scratch_operands = 0 : i64, tpu.core_type = #tpu.core_type<tc>, window_params = [{transform_indices = @transform_0, window_bounds = array<i64: 2000, 128>}, {pipeline_mode = #tpu.pipeline_mode<synchronous>, transform_indices = @transform_1, window_bounds = array<i64: 128, 128>}, {transform_indices = @transform_2, window_bounds = array<i64: 2, 2000, 128>}, {pipeline_mode = #tpu.pipeline_mode<synchronous>, transform_indices = @transform_3, window_bounds = array<i64: 128, 64>}, {pipeline_mode = #tpu.pipeline_mode<synchronous>, transform_indices = @transform_4, window_bounds = array<i64: 1, 64>}, {transform_indices = @transform_5, window_bounds = array<i64: 2000, 64>}]} {
    %get3A = arith.constant 0 : index
    %get3A_0 = arith.constant 0 : index
    %get3A_1 = vector.load %arg1[%get3A, %get3A_0] : memref<2000x128xf32, #tpu.memory_space<vmem>>, vector<2000x128xf32>
    %get3A_2 = arith.constant 0 : index
    %get3A_3 = arith.constant 0 : index
    %get3A_4 = vector.load %arg2[%get3A_2, %get3A_3] : memref<128x128xf32, #tpu.memory_space<vmem>>, vector<128x128xf32>
    %dot_general3A = arith.constant dense<0.000000e+00> : vector<2000x128xf32>
    %dot_general3A_5 = tpu.matmul %get3A_1, %get3A_4, %dot_general3A {dimension_numbers = #tpu.dot_dimension_numbers<[1], [0], [0], [1], [0, 0, 1, 1], [], []>, transpose_lhs_hint = false} : vector<2000x128xf32>, vector<128x128xf32>, vector<2000x128xf32> -> vector<2000x128xf32>
    %get3A_6 = arith.constant 0 : index
    %get3A_7 = arith.constant 0 : index
    %get3A_8 = arith.constant 0 : index
    %get3A_9 = vector.load %arg3[%get3A_6, %get3A_7, %get3A_8] : memref<2x2000x128xf32, #tpu.memory_space<vmem>>, vector<1x2000x128xf32>
    %get3A_10 = vector.shape_cast %get3A_9 : vector<1x2000x128xf32> to vector<2000x128xf32>
    %add3A = arith.addf %dot_general3A_5, %get3A_10 : vector<2000x128xf32>
    %get3A_11 = arith.constant 1 : index
    %get3A_12 = arith.constant 0 : index
    %get3A_13 = arith.constant 0 : index
    %get3A_14 = vector.load %arg3[%get3A_11, %get3A_12, %get3A_13] : memref<2x2000x128xf32, #tpu.memory_space<vmem>>, vector<1x2000x128xf32>
    %get3A_15 = vector.shape_cast %get3A_14 : vector<1x2000x128xf32> to vector<2000x128xf32>
    %add3A_16 = arith.addf %add3A, %get3A_15 : vector<2000x128xf32>
    %max3A = arith.constant 0.000000e+00 : f32
    %max3A_17 = vector.broadcast %max3A : f32 to vector<2000x128xf32>
    %max3A_18 = arith.maximumf %add3A_16, %max3A_17 : vector<2000x128xf32>
    %get3A_19 = arith.constant 0 : index
    %get3A_20 = arith.constant 0 : index
    %get3A_21 = vector.load %arg4[%get3A_19, %get3A_20] : memref<128x64xf32, #tpu.memory_space<vmem>>, vector<128x64xf32>
    %dot_general3A_22 = arith.constant dense<0.000000e+00> : vector<2000x64xf32>
    %dot_general3A_23 = tpu.matmul %max3A_18, %get3A_21, %dot_general3A_22 {dimension_numbers = #tpu.dot_dimension_numbers<[1], [0], [0], [1], [0, 0, 1, 1], [], []>, transpose_lhs_hint = false} : vector<2000x128xf32>, vector<128x64xf32>, vector<2000x64xf32> -> vector<2000x64xf32>
    %get3A_24 = arith.constant 0 : index
    %get3A_25 = arith.constant 0 : index
    %get3A_26 = vector.load %arg5[%get3A_24, %get3A_25] : memref<1x64xf32, #tpu.memory_space<vmem>>, vector<1x64xf32>
    %add3A_27 = vector.broadcast %get3A_26 : vector<1x64xf32> to vector<2000x64xf32>
    %add3A_28 = arith.addf %dot_general3A_23, %add3A_27 : vector<2000x64xf32>
    %swap3A = arith.constant 0 : index
    %swap3A_29 = arith.constant 0 : index
    %swap3A_30 = vector.load %arg6[%swap3A, %swap3A_29] : memref<2000x64xf32, #tpu.memory_space<vmem>>, vector<2000x64xf32>
    tpu.vector_store %arg6[%swap3A, %swap3A_29], %add3A_28 {strides = array<i32>} : memref<2000x64xf32, #tpu.memory_space<vmem>>, vector<2000x64xf32>,
    return
  }
  func.func @transform_0(%arg0: i32) -> (i32, i32) {
    %c0_i32 = arith.constant 0 : i32
    %c0_i32_0 = arith.constant 0 : i32
    return %arg0, %c0_i32 : i32, i32
  }
  func.func @transform_1(%arg0: i32) -> (i32, i32) {
    %c0_i32 = arith.constant 0 : i32
    %c0_i32_0 = arith.constant 0 : i32
    %c0_i32_1 = arith.constant 0 : i32
    return %c0_i32, %c0_i32_0 : i32, i32
  }
  func.func @transform_2(%arg0: i32) -> (i32, i32, i32) {
    %c0_i32 = arith.constant 0 : i32
    %c0_i32_0 = arith.constant 0 : i32
    %c0_i32_1 = arith.constant 0 : i32
    return %c0_i32, %arg0, %c0_i32_0 : i32, i32, i32
  }
  func.func @transform_3(%arg0: i32) -> (i32, i32) {
    %c0_i32 = arith.constant 0 : i32
    %c0_i32_0 = arith.constant 0 : i32
    %c0_i32_1 = arith.constant 0 : i32
    return %c0_i32, %c0_i32_0 : i32, i32
  }
  func.func @transform_4(%arg0: i32) -> (i32, i32) {
    %c0_i32 = arith.constant 0 : i32
    %c0_i32_0 = arith.constant 0 : i32
    %c0_i32_1 = arith.constant 0 : i32
    return %c0_i32, %c0_i32_0 : i32, i32
  }
  func.func @transform_5(%arg0: i32) -> (i32, i32) {
    %c0_i32 = arith.constant 0 : i32
    %c0_i32_0 = arith.constant 0 : i32
    return %arg0, %c0_i32 : i32, i32
  }
}

</mosaic_0001>

<sc_bundles>
// kernel: kernel.5.cloned.1.call-start
scs
__scs_entry_jumppad:
0x0: {  	(pc) =	sbr.rel $0x88, $3  }
0x1: {  	(tag) =	ssettag $0x0;
	lr =	simm.s32 $0x1  }
0x2: {  	[smem:$0x3F98] =	sst lr;
	_ =	strace $0xD0000000  }
0x3: {  	_ = 	snop  }
0x4: {  	_ = 	snop  }
0x5: {  	_ = 	snop  }
0x6: {  	_ = 	snop  }
0x7: {  	_ = 	snop  }
__scs_overlays_trampoline_lowered:
0x8: {  	[smem:$0x3FA7] =	sst s0  }
0x9: {  	[smem:$0x3FA8] =	sst s1  }
0xa: {  	[smem:$0x3FA9] =	sst s2  }
0xb: {  	[smem:$0x3FAA] =	sst s3  }
0xc: {  	[smem:$0x3FAB] =	sst s4  }
0xd: {  	[smem:$0x3FAC] =	sst s5  }
0xe: {  	[smem:$0x3FAD] =	sst s6  }
0xf: {  	[smem:$0x3FAE] =	sst s7  }
0x10: {  	[smem:$0x3FAF] =	sst s8  }
0x11: {  	[smem:$0x3FB0] =	sst s9;
	s0 =	simm.s32 @!p0 $0x0  }
0x12: {  	s1 =	sld [smem:$0x3F96];
	s0 =	simm.s32 @p0 $0x1  }
0x13: {  	[smem:$0x3FB1] =	sst s0;
	s0 =	simm.s32 @!p1 $0x0  }
0x14: {  	s2 =	sld [smem:$0x3F95];
	s0 =	simm.s32 @p1 $0x1  }
0x15: {  	[smem:$0x3FB2] =	sst s0;
	s0 =	simm.s32 @!p2 $0x0  }
0x16: {  	s3 =	sld [smem:$0x3FDB];
	s0 =	simm.s32 @p2 $0x1  }
0x17: {  	s4 =	simm.s32 $0x1BF5;
	[smem:$0x3FB4] =	sst s0  }
0x18: {  	s0 =	sld [smem:$0x3F97];
	_ =	swait.ge [sflag:s4], $0x0  }
0x19: {  	s7 =	sld [smem:$0x3F98]  }
0x1a: {  	s8 =	sadd.s32 $0xFFFFE003, lr  }
0x1b: {  	s9 =	sadd.s32 $0xFFFFFEF7, lr;
	s5 =	simm.s32 $0xFFFFFFFF;
	p2 =	slt.u32 s8, $0xFFFFF086  }
0x1c: {  	p1 =	slt.u32 s9, $0xF7A;
	s5 =	simm.s32 @!p2 $0x0  }
0x1d: {  	s5 =	simm.s32 @p1 $0x1;
	p0 =	seq.s32 s7, s2  }
0x1e: {  	s7 =	smul.u32 @!p0 $0xF7A, s2;
	p2 =	seq.s32 @!p0 s5, $0x0  }
0x1f: {  	s9 =	smul.u32 $0xF7A, s1;
	s8 =	simm.s32 @!p0 $0x1BF5;
	p2 =	por !p2, p0  }
0x20: {  	[sflag:s8] =	ssyncset.s32 @!p0 $0xFFFFF086;
	s6 =	sadd.s32 @!p0 s3, s7;
	s7 =	simm.s32 @!p0 $0x108  }
0x21: {  	s3 =	sadd.s32 s3, s9;
	s6 =	sadd.s32 @!p0 $0x88, s6;
	s7 =	simm.s32 @p2 $0x1082  }
0x22: {  	[simem:s7], [sflag:s8] =	dma.local @!p0 [hbm:s6], $0xF7A  }
0x23: {  	s9 =	sor.u32 $0xD0000000, s2;
	s6 =	simm.s32 $0x108;
	_ =	swait.ge @!p0 [sflag:s8], $0x0  }
0x24: {  	s3 =	sadd.s32 $0x88, s3;
	s6 =	simm.s32 @!p1 $0x1082;
	[sflag:s4] =	ssyncset.s32 $0xFFFFF086  }
0x25: {  	[simem:s6], [sflag:s4] =	dma.local [hbm:s3], $0xF7A  }
0x26: {  	[smem:$0x3F98] =	sst s1;
	(tag) =	ssettag s2;
	_ =	strace s9  }
0x27: {  	s1 =	sld [smem:$0x3FA8]  }
0x28: {  	s2 =	sld [smem:$0x3FA9]  }
0x29: {  	s4 =	sld [smem:$0x3FAB]  }
0x2a: {  	p0 =	seq.s32 s5, $0x0;
	s5 =	sld [smem:$0x3FAC]  }
0x2b: {  	s6 =	sld [smem:$0x3FAD]  }
0x2c: {  	s7 =	sld [smem:$0x3FAE]  }
0x2d: {  	s3 =	simm.s32 $0x108;
	s8 =	sld [smem:$0x3FAF]  }
0x2e: {  	s3 =	simm.s32 @!p0 $0x1082;
	s9 =	sld [smem:$0x3FB0]  }
0x2f: {  	lr =	sadd.s32 s0, s3;
	s0 =	sld [smem:$0x3FA7]  }
0x30: {  	s3 =	sld [smem:$0x3FAA]  }
0x31: {  	[smem:$0x3FB3] =	sst s10  }
0x32: {  	s10 =	sld [smem:$0x3FB1];
	_ =	sdelay $0x3  }
0x33: {  	p0 =	seq.s32 s10, $0x1;
	s10 =	sld [smem:$0x3FB3];
	_ =	sdelay $0x3  }
0x34: {  	[smem:$0x3FB3] =	sst s10  }
0x35: {  	s10 =	sld [smem:$0x3FB2];
	_ =	sdelay $0x3  }
0x36: {  	p1 =	seq.s32 s10, $0x1;
	s10 =	sld [smem:$0x3FB3];
	_ =	sdelay $0x3  }
0x37: {  	[smem:$0x3FB3] =	sst s10  }
0x38: {  	s10 =	sld [smem:$0x3FB4]  }
0x39: {  	_ = 	snop;
	(pc) =	sbr.ind lr, $3  }
0x3a: {  	_ = 	snop  }
0x3b: {  	_ = 	snop  }
0x3c: {  	p2 =	seq.s32 s10, $0x1;
	s10 =	sld [smem:$0x3FB3]  }
0x3d: {  	_ =	shalt  }
0x3e: {  	_ =	shalt  }
0x3f: {  	_ =	shalt  }
0x40: {  	_ =	shalt  }
0x41: {  	_ =	shalt  }
0x42: {  	_ =	shalt  }
0x43: {  	_ =	shalt  }
0x44: {  	_ =	shalt  }
0x45: {  	_ =	shalt  }
0x46: {  	_ =	shalt  }
0x47: {  	_ =	shalt  }
0x48: {  	_ =	shalt  }
0x49: {  	_ =	shalt  }
0x4a: {  	_ =	shalt  }
0x4b: {  	_ =	shalt  }
0x4c: {  	_ =	shalt  }
0x4d: {  	_ =	shalt  }
0x4e: {  	_ =	shalt  }
0x4f: {  	_ =	shalt  }
0x50: {  	_ =	shalt  }
0x51: {  	_ =	shalt  }
0x52: {  	_ =	shalt  }
0x53: {  	_ =	shalt  }
0x54: {  	_ =	shalt  }
0x55: {  	_ =	shalt  }
0x56: {  	_ =	shalt  }
0x57: {  	_ =	shalt  }
0x58: {  	_ =	shalt  }
0x59: {  	_ =	shalt  }
0x5a: {  	_ =	shalt  }
0x5b: {  	_ =	shalt  }
0x5c: {  	_ =	shalt  }
0x5d: {  	_ =	shalt  }
0x5e: {  	_ =	shalt  }
0x5f: {  	_ =	shalt  }
0x60: {  	_ =	shalt  }
0x61: {  	_ =	shalt  }
0x62: {  	_ =	shalt  }
0x63: {  	_ =	shalt  }
0x64: {  	_ =	shalt  }
0x65: {  	_ =	shalt  }
0x66: {  	_ =	shalt  }
0x67: {  	_ =	shalt  }
0x68: {  	_ =	shalt  }
0x69: {  	_ =	shalt  }
0x6a: {  	_ =	shalt  }
0x6b: {  	_ =	shalt  }
0x6c: {  	_ =	shalt  }
0x6d: {  	_ =	shalt  }
0x6e: {  	_ =	shalt  }
0x6f: {  	_ =	shalt  }
0x70: {  	_ =	shalt  }
0x71: {  	_ =	shalt  }
0x72: {  	_ =	shalt  }
0x73: {  	_ =	shalt  }
0x74: {  	_ =	shalt  }
0x75: {  	_ =	shalt  }
0x76: {  	_ =	shalt  }
0x77: {  	_ =	shalt  }
0x78: {  	_ =	shalt  }
0x79: {  	_ =	shalt  }
0x7a: {  	_ =	shalt  }
0x7b: {  	_ =	shalt  }
0x7c: {  	_ =	shalt  }
0x7d: {  	_ =	shalt  }
0x7e: {  	_ =	shalt  }
0x7f: {  	_ =	shalt  }
0x80: {  	_ =	shalt  }
0x81: {  	_ =	shalt  }
0x82: {  	_ =	shalt  }
0x83: {  	_ =	shalt  }
0x84: {  	_ =	shalt  }
0x85: {  	_ =	shalt  }
0x86: {  	_ =	shalt  }
0x87: {  	_ =	shalt  }
.Lfunc_end0:
.L_simem_size_0:
called_computation_lowered:
.L_overlay_start_0:
0x88: {  	s2 =	sld [smem:$0x3FD9]  }
0x89: {  	s3 =	sld [smem:$0x3FFE];
	_ =	sdelay $0x1  }
0x8a: {  	s1 =	srdreg.scid  }
0x8b: {  	s0 =	sand.u32 $0x1, s1  }
0x8c: {  	s17 =	sshll.u32 s0, $0xA;
	s2 =	sadd.s32 s3, s2  }
0x8d: {  	s2 =	sadd.s32 s2, s17  }
0x8e: {  	[smem:$0x3FBF] =	sst s2  }
0x8f: {  	_ = 	snop  }
0x90: {  	s2 =	sld [smem:$0x3FD0];
	(tm) =	ssettm $0x1  }
0x91: {  	s18 =	sld [smem:$0x3FFB];
	_ =	sdelay $0x3  }
0x92: {  	_ =	strace s18  }
0x93: {  	s3 =	sld [smem:$0x3FFC];
	_ =	sdelay $0x3  }
0x94: {  	_ =	strace s3  }
0x95: {  	s3 =	sld [smem:$0x3FFD];
	_ =	sdelay $0x3  }
0x96: {  	_ =	strace s3  }
0x97: {  	_ =	strace $0x8FFFFFFF  }
0x98: {  	s19 =	sld [smem:$0x3FDB];
	_ =	sdelay $0x1  }
0x99: {  	s4 =	simm.s32 $_scs_section_size  }
0x9a: {  	s5 =	simm.s32 $_size__tile_overlayer_lowered;
	s6 =	simm.s32 $_tile_overlayer_lowered  }
0x9b: {  	s22 =	simm.s32 $0x1BFF;
	s21 =	sshll.u32 s6, $0x1;
	s3 =	sadd.s32 s4, s19  }
0x9c: {  	s7 =	simm.s32 $0x0;
	s20 =	sshll.u32 s5, $0x1;
	s5 =	sadd.s32 s21, s3  }
0x9d: {  	[timem:s7], [sflag:s22] =	dma.local [hbm:s5], s20  }
0x9e: {  	_ =	swait.ge [sflag:s22], s20  }
0x9f: {  	s4 =	ssub.s32 $0x0, s20;
	[sflag:s22] =	ssyncset.done $0x0  }
0xa0: {  	[sflag:s22] =	ssyncadd.s32 s4;
	_ =	sdelay $0x1  }
0xa1: {  	s23 =	simm.s32 $0x1B8B  }
0xa2: {  	_ =	swait.ge [sflag:s23], $0x1  }
0xa3: {  	[sflag:s23] =	ssyncset.done $0x0  }
0xa4: {  	s25 =	simm.s32 $0x1B8E;
	s24 =	sld [smem:$0x3FFE];
	[sflag:s23] =	ssyncadd.s32 $0xFFFFFFFF  }
0xa5: {  	s26 =	simm.s32 $execute0_lowered;
	[smem:$0x3FD2] =	sst s25  }
0xa6: {  	s5 =	sshll.u32 s26, $0x1;
	_ =	strace $0x80000046;
	[dreg:$0x1] =	wrdreg $0xFFFFFFFF  }
0xa7: {  	s28 =	simm.s32 $_size_execute0_lowered;
	s3 =	sadd.s32 s3, s5;
	[dreg:$0x0] =	wrdreg $0x0  }
0xa8: {  	s5 =	sshll.u32 s28, $0x1;
	[dreg:$0x2] =	wrdreg s3  }
0xa9: {  	[dreg:$0x3] =	wrdreg s5  }
0xaa: {  	[dreg:$0x4] =	wrdreg $0xC0  }
0xab: {  	_ =	task [dreg:s7], $0x5FFFF  }
0xac: {  	[dreg:$0x1] =	wrdreg $0xFFFFFFFF  }
0xad: {  	[dreg:$0x0] =	wrdreg $0x60  }
0xae: {  	[dreg:$0x2] =	wrdreg s24  }
0xaf: {  	[dreg:$0x3] =	wrdreg s2  }
0xb0: {  	[dreg:$0x4] =	wrdreg $0xBB800  }
0xb1: {  	[dreg:$0x5] =	wrdreg $0x9  }
0xb2: {  	_ =	task.clear_ibuf [dreg:s7], $0x6FFFF;
	_ =	strace $0x90000046  }
0xb3: {  	s29 =	simm.s32 $0x9;
	_ =	strace $0x80000048  }
0xb4: {  	_ =	swait.ge [sflag:s29], $0x1  }
0xb5: {  	[sflag:s29] =	ssyncadd.s32 $0xFFFFFFFF  }
0xb6: {  	_ =	strace $0x90000048  }
0xb7: {  	_ =	sfence  }
0xb8: {  	s30 =	sld [smem:$0x0];
	_ =	sdelay $0x2  }
0xb9: {  	s31 =	sshll.u32 s1, $0xD;
	s1 =	sshrl.u32 s1, $0x2  }
0xba: {  	s3 =	sand.u32 $0x4000, s31;
	s1 =	sadd.s32 s1, s30  }
0xbb: {  	s0 =	sor.u32 s3, s0;
	s1 =	sshll.u32 s1, $0x11  }
0xbc: {  	s0 =	sor.u32 s1, s0  }
0xbd: {  	s0 =	sadd.s32 $0x8F2B, s0  }
0xbe: {  	[sflag:s0] =	ssyncadd.remote.s32 $0x1  }
0xbf: {  	_ =	sfence.sel $0xFFFF  }
0xc0: {  	[dreg:$0x0] =	wrdreg $0xFFFFFFFF;
	(pc) =	sbr.abs _section_cstart, $3  }
0xc1: {  	[dreg:$0x1] =	wrdreg $0xFFFFFFFF  }
0xc2: {  	_ =	task.clear_ibuf [dreg:s7], $0x2FFFF;
	_ =	strace $0x9FFFFFFF  }
0xc3: {  	(tm) =	ssettm $0x7FFFFFFF  }
tec
execute0_lowered:
.L_overlay_start_1:
0x0: {  	(tag) =	ssettag $0x1  }
0x1: {  	s0 =	rddreg [dreg:$0x0]  }
0x2: {  	s2 =	rddreg [dreg:$0x1]  }
0x3: {  	s1 =	rddreg [dreg:$0x2]  }
0x4: {  	s3 =	srdreg.scid;
	s9 =	stileid.u32  }
0x5: {  	s12 =	simm.s32 $0x5000;
	s13 =	simm.s32 $0x7780;
	s14 =	simm.s32 $0x1  }
0x6: {  	s15 =	simm.s32 $0x2;
	s16 =	simm.s32 $0x3;
	s17 =	simm.s32 $0x9  }
0x7: {  	s18 =	simm.s32 $0x10;
	s29 =	simm.s32 $0xA;
	s30 =	simm.s32 $0xB  }
0x8: {  	s31 =	simm.s32 $0xC;
	s11 =	simm.s32 $0xE;
	s19 =	simm.s32 $0xF  }
0x9: {  	s20 =	simm.s32 $0x11;
	s5 =	sand.u32 $0x1, s3;
	s7 =	smul.u32 $0x13C00, s9  }
0xa: {  	s3 =	simm.s32 $0x0;
	s22 =	sadd.s32 $0x28400, s0;
	s23 =	smul.u32 $0x4F000, s9  }
0xb: {  	s6 =	smul.u32 $0x13C000, s5;
	[smem:$0x7FF] =	sst s3;
	s4 =	sshll.u32 s5, $0x4  }
0xc: {  	s5 =	ssub.s32 $0x2, s5;
	_ =	strace $0x80000047;
	s8 =	sor.u32 s9, s4  }
0xd: {  	s4 =	sadd.s32 $0x1200, s0;
	[dreg:$0x4] =	wrdreg s22;
	s21 =	smul.u32 $0x2710, s8  }
0xe: {  	s25 =	sshrl.u32 s5, $0x1;
	s26 =	sshrl.u32 s23, $0x2;
	s6 =	sadd.s32 s7, s6  }
0xf: {  	s5 =	ssub.s32 s5, s25;
	s6 =	sshrl.u32 s6, $0x3;
	s24 =	sshrl.u32 s21, $0x3  }
0x10: {  	s8 =	sadd.s32 s26, s1;
	s0 =	sadd.s32 s6, s0;
	s6 =	sadd.s32 s2, s24  }
0x11: {  	s10 =	smax.u32 s5, $0x1;
	s21 =	simm.s32 $0x0;
	s28 =	sadd.s32 $0x9C40, s6  }
0x12: {  	v0 =	vimm.f32 $0.0e+00;
	v1 =	vimm.s32 $0x1;
	v2 =	vimm.s32 $0x0;
	s9 =	sadd.s32 $0x28A00, s0;
	s0 =	simm.s32 $0xD;
	[dreg:$0x5] =	wrdreg s28  }
.LBB2_1:
0x13: {  	[tilespmem:s3], [sflag:$0x1] =	stream.linear.gather [hbm4b:s6+s3], $0x2710, $0x38;
	[tilespmem:$0x1F780] =	vst v63  }
0x14: {  	s2 =	rddreg [dreg:$0x5];
	s5 =	simm.s32 $0x2800  }
0x15: {  	[tilespmem:s5], [sflag:$0x2] =	stream.linear.gather [hbm4b:s2+s3], $0x2710, $0x38;
	[tilespmem:$0x1F780] =	vst v63  }
0x16: {  	s28 =	rddreg [dreg:$0x4]  }
0x17: {  	[tilespmem:s12], [sflag:$0x3] =	stream.linear.gather [hbm4b:s28+s3], $0x2780, $0x38;
	[tilespmem:$0x1F780] =	vst v63  }
0x18: {  	[tilespmem:$0x7780] =	vst v0  }
0x19: {  	[tilespmem:$0x7790] =	vst v0  }
0x1a: {  	[tilespmem:$0x77A0] =	vst v0  }
0x1b: {  	[tilespmem:$0x77B0] =	vst v0  }
0x1c: {  	[tilespmem:$0x77C0] =	vst v0  }
0x1d: {  	[tilespmem:$0x77D0] =	vst v0  }
0x1e: {  	[tilespmem:$0x77E0] =	vst v0  }
0x1f: {  	[tilespmem:$0x77F0] =	vst v0  }
0x20: {  	[tilespmem:$0x7800] =	vst v0  }
0x21: {  	[tilespmem:$0x7810] =	vst v0  }
0x22: {  	[tilespmem:$0x7820] =	vst v0  }
0x23: {  	[tilespmem:$0x7830] =	vst v0  }
0x24: {  	[tilespmem:$0x7840] =	vst v0  }
0x25: {  	[tilespmem:$0x7850] =	vst v0  }
0x26: {  	[tilespmem:$0x7860] =	vst v0  }
0x27: {  	[tilespmem:$0x7870] =	vst v0  }
0x28: {  	[tilespmem:$0x7880] =	vst v0  }
0x29: {  	[tilespmem:$0x7890] =	vst v0  }
0x2a: {  	[tilespmem:$0x78A0] =	vst v0  }
0x2b: {  	[tilespmem:$0x78B0] =	vst v0  }
0x2c: {  	[tilespmem:$0x78C0] =	vst v0  }
0x2d: {  	[tilespmem:$0x78D0] =	vst v0  }
0x2e: {  	[tilespmem:$0x78E0] =	vst v0  }
0x2f: {  	[tilespmem:$0x78F0] =	vst v0  }
0x30: {  	[tilespmem:$0x7900] =	vst v0  }
0x31: {  	[tilespmem:$0x7910] =	vst v0  }
0x32: {  	[tilespmem:$0x7920] =	vst v0  }
0x33: {  	[tilespmem:$0x7930] =	vst v0  }
0x34: {  	[tilespmem:$0x7940] =	vst v0  }
0x35: {  	[tilespmem:$0x7950] =	vst v0  }
0x36: {  	[tilespmem:$0x7960] =	vst v0  }
0x37: {  	[tilespmem:$0x7970] =	vst v0  }
0x38: {  	[tilespmem:$0x7980] =	vst v0  }
0x39: {  	[tilespmem:$0x7990] =	vst v0  }
0x3a: {  	[tilespmem:$0x79A0] =	vst v0  }
0x3b: {  	[tilespmem:$0x79B0] =	vst v0  }
0x3c: {  	[tilespmem:$0x79C0] =	vst v0  }
0x3d: {  	[tilespmem:$0x79D0] =	vst v0  }
0x3e: {  	[tilespmem:$0x79E0] =	vst v0  }
0x3f: {  	[tilespmem:$0x79F0] =	vst v0  }
0x40: {  	[tilespmem:$0x7A00] =	vst v0  }
0x41: {  	[tilespmem:$0x7A10] =	vst v0  }
0x42: {  	[tilespmem:$0x7A20] =	vst v0  }
0x43: {  	[tilespmem:$0x7A30] =	vst v0  }
0x44: {  	[tilespmem:$0x7A40] =	vst v0  }
0x45: {  	[tilespmem:$0x7A50] =	vst v0  }
0x46: {  	[tilespmem:$0x7A60] =	vst v0  }
0x47: {  	[tilespmem:$0x7A70] =	vst v0  }
0x48: {  	[tilespmem:$0x7A80] =	vst v0  }
0x49: {  	[tilespmem:$0x7A90] =	vst v0  }
0x4a: {  	[tilespmem:$0x7AA0] =	vst v0  }
0x4b: {  	[tilespmem:$0x7AB0] =	vst v0  }
0x4c: {  	[tilespmem:$0x7AC0] =	vst v0  }
0x4d: {  	[tilespmem:$0x7AD0] =	vst v0  }
0x4e: {  	[tilespmem:$0x7AE0] =	vst v0  }
0x4f: {  	[tilespmem:$0x7AF0] =	vst v0  }
0x50: {  	[tilespmem:$0x7B00] =	vst v0  }
0x51: {  	[tilespmem:$0x7B10] =	vst v0  }
0x52: {  	[tilespmem:$0x7B20] =	vst v0  }
0x53: {  	[tilespmem:$0x7B30] =	vst v0  }
0x54: {  	[tilespmem:$0x7B40] =	vst v0  }
0x55: {  	[tilespmem:$0x7B50] =	vst v0  }
0x56: {  	[tilespmem:$0x7B60] =	vst v0  }
0x57: {  	s2 =	simm.s32 $0x1000;
	s5 =	sadd.s32 $0x0, s8;
	[tilespmem:$0x7B70] =	vst v0  }
.LBB2_2:
0x58: {  	[spmem:s5] =	stream.linear.scatter [tilespmem:s13], [sflag:$0x9], $0x400, $0x38;
	[tilespmem:$0x1F780] =	vst v63  }
0x59: {  	s5 =	smov.u32 s2;
	p0 =	sne.s32 s2, $0x4E000  }
.Ltmp0:
0x5a: {  	s2 =	sadd.s32 $0x1000, s2;
	(pc) =	sbr.rel @p0 .LBB2_2-.Ltmp0, $3  }
0x5b: {  	_ =	sdelay $0x1  }
0x5c: {  	s5 =	sshra.s32 s5, $0x2  }
0x5d: {  	s5 =	sadd.s32 s5, s8  }
0x5e: {  	[spmem:s5] =	stream.linear.scatter [tilespmem:s13], [sflag:$0x9], $0x400, $0x38;
	[tilespmem:$0x1F780] =	vst v63  }
0x5f: {  	_ =	swait.ge [sflag:s14], $0x2710  }
0x60: {  	[sflag:s14] =	ssyncset.done $0x0  }
0x61: {  	[sflag:s14] =	ssyncadd.s32 $0xFFFFD8F0  }
0x62: {  	_ =	swait.ge [sflag:s15], $0x2710  }
0x63: {  	[sflag:s15] =	ssyncset.done $0x0  }
0x64: {  	s2 =	simm.s32 $0x0;
	[sflag:s15] =	ssyncadd.s32 $0xFFFFD8F0  }
0x65: {  	v3 =	vld [tilespmem:s2+$0x2800]  }
0x66: {  	v4 =	vld [tilespmem:s2+$0x0];
	_ =	sdelay $0x4  }
0x67: {  	vm0 =	vle.s32 v4, v3  }
0x68: {  	v5 =	vmpcnt.ones.xlane vm0;
	_ =	sdelay $0x1  }
0x69: {  	(v2sf) =	vpush v5, $0x0;
	_ =	sdelay $0x3  }
0x6a: {  	s2 =	simm.s32 $0x0  }
0x6b: {  	[tilespmem:s2+$0x0] =	vst.msk vm0, v4  }
0x6c: {  	s22 =	simm.s32 $0x10;
	[tilespmem:s2+$0x2800] =	vst.msk vm0, v3  }
0x6d: {  	s5 =	simm.s32 $0x80;
	v3 =	vld [tilespmem:s22+$0x2800]  }
.LBB2_4:
0x6e: {  	p0 =	sne.s32 s5, $0x9C00;
	v4 =	vld [tilespmem:s22+$0x0];
	_ =	sdelay $0x4  }
0x6f: {  	vm0 =	vle.s32 v4, v3  }
0x70: {  	v5 =	vmpcnt.ones.xlane vm0  }
0x71: {  	s22 =	spop (v2sf)  }
0x72: {  	(v2sf) =	vpush v5, $0x0;
	s2 =	sadd.s32 s2, s22  }
0x73: {  	[tilespmem:s2+$0x0] =	vst.msk vm0, v4  }
0x74: {  	[tilespmem:s2+$0x2800] =	vst.msk vm0, v3  }
.Ltmp1:
0x75: {  	(pc) =	sbr.rel @p0 .LBB2_4-.Ltmp1, $3  }
0x76: {  	_ =	sdelay $0x1  }
0x77: {  	s22 =	sshra.s32 s5, $0x2  }
0x78: {  	s5 =	sadd.s32 $0x40, s5;
	v3 =	vld [tilespmem:s22+$0x2800]  }
0x79: {  	v4 =	vld [tilespmem:s22+$0x0];
	_ =	sdelay $0x4  }
0x7a: {  	vm0 =	vle.s32 v4, v3  }
0x7b: {  	v5 =	vmpcnt.ones.xlane vm0;
	_ =	sdelay $0x1  }
0x7c: {  	(v2sf) =	vpush v5, $0x0;
	_ =	sdelay $0xc  }
0x7d: {  	s5 =	spop (v2sf)  }
0x7e: {  	s2 =	sadd.s32 s2, s5  }
0x7f: {  	[tilespmem:s2+$0x0] =	vst.msk vm0, v4;
	s28 =	spop (v2sf)  }
0x80: {  	[tilespmem:s2+$0x2800] =	vst.msk vm0, v3;
	s2 =	sadd.s32 s2, s28  }
0x81: {  	[tilespmem:s2+$0x0] =	vst v1  }
0x82: {  	[tilespmem:s2+$0x2800] =	vst v2  }
0x83: {  	[tilespmem:s2+$0x10] =	vst v1  }
0x84: {  	[tilespmem:s2+$0x2810] =	vst v2  }
0x85: {  	[tilespmem:s2+$0x20] =	vst v1  }
0x86: {  	[tilespmem:s2+$0x2820] =	vst v2  }
0x87: {  	[tilespmem:s2+$0x30] =	vst v1  }
0x88: {  	[tilespmem:s2+$0x2830] =	vst v2  }
0x89: {  	[tilespmem:s2+$0x40] =	vst v1  }
0x8a: {  	[tilespmem:s2+$0x2840] =	vst v2  }
0x8b: {  	[tilespmem:s2+$0x50] =	vst v1  }
0x8c: {  	[tilespmem:s2+$0x2850] =	vst v2  }
0x8d: {  	[tilespmem:s2+$0x60] =	vst v1  }
0x8e: {  	[tilespmem:s2+$0x2860] =	vst v2  }
0x8f: {  	[tilespmem:s2+$0x70] =	vst v1  }
0x90: {  	[tilespmem:s2+$0x2870] =	vst v2  }
0x91: {  	_ =	swait.ge [sflag:s16], $0x2780  }
0x92: {  	[sflag:s16] =	ssyncset.done $0x0  }
0x93: {  	[sflag:s16] =	ssyncadd.s32 $0xFFFFD880  }
0x94: {  	_ =	swait.ge [sflag:s17], $0x400  }
0x95: {  	s5 =	simm.s32 $0x4E;
	[sflag:s17] =	ssyncset.done $0x0  }
.LBB2_6:
0x96: {  	p0 =	sne.s32 s5, $0x1;
	s5 =	sadd.s32 $0xFFFFFFFF, s5;
	[sflag:s17] =	ssyncadd.s32 $0xFFFFFC00  }
.Ltmp2:
0x97: {  	(pc) =	sbr.rel @p0 .LBB2_6-.Ltmp2, $3  }
0x98: {  	_ =	sdelay $0x1  }
0x99: {  	_ =	swait.ge [sflag:s17], $0x400  }
0x9a: {  	[sflag:s17] =	ssyncset.done $0x0  }
0x9b: {  	s2 =	sadd.s32 $0xF, s2;
	[sflag:s17] =	ssyncadd.s32 $0xFFFFFC00  }
0x9c: {  	s7 =	simm.s32 $0x7F80;
	s26 =	simm.s32 $0x20;
	s28 =	simm.s32 $0x8780  }
0x9d: {  	s23 =	simm.s32 $0x8F80;
	s5 =	sshra.s32 s2, $0x1F;
	s22 =	sand.u32 $0xF, s2  }
0x9e: {  	p0 =	slt.s32 s2, $0x1;
	[bflag:$0x0] =	sbarrier.arrive $0xFFFF;
	p1 =	sne.s32 s22, $0x0  }
0x9f: {  	[tilespmem:s13], [sflag:$0x1] =	stream.indirect.gather [hbm4b:s4+s18], $0x80, s3, s18, $0xb8;
	[tilespmem:$0x1F780] =	vst v63  }
0xa0: {  	s24 =	simm.s32 $0x40;
	s5 =	sshrl.u32 s5, $0x1C;
	p0 =	por !p0, !p1  }
0xa1: {  	[tilespmem:s7], [sflag:$0x2] =	stream.indirect.gather [hbm4b:s4+s18], $0x80, s18, s18, $0xb8;
	[tilespmem:$0x1F780] =	vst v63  }
0xa2: {  	s2 =	sadd.s32 s5, s2;
	s5 =	simm.s32 $0x1;
	p0 =	por !p0, !p0  }
0xa3: {  	[tilespmem:s28], [sflag:$0x3] =	stream.indirect.gather [hbm4b:s4+s18], $0x80, s26, s18, $0xb8;
	[tilespmem:$0x1F780] =	vst v63  }
0xa4: {  	s22 =	simm.s32 $0x30;
	s2 =	sshra.s32 s2, $0x4;
	s5 =	simm.s32 @!p0 $0x0  }
0xa5: {  	[tilespmem:s23], [sflag:$0x4] =	stream.indirect.gather [hbm4b:s4+s18], $0x80, s22, s18, $0xb8;
	[tilespmem:$0x1F780] =	vst v63  }
0xa6: {  	s25 =	simm.s32 $0x9780;
	s26 =	simm.s32 $0x50;
	s22 =	ssub.s32 s2, s5  }
0xa7: {  	s28 =	simm.s32 $0x9F80;
	s23 =	simm.s32 $0x60;
	p0 =	sgt.s32 s22, $0x8  }
0xa8: {  	[tilespmem:s25], [sflag:$0x5] =	stream.indirect.gather [hbm4b:s4+s18], $0x80, s24, s18, $0xb8;
	[tilespmem:$0x1F780] =	vst v63  }
0xa9: {  	s22 =	simm.s32 @!p0 $0x8;
	s25 =	simm.s32 $0x6;
	s24 =	simm.s32 $0x2800  }
0xaa: {  	[tilespmem:s28], [sflag:$0x6] =	stream.indirect.gather [hbm4b:s4+s18], $0x80, s26, s18, $0xb8;
	[tilespmem:$0x1F780] =	vst v63  }
.LBB2_8:
0xab: {  	s26 =	sadd.s32 $0xFFFFFFFA, s25  }
0xac: {  	s28 =	sand.u32 $0x7, s26  }
0xad: {  	s2 =	sadd.s32 $0x1, s28  }
0xae: {  	_ =	swait.ge [sflag:s2], $0x800  }
0xaf: {  	[sflag:s2] =	ssyncset.done $0x0  }
0xb0: {  	[sflag:s2] =	ssyncadd.s32 $0xFFFFF800  }
0xb1: {  	v3 =	vld [tilespmem:s23+$0xFFFFFFA0]  }
0xb2: {  	v4 =	vld [tilespmem:s24+$0x0];
	_ =	sdelay $0x6  }
0xb3: {  	v5 =	vld.idx.msk [tilespmem:v3+s12+$0x0], $0xffff  }
0xb4: {  	v6 =	vld.idx.msk [tilespmem:v4+s12+$0x0], $0xffff;
	_ =	sdelay $0x4  }
0xb5: {  	v5 =	vshll.u32 v5, $0x10;
	v6 =	vand.u32 $0xFFFF0000, v6  }
0xb6: {  	v5 =	vadd.f32 v6, v5;
	_ =	sdelay $0x1  }
0xb7: {  	v5 =	vsub.f32 $0.0e+00, v5;
	_ =	sdelay $0x1  }
0xb8: {  	v5 =	vmul.f32 $1.442695020e+00, v5;
	_ =	sdelay $0x1  }
0xb9: {  	(erf) = vpow2.f32 v5;
	_ =	sdelay $0x8  }
0xba: {  	v5 =	vpop (erf)  }
0xbb: {  	v5 =	vadd.f32 $1.000000000e+00, v5;
	_ =	sdelay $0x1  }
0xbc: {  	(erf) = vrcp.f32 v5;
	_ =	sdelay $0x5  }
0xbd: {  	s7 =	sshll.u32 s28, $0x7  }
0xbe: {  	s5 =	sshll.u32 s28, $0xB;
	[tilespmem:s7+$0xB780] =	vst v4  }
0xbf: {  	v50 =	vld [tilespmem:s5+$0x7780]  }
0xc0: {  	vm0 =	vgt.s32 v3, v4;
	v52 =	vld [tilespmem:s5+$0x7790];
	v51 =	vpop (erf)  }
0xc1: {  	v53 =	vld [tilespmem:s5+$0x77A0];
	v3 =	vsel vm0, $0x0, v51  }
0xc2: {  	v8 =	vld [tilespmem:s5+$0x77B0];
	v7 =	vbroadcast v3, $0x0  }
0xc3: {  	v9 =	vld [tilespmem:s5+$0x77C0]  }
0xc4: {  	v10 =	vld [tilespmem:s5+$0x77D0];
	v5 =	vmul.f32 v7, v50  }
0xc5: {  	v11 =	vld [tilespmem:s5+$0x77E0];
	v4 =	vmul.f32 v7, v52  }
0xc6: {  	v55 =	vld [tilespmem:s5+$0x77F0];
	v54 =	vmul.f32 v7, v53;
	[tilespmem:s5+$0x7780] =	vst v5  }
0xc7: {  	v57 =	vld [tilespmem:s5+$0x7800];
	v56 =	vmul.f32 v7, v8;
	[tilespmem:s5+$0x7790] =	vst v4  }
0xc8: {  	v59 =	vld [tilespmem:s5+$0x7810];
	v58 =	vmul.f32 v7, v9;
	[tilespmem:s5+$0x77A0] =	vst v54  }
0xc9: {  	v61 =	vld [tilespmem:s5+$0x7820];
	v60 =	vmul.f32 v10, v7;
	[tilespmem:s5+$0x77B0] =	vst v56  }
0xca: {  	v12 =	vld [tilespmem:s5+$0x7830];
	v63 =	vbroadcast v3, $0x1;
	v62 =	vmul.f32 v11, v7;
	[tilespmem:s5+$0x77C0] =	vst v58  }
0xcb: {  	v14 =	vld [tilespmem:s5+$0x7840];
	v13 =	vmul.f32 v55, v7;
	[tilespmem:s5+$0x77D0] =	vst v60  }
0xcc: {  	v16 =	vld [tilespmem:s5+$0x7850];
	v15 =	vmul.f32 v57, v63;
	[tilespmem:s5+$0x77E0] =	vst v62  }
0xcd: {  	v18 =	vld [tilespmem:s5+$0x7860];
	v17 =	vmul.f32 v59, v63;
	[tilespmem:s5+$0x77F0] =	vst v13  }
0xce: {  	v20 =	vld [tilespmem:s5+$0x7870];
	v19 =	vmul.f32 v61, v63;
	[tilespmem:s5+$0x7800] =	vst v15  }
0xcf: {  	v22 =	vld [tilespmem:s5+$0x7880];
	v21 =	vmul.f32 v12, v63;
	[tilespmem:s5+$0x7810] =	vst v17  }
0xd0: {  	v24 =	vld [tilespmem:s5+$0x7890];
	v23 =	vmul.f32 v14, v63;
	[tilespmem:s5+$0x7820] =	vst v19  }
0xd1: {  	v26 =	vld [tilespmem:s5+$0x78A0];
	v25 =	vmul.f32 v16, v63;
	[tilespmem:s5+$0x7830] =	vst v21  }
0xd2: {  	v29 =	vld [tilespmem:s5+$0x78B0];
	v28 =	vbroadcast v3, $0x2;
	v27 =	vmul.f32 v18, v63;
	[tilespmem:s5+$0x7840] =	vst v23  }
0xd3: {  	v31 =	vld [tilespmem:s5+$0x78C0];
	v30 =	vmul.f32 v20, v63;
	[tilespmem:s5+$0x7850] =	vst v25  }
0xd4: {  	v33 =	vld [tilespmem:s5+$0x78D0];
	v32 =	vmul.f32 v22, v28;
	[tilespmem:s5+$0x7860] =	vst v27  }
0xd5: {  	v35 =	vld [tilespmem:s5+$0x78E0];
	v34 =	vmul.f32 v24, v28;
	[tilespmem:s5+$0x7870] =	vst v30  }
0xd6: {  	v37 =	vld [tilespmem:s5+$0x78F0];
	v36 =	vmul.f32 v26, v28;
	[tilespmem:s5+$0x7880] =	vst v32  }
0xd7: {  	v39 =	vld [tilespmem:s5+$0x7900];
	v38 =	vmul.f32 v29, v28;
	[tilespmem:s5+$0x7890] =	vst v34  }
0xd8: {  	v41 =	vld [tilespmem:s5+$0x7910];
	v40 =	vmul.f32 v31, v28;
	[tilespmem:s5+$0x78A0] =	vst v36  }
0xd9: {  	v43 =	vld [tilespmem:s5+$0x7920];
	v42 =	vmul.f32 v33, v28;
	[tilespmem:s5+$0x78B0] =	vst v38  }
0xda: {  	v46 =	vld [tilespmem:s5+$0x7930];
	v45 =	vbroadcast v3, $0x3;
	v44 =	vmul.f32 v35, v28;
	[tilespmem:s5+$0x78C0] =	vst v40  }
0xdb: {  	v48 =	vld [tilespmem:s5+$0x7940];
	v47 =	vmul.f32 v37, v28;
	[tilespmem:s5+$0x78D0] =	vst v42  }
0xdc: {  	v49 =	vmul.f32 v39, v45;
	v50 =	vld [tilespmem:s5+$0x7950];
	[tilespmem:s5+$0x78E0] =	vst v44  }
0xdd: {  	v51 =	vmul.f32 v41, v45;
	v52 =	vld [tilespmem:s5+$0x7960];
	[tilespmem:s5+$0x78F0] =	vst v47  }
0xde: {  	v53 =	vmul.f32 v43, v45;
	v63 =	vld [tilespmem:s5+$0x79B0];
	[tilespmem:s5+$0x7900] =	vst v49  }
0xdf: {  	v55 =	vmul.f32 v46, v45;
	v14 =	vld [tilespmem:s5+$0x79C0];
	[tilespmem:s5+$0x7910] =	vst v51  }
0xe0: {  	v57 =	vmul.f32 v48, v45;
	v16 =	vld [tilespmem:s5+$0x79D0];
	[tilespmem:s5+$0x7920] =	vst v53  }
0xe1: {  	v18 =	vld [tilespmem:s5+$0x79E0];
	[tilespmem:s5+$0x7930] =	vst v55;
	v62 =	vbroadcast v3, $0x4;
	v59 =	vmul.f32 v50, v45  }
0xe2: {  	v20 =	vld [tilespmem:s5+$0x79F0];
	[tilespmem:s5+$0x7940] =	vst v57;
	v61 =	vmul.f32 v52, v45  }
0xe3: {  	v22 =	vld [tilespmem:s5+$0x7A00];
	v21 =	vmul.f32 v63, v62;
	[tilespmem:s5+$0x7950] =	vst v59  }
0xe4: {  	v24 =	vld [tilespmem:s5+$0x7A10];
	v23 =	vmul.f32 v14, v62;
	[tilespmem:s5+$0x7960] =	vst v61  }
0xe5: {  	v26 =	vld [tilespmem:s5+$0x7A20];
	v25 =	vmul.f32 v16, v62;
	[tilespmem:s5+$0x79B0] =	vst v21  }
0xe6: {  	v28 =	vbroadcast v3, $0x5;
	v29 =	vld [tilespmem:s5+$0x7A30];
	v27 =	vmul.f32 v18, v62;
	[tilespmem:s5+$0x79C0] =	vst v23  }
0xe7: {  	v31 =	vld [tilespmem:s5+$0x7A40];
	v30 =	vmul.f32 v20, v62;
	[tilespmem:s5+$0x79D0] =	vst v25  }
0xe8: {  	v33 =	vld [tilespmem:s5+$0x7A50];
	v32 =	vmul.f32 v22, v28;
	[tilespmem:s5+$0x79E0] =	vst v27  }
0xe9: {  	v35 =	vld [tilespmem:s5+$0x7A60];
	v34 =	vmul.f32 v24, v28;
	[tilespmem:s5+$0x79F0] =	vst v30  }
0xea: {  	v37 =	vld [tilespmem:s5+$0x7A70];
	v36 =	vmul.f32 v26, v28;
	[tilespmem:s5+$0x7A00] =	vst v32  }
0xeb: {  	v54 =	vld [tilespmem:s5+$0x7970];
	v38 =	vmul.f32 v29, v28;
	[tilespmem:s5+$0x7A10] =	vst v34  }
0xec: {  	v56 =	vld [tilespmem:s5+$0x7980];
	v40 =	vmul.f32 v31, v28;
	[tilespmem:s5+$0x7A20] =	vst v36  }
0xed: {  	v58 =	vld [tilespmem:s5+$0x7990];
	v42 =	vmul.f32 v33, v28;
	[tilespmem:s5+$0x7A30] =	vst v38  }
0xee: {  	v60 =	vld [tilespmem:s5+$0x79A0];
	v44 =	vmul.f32 v35, v28;
	[tilespmem:s5+$0x7A40] =	vst v40  }
0xef: {  	v39 =	vld [tilespmem:s5+$0x7A80];
	v47 =	vmul.f32 v37, v28;
	[tilespmem:s5+$0x7A50] =	vst v42  }
0xf0: {  	v41 =	vld [tilespmem:s5+$0x7A90];
	v13 =	vmul.f32 v54, v45;
	[tilespmem:s5+$0x7A60] =	vst v44  }
0xf1: {  	v43 =	vld [tilespmem:s5+$0x7AA0];
	v15 =	vmul.f32 v56, v62;
	[tilespmem:s5+$0x7A70] =	vst v47  }
0xf2: {  	v46 =	vld [tilespmem:s5+$0x7AB0];
	v17 =	vmul.f32 v58, v62;
	v45 =	vbroadcast v3, $0x6;
	[tilespmem:s5+$0x7970] =	vst v13  }
0xf3: {  	v48 =	vld [tilespmem:s5+$0x7AC0];
	v19 =	vmul.f32 v60, v62;
	[tilespmem:s5+$0x7980] =	vst v15  }
0xf4: {  	v50 =	vld [tilespmem:s5+$0x7AD0];
	[tilespmem:s5+$0x7990] =	vst v17;
	v49 =	vmul.f32 v39, v45  }
0xf5: {  	v52 =	vld [tilespmem:s5+$0x7AE0];
	[tilespmem:s5+$0x79A0] =	vst v19;
	v51 =	vmul.f32 v41, v45  }
0xf6: {  	v63 =	vld [tilespmem:s5+$0x7B30];
	v53 =	vmul.f32 v43, v45;
	[tilespmem:s5+$0x7A80] =	vst v49  }
0xf7: {  	v14 =	vld [tilespmem:s5+$0x7B40];
	v55 =	vmul.f32 v46, v45;
	[tilespmem:s5+$0x7A90] =	vst v51  }
0xf8: {  	v16 =	vld [tilespmem:s5+$0x7B50];
	v57 =	vmul.f32 v48, v45;
	[tilespmem:s5+$0x7AA0] =	vst v53  }
0xf9: {  	v18 =	vld [tilespmem:s5+$0x7B60];
	v62 =	vbroadcast v3, $0x7;
	v59 =	vmul.f32 v50, v45;
	[tilespmem:s5+$0x7AB0] =	vst v55  }
0xfa: {  	v20 =	vld [tilespmem:s5+$0x7B70];
	v61 =	vmul.f32 v52, v45;
	[tilespmem:s5+$0x7AC0] =	vst v57  }
0xfb: {  	v22 =	vld [tilespmem:s5+$0x7B80];
	v21 =	vmul.f32 v63, v62;
	[tilespmem:s5+$0x7AD0] =	vst v59  }
0xfc: {  	v24 =	vld [tilespmem:s5+$0x7B90];
	v23 =	vmul.f32 v14, v62;
	[tilespmem:s5+$0x7AE0] =	vst v61  }
0xfd: {  	v26 =	vld [tilespmem:s5+$0x7BA0];
	v25 =	vmul.f32 v16, v62;
	[tilespmem:s5+$0x7B30] =	vst v21  }
0xfe: {  	v28 =	vbroadcast v3, $0x8;
	v29 =	vld [tilespmem:s5+$0x7BB0];
	v27 =	vmul.f32 v18, v62;
	[tilespmem:s5+$0x7B40] =	vst v23  }
0xff: {  	v31 =	vld [tilespmem:s5+$0x7BC0];
	v30 =	vmul.f32 v20, v62;
	[tilespmem:s5+$0x7B50] =	vst v25  }
0x100: {  	v33 =	vld [tilespmem:s5+$0x7BD0];
	v32 =	vmul.f32 v22, v28;
	[tilespmem:s5+$0x7B60] =	vst v27  }
0x101: {  	v35 =	vld [tilespmem:s5+$0x7BE0];
	v34 =	vmul.f32 v24, v28;
	[tilespmem:s5+$0x7B70] =	vst v30  }
0x102: {  	v37 =	vld [tilespmem:s5+$0x7BF0];
	v36 =	vmul.f32 v26, v28;
	[tilespmem:s5+$0x7B80] =	vst v32  }
0x103: {  	v54 =	vld [tilespmem:s5+$0x7AF0];
	v38 =	vmul.f32 v29, v28;
	[tilespmem:s5+$0x7B90] =	vst v34  }
0x104: {  	v56 =	vld [tilespmem:s5+$0x7B00];
	v40 =	vmul.f32 v31, v28;
	[tilespmem:s5+$0x7BA0] =	vst v36  }
0x105: {  	v58 =	vld [tilespmem:s5+$0x7B10];
	v42 =	vmul.f32 v33, v28;
	[tilespmem:s5+$0x7BB0] =	vst v38  }
0x106: {  	v60 =	vld [tilespmem:s5+$0x7B20];
	v44 =	vmul.f32 v35, v28;
	[tilespmem:s5+$0x7BC0] =	vst v40  }
0x107: {  	v39 =	vld [tilespmem:s5+$0x7C00];
	v47 =	vmul.f32 v37, v28;
	[tilespmem:s5+$0x7BD0] =	vst v42  }
0x108: {  	v41 =	vld [tilespmem:s5+$0x7C10];
	v13 =	vmul.f32 v54, v45;
	[tilespmem:s5+$0x7BE0] =	vst v44  }
0x109: {  	v43 =	vld [tilespmem:s5+$0x7C20];
	v15 =	vmul.f32 v56, v62;
	[tilespmem:s5+$0x7BF0] =	vst v47  }
0x10a: {  	v46 =	vld [tilespmem:s5+$0x7C30];
	v17 =	vmul.f32 v58, v62;
	v45 =	vbroadcast v3, $0x9;
	[tilespmem:s5+$0x7AF0] =	vst v13  }
0x10b: {  	v48 =	vld [tilespmem:s5+$0x7C40];
	v19 =	vmul.f32 v60, v62;
	[tilespmem:s5+$0x7B00] =	vst v15  }
0x10c: {  	v50 =	vld [tilespmem:s5+$0x7C50];
	[tilespmem:s5+$0x7B10] =	vst v17;
	v49 =	vmul.f32 v39, v45  }
0x10d: {  	v52 =	vld [tilespmem:s5+$0x7C60];
	[tilespmem:s5+$0x7B20] =	vst v19;
	v51 =	vmul.f32 v41, v45  }
0x10e: {  	v63 =	vld [tilespmem:s5+$0x7CB0];
	v53 =	vmul.f32 v43, v45;
	[tilespmem:s5+$0x7C00] =	vst v49  }
0x10f: {  	v29 =	vld [tilespmem:s5+$0x7D20];
	v55 =	vmul.f32 v46, v45;
	[tilespmem:s5+$0x7C10] =	vst v51  }
0x110: {  	v54 =	vld [tilespmem:s5+$0x7C70];
	v57 =	vmul.f32 v48, v45;
	[tilespmem:s5+$0x7C20] =	vst v53  }
0x111: {  	v56 =	vld [tilespmem:s5+$0x7C80];
	v62 =	vbroadcast v3, $0xA;
	v59 =	vmul.f32 v50, v45;
	[tilespmem:s5+$0x7C30] =	vst v55  }
0x112: {  	v31 =	vbroadcast v3, $0xB;
	v58 =	vld [tilespmem:s5+$0x7C90];
	v61 =	vmul.f32 v52, v45;
	[tilespmem:s5+$0x7C40] =	vst v57  }
0x113: {  	v60 =	vld [tilespmem:s5+$0x7CA0];
	v24 =	vmul.f32 v63, v62;
	[tilespmem:s5+$0x7C50] =	vst v59  }
0x114: {  	v21 =	vld [tilespmem:s5+$0x7CE0];
	v39 =	vmul.f32 v29, v31;
	[tilespmem:s5+$0x7C60] =	vst v61  }
0x115: {  	v23 =	vld [tilespmem:s5+$0x7CF0];
	v16 =	vmul.f32 v54, v45;
	[tilespmem:s5+$0x7CB0] =	vst v24  }
0x116: {  	v25 =	vld [tilespmem:s5+$0x7D00];
	v18 =	vmul.f32 v56, v62;
	[tilespmem:s5+$0x7D20] =	vst v39  }
0x117: {  	v27 =	vld [tilespmem:s5+$0x7D10];
	v20 =	vmul.f32 v58, v62;
	[tilespmem:s5+$0x7C70] =	vst v16  }
0x118: {  	v32 =	vld [tilespmem:s5+$0x7D30];
	v22 =	vmul.f32 v60, v62;
	[tilespmem:s5+$0x7C80] =	vst v18  }
0x119: {  	v34 =	vld [tilespmem:s5+$0x7D40];
	v30 =	vmul.f32 v21, v62;
	[tilespmem:s5+$0x7C90] =	vst v20  }
0x11a: {  	v36 =	vld [tilespmem:s5+$0x7D50];
	v33 =	vmul.f32 v23, v62;
	[tilespmem:s5+$0x7CA0] =	vst v22  }
0x11b: {  	v38 =	vld [tilespmem:s5+$0x7D60];
	v35 =	vmul.f32 v25, v31;
	[tilespmem:s5+$0x7CE0] =	vst v30  }
0x11c: {  	v40 =	vld [tilespmem:s5+$0x7D70];
	v37 =	vmul.f32 v27, v31;
	[tilespmem:s5+$0x7CF0] =	vst v33  }
0x11d: {  	v42 =	vld [tilespmem:s5+$0x7D80];
	v41 =	vmul.f32 v32, v31;
	[tilespmem:s5+$0x7D00] =	vst v35  }
0x11e: {  	v44 =	vld [tilespmem:s5+$0x7D90];
	v43 =	vmul.f32 v34, v31;
	[tilespmem:s5+$0x7D10] =	vst v37  }
0x11f: {  	v17 =	vld [tilespmem:s5+$0x7CC0];
	v45 =	vmul.f32 v36, v31;
	[tilespmem:s5+$0x7D30] =	vst v41  }
0x120: {  	v19 =	vld [tilespmem:s5+$0x7CD0];
	v48 =	vbroadcast v3, $0xC;
	v47 =	vmul.f32 v38, v31;
	[tilespmem:s5+$0x7D40] =	vst v43  }
0x121: {  	v46 =	vld [tilespmem:s5+$0x7DA0];
	v50 =	vmul.f32 v40, v31;
	[tilespmem:s5+$0x7D50] =	vst v45  }
0x122: {  	v49 =	vld [tilespmem:s5+$0x7DB0];
	v52 =	vmul.f32 v42, v48;
	[tilespmem:s5+$0x7D60] =	vst v47  }
0x123: {  	v51 =	vld [tilespmem:s5+$0x7DC0];
	v54 =	vmul.f32 v44, v48;
	[tilespmem:s5+$0x7D70] =	vst v50  }
0x124: {  	v53 =	vld [tilespmem:s5+$0x7DD0];
	v26 =	vmul.f32 v17, v62;
	[tilespmem:s5+$0x7D80] =	vst v52  }
0x125: {  	v55 =	vld [tilespmem:s5+$0x7DE0];
	v28 =	vmul.f32 v19, v62;
	[tilespmem:s5+$0x7D90] =	vst v54  }
0x126: {  	v57 =	vld [tilespmem:s5+$0x7DF0];
	v56 =	vmul.f32 v46, v48;
	[tilespmem:s5+$0x7CC0] =	vst v26  }
0x127: {  	v63 =	vld [tilespmem:s5+$0x7E20];
	[tilespmem:s5+$0x7CD0] =	vst v28;
	v58 =	vmul.f32 v49, v48  }
0x128: {  	v59 =	vld [tilespmem:s5+$0x7E00];
	[tilespmem:s5+$0x7DA0] =	vst v56;
	v60 =	vmul.f32 v51, v48  }
0x129: {  	v61 =	vld [tilespmem:s5+$0x7E10];
	v62 =	vmul.f32 v53, v48;
	[tilespmem:s5+$0x7DB0] =	vst v58  }
0x12a: {  	v24 =	vld [tilespmem:s5+$0x7E60];
	v17 =	vbroadcast v3, $0xD;
	v16 =	vmul.f32 v55, v48;
	[tilespmem:s5+$0x7DC0] =	vst v60  }
0x12b: {  	v32 =	vld [tilespmem:s5+$0x7EA0];
	v19 =	vmul.f32 v57, v48;
	[tilespmem:s5+$0x7DD0] =	vst v62  }
0x12c: {  	v39 =	vld [tilespmem:s5+$0x7ED0];
	v25 =	vmul.f32 v63, v17;
	[tilespmem:s5+$0x7DE0] =	vst v16  }
0x12d: {  	v18 =	vld [tilespmem:s5+$0x7E30];
	v21 =	vmul.f32 v59, v17;
	[tilespmem:s5+$0x7DF0] =	vst v19  }
0x12e: {  	v34 =	vbroadcast v3, $0xE;
	v20 =	vld [tilespmem:s5+$0x7E40];
	v23 =	vmul.f32 v61, v17;
	[tilespmem:s5+$0x7E20] =	vst v25  }
0x12f: {  	v22 =	vld [tilespmem:s5+$0x7E50];
	v33 =	vmul.f32 v24, v17;
	[tilespmem:s5+$0x7E00] =	vst v21  }
0x130: {  	v30 =	vld [tilespmem:s5+$0x7E90];
	v42 =	vmul.f32 v32, v34;
	[tilespmem:s5+$0x7E10] =	vst v23  }
0x131: {  	v35 =	vld [tilespmem:s5+$0x7EB0];
	v48 =	vmul.f32 v39, v34;
	[tilespmem:s5+$0x7E60] =	vst v33  }
0x132: {  	v37 =	vld [tilespmem:s5+$0x7EC0];
	v27 =	vmul.f32 v18, v17;
	[tilespmem:s5+$0x7EA0] =	vst v42  }
0x133: {  	v41 =	vld [tilespmem:s5+$0x7EE0];
	v29 =	vmul.f32 v20, v17;
	[tilespmem:s5+$0x7ED0] =	vst v48  }
0x134: {  	v43 =	vld [tilespmem:s5+$0x7EF0];
	v31 =	vmul.f32 v22, v17;
	[tilespmem:s5+$0x7E30] =	vst v27  }
0x135: {  	v45 =	vld [tilespmem:s5+$0x7F00];
	v40 =	vmul.f32 v30, v34;
	[tilespmem:s5+$0x7E40] =	vst v29  }
0x136: {  	v47 =	vld [tilespmem:s5+$0x7F10];
	v44 =	vmul.f32 v35, v34;
	[tilespmem:s5+$0x7E50] =	vst v31  }
0x137: {  	v26 =	vld [tilespmem:s5+$0x7E70];
	v46 =	vmul.f32 v37, v34;
	[tilespmem:s5+$0x7E90] =	vst v40  }
0x138: {  	v3 =	vbroadcast v3, $0xF;
	v28 =	vld [tilespmem:s5+$0x7E80];
	v50 =	vmul.f32 v41, v34;
	[tilespmem:s5+$0x7EB0] =	vst v44  }
0x139: {  	v49 =	vld [tilespmem:s5+$0x7F20];
	v52 =	vmul.f32 v43, v34;
	[tilespmem:s5+$0x7EC0] =	vst v46  }
0x13a: {  	v51 =	vld [tilespmem:s5+$0x7F30];
	v54 =	vmul.f32 v45, v3;
	[tilespmem:s5+$0x7EE0] =	vst v50  }
0x13b: {  	v53 =	vld [tilespmem:s5+$0x7F40];
	v56 =	vmul.f32 v47, v3;
	[tilespmem:s5+$0x7EF0] =	vst v52  }
0x13c: {  	v55 =	vld [tilespmem:s5+$0x7F50];
	v36 =	vmul.f32 v26, v17;
	[tilespmem:s5+$0x7F00] =	vst v54  }
0x13d: {  	v57 =	vld [tilespmem:s5+$0x7F60];
	v38 =	vmul.f32 v28, v34;
	[tilespmem:s5+$0x7F10] =	vst v56  }
0x13e: {  	v59 =	vld [tilespmem:s5+$0x7F70];
	v58 =	vmul.f32 v49, v3;
	[tilespmem:s5+$0x7E70] =	vst v36  }
0x13f: {  	v60 =	vmul.f32 v51, v3;
	[tilespmem:s5+$0x7E80] =	vst v38  }
0x140: {  	v61 =	vmul.f32 v53, v3;
	[tilespmem:s5+$0x7F20] =	vst v58  }
0x141: {  	v62 =	vmul.f32 v55, v3;
	[tilespmem:s5+$0x7F30] =	vst v60  }
0x142: {  	v63 =	vmul.f32 v57, v3;
	[tilespmem:s5+$0x7F40] =	vst v61  }
0x143: {  	v3 =	vmul.f32 v59, v3;
	[tilespmem:s5+$0x7F50] =	vst v62  }
0x144: {  	p0 =	slt.u32 s26, $0x2;
	s28 =	sadd.s32 $0x9, s28;
	[tilespmem:s5+$0x7F60] =	vst v63  }
0x145: {  	p1 =	sge.u32 @!p0 s25, s22;
	s2 =	sadd.s32 $0xB780, s7;
	s7 =	sadd.s32 $0x7780, s5;
	[tilespmem:s5+$0x7F70] =	vst v3  }
0x146: {  	[spmem:s1] =	stream.indirect.scatter.add.f32 [tilespmem:s7], [sflag:s28], $0x80, s2, s18, $0xb8;
	[tilespmem:$0x1F780] =	vst v63  }
0x147: {  	p0 =	por p1, p0;
	s2 =	sand.u32 $0x7, s25  }
0x148: {  	s5 =	sadd.s32 @!p0 $0x9, s2  }
0x149: {  	_ =	swait.ge @!p0 [sflag:s5], $0x800  }
0x14a: {  	s28 =	sadd.s32 $0xFFFFFFFB, s25;
	[sflag:s5] =	ssyncset.done @!p0 $0x0  }
0x14b: {  	[sflag:s5] =	ssyncadd.s32 @!p0 $0xFFFFF800;
	p0 =	sne.s32 s28, s22  }
.Ltmp3:
0x14c: {  	p1 =	sge.u32 s25, s22;
	(pc) =	sbr.rel @p0 .LBB2_8-.Ltmp3, $4  }
0x14d: {  	s5 =	sshll.u32 @!p1 s2, $0xB  }
0x14e: {  	s7 =	simm.s32 @!p1 $0x10;
	s2 =	sadd.s32 @!p1 $0x1, s2;
	s5 =	sadd.s32 @!p1 $0x7780, s5  }
0x14f: {  	[tilespmem:s5], [sflag:s2] =	stream.indirect.gather @!p1 [hbm4b:s4+s7], $0x80, s23, s7, $0xb8;
	[tilespmem:$0x1F780] =	vst v63  }
0x150: {  	s24 =	sadd.s32 $0x10, s24;
	s25 =	sadd.s32 $0x1, s25;
	s23 =	sadd.s32 $0x10, s23  }
0x151: {  	_ =	swait.ge [sflag:s17], $0x800  }
0x152: {  	[sflag:s17] =	ssyncset.done $0x0  }
0x153: {  	[sflag:s17] =	ssyncadd.s32 $0xFFFFF800  }
0x154: {  	_ =	swait.ge [sflag:s29], $0x800  }
0x155: {  	[sflag:s29] =	ssyncset.done $0x0  }
0x156: {  	[sflag:s29] =	ssyncadd.s32 $0xFFFFF800  }
0x157: {  	_ =	swait.ge [sflag:s30], $0x800  }
0x158: {  	[sflag:s30] =	ssyncset.done $0x0  }
0x159: {  	[sflag:s30] =	ssyncadd.s32 $0xFFFFF800  }
0x15a: {  	_ =	swait.ge [sflag:s31], $0x800  }
0x15b: {  	[sflag:s31] =	ssyncset.done $0x0  }
0x15c: {  	[sflag:s31] =	ssyncadd.s32 $0xFFFFF800  }
0x15d: {  	_ =	swait.ge [sflag:s0], $0x800  }
0x15e: {  	[sflag:s0] =	ssyncset.done $0x0  }
0x15f: {  	[sflag:s0] =	ssyncadd.s32 $0xFFFFF800  }
0x160: {  	_ =	swait.ge [sflag:s11], $0x800  }
0x161: {  	[sflag:s11] =	ssyncset.done $0x0  }
0x162: {  	[sflag:s11] =	ssyncadd.s32 $0xFFFFF800  }
0x163: {  	_ =	swait.ge [sflag:s19], $0x800  }
0x164: {  	[sflag:s19] =	ssyncset.done $0x0  }
0x165: {  	[sflag:s19] =	ssyncadd.s32 $0xFFFFF800  }
0x166: {  	s2 =	stileid.u32;
	_ =	swait.ge [sflag:s18], $0x800  }
0x167: {  	s5 =	sshrl.u32 s8, $0x3;
	s21 =	sadd.s32 $0x1, s21;
	[sflag:s18] =	ssyncset.done $0x0  }
0x168: {  	s2 =	sshll.u32 s2, $0x6;
	p0 =	sne.s32 s21, s10;
	[sflag:s18] =	ssyncadd.s32 $0xFFFFF800  }
.Ltmp4:
0x169: {  	s2 =	sor.u32 $0x1C11, s2;
	[bflag:$0x0] =	sbarrier.arrive $0xFFFF;
	(pc) =	sbr.rel @p0 .LBB2_1-.Ltmp4, $4  }
0x16a: {  	[hbm:s9], [sflag:s2] =	dma.local [spmem:s5], $0x2780  }
0x16b: {  	_ =	swait.ge [sflag:s20], $0x2780  }
0x16c: {  	[sflag:s20] =	ssyncset.done $0x0  }
0x16d: {  	[sflag:s20] =	ssyncadd.s32 $0xFFFFD880  }
0x16e: {  	_ =	sfence.sel $0x180000  }
0x16f: {  	[bflag:$0x0] =	sbarrier.arrive $0xFFFF  }
0x170: {  	_ =	strace $0x90000047  }
0x171: {  	s0 =	stileid.u32;
	[bflag:$0x2] =	sbarrier.arrive $0xFFFF  }
0x172: {  	p0 =	sne.s32 s0, $0x0;
	s0 =	rddreg [dreg:$0x3]  }
0x173: {  	s0 =	sadd.s32 @!p0 $0x100000, s0  }
0x174: {  	[sflag:s0] =	ssyncadd.tile.s32 @!p0 $0x1;
	_ =	shalt  }
.Lfunc_end2:
_tile_overlayer_lowered:
.L_overlay_start_2:
0x175: {  	(tag) =	ssettag $0x2  }
0x176: {  	s0 =	rddreg [dreg:$0x0];
	s2 =	stileid.u32  }
0x177: {  	s1 =	rddreg [dreg:$0x1];
	p0 =	sne.s32 s2, $0x0  }
0x178: {  	s3 =	rddreg [dreg:$0x2];
	[bflag:$0x3] =	sbarrier.arrive $0xFFFF;
	s2 =	simm.s32 @!p0 $0x1C11  }
0x179: {  	[timem:s3], [sflag:s2] =	dma.local @!p0 [hbm:s0], s1  }
0x17a: {  	s0 =	simm.s32 @!p0 $0x11  }
0x17b: {  	_ =	swait.ge @!p0 [sflag:s0], s1  }
0x17c: {  	s1 =	ssub.s32 @!p0 $0x0, s1;
	[sflag:s0] =	ssyncset.done @!p0 $0x0  }
0x17d: {  	[sflag:s0] =	ssyncadd.s32 @!p0 s1  }
0x17e: {  	[bflag:$0x3] =	sbarrier.arrive $0xFFFF  }
0x17f: {  	_ =	shalt  }

</sc_bundles>
